<compile_context>
chip_gen: v7x
topology: tpu7x:2x2x1
jax: 0.10.2.dev20260603
libtpu: 0.0.44.dev20260713+nightly
codegen_flags: <defaults>
</compile_context>

<pallas_src>
import functools

import jax
import jax.numpy as jnp
from jax import lax
from jax.experimental import pallas as pl
from jax.experimental.pallas import tpu as pltpu, tpu_sc as plsc

N = 10000
E = 160000
F = 256
FH = 128
NT = 16
EPT = E // NT
EPW = E // (2 * NT)
C = 80
NCHUNK = EPT // C
N_PAD = 10240
ROWS_PT = N_PAD // NT
DEGP = NT * 640

_SC_PARAMS = pltpu.CompilerParams(needs_layout_passes=False)


def _tc_dense(feat, w_pair, v8):

    def body(f_ref, w_ref, v_ref, h2_ref, st_ref):
        f = f_ref[...]
        w = w_ref[0]
        h2_ref[...] = lax.dot_general(
            f, w, (((1,), (1,)), ((), ())),
            precision=lax.Precision.HIGHEST,
            preferred_element_type=jnp.float32)
        st_ref[...] = lax.dot_general(
            f, v_ref[...], (((1,), (0,)), ((), ())),
            precision=lax.Precision.HIGHEST,
            preferred_element_type=jnp.float32)

    return pl.pallas_call(
        body,
        grid=(2, 10),
        in_specs=[
            pl.BlockSpec((1000, 256), lambda j, i: (i, 0)),
            pl.BlockSpec((1, 128, 256), lambda j, i: (j, 0, 0)),
            pl.BlockSpec((256, 8), lambda j, i: (0, 0)),
        ],
        out_specs=[
            pl.BlockSpec((1000, 128), lambda j, i: (j * 10 + i, 0)),
            pl.BlockSpec((1000, 8), lambda j, i: (i, 0)),
        ],
        out_shape=[
            jax.ShapeDtypeStruct((2 * N, FH), jnp.float32),
            jax.ShapeDtypeStruct((N, 8), jnp.float32),
        ],
    )(feat, w_pair, v8)


def _sc_coeffs(srcs, dsts, mids, sd_h, sm_h, ss_h, lx_h, ly_h, sdist_h,
               b2_h, p2_h):
    mesh = plsc.VectorSubcoreMesh(core_axis_name="c", subcore_axis_name="s")

    @functools.partial(
        pl.kernel,
        out_type=jax.ShapeDtypeStruct((E * 8,), jnp.float32),
        mesh=mesh,
        compiler_params=_SC_PARAMS,
        scratch_types=[
            pltpu.VMEM_SHARED((DEGP,), jnp.float32),
            pltpu.VMEM((N,), jnp.float32),
            pltpu.VMEM((N,), jnp.float32),
            pltpu.VMEM((N,), jnp.float32),
            pltpu.VMEM((DEGP,), jnp.float32),
            pltpu.VMEM((N,), jnp.float32),
            pltpu.VMEM((N,), jnp.float32),
            pltpu.VMEM((128,), jnp.float32),
            pltpu.VMEM((128,), jnp.float32),
            pltpu.VMEM((128,), jnp.float32),
            pltpu.VMEM((C,), jnp.int32),
            pltpu.VMEM((C,), jnp.int32),
            pltpu.VMEM((C,), jnp.int32),
            pltpu.VMEM((C * 8,), jnp.float32),
            pltpu.VMEM((C,), jnp.float32),
            pltpu.VMEM((640,), jnp.float32),
            pltpu.VMEM((2000,), jnp.int32),
        ],
    )
    def k(src_hbm, dst_hbm, mid_hbm, sd_hbm, sm_hbm, ss_hbm, lx_hbm,
          ly_hbm, sdist_hbm, b2_hbm, p2_hbm, ed_hbm,
          deg, sd, sm, ss, d0, lxr, lyr, sdt, b2r, p2r,
          srcc, dstc, midc, ebuf, ones, z640, sstg):
        c = lax.axis_index("c")
        s = lax.axis_index("s")
        zero16 = jnp.zeros((16,), jnp.float32)
        one16 = jnp.full((16,), 1.0, jnp.float32)
        sync = pltpu.sync_copy

        for i in range(C // 16):
            ones[pl.ds(i * 16, 16)] = one16

        def zb(i, _):
            z640[pl.ds(i * 16, 16)] = zero16
            return 0

        lax.fori_loop(0, 640 // 16, zb, 0)
        sync(z640, deg.at[pl.ds(s * 640, 640)])
        plsc.subcore_barrier()

        def degblk(blk, _):
            sync(src_hbm.at[pl.ds(s * EPT + blk * 2000, 2000)], sstg)

            def degk(kk, _):
                for i in range(C // 16):
                    srcc[pl.ds(i * 16, 16)] = sstg[pl.ds(kk * C + i * 16, 16)]
                sync(ones, deg.at[srcc], add=True)
                return 0

            lax.fori_loop(0, 2000 // C, degk, 0)
            return 0

        lax.fori_loop(0, EPT // 2000, degblk, 0)
        plsc.subcore_barrier()

        sync(sd_hbm, sd)
        sync(sm_hbm, sm)
        sync(ss_hbm, ss)
        sync(lx_hbm, lxr)
        sync(ly_hbm, lyr)
        sync(sdist_hbm, sdt)
        sync(b2_hbm, b2r)
        sync(p2_hbm, p2r)
        sync(deg, d0)

        def rsq(i, _):
            sl = pl.ds(i * 16, 16)
            x = jnp.maximum(d0[sl], 1.0)
            kk = jnp.zeros((16,), jnp.int32)
            for t in range(1, 19):
                kk = kk + jnp.where(x >= float(2 ** t), 1, 0)
            y = plsc.load_gather(p2r, [kk])
            for _ in range(5):
                y = y * (1.5 - 0.5 * x * y * y)
            d0[sl] = y
            return 0

        lax.fori_loop(0, DEGP // 16, rsq, 0)

        wbase = (s * 2 + c) * EPW

        def coeff_chunk(off):
            sync(src_hbm.at[pl.ds(off, C)], srcc)
            sync(dst_hbm.at[pl.ds(off, C)], dstc)
            sync(mid_hbm.at[pl.ds(off, C)], midc)
            b2s = [plsc.load_gather(b2r, [jnp.full((16,), t + 1, jnp.int32)])
                   for t in range(8)]
            for i in range(C // 16):
                sl = pl.ds(i * 16, 16)
                sv = srcc[sl]
                dv = dstc[sl]
                mv = midc[sl]
                lxs = plsc.load_gather(lxr, [sv])
                lys = plsc.load_gather(lyr, [sv])
                lxd = plsc.load_gather(lxr, [dv])
                lyd = plsc.load_gather(lyr, [dv])
                dx = lxd - lxs
                dy = lyd - lys
                d2 = dx * dx + dy * dy
                bucket = jnp.zeros((16,), jnp.int32)
                for t in range(8):
                    bucket = bucket + jnp.where(b2s[t] < d2, 1, 0)
                sc_ = (plsc.load_gather(sd, [dv])
                       + plsc.load_gather(sm, [mv])
                       + plsc.load_gather(ss, [sv])
                       + plsc.load_gather(sdt, [bucket]))
                beta = 1.0 / (1.0 + jnp.exp(-sc_))
                cc2 = (plsc.load_gather(d0, [sv])
                       * plsc.load_gather(d0, [dv]))
                rows8 = lax.iota(jnp.int32, 16) * 8 + (i * 128)
                plsc.store_scatter(ebuf, [rows8], sv.astype(jnp.float32))
                plsc.store_scatter(ebuf, [rows8 + 1],
                                   mv.astype(jnp.float32))
                plsc.store_scatter(ebuf, [rows8 + 2],
                                   dv.astype(jnp.float32))
                plsc.store_scatter(ebuf, [rows8 + 3], beta * cc2)
                plsc.store_scatter(ebuf, [rows8 + 4], cc2)
            sync(ebuf, ed_hbm.at[pl.ds(off * 8, C * 8)])

        def edgek(kk, _):
            coeff_chunk(wbase + kk * C)
            return 0

        lax.fori_loop(0, EPW // C, edgek, 0)
        coeff_chunk(wbase + EPW - C)

    return k(srcs, dsts, mids, sd_h, sm_h, ss_h, lx_h, ly_h, sdist_h,
             b2_h, p2_h)


def _sc_agg(h2pair, ed_h):
    mesh = plsc.VectorSubcoreMesh(core_axis_name="c", subcore_axis_name="s")

    @functools.partial(
        pl.kernel,
        out_type=jax.ShapeDtypeStruct((2, N_PAD, FH), jnp.float32),
        mesh=mesh,
        compiler_params=_SC_PARAMS,
        scratch_types=[
            pltpu.VMEM_SHARED((N_PAD, FH), jnp.float32),
            pltpu.VMEM((C * 8,), jnp.float32),
            pltpu.VMEM((C * 8,), jnp.float32),
            pltpu.VMEM((C,), jnp.int32),
            pltpu.VMEM((C,), jnp.int32),
            pltpu.VMEM((C,), jnp.int32),
            pltpu.VMEM((C,), jnp.int32),
            pltpu.VMEM((C,), jnp.int32),
            pltpu.VMEM((C,), jnp.int32),
            pltpu.VMEM((C, FH), jnp.float32),
            pltpu.VMEM((C, FH), jnp.float32),
            pltpu.VMEM((C, FH), jnp.float32),
            pltpu.VMEM((C, FH), jnp.float32),
            pltpu.SemaphoreType.DMA,
            pltpu.SemaphoreType.DMA,
            pltpu.SemaphoreType.DMA,
            pltpu.SemaphoreType.DMA,
        ],
    )
    def k(h2_hbm, ed_hbm, out_hbm, acc,
          eb0, eb1, is0, is1, im0, im1, ds0, ds1,
          hs0, hs1, hm0, hm1, sg0, sg1, ss0, ss1):
        c = lax.axis_index("c")
        s = lax.axis_index("s")
        zero16 = jnp.zeros((16,), jnp.float32)
        sync = pltpu.sync_copy
        eb = (eb0, eb1)
        isr = (is0, is1)
        imr = (im0, im1)
        dsr = (ds0, ds1)
        hs = (hs0, hs1)
        hm = (hm0, hm1)
        sg = (sg0, sg1)
        ssem = (ss0, ss1)

        def zrow(r, _):
            for j in range(FH // 16):
                hs0[r, pl.ds(j * 16, 16)] = zero16
            return 0

        lax.fori_loop(0, C, zrow, 0)
        r0 = s * ROWS_PT
        for j in range(ROWS_PT // C):
            sync(hs0, acc.at[pl.ds(r0 + j * C, C)])
        plsc.subcore_barrier()

        coff = (c * N).astype(jnp.int32)
        ebase = s * EPT

        def prefetch(b, kk):
            off = ebase + kk * C
            sync(ed_hbm.at[pl.ds(off * 8, C * 8)], eb[b])
            for i in range(C // 16):
                sl = pl.ds(i * 16, 16)
                rows8 = lax.iota(jnp.int32, 16) * 8 + (i * 128)
                sv = plsc.load_gather(eb[b], [rows8]).astype(jnp.int32)
                mv = plsc.load_gather(eb[b], [rows8 + 1]).astype(jnp.int32)
                dv = plsc.load_gather(eb[b], [rows8 + 2]).astype(jnp.int32)
                isr[b][sl] = sv + coff
                imr[b][sl] = mv + coff
                dsr[b][sl] = dv
            cps = pltpu.async_copy(h2_hbm.at[isr[b]], hs[b], sg[b])
            cpm = pltpu.async_copy(h2_hbm.at[imr[b]], hm[b], sg[b])
            return cps, cpm

        def consume(b, cps, cpm):
            cps.wait()
            cpm.wait()

            def row(e, _):
                ae = plsc.load_gather(eb[b], [jnp.full((16,), e * 8 + 3,
                                                       jnp.int32)])
                be = plsc.load_gather(eb[b], [jnp.full((16,), e * 8 + 4,
                                                       jnp.int32)])
                for j in range(FH // 16):
                    csl = pl.ds(j * 16, 16)
                    hs[b][e, csl] = ae * hs[b][e, csl] + be * hm[b][e, csl]
                return 0

            lax.fori_loop(0, C, row, 0)
            return pltpu.async_copy(hs[b], acc.at[dsr[b]], ssem[b],
                                    add=True)

        def body(g, _):
            k0 = 2 * g
            k1 = 2 * g + 1
            cps0, cpm0 = prefetch(0, k0)

            @pl.when(k1 < NCHUNK)
            def _full():
                cps1, cpm1 = prefetch(1, k1)
                sc0 = consume(0, cps0, cpm0)
                sc1 = consume(1, cps1, cpm1)
                sc0.wait()
                sc1.wait()

            @pl.when(k1 >= NCHUNK)
            def _tail():
                sc0 = consume(0, cps0, cpm0)
                sc0.wait()

            return 0

        lax.fori_loop(0, (NCHUNK + 1) // 2, body, 0)
        plsc.subcore_barrier()

        sync(acc.at[pl.ds(r0, ROWS_PT)], out_hbm.at[c, pl.ds(r0, ROWS_PT)])

    return k(h2pair, ed_h)


def kernel(feat, loc, edge_index, mid, W_fc2, W_fcd, W_w1, W_w2, vec_a,
           fin_table, boundaries):
    with jax.default_matmul_precision("highest"):
        a = vec_a[0]
        u_dst = W_w1[:, :F].T @ a
        u_dist = W_w1[:, F:].T @ a
        u_mid = W_w2[:, :F].T @ a
        u_src = W_w2[:, F:].T @ a
        v8 = jnp.zeros((F, 8), jnp.float32)
        v8 = v8.at[:, 0].set(W_fc2.T @ u_dst)
        v8 = v8.at[:, 1].set(W_fc2.T @ u_mid)
        v8 = v8.at[:, 2].set(W_fc2.T @ u_src)
        sdist_tbl = (fin_table @ W_fcd.T) @ u_dist
    sdist128 = jnp.zeros((128,), jnp.float32).at[:9].set(sdist_tbl)
    b2_128 = jnp.full((128,), 1e30, jnp.float32).at[1:9].set(
        boundaries * boundaries)
    p2_128 = jnp.zeros((128,), jnp.float32).at[:32].set(
        jnp.asarray([2.0 ** (-kk / 2.0) for kk in range(32)], jnp.float32))

    w_pair = W_fc2.reshape(2, FH, F)
    h2pair, st = _tc_dense(feat, w_pair, v8)

    srcs = edge_index[0]
    dsts = edge_index[1]
    ed_h = _sc_coeffs(
        srcs, dsts, mid,
        st[:, 0] + 0.0, st[:, 1] + 0.0, st[:, 2] + 0.0,
        loc[:, 0] + 0.0, loc[:, 1] + 0.0,
        sdist128, b2_128, p2_128)
    out_pair = _sc_agg(h2pair, ed_h)
    return jnp.concatenate([out_pair[0, :N], out_pair[1, :N]], axis=1)

# --- scband reference (transcript-rebuilt; emitter-appended) ---
"""Pipeline reference for scband-csip-hop-33603824124572 (READ-ONLY COPY).

The authoritative reference and input builder live on the scoring server;
editing this copy changes nothing except your own understanding.
"""

import jax, jax.numpy as jnp
import numpy as np

N = 10000
E = 160000
IN_FEATS = 256
OUT_FEATS = 256
DIST_DIM = 64
N_BOUNDS = 8


def setup_inputs(seed: int = 0) -> dict:
    key = jax.random.key(seed)
    ks = jax.random.split(key, 12)
    feat = jax.random.normal(ks[0], (N, IN_FEATS), dtype=jnp.float32)
    loc = jax.random.normal(ks[1], (N, 2), dtype=jnp.float32)
    edge_index = jax.random.randint(ks[2], (2, E), 0, N, dtype=jnp.int32)
    mid = jax.random.randint(ks[3], (E,), 0, N, dtype=jnp.int32)

    def xavier(k, shape):
        fan_in, fan_out = shape[1], shape[0]
        a = float(np.sqrt(6.0 / (fan_in + fan_out)))
        return jax.random.uniform(k, shape, dtype=jnp.float32, minval=-a, maxval=a)

    W_fc2 = xavier(ks[4], (OUT_FEATS, IN_FEATS))
    W_fcd = xavier(ks[5], (OUT_FEATS, DIST_DIM))
    W_w1 = xavier(ks[6], (OUT_FEATS, 2 * OUT_FEATS))
    W_w2 = xavier(ks[7], (OUT_FEATS, 2 * OUT_FEATS))
    vec_a = xavier(ks[8], (1, OUT_FEATS))
    fin_table = jax.random.normal(ks[9], (N_BOUNDS + 1, DIST_DIM), dtype=jnp.float32)
    boundaries = jnp.array([0.1, 0.6571, 1.2143, 1.7714, 2.3286, 2.8857, 3.4429, 4.0], dtype=jnp.float32)
    return {"feat": feat, "loc": loc, "edge_index": edge_index, "mid": mid,
            "W_fc2": W_fc2, "W_fcd": W_fcd, "W_w1": W_w1, "W_w2": W_w2,
            "vec_a": vec_a, "fin_table": fin_table, "boundaries": boundaries}


def reference(feat, loc, edge_index, mid, W_fc2, W_fcd, W_w1, W_w2, vec_a, fin_table, boundaries):
    src = edge_index[0]
    dst = edge_index[1]
    n = feat.shape[0]

    # cal_dist: per-edge euclidean distance -> bucketize -> embedding -> fcd
    diff = loc[dst] - loc[src]
    dist = jnp.sqrt(jnp.sum(diff * diff, axis=1))
    bucket = jnp.searchsorted(boundaries, dist, side='left')  # torch.bucketize right=False
    dist_feat = jnp.take(fin_table, bucket, axis=0) @ W_fcd.T  # [E, out]

    # node projections (feat_drop=0.0 -> identity; hop1_fc=False -> h1 = h2)
    h2 = feat @ W_fc2.T
    h1 = h2

    # d0: note original overwrites in-degree with out-degree normalization
    deg = jax.ops.segment_sum(jnp.ones((src.shape[0],), dtype=feat.dtype), src, num_segments=n)
    d0 = jnp.power(jnp.clip(deg, 1.0, None), -0.5)[:, None]  # [N, 1]

    # passing_message
    w1 = jnp.concatenate([h2[dst], dist_feat], axis=1) @ W_w1.T  # [E, out]
    w2 = jnp.concatenate([h1[mid], h2[src]], axis=1) @ W_w2.T    # [E, out]
    scores = w1 + w2
    scores = scores @ vec_a.T  # elem_gate=False -> vec_a reduces to [E, 1]
    beta = jax.nn.sigmoid(scores)
    h = beta * h2[src] + h1[mid]
    h = d0[dst] * d0[src] * h

    # update_all: copy_edge + sum reduce onto dst
    out = jax.ops.segment_sum(h, dst, num_segments=n)
    # activation is None -> identity
    return out

if __name__ == "__main__":
    import jax
    _d = setup_inputs()
    print(jax.jit(kernel)(*tuple(_d.values())))

</pallas_src>

<mosaic_0001>
#map = affine_map<(d0, d1) -> (0)>
module attributes {stable_mosaic.version = 14 : i64} {
  func.func @k(%arg0: i32, %arg1: i32, %arg2: memref<160000xi32, #tpu.memory_space<hbm>>, %arg3: memref<160000xi32, #tpu.memory_space<hbm>>, %arg4: memref<160000xi32, #tpu.memory_space<hbm>>, %arg5: memref<10000xf32, #tpu.memory_space<hbm>>, %arg6: memref<10000xf32, #tpu.memory_space<hbm>>, %arg7: memref<10000xf32, #tpu.memory_space<hbm>>, %arg8: memref<10000xf32, #tpu.memory_space<hbm>>, %arg9: memref<10000xf32, #tpu.memory_space<hbm>>, %arg10: memref<128xf32, #tpu.memory_space<hbm>>, %arg11: memref<128xf32, #tpu.memory_space<hbm>>, %arg12: memref<128xf32, #tpu.memory_space<hbm>>, %arg13: memref<1280000xf32, #tpu.memory_space<hbm>>, %arg14: memref<10240xf32, #tpu.memory_space<vmem_shared>>, %arg15: memref<10000xf32, #tpu.memory_space<vmem>>, %arg16: memref<10000xf32, #tpu.memory_space<vmem>>, %arg17: memref<10000xf32, #tpu.memory_space<vmem>>, %arg18: memref<10240xf32, #tpu.memory_space<vmem>>, %arg19: memref<10000xf32, #tpu.memory_space<vmem>>, %arg20: memref<10000xf32, #tpu.memory_space<vmem>>, %arg21: memref<128xf32, #tpu.memory_space<vmem>>, %arg22: memref<128xf32, #tpu.memory_space<vmem>>, %arg23: memref<128xf32, #tpu.memory_space<vmem>>, %arg24: memref<80xi32, #tpu.memory_space<vmem>>, %arg25: memref<80xi32, #tpu.memory_space<vmem>>, %arg26: memref<80xi32, #tpu.memory_space<vmem>>, %arg27: memref<640xf32, #tpu.memory_space<vmem>>, %arg28: memref<80xf32, #tpu.memory_space<vmem>>, %arg29: memref<640xf32, #tpu.memory_space<vmem>>, %arg30: memref<2000xi32, #tpu.memory_space<vmem>>) attributes {dimension_semantics = [#tpu.dimension_semantics<core_parallel>, #tpu.dimension_semantics<subcore_parallel>], iteration_bounds = array<i64: 2, 16>, scalar_prefetch = 0 : i64, scratch_operands = 17 : i64, tpu.core_type = #tpu.core_type<sc_vector_subcore>, window_params = [{transform_indices = #map}, {transform_indices = #map}, {transform_indices = #map}, {transform_indices = #map}, {transform_indices = #map}, {transform_indices = #map}, {transform_indices = #map}, {transform_indices = #map}, {transform_indices = #map}, {transform_indices = #map}, {transform_indices = #map}, {transform_indices = #map}]} {
    %broadcast_in_dim3A = arith.constant 0.000000e+00 : f32
    %broadcast_in_dim3A_0 = vector.broadcast %broadcast_in_dim3A : f32 to vector<16xf32>
    %broadcast_in_dim3A_1 = arith.constant 1.000000e+00 : f32
    %broadcast_in_dim3A_2 = vector.broadcast %broadcast_in_dim3A_1 : f32 to vector<16xf32>
    %swap3A = arith.constant 0 : index
    %swap3A_3 = tpu.vector_load %arg28[%swap3A] {strides = array<i32>} : memref<80xf32, #tpu.memory_space<vmem>>, vector<16xf32>,
    tpu.vector_store %arg28[%swap3A], %broadcast_in_dim3A_2 {strides = array<i32>} : memref<80xf32, #tpu.memory_space<vmem>>, vector<16xf32>,
    %swap3A_4 = arith.constant 16 : index
    %swap3A_5 = tpu.vector_load %arg28[%swap3A_4] {strides = array<i32>} : memref<80xf32, #tpu.memory_space<vmem>>, vector<16xf32>,
    tpu.vector_store %arg28[%swap3A_4], %broadcast_in_dim3A_2 {strides = array<i32>} : memref<80xf32, #tpu.memory_space<vmem>>, vector<16xf32>,
    %swap3A_6 = arith.constant 32 : index
    %swap3A_7 = tpu.vector_load %arg28[%swap3A_6] {strides = array<i32>} : memref<80xf32, #tpu.memory_space<vmem>>, vector<16xf32>,
    tpu.vector_store %arg28[%swap3A_6], %broadcast_in_dim3A_2 {strides = array<i32>} : memref<80xf32, #tpu.memory_space<vmem>>, vector<16xf32>,
    %swap3A_8 = arith.constant 48 : index
    %swap3A_9 = tpu.vector_load %arg28[%swap3A_8] {strides = array<i32>} : memref<80xf32, #tpu.memory_space<vmem>>, vector<16xf32>,
    tpu.vector_store %arg28[%swap3A_8], %broadcast_in_dim3A_2 {strides = array<i32>} : memref<80xf32, #tpu.memory_space<vmem>>, vector<16xf32>,
    %swap3A_10 = arith.constant 64 : index
    %swap3A_11 = tpu.vector_load %arg28[%swap3A_10] {strides = array<i32>} : memref<80xf32, #tpu.memory_space<vmem>>, vector<16xf32>,
    tpu.vector_store %arg28[%swap3A_10], %broadcast_in_dim3A_2 {strides = array<i32>} : memref<80xf32, #tpu.memory_space<vmem>>, vector<16xf32>,
    %scan3A = arith.constant 0 : i32
    %scan3A_12 = arith.constant 0 : i32
    %scan3A_13 = arith.constant 40 : i32
    %scan3A_14 = arith.addi %scan3A_12, %scan3A_13 : i32
    %scan3A_15 = arith.constant 1 : i32
    %scan3A_16 = scf.for %scan3A_644 = %scan3A_12 to %scan3A_14 step %scan3A_15 iter_args(%scan3A_645 = %scan3A) -> (i32)  : i32 {
      %mul3A_646 = arith.constant 16 : i32
      %mul3A_647 = arith.muli %scan3A_644, %mul3A_646 : i32
      %swap3A_648 = arith.index_cast %mul3A_647 : i32 to index
      %swap3A_649 = tpu.vector_load %arg29[%swap3A_648] {strides = array<i32>} : memref<640xf32, #tpu.memory_space<vmem>>, vector<16xf32>,
      tpu.vector_store %arg29[%swap3A_648], %broadcast_in_dim3A_0 {strides = array<i32>} : memref<640xf32, #tpu.memory_space<vmem>>, vector<16xf32>,
      %scan3A_650 = arith.constant 0 : i32
      scf.yield %scan3A_650 : i32
    }
    %scan3A_17 = arith.constant 40 : i32
    %mul3A = arith.constant 640 : i32
    %mul3A_18 = arith.muli %arg1, %mul3A : i32
    "tpu.region"() ({
      %run_scoped3A = tpu.sem_alloc : memref<!tpu.dma_semaphore, #tpu.memory_space<semaphore_mem>>
      %dma_start3A = tpu.memref_slice %arg14[%mul3A_18] : memref<10240xf32, #tpu.memory_space<vmem_shared>> -> memref<640xf32, #tpu.memory_space<vmem_shared>>
      %dma_start3A_644 = tpu.memref_slice %arg14[%mul3A_18] : memref<10240xf32, #tpu.memory_space<vmem_shared>> -> memref<640xf32, #tpu.memory_space<vmem_shared>>
      tpu.enqueue_dma source(%arg29 : memref<640xf32, #tpu.memory_space<vmem>>) target(%dma_start3A_644 : memref<640xf32, #tpu.memory_space<vmem_shared>>) target_semaphore(%run_scoped3A : memref<!tpu.dma_semaphore, #tpu.memory_space<semaphore_mem>>)
      %dma_wait3A = tpu.memref_slice %arg14[%mul3A_18] : memref<10240xf32, #tpu.memory_space<vmem_shared>> -> memref<640xf32, #tpu.memory_space<vmem_shared>>
      %dma_wait3A_645 = tpu.memref_slice %arg14[%mul3A_18] : memref<10240xf32, #tpu.memory_space<vmem_shared>> -> memref<640xf32, #tpu.memory_space<vmem_shared>>
      tpu.wait_dma2 semaphore(%run_scoped3A : memref<!tpu.dma_semaphore, #tpu.memory_space<semaphore_mem>>) src(%arg29 : memref<640xf32, #tpu.memory_space<vmem>>) dst(%dma_wait3A_645 : memref<640xf32, #tpu.memory_space<vmem_shared>>)
      tpu.yield
    }) : () -> ()
    %barrier3A = arith.constant 0 : index
    tpu.barrier barrier_id(%barrier3A)
    %scan3A_19 = arith.constant 0 : i32
    %scan3A_20 = arith.constant 0 : i32
    %scan3A_21 = arith.constant 5 : i32
    %scan3A_22 = arith.addi %scan3A_20, %scan3A_21 : i32
    %scan3A_23 = arith.constant 1 : i32
    %scan3A_24 = scf.for %scan3A_644 = %scan3A_20 to %scan3A_22 step %scan3A_23 iter_args(%scan3A_645 = %scan3A_19) -> (i32)  : i32 {
      %mul3A_646 = arith.constant 10000 : i32
      %mul3A_647 = arith.muli %arg1, %mul3A_646 : i32
      %mul3A_648 = arith.constant 2000 : i32
      %mul3A_649 = arith.muli %scan3A_644, %mul3A_648 : i32
      %add3A_650 = arith.addi %mul3A_647, %mul3A_649 : i32
      "tpu.region"() ({
        %run_scoped3A = tpu.sem_alloc : memref<!tpu.dma_semaphore, #tpu.memory_space<semaphore_mem>>
        %dma_start3A = tpu.memref_slice %arg2[%add3A_650] : memref<160000xi32, #tpu.memory_space<hbm>> -> memref<2000xi32, #tpu.memory_space<hbm>>
        %dma_start3A_659 = tpu.memref_slice %arg2[%add3A_650] : memref<160000xi32, #tpu.memory_space<hbm>> -> memref<2000xi32, #tpu.memory_space<hbm>>
        tpu.enqueue_dma source(%dma_start3A_659 : memref<2000xi32, #tpu.memory_space<hbm>>) target(%arg30 : memref<2000xi32, #tpu.memory_space<vmem>>) target_semaphore(%run_scoped3A : memref<!tpu.dma_semaphore, #tpu.memory_space<semaphore_mem>>)
        %dma_wait3A = tpu.memref_slice %arg2[%add3A_650] : memref<160000xi32, #tpu.memory_space<hbm>> -> memref<2000xi32, #tpu.memory_space<hbm>>
        %dma_wait3A_660 = tpu.memref_slice %arg2[%add3A_650] : memref<160000xi32, #tpu.memory_space<hbm>> -> memref<2000xi32, #tpu.memory_space<hbm>>
        tpu.wait_dma2 semaphore(%run_scoped3A : memref<!tpu.dma_semaphore, #tpu.memory_space<semaphore_mem>>) src(%dma_wait3A_660 : memref<2000xi32, #tpu.memory_space<hbm>>) dst(%arg30 : memref<2000xi32, #tpu.memory_space<vmem>>)
        tpu.yield
      }) : () -> ()
      %scan3A_651 = arith.constant 0 : i32
      %scan3A_652 = arith.constant 0 : i32
      %scan3A_653 = arith.constant 25 : i32
      %scan3A_654 = arith.addi %scan3A_652, %scan3A_653 : i32
      %scan3A_655 = arith.constant 1 : i32
      %scan3A_656 = scf.for %scan3A_659 = %scan3A_652 to %scan3A_654 step %scan3A_655 iter_args(%scan3A_660 = %scan3A_651) -> (i32)  : i32 {
        %mul3A_661 = arith.constant 80 : i32
        %mul3A_662 = arith.muli %scan3A_659, %mul3A_661 : i32
        %add3A_663 = arith.constant 0 : i32
        %add3A_664 = arith.addi %mul3A_662, %add3A_663 : i32
        %get3A_665 = arith.index_cast %add3A_664 : i32 to index
        %get3A_666 = tpu.vector_load %arg30[%get3A_665] {strides = array<i32>} : memref<2000xi32, #tpu.memory_space<vmem>>, vector<16xi32>,
        %swap3A_667 = arith.constant 0 : index
        %swap3A_668 = tpu.vector_load %arg24[%swap3A_667] {strides = array<i32>} : memref<80xi32, #tpu.memory_space<vmem>>, vector<16xi32>,
        tpu.vector_store %arg24[%swap3A_667], %get3A_666 {strides = array<i32>} : memref<80xi32, #tpu.memory_space<vmem>>, vector<16xi32>,
        %mul3A_669 = arith.constant 80 : i32
        %mul3A_670 = arith.muli %scan3A_659, %mul3A_669 : i32
        %add3A_671 = arith.constant 16 : i32
        %add3A_672 = arith.addi %mul3A_670, %add3A_671 : i32
        %get3A_673 = arith.index_cast %add3A_672 : i32 to index
        %get3A_674 = tpu.vector_load %arg30[%get3A_673] {strides = array<i32>} : memref<2000xi32, #tpu.memory_space<vmem>>, vector<16xi32>,
        %swap3A_675 = arith.constant 16 : index
        %swap3A_676 = tpu.vector_load %arg24[%swap3A_675] {strides = array<i32>} : memref<80xi32, #tpu.memory_space<vmem>>, vector<16xi32>,
        tpu.vector_store %arg24[%swap3A_675], %get3A_674 {strides = array<i32>} : memref<80xi32, #tpu.memory_space<vmem>>, vector<16xi32>,
        %mul3A_677 = arith.constant 80 : i32
        %mul3A_678 = arith.muli %scan3A_659, %mul3A_677 : i32
        %add3A_679 = arith.constant 32 : i32
        %add3A_680 = arith.addi %mul3A_678, %add3A_679 : i32
        %get3A_681 = arith.index_cast %add3A_680 : i32 to index
        %get3A_682 = tpu.vector_load %arg30[%get3A_681] {strides = array<i32>} : memref<2000xi32, #tpu.memory_space<vmem>>, vector<16xi32>,
        %swap3A_683 = arith.constant 32 : index
        %swap3A_684 = tpu.vector_load %arg24[%swap3A_683] {strides = array<i32>} : memref<80xi32, #tpu.memory_space<vmem>>, vector<16xi32>,
        tpu.vector_store %arg24[%swap3A_683], %get3A_682 {strides = array<i32>} : memref<80xi32, #tpu.memory_space<vmem>>, vector<16xi32>,
        %mul3A_685 = arith.constant 80 : i32
        %mul3A_686 = arith.muli %scan3A_659, %mul3A_685 : i32
        %add3A_687 = arith.constant 48 : i32
        %add3A_688 = arith.addi %mul3A_686, %add3A_687 : i32
        %get3A_689 = arith.index_cast %add3A_688 : i32 to index
        %get3A_690 = tpu.vector_load %arg30[%get3A_689] {strides = array<i32>} : memref<2000xi32, #tpu.memory_space<vmem>>, vector<16xi32>,
        %swap3A_691 = arith.constant 48 : index
        %swap3A_692 = tpu.vector_load %arg24[%swap3A_691] {strides = array<i32>} : memref<80xi32, #tpu.memory_space<vmem>>, vector<16xi32>,
        tpu.vector_store %arg24[%swap3A_691], %get3A_690 {strides = array<i32>} : memref<80xi32, #tpu.memory_space<vmem>>, vector<16xi32>,
        %mul3A_693 = arith.constant 80 : i32
        %mul3A_694 = arith.muli %scan3A_659, %mul3A_693 : i32
        %add3A_695 = arith.constant 64 : i32
        %add3A_696 = arith.addi %mul3A_694, %add3A_695 : i32
        %get3A_697 = arith.index_cast %add3A_696 : i32 to index
        %get3A_698 = tpu.vector_load %arg30[%get3A_697] {strides = array<i32>} : memref<2000xi32, #tpu.memory_space<vmem>>, vector<16xi32>,
        %swap3A_699 = arith.constant 64 : index
        %swap3A_700 = tpu.vector_load %arg24[%swap3A_699] {strides = array<i32>} : memref<80xi32, #tpu.memory_space<vmem>>, vector<16xi32>,
        tpu.vector_store %arg24[%swap3A_699], %get3A_698 {strides = array<i32>} : memref<80xi32, #tpu.memory_space<vmem>>, vector<16xi32>,
        "tpu.region"() ({
          %run_scoped3A = tpu.sem_alloc : memref<!tpu.dma_semaphore, #tpu.memory_space<semaphore_mem>>
          %dma_start3A = arith.constant 0 : i32
          %dma_start3A_702 = tpu.memref_slice %arg14[%dma_start3A] : memref<10240xf32, #tpu.memory_space<vmem_shared>> -> memref<10240xf32, #tpu.memory_space<vmem_shared>>
          tpu.enqueue_indirect_dma source(%arg28 : memref<80xf32, #tpu.memory_space<vmem>>) target(%dma_start3A_702 : memref<10240xf32, #tpu.memory_space<vmem_shared>>) offsets(%arg24 : memref<80xi32, #tpu.memory_space<vmem>>) semaphore(%run_scoped3A : memref<!tpu.dma_semaphore, #tpu.memory_space<semaphore_mem>>) {add = true}
          %dma_wait3A = arith.constant 0 : i32
          %dma_wait3A_703 = tpu.memref_slice %arg14[%dma_wait3A] : memref<10240xf32, #tpu.memory_space<vmem_shared>> -> memref<10240xf32, #tpu.memory_space<vmem_shared>>
          tpu.wait_indirect_dma semaphore(%run_scoped3A : memref<!tpu.dma_semaphore, #tpu.memory_space<semaphore_mem>>) src(%arg28 : memref<80xf32, #tpu.memory_space<vmem>>) dst(%dma_wait3A_703 : memref<10240xf32, #tpu.memory_space<vmem_shared>>)
          tpu.yield
        }) : () -> ()
        %scan3A_701 = arith.constant 0 : i32
        scf.yield %scan3A_701 : i32
      }
      %scan3A_657 = arith.constant 25 : i32
      %scan3A_658 = arith.constant 0 : i32
      scf.yield %scan3A_658 : i32
    }
    %scan3A_25 = arith.constant 5 : i32
    %barrier3A_26 = arith.constant 0 : index
    tpu.barrier barrier_id(%barrier3A_26)
    "tpu.region"() ({
      %run_scoped3A = tpu.sem_alloc : memref<!tpu.dma_semaphore, #tpu.memory_space<semaphore_mem>>
      tpu.enqueue_dma source(%arg5 : memref<10000xf32, #tpu.memory_space<hbm>>) target(%arg15 : memref<10000xf32, #tpu.memory_space<vmem>>) target_semaphore(%run_scoped3A : memref<!tpu.dma_semaphore, #tpu.memory_space<semaphore_mem>>)
      tpu.wait_dma2 semaphore(%run_scoped3A : memref<!tpu.dma_semaphore, #tpu.memory_space<semaphore_mem>>) src(%arg5 : memref<10000xf32, #tpu.memory_space<hbm>>) dst(%arg15 : memref<10000xf32, #tpu.memory_space<vmem>>)
      tpu.yield
    }) : () -> ()
    "tpu.region"() ({
      %run_scoped3A = tpu.sem_alloc : memref<!tpu.dma_semaphore, #tpu.memory_space<semaphore_mem>>
      tpu.enqueue_dma source(%arg6 : memref<10000xf32, #tpu.memory_space<hbm>>) target(%arg16 : memref<10000xf32, #tpu.memory_space<vmem>>) target_semaphore(%run_scoped3A : memref<!tpu.dma_semaphore, #tpu.memory_space<semaphore_mem>>)
      tpu.wait_dma2 semaphore(%run_scoped3A : memref<!tpu.dma_semaphore, #tpu.memory_space<semaphore_mem>>) src(%arg6 : memref<10000xf32, #tpu.memory_space<hbm>>) dst(%arg16 : memref<10000xf32, #tpu.memory_space<vmem>>)
      tpu.yield
    }) : () -> ()
    "tpu.region"() ({
      %run_scoped3A = tpu.sem_alloc : memref<!tpu.dma_semaphore, #tpu.memory_space<semaphore_mem>>
      tpu.enqueue_dma source(%arg7 : memref<10000xf32, #tpu.memory_space<hbm>>) target(%arg17 : memref<10000xf32, #tpu.memory_space<vmem>>) target_semaphore(%run_scoped3A : memref<!tpu.dma_semaphore, #tpu.memory_space<semaphore_mem>>)
      tpu.wait_dma2 semaphore(%run_scoped3A : memref<!tpu.dma_semaphore, #tpu.memory_space<semaphore_mem>>) src(%arg7 : memref<10000xf32, #tpu.memory_space<hbm>>) dst(%arg17 : memref<10000xf32, #tpu.memory_space<vmem>>)
      tpu.yield
    }) : () -> ()
    "tpu.region"() ({
      %run_scoped3A = tpu.sem_alloc : memref<!tpu.dma_semaphore, #tpu.memory_space<semaphore_mem>>
      tpu.enqueue_dma source(%arg8 : memref<10000xf32, #tpu.memory_space<hbm>>) target(%arg19 : memref<10000xf32, #tpu.memory_space<vmem>>) target_semaphore(%run_scoped3A : memref<!tpu.dma_semaphore, #tpu.memory_space<semaphore_mem>>)
      tpu.wait_dma2 semaphore(%run_scoped3A : memref<!tpu.dma_semaphore, #tpu.memory_space<semaphore_mem>>) src(%arg8 : memref<10000xf32, #tpu.memory_space<hbm>>) dst(%arg19 : memref<10000xf32, #tpu.memory_space<vmem>>)
      tpu.yield
    }) : () -> ()
    "tpu.region"() ({
      %run_scoped3A = tpu.sem_alloc : memref<!tpu.dma_semaphore, #tpu.memory_space<semaphore_mem>>
      tpu.enqueue_dma source(%arg9 : memref<10000xf32, #tpu.memory_space<hbm>>) target(%arg20 : memref<10000xf32, #tpu.memory_space<vmem>>) target_semaphore(%run_scoped3A : memref<!tpu.dma_semaphore, #tpu.memory_space<semaphore_mem>>)
      tpu.wait_dma2 semaphore(%run_scoped3A : memref<!tpu.dma_semaphore, #tpu.memory_space<semaphore_mem>>) src(%arg9 : memref<10000xf32, #tpu.memory_space<hbm>>) dst(%arg20 : memref<10000xf32, #tpu.memory_space<vmem>>)
      tpu.yield
    }) : () -> ()
    "tpu.region"() ({
      %run_scoped3A = tpu.sem_alloc : memref<!tpu.dma_semaphore, #tpu.memory_space<semaphore_mem>>
      tpu.enqueue_dma source(%arg10 : memref<128xf32, #tpu.memory_space<hbm>>) target(%arg21 : memref<128xf32, #tpu.memory_space<vmem>>) target_semaphore(%run_scoped3A : memref<!tpu.dma_semaphore, #tpu.memory_space<semaphore_mem>>)
      tpu.wait_dma2 semaphore(%run_scoped3A : memref<!tpu.dma_semaphore, #tpu.memory_space<semaphore_mem>>) src(%arg10 : memref<128xf32, #tpu.memory_space<hbm>>) dst(%arg21 : memref<128xf32, #tpu.memory_space<vmem>>)
      tpu.yield
    }) : () -> ()
    "tpu.region"() ({
      %run_scoped3A = tpu.sem_alloc : memref<!tpu.dma_semaphore, #tpu.memory_space<semaphore_mem>>
      tpu.enqueue_dma source(%arg11 : memref<128xf32, #tpu.memory_space<hbm>>) target(%arg22 : memref<128xf32, #tpu.memory_space<vmem>>) target_semaphore(%run_scoped3A : memref<!tpu.dma_semaphore, #tpu.memory_space<semaphore_mem>>)
      tpu.wait_dma2 semaphore(%run_scoped3A : memref<!tpu.dma_semaphore, #tpu.memory_space<semaphore_mem>>) src(%arg11 : memref<128xf32, #tpu.memory_space<hbm>>) dst(%arg22 : memref<128xf32, #tpu.memory_space<vmem>>)
      tpu.yield
    }) : () -> ()
    "tpu.region"() ({
      %run_scoped3A = tpu.sem_alloc : memref<!tpu.dma_semaphore, #tpu.memory_space<semaphore_mem>>
      tpu.enqueue_dma source(%arg12 : memref<128xf32, #tpu.memory_space<hbm>>) target(%arg23 : memref<128xf32, #tpu.memory_space<vmem>>) target_semaphore(%run_scoped3A : memref<!tpu.dma_semaphore, #tpu.memory_space<semaphore_mem>>)
      tpu.wait_dma2 semaphore(%run_scoped3A : memref<!tpu.dma_semaphore, #tpu.memory_space<semaphore_mem>>) src(%arg12 : memref<128xf32, #tpu.memory_space<hbm>>) dst(%arg23 : memref<128xf32, #tpu.memory_space<vmem>>)
      tpu.yield
    }) : () -> ()
    "tpu.region"() ({
      %run_scoped3A = tpu.sem_alloc : memref<!tpu.dma_semaphore, #tpu.memory_space<semaphore_mem>>
      tpu.enqueue_dma source(%arg14 : memref<10240xf32, #tpu.memory_space<vmem_shared>>) target(%arg18 : memref<10240xf32, #tpu.memory_space<vmem>>) target_semaphore(%run_scoped3A : memref<!tpu.dma_semaphore, #tpu.memory_space<semaphore_mem>>)
      tpu.wait_dma2 semaphore(%run_scoped3A : memref<!tpu.dma_semaphore, #tpu.memory_space<semaphore_mem>>) src(%arg14 : memref<10240xf32, #tpu.memory_space<vmem_shared>>) dst(%arg18 : memref<10240xf32, #tpu.memory_space<vmem>>)
      tpu.yield
    }) : () -> ()
    %scan3A_27 = arith.constant 0 : i32
    %scan3A_28 = arith.constant 0 : i32
    %scan3A_29 = arith.constant 640 : i32
    %scan3A_30 = arith.addi %scan3A_28, %scan3A_29 : i32
    %scan3A_31 = arith.constant 1 : i32
    %scan3A_32 = scf.for %scan3A_644 = %scan3A_28 to %scan3A_30 step %scan3A_31 iter_args(%scan3A_645 = %scan3A_27) -> (i32)  : i32 {
      %mul3A_646 = arith.constant 16 : i32
      %mul3A_647 = arith.muli %scan3A_644, %mul3A_646 : i32
      %get3A_648 = arith.index_cast %mul3A_647 : i32 to index
      %get3A_649 = tpu.vector_load %arg18[%get3A_648] {strides = array<i32>} : memref<10240xf32, #tpu.memory_space<vmem>>, vector<16xf32>,
      %max3A = arith.constant 1.000000e+00 : f32
      %max3A_650 = vector.broadcast %max3A : f32 to vector<16xf32>
      %max3A_651 = arith.maximumf %get3A_649, %max3A_650 : vector<16xf32>
      %broadcast_in_dim3A_652 = arith.constant 0 : i32
      %broadcast_in_dim3A_653 = vector.broadcast %broadcast_in_dim3A_652 : i32 to vector<16xi32>
      %ge3A = arith.constant 2.000000e+00 : f32
      %ge3A_654 = vector.broadcast %ge3A : f32 to vector<16xf32>
      %ge3A_655 = arith.cmpf oge, %max3A_651, %ge3A_654 : vector<16xf32>
      %jit3A_656 = arith.constant 1 : i32
      %jit3A_657 = arith.constant 0 : i32
      %broadcast_in_dim3A_658 = vector.broadcast %jit3A_656 : i32 to vector<16xi32>
      %broadcast_in_dim3A_659 = vector.broadcast %jit3A_657 : i32 to vector<16xi32>
      %select_n3A_660 = arith.select %ge3A_655, %broadcast_in_dim3A_658, %broadcast_in_dim3A_659 : vector<16xi1>, vector<16xi32>
      %add3A_661 = arith.addi %broadcast_in_dim3A_653, %select_n3A_660 : vector<16xi32>
      %ge3A_662 = arith.constant 4.000000e+00 : f32
      %ge3A_663 = vector.broadcast %ge3A_662 : f32 to vector<16xf32>
      %ge3A_664 = arith.cmpf oge, %max3A_651, %ge3A_663 : vector<16xf32>
      %jit3A_665 = arith.constant 1 : i32
      %jit3A_666 = arith.constant 0 : i32
      %broadcast_in_dim3A_667 = vector.broadcast %jit3A_665 : i32 to vector<16xi32>
      %broadcast_in_dim3A_668 = vector.broadcast %jit3A_666 : i32 to vector<16xi32>
      %select_n3A_669 = arith.select %ge3A_664, %broadcast_in_dim3A_667, %broadcast_in_dim3A_668 : vector<16xi1>, vector<16xi32>
      %add3A_670 = arith.addi %add3A_661, %select_n3A_669 : vector<16xi32>
      %ge3A_671 = arith.constant 8.000000e+00 : f32
      %ge3A_672 = vector.broadcast %ge3A_671 : f32 to vector<16xf32>
      %ge3A_673 = arith.cmpf oge, %max3A_651, %ge3A_672 : vector<16xf32>
      %jit3A_674 = arith.constant 1 : i32
      %jit3A_675 = arith.constant 0 : i32
      %broadcast_in_dim3A_676 = vector.broadcast %jit3A_674 : i32 to vector<16xi32>
      %broadcast_in_dim3A_677 = vector.broadcast %jit3A_675 : i32 to vector<16xi32>
      %select_n3A_678 = arith.select %ge3A_673, %broadcast_in_dim3A_676, %broadcast_in_dim3A_677 : vector<16xi1>, vector<16xi32>
      %add3A_679 = arith.addi %add3A_670, %select_n3A_678 : vector<16xi32>
      %ge3A_680 = arith.constant 1.600000e+01 : f32
      %ge3A_681 = vector.broadcast %ge3A_680 : f32 to vector<16xf32>
      %ge3A_682 = arith.cmpf oge, %max3A_651, %ge3A_681 : vector<16xf32>
      %jit3A_683 = arith.constant 1 : i32
      %jit3A_684 = arith.constant 0 : i32
      %broadcast_in_dim3A_685 = vector.broadcast %jit3A_683 : i32 to vector<16xi32>
      %broadcast_in_dim3A_686 = vector.broadcast %jit3A_684 : i32 to vector<16xi32>
      %select_n3A_687 = arith.select %ge3A_682, %broadcast_in_dim3A_685, %broadcast_in_dim3A_686 : vector<16xi1>, vector<16xi32>
      %add3A_688 = arith.addi %add3A_679, %select_n3A_687 : vector<16xi32>
      %ge3A_689 = arith.constant 3.200000e+01 : f32
      %ge3A_690 = vector.broadcast %ge3A_689 : f32 to vector<16xf32>
      %ge3A_691 = arith.cmpf oge, %max3A_651, %ge3A_690 : vector<16xf32>
      %jit3A_692 = arith.constant 1 : i32
      %jit3A_693 = arith.constant 0 : i32
      %broadcast_in_dim3A_694 = vector.broadcast %jit3A_692 : i32 to vector<16xi32>
      %broadcast_in_dim3A_695 = vector.broadcast %jit3A_693 : i32 to vector<16xi32>
      %select_n3A_696 = arith.select %ge3A_691, %broadcast_in_dim3A_694, %broadcast_in_dim3A_695 : vector<16xi1>, vector<16xi32>
      %add3A_697 = arith.addi %add3A_688, %select_n3A_696 : vector<16xi32>
      %ge3A_698 = arith.constant 6.400000e+01 : f32
      %ge3A_699 = vector.broadcast %ge3A_698 : f32 to vector<16xf32>
      %ge3A_700 = arith.cmpf oge, %max3A_651, %ge3A_699 : vector<16xf32>
      %jit3A_701 = arith.constant 1 : i32
      %jit3A_702 = arith.constant 0 : i32
      %broadcast_in_dim3A_703 = vector.broadcast %jit3A_701 : i32 to vector<16xi32>
      %broadcast_in_dim3A_704 = vector.broadcast %jit3A_702 : i32 to vector<16xi32>
      %select_n3A_705 = arith.select %ge3A_700, %broadcast_in_dim3A_703, %broadcast_in_dim3A_704 : vector<16xi1>, vector<16xi32>
      %add3A_706 = arith.addi %add3A_697, %select_n3A_705 : vector<16xi32>
      %ge3A_707 = arith.constant 1.280000e+02 : f32
      %ge3A_708 = vector.broadcast %ge3A_707 : f32 to vector<16xf32>
      %ge3A_709 = arith.cmpf oge, %max3A_651, %ge3A_708 : vector<16xf32>
      %jit3A_710 = arith.constant 1 : i32
      %jit3A_711 = arith.constant 0 : i32
      %broadcast_in_dim3A_712 = vector.broadcast %jit3A_710 : i32 to vector<16xi32>
      %broadcast_in_dim3A_713 = vector.broadcast %jit3A_711 : i32 to vector<16xi32>
      %select_n3A_714 = arith.select %ge3A_709, %broadcast_in_dim3A_712, %broadcast_in_dim3A_713 : vector<16xi1>, vector<16xi32>
      %add3A_715 = arith.addi %add3A_706, %select_n3A_714 : vector<16xi32>
      %ge3A_716 = arith.constant 2.560000e+02 : f32
      %ge3A_717 = vector.broadcast %ge3A_716 : f32 to vector<16xf32>
      %ge3A_718 = arith.cmpf oge, %max3A_651, %ge3A_717 : vector<16xf32>
      %jit3A_719 = arith.constant 1 : i32
      %jit3A_720 = arith.constant 0 : i32
      %broadcast_in_dim3A_721 = vector.broadcast %jit3A_719 : i32 to vector<16xi32>
      %broadcast_in_dim3A_722 = vector.broadcast %jit3A_720 : i32 to vector<16xi32>
      %select_n3A_723 = arith.select %ge3A_718, %broadcast_in_dim3A_721, %broadcast_in_dim3A_722 : vector<16xi1>, vector<16xi32>
      %add3A_724 = arith.addi %add3A_715, %select_n3A_723 : vector<16xi32>
      %ge3A_725 = arith.constant 5.120000e+02 : f32
      %ge3A_726 = vector.broadcast %ge3A_725 : f32 to vector<16xf32>
      %ge3A_727 = arith.cmpf oge, %max3A_651, %ge3A_726 : vector<16xf32>
      %jit3A_728 = arith.constant 1 : i32
      %jit3A_729 = arith.constant 0 : i32
      %broadcast_in_dim3A_730 = vector.broadcast %jit3A_728 : i32 to vector<16xi32>
      %broadcast_in_dim3A_731 = vector.broadcast %jit3A_729 : i32 to vector<16xi32>
      %select_n3A_732 = arith.select %ge3A_727, %broadcast_in_dim3A_730, %broadcast_in_dim3A_731 : vector<16xi1>, vector<16xi32>
      %add3A_733 = arith.addi %add3A_724, %select_n3A_732 : vector<16xi32>
      %ge3A_734 = arith.constant 1.024000e+03 : f32
      %ge3A_735 = vector.broadcast %ge3A_734 : f32 to vector<16xf32>
      %ge3A_736 = arith.cmpf oge, %max3A_651, %ge3A_735 : vector<16xf32>
      %jit3A_737 = arith.constant 1 : i32
      %jit3A_738 = arith.constant 0 : i32
      %broadcast_in_dim3A_739 = vector.broadcast %jit3A_737 : i32 to vector<16xi32>
      %broadcast_in_dim3A_740 = vector.broadcast %jit3A_738 : i32 to vector<16xi32>
      %select_n3A_741 = arith.select %ge3A_736, %broadcast_in_dim3A_739, %broadcast_in_dim3A_740 : vector<16xi1>, vector<16xi32>
      %add3A_742 = arith.addi %add3A_733, %select_n3A_741 : vector<16xi32>
      %ge3A_743 = arith.constant 2.048000e+03 : f32
      %ge3A_744 = vector.broadcast %ge3A_743 : f32 to vector<16xf32>
      %ge3A_745 = arith.cmpf oge, %max3A_651, %ge3A_744 : vector<16xf32>
      %jit3A_746 = arith.constant 1 : i32
      %jit3A_747 = arith.constant 0 : i32
      %broadcast_in_dim3A_748 = vector.broadcast %jit3A_746 : i32 to vector<16xi32>
      %broadcast_in_dim3A_749 = vector.broadcast %jit3A_747 : i32 to vector<16xi32>
      %select_n3A_750 = arith.select %ge3A_745, %broadcast_in_dim3A_748, %broadcast_in_dim3A_749 : vector<16xi1>, vector<16xi32>
      %add3A_751 = arith.addi %add3A_742, %select_n3A_750 : vector<16xi32>
      %ge3A_752 = arith.constant 4.096000e+03 : f32
      %ge3A_753 = vector.broadcast %ge3A_752 : f32 to vector<16xf32>
      %ge3A_754 = arith.cmpf oge, %max3A_651, %ge3A_753 : vector<16xf32>
      %jit3A_755 = arith.constant 1 : i32
      %jit3A_756 = arith.constant 0 : i32
      %broadcast_in_dim3A_757 = vector.broadcast %jit3A_755 : i32 to vector<16xi32>
      %broadcast_in_dim3A_758 = vector.broadcast %jit3A_756 : i32 to vector<16xi32>
      %select_n3A_759 = arith.select %ge3A_754, %broadcast_in_dim3A_757, %broadcast_in_dim3A_758 : vector<16xi1>, vector<16xi32>
      %add3A_760 = arith.addi %add3A_751, %select_n3A_759 : vector<16xi32>
      %ge3A_761 = arith.constant 8.192000e+03 : f32
      %ge3A_762 = vector.broadcast %ge3A_761 : f32 to vector<16xf32>
      %ge3A_763 = arith.cmpf oge, %max3A_651, %ge3A_762 : vector<16xf32>
      %jit3A_764 = arith.constant 1 : i32
      %jit3A_765 = arith.constant 0 : i32
      %broadcast_in_dim3A_766 = vector.broadcast %jit3A_764 : i32 to vector<16xi32>
      %broadcast_in_dim3A_767 = vector.broadcast %jit3A_765 : i32 to vector<16xi32>
      %select_n3A_768 = arith.select %ge3A_763, %broadcast_in_dim3A_766, %broadcast_in_dim3A_767 : vector<16xi1>, vector<16xi32>
      %add3A_769 = arith.addi %add3A_760, %select_n3A_768 : vector<16xi32>
      %ge3A_770 = arith.constant 1.638400e+04 : f32
      %ge3A_771 = vector.broadcast %ge3A_770 : f32 to vector<16xf32>
      %ge3A_772 = arith.cmpf oge, %max3A_651, %ge3A_771 : vector<16xf32>
      %jit3A_773 = arith.constant 1 : i32
      %jit3A_774 = arith.constant 0 : i32
      %broadcast_in_dim3A_775 = vector.broadcast %jit3A_773 : i32 to vector<16xi32>
      %broadcast_in_dim3A_776 = vector.broadcast %jit3A_774 : i32 to vector<16xi32>
      %select_n3A_777 = arith.select %ge3A_772, %broadcast_in_dim3A_775, %broadcast_in_dim3A_776 : vector<16xi1>, vector<16xi32>
      %add3A_778 = arith.addi %add3A_769, %select_n3A_777 : vector<16xi32>
      %ge3A_779 = arith.constant 3.276800e+04 : f32
      %ge3A_780 = vector.broadcast %ge3A_779 : f32 to vector<16xf32>
      %ge3A_781 = arith.cmpf oge, %max3A_651, %ge3A_780 : vector<16xf32>
      %jit3A_782 = arith.constant 1 : i32
      %jit3A_783 = arith.constant 0 : i32
      %broadcast_in_dim3A_784 = vector.broadcast %jit3A_782 : i32 to vector<16xi32>
      %broadcast_in_dim3A_785 = vector.broadcast %jit3A_783 : i32 to vector<16xi32>
      %select_n3A_786 = arith.select %ge3A_781, %broadcast_in_dim3A_784, %broadcast_in_dim3A_785 : vector<16xi1>, vector<16xi32>
      %add3A_787 = arith.addi %add3A_778, %select_n3A_786 : vector<16xi32>
      %ge3A_788 = arith.constant 6.553600e+04 : f32
      %ge3A_789 = vector.broadcast %ge3A_788 : f32 to vector<16xf32>
      %ge3A_790 = arith.cmpf oge, %max3A_651, %ge3A_789 : vector<16xf32>
      %jit3A_791 = arith.constant 1 : i32
      %jit3A_792 = arith.constant 0 : i32
      %broadcast_in_dim3A_793 = vector.broadcast %jit3A_791 : i32 to vector<16xi32>
      %broadcast_in_dim3A_794 = vector.broadcast %jit3A_792 : i32 to vector<16xi32>
      %select_n3A_795 = arith.select %ge3A_790, %broadcast_in_dim3A_793, %broadcast_in_dim3A_794 : vector<16xi1>, vector<16xi32>
      %add3A_796 = arith.addi %add3A_787, %select_n3A_795 : vector<16xi32>
      %ge3A_797 = arith.constant 1.310720e+05 : f32
      %ge3A_798 = vector.broadcast %ge3A_797 : f32 to vector<16xf32>
      %ge3A_799 = arith.cmpf oge, %max3A_651, %ge3A_798 : vector<16xf32>
      %jit3A_800 = arith.constant 1 : i32
      %jit3A_801 = arith.constant 0 : i32
      %broadcast_in_dim3A_802 = vector.broadcast %jit3A_800 : i32 to vector<16xi32>
      %broadcast_in_dim3A_803 = vector.broadcast %jit3A_801 : i32 to vector<16xi32>
      %select_n3A_804 = arith.select %ge3A_799, %broadcast_in_dim3A_802, %broadcast_in_dim3A_803 : vector<16xi1>, vector<16xi32>
      %add3A_805 = arith.addi %add3A_796, %select_n3A_804 : vector<16xi32>
      %ge3A_806 = arith.constant 2.621440e+05 : f32
      %ge3A_807 = vector.broadcast %ge3A_806 : f32 to vector<16xf32>
      %ge3A_808 = arith.cmpf oge, %max3A_651, %ge3A_807 : vector<16xf32>
      %jit3A_809 = arith.constant 1 : i32
      %jit3A_810 = arith.constant 0 : i32
      %broadcast_in_dim3A_811 = vector.broadcast %jit3A_809 : i32 to vector<16xi32>
      %broadcast_in_dim3A_812 = vector.broadcast %jit3A_810 : i32 to vector<16xi32>
      %select_n3A_813 = arith.select %ge3A_808, %broadcast_in_dim3A_811, %broadcast_in_dim3A_812 : vector<16xi1>, vector<16xi32>
      %add3A_814 = arith.addi %add3A_805, %select_n3A_813 : vector<16xi32>
      %gather3A_815 = tpu.vector_load_idx %arg23[%add3A_814] : memref<128xf32, #tpu.memory_space<vmem>>[vector<16xi32>], vector<16xf32>,
      %mul3A_816 = arith.constant 5.000000e-01 : f32
      %mul3A_817 = vector.broadcast %mul3A_816 : f32 to vector<16xf32>
      %mul3A_818 = arith.mulf %mul3A_817, %max3A_651 : vector<16xf32>
      %mul3A_819 = arith.mulf %mul3A_818, %gather3A_815 : vector<16xf32>
      %mul3A_820 = arith.mulf %mul3A_819, %gather3A_815 : vector<16xf32>
      %sub3A_821 = arith.constant 1.500000e+00 : f32
      %sub3A_822 = vector.broadcast %sub3A_821 : f32 to vector<16xf32>
      %sub3A_823 = arith.subf %sub3A_822, %mul3A_820 : vector<16xf32>
      %mul3A_824 = arith.mulf %gather3A_815, %sub3A_823 : vector<16xf32>
      %mul3A_825 = arith.constant 5.000000e-01 : f32
      %mul3A_826 = vector.broadcast %mul3A_825 : f32 to vector<16xf32>
      %mul3A_827 = arith.mulf %mul3A_826, %max3A_651 : vector<16xf32>
      %mul3A_828 = arith.mulf %mul3A_827, %mul3A_824 : vector<16xf32>
      %mul3A_829 = arith.mulf %mul3A_828, %mul3A_824 : vector<16xf32>
      %sub3A_830 = arith.constant 1.500000e+00 : f32
      %sub3A_831 = vector.broadcast %sub3A_830 : f32 to vector<16xf32>
      %sub3A_832 = arith.subf %sub3A_831, %mul3A_829 : vector<16xf32>
      %mul3A_833 = arith.mulf %mul3A_824, %sub3A_832 : vector<16xf32>
      %mul3A_834 = arith.constant 5.000000e-01 : f32
      %mul3A_835 = vector.broadcast %mul3A_834 : f32 to vector<16xf32>
      %mul3A_836 = arith.mulf %mul3A_835, %max3A_651 : vector<16xf32>
      %mul3A_837 = arith.mulf %mul3A_836, %mul3A_833 : vector<16xf32>
      %mul3A_838 = arith.mulf %mul3A_837, %mul3A_833 : vector<16xf32>
      %sub3A_839 = arith.constant 1.500000e+00 : f32
      %sub3A_840 = vector.broadcast %sub3A_839 : f32 to vector<16xf32>
      %sub3A_841 = arith.subf %sub3A_840, %mul3A_838 : vector<16xf32>
      %mul3A_842 = arith.mulf %mul3A_833, %sub3A_841 : vector<16xf32>
      %mul3A_843 = arith.constant 5.000000e-01 : f32
      %mul3A_844 = vector.broadcast %mul3A_843 : f32 to vector<16xf32>
      %mul3A_845 = arith.mulf %mul3A_844, %max3A_651 : vector<16xf32>
      %mul3A_846 = arith.mulf %mul3A_845, %mul3A_842 : vector<16xf32>
      %mul3A_847 = arith.mulf %mul3A_846, %mul3A_842 : vector<16xf32>
      %sub3A_848 = arith.constant 1.500000e+00 : f32
      %sub3A_849 = vector.broadcast %sub3A_848 : f32 to vector<16xf32>
      %sub3A_850 = arith.subf %sub3A_849, %mul3A_847 : vector<16xf32>
      %mul3A_851 = arith.mulf %mul3A_842, %sub3A_850 : vector<16xf32>
      %mul3A_852 = arith.constant 5.000000e-01 : f32
      %mul3A_853 = vector.broadcast %mul3A_852 : f32 to vector<16xf32>
      %mul3A_854 = arith.mulf %mul3A_853, %max3A_651 : vector<16xf32>
      %mul3A_855 = arith.mulf %mul3A_854, %mul3A_851 : vector<16xf32>
      %mul3A_856 = arith.mulf %mul3A_855, %mul3A_851 : vector<16xf32>
      %sub3A_857 = arith.constant 1.500000e+00 : f32
      %sub3A_858 = vector.broadcast %sub3A_857 : f32 to vector<16xf32>
      %sub3A_859 = arith.subf %sub3A_858, %mul3A_856 : vector<16xf32>
      %mul3A_860 = arith.mulf %mul3A_851, %sub3A_859 : vector<16xf32>
      %swap3A_861 = arith.index_cast %mul3A_647 : i32 to index
      %swap3A_862 = tpu.vector_load %arg18[%swap3A_861] {strides = array<i32>} : memref<10240xf32, #tpu.memory_space<vmem>>, vector<16xf32>,
      tpu.vector_store %arg18[%swap3A_861], %mul3A_860 {strides = array<i32>} : memref<10240xf32, #tpu.memory_space<vmem>>, vector<16xf32>,
      %scan3A_863 = arith.constant 0 : i32
      scf.yield %scan3A_863 : i32
    }
    %scan3A_33 = arith.constant 640 : i32
    %mul3A_34 = arith.constant 2 : i32
    %mul3A_35 = arith.muli %arg1, %mul3A_34 : i32
    %add3A = arith.addi %mul3A_35, %arg0 : i32
    %mul3A_36 = arith.constant 5000 : i32
    %mul3A_37 = arith.muli %add3A, %mul3A_36 : i32
    %scan3A_38 = arith.constant 0 : i32
    %scan3A_39 = arith.constant 0 : i32
    %scan3A_40 = arith.constant 62 : i32
    %scan3A_41 = arith.addi %scan3A_39, %scan3A_40 : i32
    %scan3A_42 = arith.constant 1 : i32
    %scan3A_43 = scf.for %scan3A_644 = %scan3A_39 to %scan3A_41 step %scan3A_42 iter_args(%scan3A_645 = %scan3A_38) -> (i32)  : i32 {
      %mul3A_646 = arith.constant 80 : i32
      %mul3A_647 = arith.muli %scan3A_644, %mul3A_646 : i32
      %add3A_648 = arith.addi %mul3A_37, %mul3A_647 : i32
      "tpu.region"() ({
        %run_scoped3A = tpu.sem_alloc : memref<!tpu.dma_semaphore, #tpu.memory_space<semaphore_mem>>
        %dma_start3A = tpu.memref_slice %arg2[%add3A_648] : memref<160000xi32, #tpu.memory_space<hbm>> -> memref<80xi32, #tpu.memory_space<hbm>>
        %dma_start3A_1256 = tpu.memref_slice %arg2[%add3A_648] : memref<160000xi32, #tpu.memory_space<hbm>> -> memref<80xi32, #tpu.memory_space<hbm>>
        tpu.enqueue_dma source(%dma_start3A_1256 : memref<80xi32, #tpu.memory_space<hbm>>) target(%arg24 : memref<80xi32, #tpu.memory_space<vmem>>) target_semaphore(%run_scoped3A : memref<!tpu.dma_semaphore, #tpu.memory_space<semaphore_mem>>)
        %dma_wait3A = tpu.memref_slice %arg2[%add3A_648] : memref<160000xi32, #tpu.memory_space<hbm>> -> memref<80xi32, #tpu.memory_space<hbm>>
        %dma_wait3A_1257 = tpu.memref_slice %arg2[%add3A_648] : memref<160000xi32, #tpu.memory_space<hbm>> -> memref<80xi32, #tpu.memory_space<hbm>>
        tpu.wait_dma2 semaphore(%run_scoped3A : memref<!tpu.dma_semaphore, #tpu.memory_space<semaphore_mem>>) src(%dma_wait3A_1257 : memref<80xi32, #tpu.memory_space<hbm>>) dst(%arg24 : memref<80xi32, #tpu.memory_space<vmem>>)
        tpu.yield
      }) : () -> ()
      "tpu.region"() ({
        %run_scoped3A = tpu.sem_alloc : memref<!tpu.dma_semaphore, #tpu.memory_space<semaphore_mem>>
        %dma_start3A = tpu.memref_slice %arg3[%add3A_648] : memref<160000xi32, #tpu.memory_space<hbm>> -> memref<80xi32, #tpu.memory_space<hbm>>
        %dma_start3A_1256 = tpu.memref_slice %arg3[%add3A_648] : memref<160000xi32, #tpu.memory_space<hbm>> -> memref<80xi32, #tpu.memory_space<hbm>>
        tpu.enqueue_dma source(%dma_start3A_1256 : memref<80xi32, #tpu.memory_space<hbm>>) target(%arg25 : memref<80xi32, #tpu.memory_space<vmem>>) target_semaphore(%run_scoped3A : memref<!tpu.dma_semaphore, #tpu.memory_space<semaphore_mem>>)
        %dma_wait3A = tpu.memref_slice %arg3[%add3A_648] : memref<160000xi32, #tpu.memory_space<hbm>> -> memref<80xi32, #tpu.memory_space<hbm>>
        %dma_wait3A_1257 = tpu.memref_slice %arg3[%add3A_648] : memref<160000xi32, #tpu.memory_space<hbm>> -> memref<80xi32, #tpu.memory_space<hbm>>
        tpu.wait_dma2 semaphore(%run_scoped3A : memref<!tpu.dma_semaphore, #tpu.memory_space<semaphore_mem>>) src(%dma_wait3A_1257 : memref<80xi32, #tpu.memory_space<hbm>>) dst(%arg25 : memref<80xi32, #tpu.memory_space<vmem>>)
        tpu.yield
      }) : () -> ()
      "tpu.region"() ({
        %run_scoped3A = tpu.sem_alloc : memref<!tpu.dma_semaphore, #tpu.memory_space<semaphore_mem>>
        %dma_start3A = tpu.memref_slice %arg4[%add3A_648] : memref<160000xi32, #tpu.memory_space<hbm>> -> memref<80xi32, #tpu.memory_space<hbm>>
        %dma_start3A_1256 = tpu.memref_slice %arg4[%add3A_648] : memref<160000xi32, #tpu.memory_space<hbm>> -> memref<80xi32, #tpu.memory_space<hbm>>
        tpu.enqueue_dma source(%dma_start3A_1256 : memref<80xi32, #tpu.memory_space<hbm>>) target(%arg26 : memref<80xi32, #tpu.memory_space<vmem>>) target_semaphore(%run_scoped3A : memref<!tpu.dma_semaphore, #tpu.memory_space<semaphore_mem>>)
        %dma_wait3A = tpu.memref_slice %arg4[%add3A_648] : memref<160000xi32, #tpu.memory_space<hbm>> -> memref<80xi32, #tpu.memory_space<hbm>>
        %dma_wait3A_1257 = tpu.memref_slice %arg4[%add3A_648] : memref<160000xi32, #tpu.memory_space<hbm>> -> memref<80xi32, #tpu.memory_space<hbm>>
        tpu.wait_dma2 semaphore(%run_scoped3A : memref<!tpu.dma_semaphore, #tpu.memory_space<semaphore_mem>>) src(%dma_wait3A_1257 : memref<80xi32, #tpu.memory_space<hbm>>) dst(%arg26 : memref<80xi32, #tpu.memory_space<vmem>>)
        tpu.yield
      }) : () -> ()
      %broadcast_in_dim3A_649 = arith.constant 1 : i32
      %broadcast_in_dim3A_650 = vector.broadcast %broadcast_in_dim3A_649 : i32 to vector<16xi32>
      %gather3A_651 = tpu.vector_load_idx %arg22[%broadcast_in_dim3A_650] : memref<128xf32, #tpu.memory_space<vmem>>[vector<16xi32>], vector<16xf32>,
      %broadcast_in_dim3A_652 = arith.constant 2 : i32
      %broadcast_in_dim3A_653 = vector.broadcast %broadcast_in_dim3A_652 : i32 to vector<16xi32>
      %gather3A_654 = tpu.vector_load_idx %arg22[%broadcast_in_dim3A_653] : memref<128xf32, #tpu.memory_space<vmem>>[vector<16xi32>], vector<16xf32>,
      %broadcast_in_dim3A_655 = arith.constant 3 : i32
      %broadcast_in_dim3A_656 = vector.broadcast %broadcast_in_dim3A_655 : i32 to vector<16xi32>
      %gather3A_657 = tpu.vector_load_idx %arg22[%broadcast_in_dim3A_656] : memref<128xf32, #tpu.memory_space<vmem>>[vector<16xi32>], vector<16xf32>,
      %broadcast_in_dim3A_658 = arith.constant 4 : i32
      %broadcast_in_dim3A_659 = vector.broadcast %broadcast_in_dim3A_658 : i32 to vector<16xi32>
      %gather3A_660 = tpu.vector_load_idx %arg22[%broadcast_in_dim3A_659] : memref<128xf32, #tpu.memory_space<vmem>>[vector<16xi32>], vector<16xf32>,
      %broadcast_in_dim3A_661 = arith.constant 5 : i32
      %broadcast_in_dim3A_662 = vector.broadcast %broadcast_in_dim3A_661 : i32 to vector<16xi32>
      %gather3A_663 = tpu.vector_load_idx %arg22[%broadcast_in_dim3A_662] : memref<128xf32, #tpu.memory_space<vmem>>[vector<16xi32>], vector<16xf32>,
      %broadcast_in_dim3A_664 = arith.constant 6 : i32
      %broadcast_in_dim3A_665 = vector.broadcast %broadcast_in_dim3A_664 : i32 to vector<16xi32>
      %gather3A_666 = tpu.vector_load_idx %arg22[%broadcast_in_dim3A_665] : memref<128xf32, #tpu.memory_space<vmem>>[vector<16xi32>], vector<16xf32>,
      %broadcast_in_dim3A_667 = arith.constant 7 : i32
      %broadcast_in_dim3A_668 = vector.broadcast %broadcast_in_dim3A_667 : i32 to vector<16xi32>
      %gather3A_669 = tpu.vector_load_idx %arg22[%broadcast_in_dim3A_668] : memref<128xf32, #tpu.memory_space<vmem>>[vector<16xi32>], vector<16xf32>,
      %broadcast_in_dim3A_670 = arith.constant 8 : i32
      %broadcast_in_dim3A_671 = vector.broadcast %broadcast_in_dim3A_670 : i32 to vector<16xi32>
      %gather3A_672 = tpu.vector_load_idx %arg22[%broadcast_in_dim3A_671] : memref<128xf32, #tpu.memory_space<vmem>>[vector<16xi32>], vector<16xf32>,
      %get3A_673 = arith.constant 0 : index
      %get3A_674 = tpu.vector_load %arg24[%get3A_673] {strides = array<i32>} : memref<80xi32, #tpu.memory_space<vmem>>, vector<16xi32>,
      %get3A_675 = arith.constant 0 : index
      %get3A_676 = tpu.vector_load %arg25[%get3A_675] {strides = array<i32>} : memref<80xi32, #tpu.memory_space<vmem>>, vector<16xi32>,
      %get3A_677 = arith.constant 0 : index
      %get3A_678 = tpu.vector_load %arg26[%get3A_677] {strides = array<i32>} : memref<80xi32, #tpu.memory_space<vmem>>, vector<16xi32>,
      %gather3A_679 = tpu.vector_load_idx %arg19[%get3A_674] : memref<10000xf32, #tpu.memory_space<vmem>>[vector<16xi32>], vector<16xf32>,
      %gather3A_680 = tpu.vector_load_idx %arg20[%get3A_674] : memref<10000xf32, #tpu.memory_space<vmem>>[vector<16xi32>], vector<16xf32>,
      %gather3A_681 = tpu.vector_load_idx %arg19[%get3A_676] : memref<10000xf32, #tpu.memory_space<vmem>>[vector<16xi32>], vector<16xf32>,
      %gather3A_682 = tpu.vector_load_idx %arg20[%get3A_676] : memref<10000xf32, #tpu.memory_space<vmem>>[vector<16xi32>], vector<16xf32>,
      %sub3A_683 = arith.subf %gather3A_681, %gather3A_679 : vector<16xf32>
      %sub3A_684 = arith.subf %gather3A_682, %gather3A_680 : vector<16xf32>
      %mul3A_685 = arith.mulf %sub3A_683, %sub3A_683 : vector<16xf32>
      %mul3A_686 = arith.mulf %sub3A_684, %sub3A_684 : vector<16xf32>
      %add3A_687 = arith.addf %mul3A_685, %mul3A_686 : vector<16xf32>
      %broadcast_in_dim3A_688 = arith.constant 0 : i32
      %broadcast_in_dim3A_689 = vector.broadcast %broadcast_in_dim3A_688 : i32 to vector<16xi32>
      %lt3A_690 = arith.cmpf olt, %gather3A_651, %add3A_687 : vector<16xf32>
      %jit3A_691 = arith.constant 1 : i32
      %jit3A_692 = arith.constant 0 : i32
      %broadcast_in_dim3A_693 = vector.broadcast %jit3A_691 : i32 to vector<16xi32>
      %broadcast_in_dim3A_694 = vector.broadcast %jit3A_692 : i32 to vector<16xi32>
      %select_n3A_695 = arith.select %lt3A_690, %broadcast_in_dim3A_693, %broadcast_in_dim3A_694 : vector<16xi1>, vector<16xi32>
      %add3A_696 = arith.addi %broadcast_in_dim3A_689, %select_n3A_695 : vector<16xi32>
      %lt3A_697 = arith.cmpf olt, %gather3A_654, %add3A_687 : vector<16xf32>
      %jit3A_698 = arith.constant 1 : i32
      %jit3A_699 = arith.constant 0 : i32
      %broadcast_in_dim3A_700 = vector.broadcast %jit3A_698 : i32 to vector<16xi32>
      %broadcast_in_dim3A_701 = vector.broadcast %jit3A_699 : i32 to vector<16xi32>
      %select_n3A_702 = arith.select %lt3A_697, %broadcast_in_dim3A_700, %broadcast_in_dim3A_701 : vector<16xi1>, vector<16xi32>
      %add3A_703 = arith.addi %add3A_696, %select_n3A_702 : vector<16xi32>
      %lt3A_704 = arith.cmpf olt, %gather3A_657, %add3A_687 : vector<16xf32>
      %jit3A_705 = arith.constant 1 : i32
      %jit3A_706 = arith.constant 0 : i32
      %broadcast_in_dim3A_707 = vector.broadcast %jit3A_705 : i32 to vector<16xi32>
      %broadcast_in_dim3A_708 = vector.broadcast %jit3A_706 : i32 to vector<16xi32>
      %select_n3A_709 = arith.select %lt3A_704, %broadcast_in_dim3A_707, %broadcast_in_dim3A_708 : vector<16xi1>, vector<16xi32>
      %add3A_710 = arith.addi %add3A_703, %select_n3A_709 : vector<16xi32>
      %lt3A_711 = arith.cmpf olt, %gather3A_660, %add3A_687 : vector<16xf32>
      %jit3A_712 = arith.constant 1 : i32
      %jit3A_713 = arith.constant 0 : i32
      %broadcast_in_dim3A_714 = vector.broadcast %jit3A_712 : i32 to vector<16xi32>
      %broadcast_in_dim3A_715 = vector.broadcast %jit3A_713 : i32 to vector<16xi32>
      %select_n3A_716 = arith.select %lt3A_711, %broadcast_in_dim3A_714, %broadcast_in_dim3A_715 : vector<16xi1>, vector<16xi32>
      %add3A_717 = arith.addi %add3A_710, %select_n3A_716 : vector<16xi32>
      %lt3A_718 = arith.cmpf olt, %gather3A_663, %add3A_687 : vector<16xf32>
      %jit3A_719 = arith.constant 1 : i32
      %jit3A_720 = arith.constant 0 : i32
      %broadcast_in_dim3A_721 = vector.broadcast %jit3A_719 : i32 to vector<16xi32>
      %broadcast_in_dim3A_722 = vector.broadcast %jit3A_720 : i32 to vector<16xi32>
      %select_n3A_723 = arith.select %lt3A_718, %broadcast_in_dim3A_721, %broadcast_in_dim3A_722 : vector<16xi1>, vector<16xi32>
      %add3A_724 = arith.addi %add3A_717, %select_n3A_723 : vector<16xi32>
      %lt3A_725 = arith.cmpf olt, %gather3A_666, %add3A_687 : vector<16xf32>
      %jit3A_726 = arith.constant 1 : i32
      %jit3A_727 = arith.constant 0 : i32
      %broadcast_in_dim3A_728 = vector.broadcast %jit3A_726 : i32 to vector<16xi32>
      %broadcast_in_dim3A_729 = vector.broadcast %jit3A_727 : i32 to vector<16xi32>
      %select_n3A_730 = arith.select %lt3A_725, %broadcast_in_dim3A_728, %broadcast_in_dim3A_729 : vector<16xi1>, vector<16xi32>
      %add3A_731 = arith.addi %add3A_724, %select_n3A_730 : vector<16xi32>
      %lt3A_732 = arith.cmpf olt, %gather3A_669, %add3A_687 : vector<16xf32>
      %jit3A_733 = arith.constant 1 : i32
      %jit3A_734 = arith.constant 0 : i32
      %broadcast_in_dim3A_735 = vector.broadcast %jit3A_733 : i32 to vector<16xi32>
      %broadcast_in_dim3A_736 = vector.broadcast %jit3A_734 : i32 to vector<16xi32>
      %select_n3A_737 = arith.select %lt3A_732, %broadcast_in_dim3A_735, %broadcast_in_dim3A_736 : vector<16xi1>, vector<16xi32>
      %add3A_738 = arith.addi %add3A_731, %select_n3A_737 : vector<16xi32>
      %lt3A_739 = arith.cmpf olt, %gather3A_672, %add3A_687 : vector<16xf32>
      %jit3A_740 = arith.constant 1 : i32
      %jit3A_741 = arith.constant 0 : i32
      %broadcast_in_dim3A_742 = vector.broadcast %jit3A_740 : i32 to vector<16xi32>
      %broadcast_in_dim3A_743 = vector.broadcast %jit3A_741 : i32 to vector<16xi32>
      %select_n3A_744 = arith.select %lt3A_739, %broadcast_in_dim3A_742, %broadcast_in_dim3A_743 : vector<16xi1>, vector<16xi32>
      %add3A_745 = arith.addi %add3A_738, %select_n3A_744 : vector<16xi32>
      %gather3A_746 = tpu.vector_load_idx %arg15[%get3A_676] : memref<10000xf32, #tpu.memory_space<vmem>>[vector<16xi32>], vector<16xf32>,
      %gather3A_747 = tpu.vector_load_idx %arg16[%get3A_678] : memref<10000xf32, #tpu.memory_space<vmem>>[vector<16xi32>], vector<16xf32>,
      %add3A_748 = arith.addf %gather3A_746, %gather3A_747 : vector<16xf32>
      %gather3A_749 = tpu.vector_load_idx %arg17[%get3A_674] : memref<10000xf32, #tpu.memory_space<vmem>>[vector<16xi32>], vector<16xf32>,
      %add3A_750 = arith.addf %add3A_748, %gather3A_749 : vector<16xf32>
      %gather3A_751 = tpu.vector_load_idx %arg21[%add3A_745] : memref<128xf32, #tpu.memory_space<vmem>>[vector<16xi32>], vector<16xf32>,
      %add3A_752 = arith.addf %add3A_750, %gather3A_751 : vector<16xf32>
      %neg3A_753 = arith.constant 0.000000e+00 : f32
      %neg3A_754 = vector.broadcast %neg3A_753 : f32 to vector<16xf32>
      %neg3A_755 = arith.subf %neg3A_754, %add3A_752 : vector<16xf32>
      %exp3A_756 = math.exp %neg3A_755 : vector<16xf32>
      %add3A_757 = arith.constant 1.000000e+00 : f32
      %add3A_758 = vector.broadcast %add3A_757 : f32 to vector<16xf32>
      %add3A_759 = arith.addf %add3A_758, %exp3A_756 : vector<16xf32>
      %div3A_760 = arith.constant 1.000000e+00 : f32
      %div3A_761 = vector.broadcast %div3A_760 : f32 to vector<16xf32>
      %div3A_762 = arith.divf %div3A_761, %add3A_759 : vector<16xf32>
      %gather3A_763 = tpu.vector_load_idx %arg18[%get3A_674] : memref<10240xf32, #tpu.memory_space<vmem>>[vector<16xi32>], vector<16xf32>,
      %gather3A_764 = tpu.vector_load_idx %arg18[%get3A_676] : memref<10240xf32, #tpu.memory_space<vmem>>[vector<16xi32>], vector<16xf32>,
      %mul3A_765 = arith.mulf %gather3A_763, %gather3A_764 : vector<16xf32>
      %iota3A_766 = tpu.iota {dimensions = array<i32: 0>} : vector<16xi32>
      %mul3A_767 = arith.constant 8 : i32
      %mul3A_768 = vector.broadcast %mul3A_767 : i32 to vector<16xi32>
      %mul3A_769 = arith.muli %iota3A_766, %mul3A_768 : vector<16xi32>
      %add3A_770 = arith.constant 0 : i32
      %add3A_771 = vector.broadcast %add3A_770 : i32 to vector<16xi32>
      %add3A_772 = arith.addi %mul3A_769, %add3A_771 : vector<16xi32>
      %convert_element_type3A_773 = arith.sitofp %get3A_674 : vector<16xi32> to vector<16xf32>
      tpu.vector_store_idx %arg27[%add3A_772], %convert_element_type3A_773 : memref<640xf32, #tpu.memory_space<vmem>>[vector<16xi32>], vector<16xf32>,
      %add3A_774 = arith.constant 1 : i32
      %add3A_775 = vector.broadcast %add3A_774 : i32 to vector<16xi32>
      %add3A_776 = arith.addi %add3A_772, %add3A_775 : vector<16xi32>
      %convert_element_type3A_777 = arith.sitofp %get3A_678 : vector<16xi32> to vector<16xf32>
      tpu.vector_store_idx %arg27[%add3A_776], %convert_element_type3A_777 : memref<640xf32, #tpu.memory_space<vmem>>[vector<16xi32>], vector<16xf32>,
      %add3A_778 = arith.constant 2 : i32
      %add3A_779 = vector.broadcast %add3A_778 : i32 to vector<16xi32>
      %add3A_780 = arith.addi %add3A_772, %add3A_779 : vector<16xi32>
      %convert_element_type3A_781 = arith.sitofp %get3A_676 : vector<16xi32> to vector<16xf32>
      tpu.vector_store_idx %arg27[%add3A_780], %convert_element_type3A_781 : memref<640xf32, #tpu.memory_space<vmem>>[vector<16xi32>], vector<16xf32>,
      %add3A_782 = arith.constant 3 : i32
      %add3A_783 = vector.broadcast %add3A_782 : i32 to vector<16xi32>
      %add3A_784 = arith.addi %add3A_772, %add3A_783 : vector<16xi32>
      %mul3A_785 = arith.mulf %div3A_762, %mul3A_765 : vector<16xf32>
      tpu.vector_store_idx %arg27[%add3A_784], %mul3A_785 : memref<640xf32, #tpu.memory_space<vmem>>[vector<16xi32>], vector<16xf32>,
      %add3A_786 = arith.constant 4 : i32
      %add3A_787 = vector.broadcast %add3A_786 : i32 to vector<16xi32>
      %add3A_788 = arith.addi %add3A_772, %add3A_787 : vector<16xi32>
      tpu.vector_store_idx %arg27[%add3A_788], %mul3A_765 : memref<640xf32, #tpu.memory_space<vmem>>[vector<16xi32>], vector<16xf32>,
      %get3A_789 = arith.constant 16 : index
      %get3A_790 = tpu.vector_load %arg24[%get3A_789] {strides = array<i32>} : memref<80xi32, #tpu.memory_space<vmem>>, vector<16xi32>,
      %get3A_791 = arith.constant 16 : index
      %get3A_792 = tpu.vector_load %arg25[%get3A_791] {strides = array<i32>} : memref<80xi32, #tpu.memory_space<vmem>>, vector<16xi32>,
      %get3A_793 = arith.constant 16 : index
      %get3A_794 = tpu.vector_load %arg26[%get3A_793] {strides = array<i32>} : memref<80xi32, #tpu.memory_space<vmem>>, vector<16xi32>,
      %gather3A_795 = tpu.vector_load_idx %arg19[%get3A_790] : memref<10000xf32, #tpu.memory_space<vmem>>[vector<16xi32>], vector<16xf32>,
      %gather3A_796 = tpu.vector_load_idx %arg20[%get3A_790] : memref<10000xf32, #tpu.memory_space<vmem>>[vector<16xi32>], vector<16xf32>,
      %gather3A_797 = tpu.vector_load_idx %arg19[%get3A_792] : memref<10000xf32, #tpu.memory_space<vmem>>[vector<16xi32>], vector<16xf32>,
      %gather3A_798 = tpu.vector_load_idx %arg20[%get3A_792] : memref<10000xf32, #tpu.memory_space<vmem>>[vector<16xi32>], vector<16xf32>,
      %sub3A_799 = arith.subf %gather3A_797, %gather3A_795 : vector<16xf32>
      %sub3A_800 = arith.subf %gather3A_798, %gather3A_796 : vector<16xf32>
      %mul3A_801 = arith.mulf %sub3A_799, %sub3A_799 : vector<16xf32>
      %mul3A_802 = arith.mulf %sub3A_800, %sub3A_800 : vector<16xf32>
      %add3A_803 = arith.addf %mul3A_801, %mul3A_802 : vector<16xf32>
      %broadcast_in_dim3A_804 = arith.constant 0 : i32
      %broadcast_in_dim3A_805 = vector.broadcast %broadcast_in_dim3A_804 : i32 to vector<16xi32>
      %lt3A_806 = arith.cmpf olt, %gather3A_651, %add3A_803 : vector<16xf32>
      %jit3A_807 = arith.constant 1 : i32
      %jit3A_808 = arith.constant 0 : i32
      %broadcast_in_dim3A_809 = vector.broadcast %jit3A_807 : i32 to vector<16xi32>
      %broadcast_in_dim3A_810 = vector.broadcast %jit3A_808 : i32 to vector<16xi32>
      %select_n3A_811 = arith.select %lt3A_806, %broadcast_in_dim3A_809, %broadcast_in_dim3A_810 : vector<16xi1>, vector<16xi32>
      %add3A_812 = arith.addi %broadcast_in_dim3A_805, %select_n3A_811 : vector<16xi32>
      %lt3A_813 = arith.cmpf olt, %gather3A_654, %add3A_803 : vector<16xf32>
      %jit3A_814 = arith.constant 1 : i32
      %jit3A_815 = arith.constant 0 : i32
      %broadcast_in_dim3A_816 = vector.broadcast %jit3A_814 : i32 to vector<16xi32>
      %broadcast_in_dim3A_817 = vector.broadcast %jit3A_815 : i32 to vector<16xi32>
      %select_n3A_818 = arith.select %lt3A_813, %broadcast_in_dim3A_816, %broadcast_in_dim3A_817 : vector<16xi1>, vector<16xi32>
      %add3A_819 = arith.addi %add3A_812, %select_n3A_818 : vector<16xi32>
      %lt3A_820 = arith.cmpf olt, %gather3A_657, %add3A_803 : vector<16xf32>
      %jit3A_821 = arith.constant 1 : i32
      %jit3A_822 = arith.constant 0 : i32
      %broadcast_in_dim3A_823 = vector.broadcast %jit3A_821 : i32 to vector<16xi32>
      %broadcast_in_dim3A_824 = vector.broadcast %jit3A_822 : i32 to vector<16xi32>
      %select_n3A_825 = arith.select %lt3A_820, %broadcast_in_dim3A_823, %broadcast_in_dim3A_824 : vector<16xi1>, vector<16xi32>
      %add3A_826 = arith.addi %add3A_819, %select_n3A_825 : vector<16xi32>
      %lt3A_827 = arith.cmpf olt, %gather3A_660, %add3A_803 : vector<16xf32>
      %jit3A_828 = arith.constant 1 : i32
      %jit3A_829 = arith.constant 0 : i32
      %broadcast_in_dim3A_830 = vector.broadcast %jit3A_828 : i32 to vector<16xi32>
      %broadcast_in_dim3A_831 = vector.broadcast %jit3A_829 : i32 to vector<16xi32>
      %select_n3A_832 = arith.select %lt3A_827, %broadcast_in_dim3A_830, %broadcast_in_dim3A_831 : vector<16xi1>, vector<16xi32>
      %add3A_833 = arith.addi %add3A_826, %select_n3A_832 : vector<16xi32>
      %lt3A_834 = arith.cmpf olt, %gather3A_663, %add3A_803 : vector<16xf32>
      %jit3A_835 = arith.constant 1 : i32
      %jit3A_836 = arith.constant 0 : i32
      %broadcast_in_dim3A_837 = vector.broadcast %jit3A_835 : i32 to vector<16xi32>
      %broadcast_in_dim3A_838 = vector.broadcast %jit3A_836 : i32 to vector<16xi32>
      %select_n3A_839 = arith.select %lt3A_834, %broadcast_in_dim3A_837, %broadcast_in_dim3A_838 : vector<16xi1>, vector<16xi32>
      %add3A_840 = arith.addi %add3A_833, %select_n3A_839 : vector<16xi32>
      %lt3A_841 = arith.cmpf olt, %gather3A_666, %add3A_803 : vector<16xf32>
      %jit3A_842 = arith.constant 1 : i32
      %jit3A_843 = arith.constant 0 : i32
      %broadcast_in_dim3A_844 = vector.broadcast %jit3A_842 : i32 to vector<16xi32>
      %broadcast_in_dim3A_845 = vector.broadcast %jit3A_843 : i32 to vector<16xi32>
      %select_n3A_846 = arith.select %lt3A_841, %broadcast_in_dim3A_844, %broadcast_in_dim3A_845 : vector<16xi1>, vector<16xi32>
      %add3A_847 = arith.addi %add3A_840, %select_n3A_846 : vector<16xi32>
      %lt3A_848 = arith.cmpf olt, %gather3A_669, %add3A_803 : vector<16xf32>
      %jit3A_849 = arith.constant 1 : i32
      %jit3A_850 = arith.constant 0 : i32
      %broadcast_in_dim3A_851 = vector.broadcast %jit3A_849 : i32 to vector<16xi32>
      %broadcast_in_dim3A_852 = vector.broadcast %jit3A_850 : i32 to vector<16xi32>
      %select_n3A_853 = arith.select %lt3A_848, %broadcast_in_dim3A_851, %broadcast_in_dim3A_852 : vector<16xi1>, vector<16xi32>
      %add3A_854 = arith.addi %add3A_847, %select_n3A_853 : vector<16xi32>
      %lt3A_855 = arith.cmpf olt, %gather3A_672, %add3A_803 : vector<16xf32>
      %jit3A_856 = arith.constant 1 : i32
      %jit3A_857 = arith.constant 0 : i32
      %broadcast_in_dim3A_858 = vector.broadcast %jit3A_856 : i32 to vector<16xi32>
      %broadcast_in_dim3A_859 = vector.broadcast %jit3A_857 : i32 to vector<16xi32>
      %select_n3A_860 = arith.select %lt3A_855, %broadcast_in_dim3A_858, %broadcast_in_dim3A_859 : vector<16xi1>, vector<16xi32>
      %add3A_861 = arith.addi %add3A_854, %select_n3A_860 : vector<16xi32>
      %gather3A_862 = tpu.vector_load_idx %arg15[%get3A_792] : memref<10000xf32, #tpu.memory_space<vmem>>[vector<16xi32>], vector<16xf32>,
      %gather3A_863 = tpu.vector_load_idx %arg16[%get3A_794] : memref<10000xf32, #tpu.memory_space<vmem>>[vector<16xi32>], vector<16xf32>,
      %add3A_864 = arith.addf %gather3A_862, %gather3A_863 : vector<16xf32>
      %gather3A_865 = tpu.vector_load_idx %arg17[%get3A_790] : memref<10000xf32, #tpu.memory_space<vmem>>[vector<16xi32>], vector<16xf32>,
      %add3A_866 = arith.addf %add3A_864, %gather3A_865 : vector<16xf32>
      %gather3A_867 = tpu.vector_load_idx %arg21[%add3A_861] : memref<128xf32, #tpu.memory_space<vmem>>[vector<16xi32>], vector<16xf32>,
      %add3A_868 = arith.addf %add3A_866, %gather3A_867 : vector<16xf32>
      %neg3A_869 = arith.constant 0.000000e+00 : f32
      %neg3A_870 = vector.broadcast %neg3A_869 : f32 to vector<16xf32>
      %neg3A_871 = arith.subf %neg3A_870, %add3A_868 : vector<16xf32>
      %exp3A_872 = math.exp %neg3A_871 : vector<16xf32>
      %add3A_873 = arith.constant 1.000000e+00 : f32
      %add3A_874 = vector.broadcast %add3A_873 : f32 to vector<16xf32>
      %add3A_875 = arith.addf %add3A_874, %exp3A_872 : vector<16xf32>
      %div3A_876 = arith.constant 1.000000e+00 : f32
      %div3A_877 = vector.broadcast %div3A_876 : f32 to vector<16xf32>
      %div3A_878 = arith.divf %div3A_877, %add3A_875 : vector<16xf32>
      %gather3A_879 = tpu.vector_load_idx %arg18[%get3A_790] : memref<10240xf32, #tpu.memory_space<vmem>>[vector<16xi32>], vector<16xf32>,
      %gather3A_880 = tpu.vector_load_idx %arg18[%get3A_792] : memref<10240xf32, #tpu.memory_space<vmem>>[vector<16xi32>], vector<16xf32>,
      %mul3A_881 = arith.mulf %gather3A_879, %gather3A_880 : vector<16xf32>
      %iota3A_882 = tpu.iota {dimensions = array<i32: 0>} : vector<16xi32>
      %mul3A_883 = arith.constant 8 : i32
      %mul3A_884 = vector.broadcast %mul3A_883 : i32 to vector<16xi32>
      %mul3A_885 = arith.muli %iota3A_882, %mul3A_884 : vector<16xi32>
      %add3A_886 = arith.constant 128 : i32
      %add3A_887 = vector.broadcast %add3A_886 : i32 to vector<16xi32>
      %add3A_888 = arith.addi %mul3A_885, %add3A_887 : vector<16xi32>
      %convert_element_type3A_889 = arith.sitofp %get3A_790 : vector<16xi32> to vector<16xf32>
      tpu.vector_store_idx %arg27[%add3A_888], %convert_element_type3A_889 : memref<640xf32, #tpu.memory_space<vmem>>[vector<16xi32>], vector<16xf32>,
      %add3A_890 = arith.constant 1 : i32
      %add3A_891 = vector.broadcast %add3A_890 : i32 to vector<16xi32>
      %add3A_892 = arith.addi %add3A_888, %add3A_891 : vector<16xi32>
      %convert_element_type3A_893 = arith.sitofp %get3A_794 : vector<16xi32> to vector<16xf32>
      tpu.vector_store_idx %arg27[%add3A_892], %convert_element_type3A_893 : memref<640xf32, #tpu.memory_space<vmem>>[vector<16xi32>], vector<16xf32>,
      %add3A_894 = arith.constant 2 : i32
      %add3A_895 = vector.broadcast %add3A_894 : i32 to vector<16xi32>
      %add3A_896 = arith.addi %add3A_888, %add3A_895 : vector<16xi32>
      %convert_element_type3A_897 = arith.sitofp %get3A_792 : vector<16xi32> to vector<16xf32>
      tpu.vector_store_idx %arg27[%add3A_896], %convert_element_type3A_897 : memref<640xf32, #tpu.memory_space<vmem>>[vector<16xi32>], vector<16xf32>,
      %add3A_898 = arith.constant 3 : i32
      %add3A_899 = vector.broadcast %add3A_898 : i32 to vector<16xi32>
      %add3A_900 = arith.addi %add3A_888, %add3A_899 : vector<16xi32>
      %mul3A_901 = arith.mulf %div3A_878, %mul3A_881 : vector<16xf32>
      tpu.vector_store_idx %arg27[%add3A_900], %mul3A_901 : memref<640xf32, #tpu.memory_space<vmem>>[vector<16xi32>], vector<16xf32>,
      %add3A_902 = arith.constant 4 : i32
      %add3A_903 = vector.broadcast %add3A_902 : i32 to vector<16xi32>
      %add3A_904 = arith.addi %add3A_888, %add3A_903 : vector<16xi32>
      tpu.vector_store_idx %arg27[%add3A_904], %mul3A_881 : memref<640xf32, #tpu.memory_space<vmem>>[vector<16xi32>], vector<16xf32>,
      %get3A_905 = arith.constant 32 : index
      %get3A_906 = tpu.vector_load %arg24[%get3A_905] {strides = array<i32>} : memref<80xi32, #tpu.memory_space<vmem>>, vector<16xi32>,
      %get3A_907 = arith.constant 32 : index
      %get3A_908 = tpu.vector_load %arg25[%get3A_907] {strides = array<i32>} : memref<80xi32, #tpu.memory_space<vmem>>, vector<16xi32>,
      %get3A_909 = arith.constant 32 : index
      %get3A_910 = tpu.vector_load %arg26[%get3A_909] {strides = array<i32>} : memref<80xi32, #tpu.memory_space<vmem>>, vector<16xi32>,
      %gather3A_911 = tpu.vector_load_idx %arg19[%get3A_906] : memref<10000xf32, #tpu.memory_space<vmem>>[vector<16xi32>], vector<16xf32>,
      %gather3A_912 = tpu.vector_load_idx %arg20[%get3A_906] : memref<10000xf32, #tpu.memory_space<vmem>>[vector<16xi32>], vector<16xf32>,
      %gather3A_913 = tpu.vector_load_idx %arg19[%get3A_908] : memref<10000xf32, #tpu.memory_space<vmem>>[vector<16xi32>], vector<16xf32>,
      %gather3A_914 = tpu.vector_load_idx %arg20[%get3A_908] : memref<10000xf32, #tpu.memory_space<vmem>>[vector<16xi32>], vector<16xf32>,
      %sub3A_915 = arith.subf %gather3A_913, %gather3A_911 : vector<16xf32>
      %sub3A_916 = arith.subf %gather3A_914, %gather3A_912 : vector<16xf32>
      %mul3A_917 = arith.mulf %sub3A_915, %sub3A_915 : vector<16xf32>
      %mul3A_918 = arith.mulf %sub3A_916, %sub3A_916 : vector<16xf32>
      %add3A_919 = arith.addf %mul3A_917, %mul3A_918 : vector<16xf32>
      %broadcast_in_dim3A_920 = arith.constant 0 : i32
      %broadcast_in_dim3A_921 = vector.broadcast %broadcast_in_dim3A_920 : i32 to vector<16xi32>
      %lt3A_922 = arith.cmpf olt, %gather3A_651, %add3A_919 : vector<16xf32>
      %jit3A_923 = arith.constant 1 : i32
      %jit3A_924 = arith.constant 0 : i32
      %broadcast_in_dim3A_925 = vector.broadcast %jit3A_923 : i32 to vector<16xi32>
      %broadcast_in_dim3A_926 = vector.broadcast %jit3A_924 : i32 to vector<16xi32>
      %select_n3A_927 = arith.select %lt3A_922, %broadcast_in_dim3A_925, %broadcast_in_dim3A_926 : vector<16xi1>, vector<16xi32>
      %add3A_928 = arith.addi %broadcast_in_dim3A_921, %select_n3A_927 : vector<16xi32>
      %lt3A_929 = arith.cmpf olt, %gather3A_654, %add3A_919 : vector<16xf32>
      %jit3A_930 = arith.constant 1 : i32
      %jit3A_931 = arith.constant 0 : i32
      %broadcast_in_dim3A_932 = vector.broadcast %jit3A_930 : i32 to vector<16xi32>
      %broadcast_in_dim3A_933 = vector.broadcast %jit3A_931 : i32 to vector<16xi32>
      %select_n3A_934 = arith.select %lt3A_929, %broadcast_in_dim3A_932, %broadcast_in_dim3A_933 : vector<16xi1>, vector<16xi32>
      %add3A_935 = arith.addi %add3A_928, %select_n3A_934 : vector<16xi32>
      %lt3A_936 = arith.cmpf olt, %gather3A_657, %add3A_919 : vector<16xf32>
      %jit3A_937 = arith.constant 1 : i32
      %jit3A_938 = arith.constant 0 : i32
      %broadcast_in_dim3A_939 = vector.broadcast %jit3A_937 : i32 to vector<16xi32>
      %broadcast_in_dim3A_940 = vector.broadcast %jit3A_938 : i32 to vector<16xi32>
      %select_n3A_941 = arith.select %lt3A_936, %broadcast_in_dim3A_939, %broadcast_in_dim3A_940 : vector<16xi1>, vector<16xi32>
      %add3A_942 = arith.addi %add3A_935, %select_n3A_941 : vector<16xi32>
      %lt3A_943 = arith.cmpf olt, %gather3A_660, %add3A_919 : vector<16xf32>
      %jit3A_944 = arith.constant 1 : i32
      %jit3A_945 = arith.constant 0 : i32
      %broadcast_in_dim3A_946 = vector.broadcast %jit3A_944 : i32 to vector<16xi32>
      %broadcast_in_dim3A_947 = vector.broadcast %jit3A_945 : i32 to vector<16xi32>
      %select_n3A_948 = arith.select %lt3A_943, %broadcast_in_dim3A_946, %broadcast_in_dim3A_947 : vector<16xi1>, vector<16xi32>
      %add3A_949 = arith.addi %add3A_942, %select_n3A_948 : vector<16xi32>
      %lt3A_950 = arith.cmpf olt, %gather3A_663, %add3A_919 : vector<16xf32>
      %jit3A_951 = arith.constant 1 : i32
      %jit3A_952 = arith.constant 0 : i32
      %broadcast_in_dim3A_953 = vector.broadcast %jit3A_951 : i32 to vector<16xi32>
      %broadcast_in_dim3A_954 = vector.broadcast %jit3A_952 : i32 to vector<16xi32>
      %select_n3A_955 = arith.select %lt3A_950, %broadcast_in_dim3A_953, %broadcast_in_dim3A_954 : vector<16xi1>, vector<16xi32>
      %add3A_956 = arith.addi %add3A_949, %select_n3A_955 : vector<16xi32>
      %lt3A_957 = arith.cmpf olt, %gather3A_666, %add3A_919 : vector<16xf32>
      %jit3A_958 = arith.constant 1 : i32
      %jit3A_959 = arith.constant 0 : i32
      %broadcast_in_dim3A_960 = vector.broadcast %jit3A_958 : i32 to vector<16xi32>
      %broadcast_in_dim3A_961 = vector.broadcast %jit3A_959 : i32 to vector<16xi32>
      %select_n3A_962 = arith.select %lt3A_957, %broadcast_in_dim3A_960, %broadcast_in_dim3A_961 : vector<16xi1>, vector<16xi32>
      %add3A_963 = arith.addi %add3A_956, %select_n3A_962 : vector<16xi32>
      %lt3A_964 = arith.cmpf olt, %gather3A_669, %add3A_919 : vector<16xf32>
      %jit3A_965 = arith.constant 1 : i32
      %jit3A_966 = arith.constant 0 : i32
      %broadcast_in_dim3A_967 = vector.broadcast %jit3A_965 : i32 to vector<16xi32>
      %broadcast_in_dim3A_968 = vector.broadcast %jit3A_966 : i32 to vector<16xi32>
      %select_n3A_969 = arith.select %lt3A_964, %broadcast_in_dim3A_967, %broadcast_in_dim3A_968 : vector<16xi1>, vector<16xi32>
      %add3A_970 = arith.addi %add3A_963, %select_n3A_969 : vector<16xi32>
      %lt3A_971 = arith.cmpf olt, %gather3A_672, %add3A_919 : vector<16xf32>
      %jit3A_972 = arith.constant 1 : i32
      %jit3A_973 = arith.constant 0 : i32
      %broadcast_in_dim3A_974 = vector.broadcast %jit3A_972 : i32 to vector<16xi32>
      %broadcast_in_dim3A_975 = vector.broadcast %jit3A_973 : i32 to vector<16xi32>
      %select_n3A_976 = arith.select %lt3A_971, %broadcast_in_dim3A_974, %broadcast_in_dim3A_975 : vector<16xi1>, vector<16xi32>
      %add3A_977 = arith.addi %add3A_970, %select_n3A_976 : vector<16xi32>
      %gather3A_978 = tpu.vector_load_idx %arg15[%get3A_908] : memref<10000xf32, #tpu.memory_space<vmem>>[vector<16xi32>], vector<16xf32>,
      %gather3A_979 = tpu.vector_load_idx %arg16[%get3A_910] : memref<10000xf32, #tpu.memory_space<vmem>>[vector<16xi32>], vector<16xf32>,
      %add3A_980 = arith.addf %gather3A_978, %gather3A_979 : vector<16xf32>
      %gather3A_981 = tpu.vector_load_idx %arg17[%get3A_906] : memref<10000xf32, #tpu.memory_space<vmem>>[vector<16xi32>], vector<16xf32>,
      %add3A_982 = arith.addf %add3A_980, %gather3A_981 : vector<16xf32>
      %gather3A_983 = tpu.vector_load_idx %arg21[%add3A_977] : memref<128xf32, #tpu.memory_space<vmem>>[vector<16xi32>], vector<16xf32>,
      %add3A_984 = arith.addf %add3A_982, %gather3A_983 : vector<16xf32>
      %neg3A_985 = arith.constant 0.000000e+00 : f32
      %neg3A_986 = vector.broadcast %neg3A_985 : f32 to vector<16xf32>
      %neg3A_987 = arith.subf %neg3A_986, %add3A_984 : vector<16xf32>
      %exp3A_988 = math.exp %neg3A_987 : vector<16xf32>
      %add3A_989 = arith.constant 1.000000e+00 : f32
      %add3A_990 = vector.broadcast %add3A_989 : f32 to vector<16xf32>
      %add3A_991 = arith.addf %add3A_990, %exp3A_988 : vector<16xf32>
      %div3A_992 = arith.constant 1.000000e+00 : f32
      %div3A_993 = vector.broadcast %div3A_992 : f32 to vector<16xf32>
      %div3A_994 = arith.divf %div3A_993, %add3A_991 : vector<16xf32>
      %gather3A_995 = tpu.vector_load_idx %arg18[%get3A_906] : memref<10240xf32, #tpu.memory_space<vmem>>[vector<16xi32>], vector<16xf32>,
      %gather3A_996 = tpu.vector_load_idx %arg18[%get3A_908] : memref<10240xf32, #tpu.memory_space<vmem>>[vector<16xi32>], vector<16xf32>,
      %mul3A_997 = arith.mulf %gather3A_995, %gather3A_996 : vector<16xf32>
      %iota3A_998 = tpu.iota {dimensions = array<i32: 0>} : vector<16xi32>
      %mul3A_999 = arith.constant 8 : i32
      %mul3A_1000 = vector.broadcast %mul3A_999 : i32 to vector<16xi32>
      %mul3A_1001 = arith.muli %iota3A_998, %mul3A_1000 : vector<16xi32>
      %add3A_1002 = arith.constant 256 : i32
      %add3A_1003 = vector.broadcast %add3A_1002 : i32 to vector<16xi32>
      %add3A_1004 = arith.addi %mul3A_1001, %add3A_1003 : vector<16xi32>
      %convert_element_type3A_1005 = arith.sitofp %get3A_906 : vector<16xi32> to vector<16xf32>
      tpu.vector_store_idx %arg27[%add3A_1004], %convert_element_type3A_1005 : memref<640xf32, #tpu.memory_space<vmem>>[vector<16xi32>], vector<16xf32>,
      %add3A_1006 = arith.constant 1 : i32
      %add3A_1007 = vector.broadcast %add3A_1006 : i32 to vector<16xi32>
      %add3A_1008 = arith.addi %add3A_1004, %add3A_1007 : vector<16xi32>
      %convert_element_type3A_1009 = arith.sitofp %get3A_910 : vector<16xi32> to vector<16xf32>
      tpu.vector_store_idx %arg27[%add3A_1008], %convert_element_type3A_1009 : memref<640xf32, #tpu.memory_space<vmem>>[vector<16xi32>], vector<16xf32>,
      %add3A_1010 = arith.constant 2 : i32
      %add3A_1011 = vector.broadcast %add3A_1010 : i32 to vector<16xi32>
      %add3A_1012 = arith.addi %add3A_1004, %add3A_1011 : vector<16xi32>
      %convert_element_type3A_1013 = arith.sitofp %get3A_908 : vector<16xi32> to vector<16xf32>
      tpu.vector_store_idx %arg27[%add3A_1012], %convert_element_type3A_1013 : memref<640xf32, #tpu.memory_space<vmem>>[vector<16xi32>], vector<16xf32>,
      %add3A_1014 = arith.constant 3 : i32
      %add3A_1015 = vector.broadcast %add3A_1014 : i32 to vector<16xi32>
      %add3A_1016 = arith.addi %add3A_1004, %add3A_1015 : vector<16xi32>
      %mul3A_1017 = arith.mulf %div3A_994, %mul3A_997 : vector<16xf32>
      tpu.vector_store_idx %arg27[%add3A_1016], %mul3A_1017 : memref<640xf32, #tpu.memory_space<vmem>>[vector<16xi32>], vector<16xf32>,
      %add3A_1018 = arith.constant 4 : i32
      %add3A_1019 = vector.broadcast %add3A_1018 : i32 to vector<16xi32>
      %add3A_1020 = arith.addi %add3A_1004, %add3A_1019 : vector<16xi32>
      tpu.vector_store_idx %arg27[%add3A_1020], %mul3A_997 : memref<640xf32, #tpu.memory_space<vmem>>[vector<16xi32>], vector<16xf32>,
      %get3A_1021 = arith.constant 48 : index
      %get3A_1022 = tpu.vector_load %arg24[%get3A_1021] {strides = array<i32>} : memref<80xi32, #tpu.memory_space<vmem>>, vector<16xi32>,
      %get3A_1023 = arith.constant 48 : index
      %get3A_1024 = tpu.vector_load %arg25[%get3A_1023] {strides = array<i32>} : memref<80xi32, #tpu.memory_space<vmem>>, vector<16xi32>,
      %get3A_1025 = arith.constant 48 : index
      %get3A_1026 = tpu.vector_load %arg26[%get3A_1025] {strides = array<i32>} : memref<80xi32, #tpu.memory_space<vmem>>, vector<16xi32>,
      %gather3A_1027 = tpu.vector_load_idx %arg19[%get3A_1022] : memref<10000xf32, #tpu.memory_space<vmem>>[vector<16xi32>], vector<16xf32>,
      %gather3A_1028 = tpu.vector_load_idx %arg20[%get3A_1022] : memref<10000xf32, #tpu.memory_space<vmem>>[vector<16xi32>], vector<16xf32>,
      %gather3A_1029 = tpu.vector_load_idx %arg19[%get3A_1024] : memref<10000xf32, #tpu.memory_space<vmem>>[vector<16xi32>], vector<16xf32>,
      %gather3A_1030 = tpu.vector_load_idx %arg20[%get3A_1024] : memref<10000xf32, #tpu.memory_space<vmem>>[vector<16xi32>], vector<16xf32>,
      %sub3A_1031 = arith.subf %gather3A_1029, %gather3A_1027 : vector<16xf32>
      %sub3A_1032 = arith.subf %gather3A_1030, %gather3A_1028 : vector<16xf32>
      %mul3A_1033 = arith.mulf %sub3A_1031, %sub3A_1031 : vector<16xf32>
      %mul3A_1034 = arith.mulf %sub3A_1032, %sub3A_1032 : vector<16xf32>
      %add3A_1035 = arith.addf %mul3A_1033, %mul3A_1034 : vector<16xf32>
      %broadcast_in_dim3A_1036 = arith.constant 0 : i32
      %broadcast_in_dim3A_1037 = vector.broadcast %broadcast_in_dim3A_1036 : i32 to vector<16xi32>
      %lt3A_1038 = arith.cmpf olt, %gather3A_651, %add3A_1035 : vector<16xf32>
      %jit3A_1039 = arith.constant 1 : i32
      %jit3A_1040 = arith.constant 0 : i32
      %broadcast_in_dim3A_1041 = vector.broadcast %jit3A_1039 : i32 to vector<16xi32>
      %broadcast_in_dim3A_1042 = vector.broadcast %jit3A_1040 : i32 to vector<16xi32>
      %select_n3A_1043 = arith.select %lt3A_1038, %broadcast_in_dim3A_1041, %broadcast_in_dim3A_1042 : vector<16xi1>, vector<16xi32>
      %add3A_1044 = arith.addi %broadcast_in_dim3A_1037, %select_n3A_1043 : vector<16xi32>
      %lt3A_1045 = arith.cmpf olt, %gather3A_654, %add3A_1035 : vector<16xf32>
      %jit3A_1046 = arith.constant 1 : i32
      %jit3A_1047 = arith.constant 0 : i32
      %broadcast_in_dim3A_1048 = vector.broadcast %jit3A_1046 : i32 to vector<16xi32>
      %broadcast_in_dim3A_1049 = vector.broadcast %jit3A_1047 : i32 to vector<16xi32>
      %select_n3A_1050 = arith.select %lt3A_1045, %broadcast_in_dim3A_1048, %broadcast_in_dim3A_1049 : vector<16xi1>, vector<16xi32>
      %add3A_1051 = arith.addi %add3A_1044, %select_n3A_1050 : vector<16xi32>
      %lt3A_1052 = arith.cmpf olt, %gather3A_657, %add3A_1035 : vector<16xf32>
      %jit3A_1053 = arith.constant 1 : i32
      %jit3A_1054 = arith.constant 0 : i32
      %broadcast_in_dim3A_1055 = vector.broadcast %jit3A_1053 : i32 to vector<16xi32>
      %broadcast_in_dim3A_1056 = vector.broadcast %jit3A_1054 : i32 to vector<16xi32>
      %select_n3A_1057 = arith.select %lt3A_1052, %broadcast_in_dim3A_1055, %broadcast_in_dim3A_1056 : vector<16xi1>, vector<16xi32>
      %add3A_1058 = arith.addi %add3A_1051, %select_n3A_1057 : vector<16xi32>
      %lt3A_1059 = arith.cmpf olt, %gather3A_660, %add3A_1035 : vector<16xf32>
      %jit3A_1060 = arith.constant 1 : i32
      %jit3A_1061 = arith.constant 0 : i32
      %broadcast_in_dim3A_1062 = vector.broadcast %jit3A_1060 : i32 to vector<16xi32>
      %broadcast_in_dim3A_1063 = vector.broadcast %jit3A_1061 : i32 to vector<16xi32>
      %select_n3A_1064 = arith.select %lt3A_1059, %broadcast_in_dim3A_1062, %broadcast_in_dim3A_1063 : vector<16xi1>, vector<16xi32>
      %add3A_1065 = arith.addi %add3A_1058, %select_n3A_1064 : vector<16xi32>
      %lt3A_1066 = arith.cmpf olt, %gather3A_663, %add3A_1035 : vector<16xf32>
      %jit3A_1067 = arith.constant 1 : i32
      %jit3A_1068 = arith.constant 0 : i32
      %broadcast_in_dim3A_1069 = vector.broadcast %jit3A_1067 : i32 to vector<16xi32>
      %broadcast_in_dim3A_1070 = vector.broadcast %jit3A_1068 : i32 to vector<16xi32>
      %select_n3A_1071 = arith.select %lt3A_1066, %broadcast_in_dim3A_1069, %broadcast_in_dim3A_1070 : vector<16xi1>, vector<16xi32>
      %add3A_1072 = arith.addi %add3A_1065, %select_n3A_1071 : vector<16xi32>
      %lt3A_1073 = arith.cmpf olt, %gather3A_666, %add3A_1035 : vector<16xf32>
      %jit3A_1074 = arith.constant 1 : i32
      %jit3A_1075 = arith.constant 0 : i32
      %broadcast_in_dim3A_1076 = vector.broadcast %jit3A_1074 : i32 to vector<16xi32>
      %broadcast_in_dim3A_1077 = vector.broadcast %jit3A_1075 : i32 to vector<16xi32>
      %select_n3A_1078 = arith.select %lt3A_1073, %broadcast_in_dim3A_1076, %broadcast_in_dim3A_1077 : vector<16xi1>, vector<16xi32>
      %add3A_1079 = arith.addi %add3A_1072, %select_n3A_1078 : vector<16xi32>
      %lt3A_1080 = arith.cmpf olt, %gather3A_669, %add3A_1035 : vector<16xf32>
      %jit3A_1081 = arith.constant 1 : i32
      %jit3A_1082 = arith.constant 0 : i32
      %broadcast_in_dim3A_1083 = vector.broadcast %jit3A_1081 : i32 to vector<16xi32>
      %broadcast_in_dim3A_1084 = vector.broadcast %jit3A_1082 : i32 to vector<16xi32>
      %select_n3A_1085 = arith.select %lt3A_1080, %broadcast_in_dim3A_1083, %broadcast_in_dim3A_1084 : vector<16xi1>, vector<16xi32>
      %add3A_1086 = arith.addi %add3A_1079, %select_n3A_1085 : vector<16xi32>
      %lt3A_1087 = arith.cmpf olt, %gather3A_672, %add3A_1035 : vector<16xf32>
      %jit3A_1088 = arith.constant 1 : i32
      %jit3A_1089 = arith.constant 0 : i32
      %broadcast_in_dim3A_1090 = vector.broadcast %jit3A_1088 : i32 to vector<16xi32>
      %broadcast_in_dim3A_1091 = vector.broadcast %jit3A_1089 : i32 to vector<16xi32>
      %select_n3A_1092 = arith.select %lt3A_1087, %broadcast_in_dim3A_1090, %broadcast_in_dim3A_1091 : vector<16xi1>, vector<16xi32>
      %add3A_1093 = arith.addi %add3A_1086, %select_n3A_1092 : vector<16xi32>
      %gather3A_1094 = tpu.vector_load_idx %arg15[%get3A_1024] : memref<10000xf32, #tpu.memory_space<vmem>>[vector<16xi32>], vector<16xf32>,
      %gather3A_1095 = tpu.vector_load_idx %arg16[%get3A_1026] : memref<10000xf32, #tpu.memory_space<vmem>>[vector<16xi32>], vector<16xf32>,
      %add3A_1096 = arith.addf %gather3A_1094, %gather3A_1095 : vector<16xf32>
      %gather3A_1097 = tpu.vector_load_idx %arg17[%get3A_1022] : memref<10000xf32, #tpu.memory_space<vmem>>[vector<16xi32>], vector<16xf32>,
      %add3A_1098 = arith.addf %add3A_1096, %gather3A_1097 : vector<16xf32>
      %gather3A_1099 = tpu.vector_load_idx %arg21[%add3A_1093] : memref<128xf32, #tpu.memory_space<vmem>>[vector<16xi32>], vector<16xf32>,
      %add3A_1100 = arith.addf %add3A_1098, %gather3A_1099 : vector<16xf32>
      %neg3A_1101 = arith.constant 0.000000e+00 : f32
      %neg3A_1102 = vector.broadcast %neg3A_1101 : f32 to vector<16xf32>
      %neg3A_1103 = arith.subf %neg3A_1102, %add3A_1100 : vector<16xf32>
      %exp3A_1104 = math.exp %neg3A_1103 : vector<16xf32>
      %add3A_1105 = arith.constant 1.000000e+00 : f32
      %add3A_1106 = vector.broadcast %add3A_1105 : f32 to vector<16xf32>
      %add3A_1107 = arith.addf %add3A_1106, %exp3A_1104 : vector<16xf32>
      %div3A_1108 = arith.constant 1.000000e+00 : f32
      %div3A_1109 = vector.broadcast %div3A_1108 : f32 to vector<16xf32>
      %div3A_1110 = arith.divf %div3A_1109, %add3A_1107 : vector<16xf32>
      %gather3A_1111 = tpu.vector_load_idx %arg18[%get3A_1022] : memref<10240xf32, #tpu.memory_space<vmem>>[vector<16xi32>], vector<16xf32>,
      %gather3A_1112 = tpu.vector_load_idx %arg18[%get3A_1024] : memref<10240xf32, #tpu.memory_space<vmem>>[vector<16xi32>], vector<16xf32>,
      %mul3A_1113 = arith.mulf %gather3A_1111, %gather3A_1112 : vector<16xf32>
      %iota3A_1114 = tpu.iota {dimensions = array<i32: 0>} : vector<16xi32>
      %mul3A_1115 = arith.constant 8 : i32
      %mul3A_1116 = vector.broadcast %mul3A_1115 : i32 to vector<16xi32>
      %mul3A_1117 = arith.muli %iota3A_1114, %mul3A_1116 : vector<16xi32>
      %add3A_1118 = arith.constant 384 : i32
      %add3A_1119 = vector.broadcast %add3A_1118 : i32 to vector<16xi32>
      %add3A_1120 = arith.addi %mul3A_1117, %add3A_1119 : vector<16xi32>
      %convert_element_type3A_1121 = arith.sitofp %get3A_1022 : vector<16xi32> to vector<16xf32>
      tpu.vector_store_idx %arg27[%add3A_1120], %convert_element_type3A_1121 : memref<640xf32, #tpu.memory_space<vmem>>[vector<16xi32>], vector<16xf32>,
      %add3A_1122 = arith.constant 1 : i32
      %add3A_1123 = vector.broadcast %add3A_1122 : i32 to vector<16xi32>
      %add3A_1124 = arith.addi %add3A_1120, %add3A_1123 : vector<16xi32>
      %convert_element_type3A_1125 = arith.sitofp %get3A_1026 : vector<16xi32> to vector<16xf32>
      tpu.vector_store_idx %arg27[%add3A_1124], %convert_element_type3A_1125 : memref<640xf32, #tpu.memory_space<vmem>>[vector<16xi32>], vector<16xf32>,
      %add3A_1126 = arith.constant 2 : i32
      %add3A_1127 = vector.broadcast %add3A_1126 : i32 to vector<16xi32>
      %add3A_1128 = arith.addi %add3A_1120, %add3A_1127 : vector<16xi32>
      %convert_element_type3A_1129 = arith.sitofp %get3A_1024 : vector<16xi32> to vector<16xf32>
      tpu.vector_store_idx %arg27[%add3A_1128], %convert_element_type3A_1129 : memref<640xf32, #tpu.memory_space<vmem>>[vector<16xi32>], vector<16xf32>,
      %add3A_1130 = arith.constant 3 : i32
      %add3A_1131 = vector.broadcast %add3A_1130 : i32 to vector<16xi32>
      %add3A_1132 = arith.addi %add3A_1120, %add3A_1131 : vector<16xi32>
      %mul3A_1133 = arith.mulf %div3A_1110, %mul3A_1113 : vector<16xf32>
      tpu.vector_store_idx %arg27[%add3A_1132], %mul3A_1133 : memref<640xf32, #tpu.memory_space<vmem>>[vector<16xi32>], vector<16xf32>,
      %add3A_1134 = arith.constant 4 : i32
      %add3A_1135 = vector.broadcast %add3A_1134 : i32 to vector<16xi32>
      %add3A_1136 = arith.addi %add3A_1120, %add3A_1135 : vector<16xi32>
      tpu.vector_store_idx %arg27[%add3A_1136], %mul3A_1113 : memref<640xf32, #tpu.memory_space<vmem>>[vector<16xi32>], vector<16xf32>,
      %get3A_1137 = arith.constant 64 : index
      %get3A_1138 = tpu.vector_load %arg24[%get3A_1137] {strides = array<i32>} : memref<80xi32, #tpu.memory_space<vmem>>, vector<16xi32>,
      %get3A_1139 = arith.constant 64 : index
      %get3A_1140 = tpu.vector_load %arg25[%get3A_1139] {strides = array<i32>} : memref<80xi32, #tpu.memory_space<vmem>>, vector<16xi32>,
      %get3A_1141 = arith.constant 64 : index
      %get3A_1142 = tpu.vector_load %arg26[%get3A_1141] {strides = array<i32>} : memref<80xi32, #tpu.memory_space<vmem>>, vector<16xi32>,
      %gather3A_1143 = tpu.vector_load_idx %arg19[%get3A_1138] : memref<10000xf32, #tpu.memory_space<vmem>>[vector<16xi32>], vector<16xf32>,
      %gather3A_1144 = tpu.vector_load_idx %arg20[%get3A_1138] : memref<10000xf32, #tpu.memory_space<vmem>>[vector<16xi32>], vector<16xf32>,
      %gather3A_1145 = tpu.vector_load_idx %arg19[%get3A_1140] : memref<10000xf32, #tpu.memory_space<vmem>>[vector<16xi32>], vector<16xf32>,
      %gather3A_1146 = tpu.vector_load_idx %arg20[%get3A_1140] : memref<10000xf32, #tpu.memory_space<vmem>>[vector<16xi32>], vector<16xf32>,
      %sub3A_1147 = arith.subf %gather3A_1145, %gather3A_1143 : vector<16xf32>
      %sub3A_1148 = arith.subf %gather3A_1146, %gather3A_1144 : vector<16xf32>
      %mul3A_1149 = arith.mulf %sub3A_1147, %sub3A_1147 : vector<16xf32>
      %mul3A_1150 = arith.mulf %sub3A_1148, %sub3A_1148 : vector<16xf32>
      %add3A_1151 = arith.addf %mul3A_1149, %mul3A_1150 : vector<16xf32>
      %broadcast_in_dim3A_1152 = arith.constant 0 : i32
      %broadcast_in_dim3A_1153 = vector.broadcast %broadcast_in_dim3A_1152 : i32 to vector<16xi32>
      %lt3A_1154 = arith.cmpf olt, %gather3A_651, %add3A_1151 : vector<16xf32>
      %jit3A_1155 = arith.constant 1 : i32
      %jit3A_1156 = arith.constant 0 : i32
      %broadcast_in_dim3A_1157 = vector.broadcast %jit3A_1155 : i32 to vector<16xi32>
      %broadcast_in_dim3A_1158 = vector.broadcast %jit3A_1156 : i32 to vector<16xi32>
      %select_n3A_1159 = arith.select %lt3A_1154, %broadcast_in_dim3A_1157, %broadcast_in_dim3A_1158 : vector<16xi1>, vector<16xi32>
      %add3A_1160 = arith.addi %broadcast_in_dim3A_1153, %select_n3A_1159 : vector<16xi32>
      %lt3A_1161 = arith.cmpf olt, %gather3A_654, %add3A_1151 : vector<16xf32>
      %jit3A_1162 = arith.constant 1 : i32
      %jit3A_1163 = arith.constant 0 : i32
      %broadcast_in_dim3A_1164 = vector.broadcast %jit3A_1162 : i32 to vector<16xi32>
      %broadcast_in_dim3A_1165 = vector.broadcast %jit3A_1163 : i32 to vector<16xi32>
      %select_n3A_1166 = arith.select %lt3A_1161, %broadcast_in_dim3A_1164, %broadcast_in_dim3A_1165 : vector<16xi1>, vector<16xi32>
      %add3A_1167 = arith.addi %add3A_1160, %select_n3A_1166 : vector<16xi32>
      %lt3A_1168 = arith.cmpf olt, %gather3A_657, %add3A_1151 : vector<16xf32>
      %jit3A_1169 = arith.constant 1 : i32
      %jit3A_1170 = arith.constant 0 : i32
      %broadcast_in_dim3A_1171 = vector.broadcast %jit3A_1169 : i32 to vector<16xi32>
      %broadcast_in_dim3A_1172 = vector.broadcast %jit3A_1170 : i32 to vector<16xi32>
      %select_n3A_1173 = arith.select %lt3A_1168, %broadcast_in_dim3A_1171, %broadcast_in_dim3A_1172 : vector<16xi1>, vector<16xi32>
      %add3A_1174 = arith.addi %add3A_1167, %select_n3A_1173 : vector<16xi32>
      %lt3A_1175 = arith.cmpf olt, %gather3A_660, %add3A_1151 : vector<16xf32>
      %jit3A_1176 = arith.constant 1 : i32
      %jit3A_1177 = arith.constant 0 : i32
      %broadcast_in_dim3A_1178 = vector.broadcast %jit3A_1176 : i32 to vector<16xi32>
      %broadcast_in_dim3A_1179 = vector.broadcast %jit3A_1177 : i32 to vector<16xi32>
      %select_n3A_1180 = arith.select %lt3A_1175, %broadcast_in_dim3A_1178, %broadcast_in_dim3A_1179 : vector<16xi1>, vector<16xi32>
      %add3A_1181 = arith.addi %add3A_1174, %select_n3A_1180 : vector<16xi32>
      %lt3A_1182 = arith.cmpf olt, %gather3A_663, %add3A_1151 : vector<16xf32>
      %jit3A_1183 = arith.constant 1 : i32
      %jit3A_1184 = arith.constant 0 : i32
      %broadcast_in_dim3A_1185 = vector.broadcast %jit3A_1183 : i32 to vector<16xi32>
      %broadcast_in_dim3A_1186 = vector.broadcast %jit3A_1184 : i32 to vector<16xi32>
      %select_n3A_1187 = arith.select %lt3A_1182, %broadcast_in_dim3A_1185, %broadcast_in_dim3A_1186 : vector<16xi1>, vector<16xi32>
      %add3A_1188 = arith.addi %add3A_1181, %select_n3A_1187 : vector<16xi32>
      %lt3A_1189 = arith.cmpf olt, %gather3A_666, %add3A_1151 : vector<16xf32>
      %jit3A_1190 = arith.constant 1 : i32
      %jit3A_1191 = arith.constant 0 : i32
      %broadcast_in_dim3A_1192 = vector.broadcast %jit3A_1190 : i32 to vector<16xi32>
      %broadcast_in_dim3A_1193 = vector.broadcast %jit3A_1191 : i32 to vector<16xi32>
      %select_n3A_1194 = arith.select %lt3A_1189, %broadcast_in_dim3A_1192, %broadcast_in_dim3A_1193 : vector<16xi1>, vector<16xi32>
      %add3A_1195 = arith.addi %add3A_1188, %select_n3A_1194 : vector<16xi32>
      %lt3A_1196 = arith.cmpf olt, %gather3A_669, %add3A_1151 : vector<16xf32>
      %jit3A_1197 = arith.constant 1 : i32
      %jit3A_1198 = arith.constant 0 : i32
      %broadcast_in_dim3A_1199 = vector.broadcast %jit3A_1197 : i32 to vector<16xi32>
      %broadcast_in_dim3A_1200 = vector.broadcast %jit3A_1198 : i32 to vector<16xi32>
      %select_n3A_1201 = arith.select %lt3A_1196, %broadcast_in_dim3A_1199, %broadcast_in_dim3A_1200 : vector<16xi1>, vector<16xi32>
      %add3A_1202 = arith.addi %add3A_1195, %select_n3A_1201 : vector<16xi32>
      %lt3A_1203 = arith.cmpf olt, %gather3A_672, %add3A_1151 : vector<16xf32>
      %jit3A_1204 = arith.constant 1 : i32
      %jit3A_1205 = arith.constant 0 : i32
      %broadcast_in_dim3A_1206 = vector.broadcast %jit3A_1204 : i32 to vector<16xi32>
      %broadcast_in_dim3A_1207 = vector.broadcast %jit3A_1205 : i32 to vector<16xi32>
      %select_n3A_1208 = arith.select %lt3A_1203, %broadcast_in_dim3A_1206, %broadcast_in_dim3A_1207 : vector<16xi1>, vector<16xi32>
      %add3A_1209 = arith.addi %add3A_1202, %select_n3A_1208 : vector<16xi32>
      %gather3A_1210 = tpu.vector_load_idx %arg15[%get3A_1140] : memref<10000xf32, #tpu.memory_space<vmem>>[vector<16xi32>], vector<16xf32>,
      %gather3A_1211 = tpu.vector_load_idx %arg16[%get3A_1142] : memref<10000xf32, #tpu.memory_space<vmem>>[vector<16xi32>], vector<16xf32>,
      %add3A_1212 = arith.addf %gather3A_1210, %gather3A_1211 : vector<16xf32>
      %gather3A_1213 = tpu.vector_load_idx %arg17[%get3A_1138] : memref<10000xf32, #tpu.memory_space<vmem>>[vector<16xi32>], vector<16xf32>,
      %add3A_1214 = arith.addf %add3A_1212, %gather3A_1213 : vector<16xf32>
      %gather3A_1215 = tpu.vector_load_idx %arg21[%add3A_1209] : memref<128xf32, #tpu.memory_space<vmem>>[vector<16xi32>], vector<16xf32>,
      %add3A_1216 = arith.addf %add3A_1214, %gather3A_1215 : vector<16xf32>
      %neg3A_1217 = arith.constant 0.000000e+00 : f32
      %neg3A_1218 = vector.broadcast %neg3A_1217 : f32 to vector<16xf32>
      %neg3A_1219 = arith.subf %neg3A_1218, %add3A_1216 : vector<16xf32>
      %exp3A_1220 = math.exp %neg3A_1219 : vector<16xf32>
      %add3A_1221 = arith.constant 1.000000e+00 : f32
      %add3A_1222 = vector.broadcast %add3A_1221 : f32 to vector<16xf32>
      %add3A_1223 = arith.addf %add3A_1222, %exp3A_1220 : vector<16xf32>
      %div3A_1224 = arith.constant 1.000000e+00 : f32
      %div3A_1225 = vector.broadcast %div3A_1224 : f32 to vector<16xf32>
      %div3A_1226 = arith.divf %div3A_1225, %add3A_1223 : vector<16xf32>
      %gather3A_1227 = tpu.vector_load_idx %arg18[%get3A_1138] : memref<10240xf32, #tpu.memory_space<vmem>>[vector<16xi32>], vector<16xf32>,
      %gather3A_1228 = tpu.vector_load_idx %arg18[%get3A_1140] : memref<10240xf32, #tpu.memory_space<vmem>>[vector<16xi32>], vector<16xf32>,
      %mul3A_1229 = arith.mulf %gather3A_1227, %gather3A_1228 : vector<16xf32>
      %iota3A_1230 = tpu.iota {dimensions = array<i32: 0>} : vector<16xi32>
      %mul3A_1231 = arith.constant 8 : i32
      %mul3A_1232 = vector.broadcast %mul3A_1231 : i32 to vector<16xi32>
      %mul3A_1233 = arith.muli %iota3A_1230, %mul3A_1232 : vector<16xi32>
      %add3A_1234 = arith.constant 512 : i32
      %add3A_1235 = vector.broadcast %add3A_1234 : i32 to vector<16xi32>
      %add3A_1236 = arith.addi %mul3A_1233, %add3A_1235 : vector<16xi32>
      %convert_element_type3A_1237 = arith.sitofp %get3A_1138 : vector<16xi32> to vector<16xf32>
      tpu.vector_store_idx %arg27[%add3A_1236], %convert_element_type3A_1237 : memref<640xf32, #tpu.memory_space<vmem>>[vector<16xi32>], vector<16xf32>,
      %add3A_1238 = arith.constant 1 : i32
      %add3A_1239 = vector.broadcast %add3A_1238 : i32 to vector<16xi32>
      %add3A_1240 = arith.addi %add3A_1236, %add3A_1239 : vector<16xi32>
      %convert_element_type3A_1241 = arith.sitofp %get3A_1142 : vector<16xi32> to vector<16xf32>
      tpu.vector_store_idx %arg27[%add3A_1240], %convert_element_type3A_1241 : memref<640xf32, #tpu.memory_space<vmem>>[vector<16xi32>], vector<16xf32>,
      %add3A_1242 = arith.constant 2 : i32
      %add3A_1243 = vector.broadcast %add3A_1242 : i32 to vector<16xi32>
      %add3A_1244 = arith.addi %add3A_1236, %add3A_1243 : vector<16xi32>
      %convert_element_type3A_1245 = arith.sitofp %get3A_1140 : vector<16xi32> to vector<16xf32>
      tpu.vector_store_idx %arg27[%add3A_1244], %convert_element_type3A_1245 : memref<640xf32, #tpu.memory_space<vmem>>[vector<16xi32>], vector<16xf32>,
      %add3A_1246 = arith.constant 3 : i32
      %add3A_1247 = vector.broadcast %add3A_1246 : i32 to vector<16xi32>
      %add3A_1248 = arith.addi %add3A_1236, %add3A_1247 : vector<16xi32>
      %mul3A_1249 = arith.mulf %div3A_1226, %mul3A_1229 : vector<16xf32>
      tpu.vector_store_idx %arg27[%add3A_1248], %mul3A_1249 : memref<640xf32, #tpu.memory_space<vmem>>[vector<16xi32>], vector<16xf32>,
      %add3A_1250 = arith.constant 4 : i32
      %add3A_1251 = vector.broadcast %add3A_1250 : i32 to vector<16xi32>
      %add3A_1252 = arith.addi %add3A_1236, %add3A_1251 : vector<16xi32>
      tpu.vector_store_idx %arg27[%add3A_1252], %mul3A_1229 : memref<640xf32, #tpu.memory_space<vmem>>[vector<16xi32>], vector<16xf32>,
      %mul3A_1253 = arith.constant 8 : i32
      %mul3A_1254 = arith.muli %add3A_648, %mul3A_1253 : i32
      "tpu.region"() ({
        %run_scoped3A = tpu.sem_alloc : memref<!tpu.dma_semaphore, #tpu.memory_space<semaphore_mem>>
        %dma_start3A = tpu.memref_slice %arg13[%mul3A_1254] : memref<1280000xf32, #tpu.memory_space<hbm>> -> memref<640xf32, #tpu.memory_space<hbm>>
        %dma_start3A_1256 = tpu.memref_slice %arg13[%mul3A_1254] : memref<1280000xf32, #tpu.memory_space<hbm>> -> memref<640xf32, #tpu.memory_space<hbm>>
        tpu.enqueue_dma source(%arg27 : memref<640xf32, #tpu.memory_space<vmem>>) target(%dma_start3A_1256 : memref<640xf32, #tpu.memory_space<hbm>>) target_semaphore(%run_scoped3A : memref<!tpu.dma_semaphore, #tpu.memory_space<semaphore_mem>>)
        %dma_wait3A = tpu.memref_slice %arg13[%mul3A_1254] : memref<1280000xf32, #tpu.memory_space<hbm>> -> memref<640xf32, #tpu.memory_space<hbm>>
        %dma_wait3A_1257 = tpu.memref_slice %arg13[%mul3A_1254] : memref<1280000xf32, #tpu.memory_space<hbm>> -> memref<640xf32, #tpu.memory_space<hbm>>
        tpu.wait_dma2 semaphore(%run_scoped3A : memref<!tpu.dma_semaphore, #tpu.memory_space<semaphore_mem>>) src(%arg27 : memref<640xf32, #tpu.memory_space<vmem>>) dst(%dma_wait3A_1257 : memref<640xf32, #tpu.memory_space<hbm>>)
        tpu.yield
      }) : () -> ()
      %scan3A_1255 = arith.constant 0 : i32
      scf.yield %scan3A_1255 : i32
    }
    %scan3A_44 = arith.constant 62 : i32
    %add3A_45 = arith.constant 5000 : i32
    %add3A_46 = arith.addi %mul3A_37, %add3A_45 : i32
    %sub3A = arith.constant 80 : i32
    %sub3A_47 = arith.subi %add3A_46, %sub3A : i32
    "tpu.region"() ({
      %run_scoped3A = tpu.sem_alloc : memref<!tpu.dma_semaphore, #tpu.memory_space<semaphore_mem>>
      %dma_start3A = tpu.memref_slice %arg2[%sub3A_47] : memref<160000xi32, #tpu.memory_space<hbm>> -> memref<80xi32, #tpu.memory_space<hbm>>
      %dma_start3A_644 = tpu.memref_slice %arg2[%sub3A_47] : memref<160000xi32, #tpu.memory_space<hbm>> -> memref<80xi32, #tpu.memory_space<hbm>>
      tpu.enqueue_dma source(%dma_start3A_644 : memref<80xi32, #tpu.memory_space<hbm>>) target(%arg24 : memref<80xi32, #tpu.memory_space<vmem>>) target_semaphore(%run_scoped3A : memref<!tpu.dma_semaphore, #tpu.memory_space<semaphore_mem>>)
      %dma_wait3A = tpu.memref_slice %arg2[%sub3A_47] : memref<160000xi32, #tpu.memory_space<hbm>> -> memref<80xi32, #tpu.memory_space<hbm>>
      %dma_wait3A_645 = tpu.memref_slice %arg2[%sub3A_47] : memref<160000xi32, #tpu.memory_space<hbm>> -> memref<80xi32, #tpu.memory_space<hbm>>
      tpu.wait_dma2 semaphore(%run_scoped3A : memref<!tpu.dma_semaphore, #tpu.memory_space<semaphore_mem>>) src(%dma_wait3A_645 : memref<80xi32, #tpu.memory_space<hbm>>) dst(%arg24 : memref<80xi32, #tpu.memory_space<vmem>>)
      tpu.yield
    }) : () -> ()
    "tpu.region"() ({
      %run_scoped3A = tpu.sem_alloc : memref<!tpu.dma_semaphore, #tpu.memory_space<semaphore_mem>>
      %dma_start3A = tpu.memref_slice %arg3[%sub3A_47] : memref<160000xi32, #tpu.memory_space<hbm>> -> memref<80xi32, #tpu.memory_space<hbm>>
      %dma_start3A_644 = tpu.memref_slice %arg3[%sub3A_47] : memref<160000xi32, #tpu.memory_space<hbm>> -> memref<80xi32, #tpu.memory_space<hbm>>
      tpu.enqueue_dma source(%dma_start3A_644 : memref<80xi32, #tpu.memory_space<hbm>>) target(%arg25 : memref<80xi32, #tpu.memory_space<vmem>>) target_semaphore(%run_scoped3A : memref<!tpu.dma_semaphore, #tpu.memory_space<semaphore_mem>>)
      %dma_wait3A = tpu.memref_slice %arg3[%sub3A_47] : memref<160000xi32, #tpu.memory_space<hbm>> -> memref<80xi32, #tpu.memory_space<hbm>>
      %dma_wait3A_645 = tpu.memref_slice %arg3[%sub3A_47] : memref<160000xi32, #tpu.memory_space<hbm>> -> memref<80xi32, #tpu.memory_space<hbm>>
      tpu.wait_dma2 semaphore(%run_scoped3A : memref<!tpu.dma_semaphore, #tpu.memory_space<semaphore_mem>>) src(%dma_wait3A_645 : memref<80xi32, #tpu.memory_space<hbm>>) dst(%arg25 : memref<80xi32, #tpu.memory_space<vmem>>)
      tpu.yield
    }) : () -> ()
    "tpu.region"() ({
      %run_scoped3A = tpu.sem_alloc : memref<!tpu.dma_semaphore, #tpu.memory_space<semaphore_mem>>
      %dma_start3A = tpu.memref_slice %arg4[%sub3A_47] : memref<160000xi32, #tpu.memory_space<hbm>> -> memref<80xi32, #tpu.memory_space<hbm>>
      %dma_start3A_644 = tpu.memref_slice %arg4[%sub3A_47] : memref<160000xi32, #tpu.memory_space<hbm>> -> memref<80xi32, #tpu.memory_space<hbm>>
      tpu.enqueue_dma source(%dma_start3A_644 : memref<80xi32, #tpu.memory_space<hbm>>) target(%arg26 : memref<80xi32, #tpu.memory_space<vmem>>) target_semaphore(%run_scoped3A : memref<!tpu.dma_semaphore, #tpu.memory_space<semaphore_mem>>)
      %dma_wait3A = tpu.memref_slice %arg4[%sub3A_47] : memref<160000xi32, #tpu.memory_space<hbm>> -> memref<80xi32, #tpu.memory_space<hbm>>
      %dma_wait3A_645 = tpu.memref_slice %arg4[%sub3A_47] : memref<160000xi32, #tpu.memory_space<hbm>> -> memref<80xi32, #tpu.memory_space<hbm>>
      tpu.wait_dma2 semaphore(%run_scoped3A : memref<!tpu.dma_semaphore, #tpu.memory_space<semaphore_mem>>) src(%dma_wait3A_645 : memref<80xi32, #tpu.memory_space<hbm>>) dst(%arg26 : memref<80xi32, #tpu.memory_space<vmem>>)
      tpu.yield
    }) : () -> ()
    %broadcast_in_dim3A_48 = arith.constant 1 : i32
    %broadcast_in_dim3A_49 = vector.broadcast %broadcast_in_dim3A_48 : i32 to vector<16xi32>
    %gather3A = tpu.vector_load_idx %arg22[%broadcast_in_dim3A_49] : memref<128xf32, #tpu.memory_space<vmem>>[vector<16xi32>], vector<16xf32>,
    %broadcast_in_dim3A_50 = arith.constant 2 : i32
    %broadcast_in_dim3A_51 = vector.broadcast %broadcast_in_dim3A_50 : i32 to vector<16xi32>
    %gather3A_52 = tpu.vector_load_idx %arg22[%broadcast_in_dim3A_51] : memref<128xf32, #tpu.memory_space<vmem>>[vector<16xi32>], vector<16xf32>,
    %broadcast_in_dim3A_53 = arith.constant 3 : i32
    %broadcast_in_dim3A_54 = vector.broadcast %broadcast_in_dim3A_53 : i32 to vector<16xi32>
    %gather3A_55 = tpu.vector_load_idx %arg22[%broadcast_in_dim3A_54] : memref<128xf32, #tpu.memory_space<vmem>>[vector<16xi32>], vector<16xf32>,
    %broadcast_in_dim3A_56 = arith.constant 4 : i32
    %broadcast_in_dim3A_57 = vector.broadcast %broadcast_in_dim3A_56 : i32 to vector<16xi32>
    %gather3A_58 = tpu.vector_load_idx %arg22[%broadcast_in_dim3A_57] : memref<128xf32, #tpu.memory_space<vmem>>[vector<16xi32>], vector<16xf32>,
    %broadcast_in_dim3A_59 = arith.constant 5 : i32
    %broadcast_in_dim3A_60 = vector.broadcast %broadcast_in_dim3A_59 : i32 to vector<16xi32>
    %gather3A_61 = tpu.vector_load_idx %arg22[%broadcast_in_dim3A_60] : memref<128xf32, #tpu.memory_space<vmem>>[vector<16xi32>], vector<16xf32>,
    %broadcast_in_dim3A_62 = arith.constant 6 : i32
    %broadcast_in_dim3A_63 = vector.broadcast %broadcast_in_dim3A_62 : i32 to vector<16xi32>
    %gather3A_64 = tpu.vector_load_idx %arg22[%broadcast_in_dim3A_63] : memref<128xf32, #tpu.memory_space<vmem>>[vector<16xi32>], vector<16xf32>,
    %broadcast_in_dim3A_65 = arith.constant 7 : i32
    %broadcast_in_dim3A_66 = vector.broadcast %broadcast_in_dim3A_65 : i32 to vector<16xi32>
    %gather3A_67 = tpu.vector_load_idx %arg22[%broadcast_in_dim3A_66] : memref<128xf32, #tpu.memory_space<vmem>>[vector<16xi32>], vector<16xf32>,
    %broadcast_in_dim3A_68 = arith.constant 8 : i32
    %broadcast_in_dim3A_69 = vector.broadcast %broadcast_in_dim3A_68 : i32 to vector<16xi32>
    %gather3A_70 = tpu.vector_load_idx %arg22[%broadcast_in_dim3A_69] : memref<128xf32, #tpu.memory_space<vmem>>[vector<16xi32>], vector<16xf32>,
    %get3A = arith.constant 0 : index
    %get3A_71 = tpu.vector_load %arg24[%get3A] {strides = array<i32>} : memref<80xi32, #tpu.memory_space<vmem>>, vector<16xi32>,
    %get3A_72 = arith.constant 0 : index
    %get3A_73 = tpu.vector_load %arg25[%get3A_72] {strides = array<i32>} : memref<80xi32, #tpu.memory_space<vmem>>, vector<16xi32>,
    %get3A_74 = arith.constant 0 : index
    %get3A_75 = tpu.vector_load %arg26[%get3A_74] {strides = array<i32>} : memref<80xi32, #tpu.memory_space<vmem>>, vector<16xi32>,
    %gather3A_76 = tpu.vector_load_idx %arg19[%get3A_71] : memref<10000xf32, #tpu.memory_space<vmem>>[vector<16xi32>], vector<16xf32>,
    %gather3A_77 = tpu.vector_load_idx %arg20[%get3A_71] : memref<10000xf32, #tpu.memory_space<vmem>>[vector<16xi32>], vector<16xf32>,
    %gather3A_78 = tpu.vector_load_idx %arg19[%get3A_73] : memref<10000xf32, #tpu.memory_space<vmem>>[vector<16xi32>], vector<16xf32>,
    %gather3A_79 = tpu.vector_load_idx %arg20[%get3A_73] : memref<10000xf32, #tpu.memory_space<vmem>>[vector<16xi32>], vector<16xf32>,
    %sub3A_80 = arith.subf %gather3A_78, %gather3A_76 : vector<16xf32>
    %sub3A_81 = arith.subf %gather3A_79, %gather3A_77 : vector<16xf32>
    %mul3A_82 = arith.mulf %sub3A_80, %sub3A_80 : vector<16xf32>
    %mul3A_83 = arith.mulf %sub3A_81, %sub3A_81 : vector<16xf32>
    %add3A_84 = arith.addf %mul3A_82, %mul3A_83 : vector<16xf32>
    %broadcast_in_dim3A_85 = arith.constant 0 : i32
    %broadcast_in_dim3A_86 = vector.broadcast %broadcast_in_dim3A_85 : i32 to vector<16xi32>
    %lt3A = arith.cmpf olt, %gather3A, %add3A_84 : vector<16xf32>
    %jit3A = arith.constant 1 : i32
    %jit3A_87 = arith.constant 0 : i32
    %broadcast_in_dim3A_88 = vector.broadcast %jit3A : i32 to vector<16xi32>
    %broadcast_in_dim3A_89 = vector.broadcast %jit3A_87 : i32 to vector<16xi32>
    %select_n3A = arith.select %lt3A, %broadcast_in_dim3A_88, %broadcast_in_dim3A_89 : vector<16xi1>, vector<16xi32>
    %add3A_90 = arith.addi %broadcast_in_dim3A_86, %select_n3A : vector<16xi32>
    %lt3A_91 = arith.cmpf olt, %gather3A_52, %add3A_84 : vector<16xf32>
    %jit3A_92 = arith.constant 1 : i32
    %jit3A_93 = arith.constant 0 : i32
    %broadcast_in_dim3A_94 = vector.broadcast %jit3A_92 : i32 to vector<16xi32>
    %broadcast_in_dim3A_95 = vector.broadcast %jit3A_93 : i32 to vector<16xi32>
    %select_n3A_96 = arith.select %lt3A_91, %broadcast_in_dim3A_94, %broadcast_in_dim3A_95 : vector<16xi1>, vector<16xi32>
    %add3A_97 = arith.addi %add3A_90, %select_n3A_96 : vector<16xi32>
    %lt3A_98 = arith.cmpf olt, %gather3A_55, %add3A_84 : vector<16xf32>
    %jit3A_99 = arith.constant 1 : i32
    %jit3A_100 = arith.constant 0 : i32
    %broadcast_in_dim3A_101 = vector.broadcast %jit3A_99 : i32 to vector<16xi32>
    %broadcast_in_dim3A_102 = vector.broadcast %jit3A_100 : i32 to vector<16xi32>
    %select_n3A_103 = arith.select %lt3A_98, %broadcast_in_dim3A_101, %broadcast_in_dim3A_102 : vector<16xi1>, vector<16xi32>
    %add3A_104 = arith.addi %add3A_97, %select_n3A_103 : vector<16xi32>
    %lt3A_105 = arith.cmpf olt, %gather3A_58, %add3A_84 : vector<16xf32>
    %jit3A_106 = arith.constant 1 : i32
    %jit3A_107 = arith.constant 0 : i32
    %broadcast_in_dim3A_108 = vector.broadcast %jit3A_106 : i32 to vector<16xi32>
    %broadcast_in_dim3A_109 = vector.broadcast %jit3A_107 : i32 to vector<16xi32>
    %select_n3A_110 = arith.select %lt3A_105, %broadcast_in_dim3A_108, %broadcast_in_dim3A_109 : vector<16xi1>, vector<16xi32>
    %add3A_111 = arith.addi %add3A_104, %select_n3A_110 : vector<16xi32>
    %lt3A_112 = arith.cmpf olt, %gather3A_61, %add3A_84 : vector<16xf32>
    %jit3A_113 = arith.constant 1 : i32
    %jit3A_114 = arith.constant 0 : i32
    %broadcast_in_dim3A_115 = vector.broadcast %jit3A_113 : i32 to vector<16xi32>
    %broadcast_in_dim3A_116 = vector.broadcast %jit3A_114 : i32 to vector<16xi32>
    %select_n3A_117 = arith.select %lt3A_112, %broadcast_in_dim3A_115, %broadcast_in_dim3A_116 : vector<16xi1>, vector<16xi32>
    %add3A_118 = arith.addi %add3A_111, %select_n3A_117 : vector<16xi32>
    %lt3A_119 = arith.cmpf olt, %gather3A_64, %add3A_84 : vector<16xf32>
    %jit3A_120 = arith.constant 1 : i32
    %jit3A_121 = arith.constant 0 : i32
    %broadcast_in_dim3A_122 = vector.broadcast %jit3A_120 : i32 to vector<16xi32>
    %broadcast_in_dim3A_123 = vector.broadcast %jit3A_121 : i32 to vector<16xi32>
    %select_n3A_124 = arith.select %lt3A_119, %broadcast_in_dim3A_122, %broadcast_in_dim3A_123 : vector<16xi1>, vector<16xi32>
    %add3A_125 = arith.addi %add3A_118, %select_n3A_124 : vector<16xi32>
    %lt3A_126 = arith.cmpf olt, %gather3A_67, %add3A_84 : vector<16xf32>
    %jit3A_127 = arith.constant 1 : i32
    %jit3A_128 = arith.constant 0 : i32
    %broadcast_in_dim3A_129 = vector.broadcast %jit3A_127 : i32 to vector<16xi32>
    %broadcast_in_dim3A_130 = vector.broadcast %jit3A_128 : i32 to vector<16xi32>
    %select_n3A_131 = arith.select %lt3A_126, %broadcast_in_dim3A_129, %broadcast_in_dim3A_130 : vector<16xi1>, vector<16xi32>
    %add3A_132 = arith.addi %add3A_125, %select_n3A_131 : vector<16xi32>
    %lt3A_133 = arith.cmpf olt, %gather3A_70, %add3A_84 : vector<16xf32>
    %jit3A_134 = arith.constant 1 : i32
    %jit3A_135 = arith.constant 0 : i32
    %broadcast_in_dim3A_136 = vector.broadcast %jit3A_134 : i32 to vector<16xi32>
    %broadcast_in_dim3A_137 = vector.broadcast %jit3A_135 : i32 to vector<16xi32>
    %select_n3A_138 = arith.select %lt3A_133, %broadcast_in_dim3A_136, %broadcast_in_dim3A_137 : vector<16xi1>, vector<16xi32>
    %add3A_139 = arith.addi %add3A_132, %select_n3A_138 : vector<16xi32>
    %gather3A_140 = tpu.vector_load_idx %arg15[%get3A_73] : memref<10000xf32, #tpu.memory_space<vmem>>[vector<16xi32>], vector<16xf32>,
    %gather3A_141 = tpu.vector_load_idx %arg16[%get3A_75] : memref<10000xf32, #tpu.memory_space<vmem>>[vector<16xi32>], vector<16xf32>,
    %add3A_142 = arith.addf %gather3A_140, %gather3A_141 : vector<16xf32>
    %gather3A_143 = tpu.vector_load_idx %arg17[%get3A_71] : memref<10000xf32, #tpu.memory_space<vmem>>[vector<16xi32>], vector<16xf32>,
    %add3A_144 = arith.addf %add3A_142, %gather3A_143 : vector<16xf32>
    %gather3A_145 = tpu.vector_load_idx %arg21[%add3A_139] : memref<128xf32, #tpu.memory_space<vmem>>[vector<16xi32>], vector<16xf32>,
    %add3A_146 = arith.addf %add3A_144, %gather3A_145 : vector<16xf32>
    %neg3A = arith.constant 0.000000e+00 : f32
    %neg3A_147 = vector.broadcast %neg3A : f32 to vector<16xf32>
    %neg3A_148 = arith.subf %neg3A_147, %add3A_146 : vector<16xf32>
    %exp3A = math.exp %neg3A_148 : vector<16xf32>
    %add3A_149 = arith.constant 1.000000e+00 : f32
    %add3A_150 = vector.broadcast %add3A_149 : f32 to vector<16xf32>
    %add3A_151 = arith.addf %add3A_150, %exp3A : vector<16xf32>
    %div3A = arith.constant 1.000000e+00 : f32
    %div3A_152 = vector.broadcast %div3A : f32 to vector<16xf32>
    %div3A_153 = arith.divf %div3A_152, %add3A_151 : vector<16xf32>
    %gather3A_154 = tpu.vector_load_idx %arg18[%get3A_71] : memref<10240xf32, #tpu.memory_space<vmem>>[vector<16xi32>], vector<16xf32>,
    %gather3A_155 = tpu.vector_load_idx %arg18[%get3A_73] : memref<10240xf32, #tpu.memory_space<vmem>>[vector<16xi32>], vector<16xf32>,
    %mul3A_156 = arith.mulf %gather3A_154, %gather3A_155 : vector<16xf32>
    %iota3A = tpu.iota {dimensions = array<i32: 0>} : vector<16xi32>
    %mul3A_157 = arith.constant 8 : i32
    %mul3A_158 = vector.broadcast %mul3A_157 : i32 to vector<16xi32>
    %mul3A_159 = arith.muli %iota3A, %mul3A_158 : vector<16xi32>
    %add3A_160 = arith.constant 0 : i32
    %add3A_161 = vector.broadcast %add3A_160 : i32 to vector<16xi32>
    %add3A_162 = arith.addi %mul3A_159, %add3A_161 : vector<16xi32>
    %convert_element_type3A = arith.sitofp %get3A_71 : vector<16xi32> to vector<16xf32>
    tpu.vector_store_idx %arg27[%add3A_162], %convert_element_type3A : memref<640xf32, #tpu.memory_space<vmem>>[vector<16xi32>], vector<16xf32>,
    %add3A_163 = arith.constant 1 : i32
    %add3A_164 = vector.broadcast %add3A_163 : i32 to vector<16xi32>
    %add3A_165 = arith.addi %add3A_162, %add3A_164 : vector<16xi32>
    %convert_element_type3A_166 = arith.sitofp %get3A_75 : vector<16xi32> to vector<16xf32>
    tpu.vector_store_idx %arg27[%add3A_165], %convert_element_type3A_166 : memref<640xf32, #tpu.memory_space<vmem>>[vector<16xi32>], vector<16xf32>,
    %add3A_167 = arith.constant 2 : i32
    %add3A_168 = vector.broadcast %add3A_167 : i32 to vector<16xi32>
    %add3A_169 = arith.addi %add3A_162, %add3A_168 : vector<16xi32>
    %convert_element_type3A_170 = arith.sitofp %get3A_73 : vector<16xi32> to vector<16xf32>
    tpu.vector_store_idx %arg27[%add3A_169], %convert_element_type3A_170 : memref<640xf32, #tpu.memory_space<vmem>>[vector<16xi32>], vector<16xf32>,
    %add3A_171 = arith.constant 3 : i32
    %add3A_172 = vector.broadcast %add3A_171 : i32 to vector<16xi32>
    %add3A_173 = arith.addi %add3A_162, %add3A_172 : vector<16xi32>
    %mul3A_174 = arith.mulf %div3A_153, %mul3A_156 : vector<16xf32>
    tpu.vector_store_idx %arg27[%add3A_173], %mul3A_174 : memref<640xf32, #tpu.memory_space<vmem>>[vector<16xi32>], vector<16xf32>,
    %add3A_175 = arith.constant 4 : i32
    %add3A_176 = vector.broadcast %add3A_175 : i32 to vector<16xi32>
    %add3A_177 = arith.addi %add3A_162, %add3A_176 : vector<16xi32>
    tpu.vector_store_idx %arg27[%add3A_177], %mul3A_156 : memref<640xf32, #tpu.memory_space<vmem>>[vector<16xi32>], vector<16xf32>,
    %get3A_178 = arith.constant 16 : index
    %get3A_179 = tpu.vector_load %arg24[%get3A_178] {strides = array<i32>} : memref<80xi32, #tpu.memory_space<vmem>>, vector<16xi32>,
    %get3A_180 = arith.constant 16 : index
    %get3A_181 = tpu.vector_load %arg25[%get3A_180] {strides = array<i32>} : memref<80xi32, #tpu.memory_space<vmem>>, vector<16xi32>,
    %get3A_182 = arith.constant 16 : index
    %get3A_183 = tpu.vector_load %arg26[%get3A_182] {strides = array<i32>} : memref<80xi32, #tpu.memory_space<vmem>>, vector<16xi32>,
    %gather3A_184 = tpu.vector_load_idx %arg19[%get3A_179] : memref<10000xf32, #tpu.memory_space<vmem>>[vector<16xi32>], vector<16xf32>,
    %gather3A_185 = tpu.vector_load_idx %arg20[%get3A_179] : memref<10000xf32, #tpu.memory_space<vmem>>[vector<16xi32>], vector<16xf32>,
    %gather3A_186 = tpu.vector_load_idx %arg19[%get3A_181] : memref<10000xf32, #tpu.memory_space<vmem>>[vector<16xi32>], vector<16xf32>,
    %gather3A_187 = tpu.vector_load_idx %arg20[%get3A_181] : memref<10000xf32, #tpu.memory_space<vmem>>[vector<16xi32>], vector<16xf32>,
    %sub3A_188 = arith.subf %gather3A_186, %gather3A_184 : vector<16xf32>
    %sub3A_189 = arith.subf %gather3A_187, %gather3A_185 : vector<16xf32>
    %mul3A_190 = arith.mulf %sub3A_188, %sub3A_188 : vector<16xf32>
    %mul3A_191 = arith.mulf %sub3A_189, %sub3A_189 : vector<16xf32>
    %add3A_192 = arith.addf %mul3A_190, %mul3A_191 : vector<16xf32>
    %broadcast_in_dim3A_193 = arith.constant 0 : i32
    %broadcast_in_dim3A_194 = vector.broadcast %broadcast_in_dim3A_193 : i32 to vector<16xi32>
    %lt3A_195 = arith.cmpf olt, %gather3A, %add3A_192 : vector<16xf32>
    %jit3A_196 = arith.constant 1 : i32
    %jit3A_197 = arith.constant 0 : i32
    %broadcast_in_dim3A_198 = vector.broadcast %jit3A_196 : i32 to vector<16xi32>
    %broadcast_in_dim3A_199 = vector.broadcast %jit3A_197 : i32 to vector<16xi32>
    %select_n3A_200 = arith.select %lt3A_195, %broadcast_in_dim3A_198, %broadcast_in_dim3A_199 : vector<16xi1>, vector<16xi32>
    %add3A_201 = arith.addi %broadcast_in_dim3A_194, %select_n3A_200 : vector<16xi32>
    %lt3A_202 = arith.cmpf olt, %gather3A_52, %add3A_192 : vector<16xf32>
    %jit3A_203 = arith.constant 1 : i32
    %jit3A_204 = arith.constant 0 : i32
    %broadcast_in_dim3A_205 = vector.broadcast %jit3A_203 : i32 to vector<16xi32>
    %broadcast_in_dim3A_206 = vector.broadcast %jit3A_204 : i32 to vector<16xi32>
    %select_n3A_207 = arith.select %lt3A_202, %broadcast_in_dim3A_205, %broadcast_in_dim3A_206 : vector<16xi1>, vector<16xi32>
    %add3A_208 = arith.addi %add3A_201, %select_n3A_207 : vector<16xi32>
    %lt3A_209 = arith.cmpf olt, %gather3A_55, %add3A_192 : vector<16xf32>
    %jit3A_210 = arith.constant 1 : i32
    %jit3A_211 = arith.constant 0 : i32
    %broadcast_in_dim3A_212 = vector.broadcast %jit3A_210 : i32 to vector<16xi32>
    %broadcast_in_dim3A_213 = vector.broadcast %jit3A_211 : i32 to vector<16xi32>
    %select_n3A_214 = arith.select %lt3A_209, %broadcast_in_dim3A_212, %broadcast_in_dim3A_213 : vector<16xi1>, vector<16xi32>
    %add3A_215 = arith.addi %add3A_208, %select_n3A_214 : vector<16xi32>
    %lt3A_216 = arith.cmpf olt, %gather3A_58, %add3A_192 : vector<16xf32>
    %jit3A_217 = arith.constant 1 : i32
    %jit3A_218 = arith.constant 0 : i32
    %broadcast_in_dim3A_219 = vector.broadcast %jit3A_217 : i32 to vector<16xi32>
    %broadcast_in_dim3A_220 = vector.broadcast %jit3A_218 : i32 to vector<16xi32>
    %select_n3A_221 = arith.select %lt3A_216, %broadcast_in_dim3A_219, %broadcast_in_dim3A_220 : vector<16xi1>, vector<16xi32>
    %add3A_222 = arith.addi %add3A_215, %select_n3A_221 : vector<16xi32>
    %lt3A_223 = arith.cmpf olt, %gather3A_61, %add3A_192 : vector<16xf32>
    %jit3A_224 = arith.constant 1 : i32
    %jit3A_225 = arith.constant 0 : i32
    %broadcast_in_dim3A_226 = vector.broadcast %jit3A_224 : i32 to vector<16xi32>
    %broadcast_in_dim3A_227 = vector.broadcast %jit3A_225 : i32 to vector<16xi32>
    %select_n3A_228 = arith.select %lt3A_223, %broadcast_in_dim3A_226, %broadcast_in_dim3A_227 : vector<16xi1>, vector<16xi32>
    %add3A_229 = arith.addi %add3A_222, %select_n3A_228 : vector<16xi32>
    %lt3A_230 = arith.cmpf olt, %gather3A_64, %add3A_192 : vector<16xf32>
    %jit3A_231 = arith.constant 1 : i32
    %jit3A_232 = arith.constant 0 : i32
    %broadcast_in_dim3A_233 = vector.broadcast %jit3A_231 : i32 to vector<16xi32>
    %broadcast_in_dim3A_234 = vector.broadcast %jit3A_232 : i32 to vector<16xi32>
    %select_n3A_235 = arith.select %lt3A_230, %broadcast_in_dim3A_233, %broadcast_in_dim3A_234 : vector<16xi1>, vector<16xi32>
    %add3A_236 = arith.addi %add3A_229, %select_n3A_235 : vector<16xi32>
    %lt3A_237 = arith.cmpf olt, %gather3A_67, %add3A_192 : vector<16xf32>
    %jit3A_238 = arith.constant 1 : i32
    %jit3A_239 = arith.constant 0 : i32
    %broadcast_in_dim3A_240 = vector.broadcast %jit3A_238 : i32 to vector<16xi32>
    %broadcast_in_dim3A_241 = vector.broadcast %jit3A_239 : i32 to vector<16xi32>
    %select_n3A_242 = arith.select %lt3A_237, %broadcast_in_dim3A_240, %broadcast_in_dim3A_241 : vector<16xi1>, vector<16xi32>
    %add3A_243 = arith.addi %add3A_236, %select_n3A_242 : vector<16xi32>
    %lt3A_244 = arith.cmpf olt, %gather3A_70, %add3A_192 : vector<16xf32>
    %jit3A_245 = arith.constant 1 : i32
    %jit3A_246 = arith.constant 0 : i32
    %broadcast_in_dim3A_247 = vector.broadcast %jit3A_245 : i32 to vector<16xi32>
    %broadcast_in_dim3A_248 = vector.broadcast %jit3A_246 : i32 to vector<16xi32>
    %select_n3A_249 = arith.select %lt3A_244, %broadcast_in_dim3A_247, %broadcast_in_dim3A_248 : vector<16xi1>, vector<16xi32>
    %add3A_250 = arith.addi %add3A_243, %select_n3A_249 : vector<16xi32>
    %gather3A_251 = tpu.vector_load_idx %arg15[%get3A_181] : memref<10000xf32, #tpu.memory_space<vmem>>[vector<16xi32>], vector<16xf32>,
    %gather3A_252 = tpu.vector_load_idx %arg16[%get3A_183] : memref<10000xf32, #tpu.memory_space<vmem>>[vector<16xi32>], vector<16xf32>,
    %add3A_253 = arith.addf %gather3A_251, %gather3A_252 : vector<16xf32>
    %gather3A_254 = tpu.vector_load_idx %arg17[%get3A_179] : memref<10000xf32, #tpu.memory_space<vmem>>[vector<16xi32>], vector<16xf32>,
    %add3A_255 = arith.addf %add3A_253, %gather3A_254 : vector<16xf32>
    %gather3A_256 = tpu.vector_load_idx %arg21[%add3A_250] : memref<128xf32, #tpu.memory_space<vmem>>[vector<16xi32>], vector<16xf32>,
    %add3A_257 = arith.addf %add3A_255, %gather3A_256 : vector<16xf32>
    %neg3A_258 = arith.constant 0.000000e+00 : f32
    %neg3A_259 = vector.broadcast %neg3A_258 : f32 to vector<16xf32>
    %neg3A_260 = arith.subf %neg3A_259, %add3A_257 : vector<16xf32>
    %exp3A_261 = math.exp %neg3A_260 : vector<16xf32>
    %add3A_262 = arith.constant 1.000000e+00 : f32
    %add3A_263 = vector.broadcast %add3A_262 : f32 to vector<16xf32>
    %add3A_264 = arith.addf %add3A_263, %exp3A_261 : vector<16xf32>
    %div3A_265 = arith.constant 1.000000e+00 : f32
    %div3A_266 = vector.broadcast %div3A_265 : f32 to vector<16xf32>
    %div3A_267 = arith.divf %div3A_266, %add3A_264 : vector<16xf32>
    %gather3A_268 = tpu.vector_load_idx %arg18[%get3A_179] : memref<10240xf32, #tpu.memory_space<vmem>>[vector<16xi32>], vector<16xf32>,
    %gather3A_269 = tpu.vector_load_idx %arg18[%get3A_181] : memref<10240xf32, #tpu.memory_space<vmem>>[vector<16xi32>], vector<16xf32>,
    %mul3A_270 = arith.mulf %gather3A_268, %gather3A_269 : vector<16xf32>
    %iota3A_271 = tpu.iota {dimensions = array<i32: 0>} : vector<16xi32>
    %mul3A_272 = arith.constant 8 : i32
    %mul3A_273 = vector.broadcast %mul3A_272 : i32 to vector<16xi32>
    %mul3A_274 = arith.muli %iota3A_271, %mul3A_273 : vector<16xi32>
    %add3A_275 = arith.constant 128 : i32
    %add3A_276 = vector.broadcast %add3A_275 : i32 to vector<16xi32>
    %add3A_277 = arith.addi %mul3A_274, %add3A_276 : vector<16xi32>
    %convert_element_type3A_278 = arith.sitofp %get3A_179 : vector<16xi32> to vector<16xf32>
    tpu.vector_store_idx %arg27[%add3A_277], %convert_element_type3A_278 : memref<640xf32, #tpu.memory_space<vmem>>[vector<16xi32>], vector<16xf32>,
    %add3A_279 = arith.constant 1 : i32
    %add3A_280 = vector.broadcast %add3A_279 : i32 to vector<16xi32>
    %add3A_281 = arith.addi %add3A_277, %add3A_280 : vector<16xi32>
    %convert_element_type3A_282 = arith.sitofp %get3A_183 : vector<16xi32> to vector<16xf32>
    tpu.vector_store_idx %arg27[%add3A_281], %convert_element_type3A_282 : memref<640xf32, #tpu.memory_space<vmem>>[vector<16xi32>], vector<16xf32>,
    %add3A_283 = arith.constant 2 : i32
    %add3A_284 = vector.broadcast %add3A_283 : i32 to vector<16xi32>
    %add3A_285 = arith.addi %add3A_277, %add3A_284 : vector<16xi32>
    %convert_element_type3A_286 = arith.sitofp %get3A_181 : vector<16xi32> to vector<16xf32>
    tpu.vector_store_idx %arg27[%add3A_285], %convert_element_type3A_286 : memref<640xf32, #tpu.memory_space<vmem>>[vector<16xi32>], vector<16xf32>,
    %add3A_287 = arith.constant 3 : i32
    %add3A_288 = vector.broadcast %add3A_287 : i32 to vector<16xi32>
    %add3A_289 = arith.addi %add3A_277, %add3A_288 : vector<16xi32>
    %mul3A_290 = arith.mulf %div3A_267, %mul3A_270 : vector<16xf32>
    tpu.vector_store_idx %arg27[%add3A_289], %mul3A_290 : memref<640xf32, #tpu.memory_space<vmem>>[vector<16xi32>], vector<16xf32>,
    %add3A_291 = arith.constant 4 : i32
    %add3A_292 = vector.broadcast %add3A_291 : i32 to vector<16xi32>
    %add3A_293 = arith.addi %add3A_277, %add3A_292 : vector<16xi32>
    tpu.vector_store_idx %arg27[%add3A_293], %mul3A_270 : memref<640xf32, #tpu.memory_space<vmem>>[vector<16xi32>], vector<16xf32>,
    %get3A_294 = arith.constant 32 : index
    %get3A_295 = tpu.vector_load %arg24[%get3A_294] {strides = array<i32>} : memref<80xi32, #tpu.memory_space<vmem>>, vector<16xi32>,
    %get3A_296 = arith.constant 32 : index
    %get3A_297 = tpu.vector_load %arg25[%get3A_296] {strides = array<i32>} : memref<80xi32, #tpu.memory_space<vmem>>, vector<16xi32>,
    %get3A_298 = arith.constant 32 : index
    %get3A_299 = tpu.vector_load %arg26[%get3A_298] {strides = array<i32>} : memref<80xi32, #tpu.memory_space<vmem>>, vector<16xi32>,
    %gather3A_300 = tpu.vector_load_idx %arg19[%get3A_295] : memref<10000xf32, #tpu.memory_space<vmem>>[vector<16xi32>], vector<16xf32>,
    %gather3A_301 = tpu.vector_load_idx %arg20[%get3A_295] : memref<10000xf32, #tpu.memory_space<vmem>>[vector<16xi32>], vector<16xf32>,
    %gather3A_302 = tpu.vector_load_idx %arg19[%get3A_297] : memref<10000xf32, #tpu.memory_space<vmem>>[vector<16xi32>], vector<16xf32>,
    %gather3A_303 = tpu.vector_load_idx %arg20[%get3A_297] : memref<10000xf32, #tpu.memory_space<vmem>>[vector<16xi32>], vector<16xf32>,
    %sub3A_304 = arith.subf %gather3A_302, %gather3A_300 : vector<16xf32>
    %sub3A_305 = arith.subf %gather3A_303, %gather3A_301 : vector<16xf32>
    %mul3A_306 = arith.mulf %sub3A_304, %sub3A_304 : vector<16xf32>
    %mul3A_307 = arith.mulf %sub3A_305, %sub3A_305 : vector<16xf32>
    %add3A_308 = arith.addf %mul3A_306, %mul3A_307 : vector<16xf32>
    %broadcast_in_dim3A_309 = arith.constant 0 : i32
    %broadcast_in_dim3A_310 = vector.broadcast %broadcast_in_dim3A_309 : i32 to vector<16xi32>
    %lt3A_311 = arith.cmpf olt, %gather3A, %add3A_308 : vector<16xf32>
    %jit3A_312 = arith.constant 1 : i32
    %jit3A_313 = arith.constant 0 : i32
    %broadcast_in_dim3A_314 = vector.broadcast %jit3A_312 : i32 to vector<16xi32>
    %broadcast_in_dim3A_315 = vector.broadcast %jit3A_313 : i32 to vector<16xi32>
    %select_n3A_316 = arith.select %lt3A_311, %broadcast_in_dim3A_314, %broadcast_in_dim3A_315 : vector<16xi1>, vector<16xi32>
    %add3A_317 = arith.addi %broadcast_in_dim3A_310, %select_n3A_316 : vector<16xi32>
    %lt3A_318 = arith.cmpf olt, %gather3A_52, %add3A_308 : vector<16xf32>
    %jit3A_319 = arith.constant 1 : i32
    %jit3A_320 = arith.constant 0 : i32
    %broadcast_in_dim3A_321 = vector.broadcast %jit3A_319 : i32 to vector<16xi32>
    %broadcast_in_dim3A_322 = vector.broadcast %jit3A_320 : i32 to vector<16xi32>
    %select_n3A_323 = arith.select %lt3A_318, %broadcast_in_dim3A_321, %broadcast_in_dim3A_322 : vector<16xi1>, vector<16xi32>
    %add3A_324 = arith.addi %add3A_317, %select_n3A_323 : vector<16xi32>
    %lt3A_325 = arith.cmpf olt, %gather3A_55, %add3A_308 : vector<16xf32>
    %jit3A_326 = arith.constant 1 : i32
    %jit3A_327 = arith.constant 0 : i32
    %broadcast_in_dim3A_328 = vector.broadcast %jit3A_326 : i32 to vector<16xi32>
    %broadcast_in_dim3A_329 = vector.broadcast %jit3A_327 : i32 to vector<16xi32>
    %select_n3A_330 = arith.select %lt3A_325, %broadcast_in_dim3A_328, %broadcast_in_dim3A_329 : vector<16xi1>, vector<16xi32>
    %add3A_331 = arith.addi %add3A_324, %select_n3A_330 : vector<16xi32>
    %lt3A_332 = arith.cmpf olt, %gather3A_58, %add3A_308 : vector<16xf32>
    %jit3A_333 = arith.constant 1 : i32
    %jit3A_334 = arith.constant 0 : i32
    %broadcast_in_dim3A_335 = vector.broadcast %jit3A_333 : i32 to vector<16xi32>
    %broadcast_in_dim3A_336 = vector.broadcast %jit3A_334 : i32 to vector<16xi32>
    %select_n3A_337 = arith.select %lt3A_332, %broadcast_in_dim3A_335, %broadcast_in_dim3A_336 : vector<16xi1>, vector<16xi32>
    %add3A_338 = arith.addi %add3A_331, %select_n3A_337 : vector<16xi32>
    %lt3A_339 = arith.cmpf olt, %gather3A_61, %add3A_308 : vector<16xf32>
    %jit3A_340 = arith.constant 1 : i32
    %jit3A_341 = arith.constant 0 : i32
    %broadcast_in_dim3A_342 = vector.broadcast %jit3A_340 : i32 to vector<16xi32>
    %broadcast_in_dim3A_343 = vector.broadcast %jit3A_341 : i32 to vector<16xi32>
    %select_n3A_344 = arith.select %lt3A_339, %broadcast_in_dim3A_342, %broadcast_in_dim3A_343 : vector<16xi1>, vector<16xi32>
    %add3A_345 = arith.addi %add3A_338, %select_n3A_344 : vector<16xi32>
    %lt3A_346 = arith.cmpf olt, %gather3A_64, %add3A_308 : vector<16xf32>
    %jit3A_347 = arith.constant 1 : i32
    %jit3A_348 = arith.constant 0 : i32
    %broadcast_in_dim3A_349 = vector.broadcast %jit3A_347 : i32 to vector<16xi32>
    %broadcast_in_dim3A_350 = vector.broadcast %jit3A_348 : i32 to vector<16xi32>
    %select_n3A_351 = arith.select %lt3A_346, %broadcast_in_dim3A_349, %broadcast_in_dim3A_350 : vector<16xi1>, vector<16xi32>
    %add3A_352 = arith.addi %add3A_345, %select_n3A_351 : vector<16xi32>
    %lt3A_353 = arith.cmpf olt, %gather3A_67, %add3A_308 : vector<16xf32>
    %jit3A_354 = arith.constant 1 : i32
    %jit3A_355 = arith.constant 0 : i32
    %broadcast_in_dim3A_356 = vector.broadcast %jit3A_354 : i32 to vector<16xi32>
    %broadcast_in_dim3A_357 = vector.broadcast %jit3A_355 : i32 to vector<16xi32>
    %select_n3A_358 = arith.select %lt3A_353, %broadcast_in_dim3A_356, %broadcast_in_dim3A_357 : vector<16xi1>, vector<16xi32>
    %add3A_359 = arith.addi %add3A_352, %select_n3A_358 : vector<16xi32>
    %lt3A_360 = arith.cmpf olt, %gather3A_70, %add3A_308 : vector<16xf32>
    %jit3A_361 = arith.constant 1 : i32
    %jit3A_362 = arith.constant 0 : i32
    %broadcast_in_dim3A_363 = vector.broadcast %jit3A_361 : i32 to vector<16xi32>
    %broadcast_in_dim3A_364 = vector.broadcast %jit3A_362 : i32 to vector<16xi32>
    %select_n3A_365 = arith.select %lt3A_360, %broadcast_in_dim3A_363, %broadcast_in_dim3A_364 : vector<16xi1>, vector<16xi32>
    %add3A_366 = arith.addi %add3A_359, %select_n3A_365 : vector<16xi32>
    %gather3A_367 = tpu.vector_load_idx %arg15[%get3A_297] : memref<10000xf32, #tpu.memory_space<vmem>>[vector<16xi32>], vector<16xf32>,
    %gather3A_368 = tpu.vector_load_idx %arg16[%get3A_299] : memref<10000xf32, #tpu.memory_space<vmem>>[vector<16xi32>], vector<16xf32>,
    %add3A_369 = arith.addf %gather3A_367, %gather3A_368 : vector<16xf32>
    %gather3A_370 = tpu.vector_load_idx %arg17[%get3A_295] : memref<10000xf32, #tpu.memory_space<vmem>>[vector<16xi32>], vector<16xf32>,
    %add3A_371 = arith.addf %add3A_369, %gather3A_370 : vector<16xf32>
    %gather3A_372 = tpu.vector_load_idx %arg21[%add3A_366] : memref<128xf32, #tpu.memory_space<vmem>>[vector<16xi32>], vector<16xf32>,
    %add3A_373 = arith.addf %add3A_371, %gather3A_372 : vector<16xf32>
    %neg3A_374 = arith.constant 0.000000e+00 : f32
    %neg3A_375 = vector.broadcast %neg3A_374 : f32 to vector<16xf32>
    %neg3A_376 = arith.subf %neg3A_375, %add3A_373 : vector<16xf32>
    %exp3A_377 = math.exp %neg3A_376 : vector<16xf32>
    %add3A_378 = arith.constant 1.000000e+00 : f32
    %add3A_379 = vector.broadcast %add3A_378 : f32 to vector<16xf32>
    %add3A_380 = arith.addf %add3A_379, %exp3A_377 : vector<16xf32>
    %div3A_381 = arith.constant 1.000000e+00 : f32
    %div3A_382 = vector.broadcast %div3A_381 : f32 to vector<16xf32>
    %div3A_383 = arith.divf %div3A_382, %add3A_380 : vector<16xf32>
    %gather3A_384 = tpu.vector_load_idx %arg18[%get3A_295] : memref<10240xf32, #tpu.memory_space<vmem>>[vector<16xi32>], vector<16xf32>,
    %gather3A_385 = tpu.vector_load_idx %arg18[%get3A_297] : memref<10240xf32, #tpu.memory_space<vmem>>[vector<16xi32>], vector<16xf32>,
    %mul3A_386 = arith.mulf %gather3A_384, %gather3A_385 : vector<16xf32>
    %iota3A_387 = tpu.iota {dimensions = array<i32: 0>} : vector<16xi32>
    %mul3A_388 = arith.constant 8 : i32
    %mul3A_389 = vector.broadcast %mul3A_388 : i32 to vector<16xi32>
    %mul3A_390 = arith.muli %iota3A_387, %mul3A_389 : vector<16xi32>
    %add3A_391 = arith.constant 256 : i32
    %add3A_392 = vector.broadcast %add3A_391 : i32 to vector<16xi32>
    %add3A_393 = arith.addi %mul3A_390, %add3A_392 : vector<16xi32>
    %convert_element_type3A_394 = arith.sitofp %get3A_295 : vector<16xi32> to vector<16xf32>
    tpu.vector_store_idx %arg27[%add3A_393], %convert_element_type3A_394 : memref<640xf32, #tpu.memory_space<vmem>>[vector<16xi32>], vector<16xf32>,
    %add3A_395 = arith.constant 1 : i32
    %add3A_396 = vector.broadcast %add3A_395 : i32 to vector<16xi32>
    %add3A_397 = arith.addi %add3A_393, %add3A_396 : vector<16xi32>
    %convert_element_type3A_398 = arith.sitofp %get3A_299 : vector<16xi32> to vector<16xf32>
    tpu.vector_store_idx %arg27[%add3A_397], %convert_element_type3A_398 : memref<640xf32, #tpu.memory_space<vmem>>[vector<16xi32>], vector<16xf32>,
    %add3A_399 = arith.constant 2 : i32
    %add3A_400 = vector.broadcast %add3A_399 : i32 to vector<16xi32>
    %add3A_401 = arith.addi %add3A_393, %add3A_400 : vector<16xi32>
    %convert_element_type3A_402 = arith.sitofp %get3A_297 : vector<16xi32> to vector<16xf32>
    tpu.vector_store_idx %arg27[%add3A_401], %convert_element_type3A_402 : memref<640xf32, #tpu.memory_space<vmem>>[vector<16xi32>], vector<16xf32>,
    %add3A_403 = arith.constant 3 : i32
    %add3A_404 = vector.broadcast %add3A_403 : i32 to vector<16xi32>
    %add3A_405 = arith.addi %add3A_393, %add3A_404 : vector<16xi32>
    %mul3A_406 = arith.mulf %div3A_383, %mul3A_386 : vector<16xf32>
    tpu.vector_store_idx %arg27[%add3A_405], %mul3A_406 : memref<640xf32, #tpu.memory_space<vmem>>[vector<16xi32>], vector<16xf32>,
    %add3A_407 = arith.constant 4 : i32
    %add3A_408 = vector.broadcast %add3A_407 : i32 to vector<16xi32>
    %add3A_409 = arith.addi %add3A_393, %add3A_408 : vector<16xi32>
    tpu.vector_store_idx %arg27[%add3A_409], %mul3A_386 : memref<640xf32, #tpu.memory_space<vmem>>[vector<16xi32>], vector<16xf32>,
    %get3A_410 = arith.constant 48 : index
    %get3A_411 = tpu.vector_load %arg24[%get3A_410] {strides = array<i32>} : memref<80xi32, #tpu.memory_space<vmem>>, vector<16xi32>,
    %get3A_412 = arith.constant 48 : index
    %get3A_413 = tpu.vector_load %arg25[%get3A_412] {strides = array<i32>} : memref<80xi32, #tpu.memory_space<vmem>>, vector<16xi32>,
    %get3A_414 = arith.constant 48 : index
    %get3A_415 = tpu.vector_load %arg26[%get3A_414] {strides = array<i32>} : memref<80xi32, #tpu.memory_space<vmem>>, vector<16xi32>,
    %gather3A_416 = tpu.vector_load_idx %arg19[%get3A_411] : memref<10000xf32, #tpu.memory_space<vmem>>[vector<16xi32>], vector<16xf32>,
    %gather3A_417 = tpu.vector_load_idx %arg20[%get3A_411] : memref<10000xf32, #tpu.memory_space<vmem>>[vector<16xi32>], vector<16xf32>,
    %gather3A_418 = tpu.vector_load_idx %arg19[%get3A_413] : memref<10000xf32, #tpu.memory_space<vmem>>[vector<16xi32>], vector<16xf32>,
    %gather3A_419 = tpu.vector_load_idx %arg20[%get3A_413] : memref<10000xf32, #tpu.memory_space<vmem>>[vector<16xi32>], vector<16xf32>,
    %sub3A_420 = arith.subf %gather3A_418, %gather3A_416 : vector<16xf32>
    %sub3A_421 = arith.subf %gather3A_419, %gather3A_417 : vector<16xf32>
    %mul3A_422 = arith.mulf %sub3A_420, %sub3A_420 : vector<16xf32>
    %mul3A_423 = arith.mulf %sub3A_421, %sub3A_421 : vector<16xf32>
    %add3A_424 = arith.addf %mul3A_422, %mul3A_423 : vector<16xf32>
    %broadcast_in_dim3A_425 = arith.constant 0 : i32
    %broadcast_in_dim3A_426 = vector.broadcast %broadcast_in_dim3A_425 : i32 to vector<16xi32>
    %lt3A_427 = arith.cmpf olt, %gather3A, %add3A_424 : vector<16xf32>
    %jit3A_428 = arith.constant 1 : i32
    %jit3A_429 = arith.constant 0 : i32
    %broadcast_in_dim3A_430 = vector.broadcast %jit3A_428 : i32 to vector<16xi32>
    %broadcast_in_dim3A_431 = vector.broadcast %jit3A_429 : i32 to vector<16xi32>
    %select_n3A_432 = arith.select %lt3A_427, %broadcast_in_dim3A_430, %broadcast_in_dim3A_431 : vector<16xi1>, vector<16xi32>
    %add3A_433 = arith.addi %broadcast_in_dim3A_426, %select_n3A_432 : vector<16xi32>
    %lt3A_434 = arith.cmpf olt, %gather3A_52, %add3A_424 : vector<16xf32>
    %jit3A_435 = arith.constant 1 : i32
    %jit3A_436 = arith.constant 0 : i32
    %broadcast_in_dim3A_437 = vector.broadcast %jit3A_435 : i32 to vector<16xi32>
    %broadcast_in_dim3A_438 = vector.broadcast %jit3A_436 : i32 to vector<16xi32>
    %select_n3A_439 = arith.select %lt3A_434, %broadcast_in_dim3A_437, %broadcast_in_dim3A_438 : vector<16xi1>, vector<16xi32>
    %add3A_440 = arith.addi %add3A_433, %select_n3A_439 : vector<16xi32>
    %lt3A_441 = arith.cmpf olt, %gather3A_55, %add3A_424 : vector<16xf32>
    %jit3A_442 = arith.constant 1 : i32
    %jit3A_443 = arith.constant 0 : i32
    %broadcast_in_dim3A_444 = vector.broadcast %jit3A_442 : i32 to vector<16xi32>
    %broadcast_in_dim3A_445 = vector.broadcast %jit3A_443 : i32 to vector<16xi32>
    %select_n3A_446 = arith.select %lt3A_441, %broadcast_in_dim3A_444, %broadcast_in_dim3A_445 : vector<16xi1>, vector<16xi32>
    %add3A_447 = arith.addi %add3A_440, %select_n3A_446 : vector<16xi32>
    %lt3A_448 = arith.cmpf olt, %gather3A_58, %add3A_424 : vector<16xf32>
    %jit3A_449 = arith.constant 1 : i32
    %jit3A_450 = arith.constant 0 : i32
    %broadcast_in_dim3A_451 = vector.broadcast %jit3A_449 : i32 to vector<16xi32>
    %broadcast_in_dim3A_452 = vector.broadcast %jit3A_450 : i32 to vector<16xi32>
    %select_n3A_453 = arith.select %lt3A_448, %broadcast_in_dim3A_451, %broadcast_in_dim3A_452 : vector<16xi1>, vector<16xi32>
    %add3A_454 = arith.addi %add3A_447, %select_n3A_453 : vector<16xi32>
    %lt3A_455 = arith.cmpf olt, %gather3A_61, %add3A_424 : vector<16xf32>
    %jit3A_456 = arith.constant 1 : i32
    %jit3A_457 = arith.constant 0 : i32
    %broadcast_in_dim3A_458 = vector.broadcast %jit3A_456 : i32 to vector<16xi32>
    %broadcast_in_dim3A_459 = vector.broadcast %jit3A_457 : i32 to vector<16xi32>
    %select_n3A_460 = arith.select %lt3A_455, %broadcast_in_dim3A_458, %broadcast_in_dim3A_459 : vector<16xi1>, vector<16xi32>
    %add3A_461 = arith.addi %add3A_454, %select_n3A_460 : vector<16xi32>
    %lt3A_462 = arith.cmpf olt, %gather3A_64, %add3A_424 : vector<16xf32>
    %jit3A_463 = arith.constant 1 : i32
    %jit3A_464 = arith.constant 0 : i32
    %broadcast_in_dim3A_465 = vector.broadcast %jit3A_463 : i32 to vector<16xi32>
    %broadcast_in_dim3A_466 = vector.broadcast %jit3A_464 : i32 to vector<16xi32>
    %select_n3A_467 = arith.select %lt3A_462, %broadcast_in_dim3A_465, %broadcast_in_dim3A_466 : vector<16xi1>, vector<16xi32>
    %add3A_468 = arith.addi %add3A_461, %select_n3A_467 : vector<16xi32>
    %lt3A_469 = arith.cmpf olt, %gather3A_67, %add3A_424 : vector<16xf32>
    %jit3A_470 = arith.constant 1 : i32
    %jit3A_471 = arith.constant 0 : i32
    %broadcast_in_dim3A_472 = vector.broadcast %jit3A_470 : i32 to vector<16xi32>
    %broadcast_in_dim3A_473 = vector.broadcast %jit3A_471 : i32 to vector<16xi32>
    %select_n3A_474 = arith.select %lt3A_469, %broadcast_in_dim3A_472, %broadcast_in_dim3A_473 : vector<16xi1>, vector<16xi32>
    %add3A_475 = arith.addi %add3A_468, %select_n3A_474 : vector<16xi32>
    %lt3A_476 = arith.cmpf olt, %gather3A_70, %add3A_424 : vector<16xf32>
    %jit3A_477 = arith.constant 1 : i32
    %jit3A_478 = arith.constant 0 : i32
    %broadcast_in_dim3A_479 = vector.broadcast %jit3A_477 : i32 to vector<16xi32>
    %broadcast_in_dim3A_480 = vector.broadcast %jit3A_478 : i32 to vector<16xi32>
    %select_n3A_481 = arith.select %lt3A_476, %broadcast_in_dim3A_479, %broadcast_in_dim3A_480 : vector<16xi1>, vector<16xi32>
    %add3A_482 = arith.addi %add3A_475, %select_n3A_481 : vector<16xi32>
    %gather3A_483 = tpu.vector_load_idx %arg15[%get3A_413] : memref<10000xf32, #tpu.memory_space<vmem>>[vector<16xi32>], vector<16xf32>,
    %gather3A_484 = tpu.vector_load_idx %arg16[%get3A_415] : memref<10000xf32, #tpu.memory_space<vmem>>[vector<16xi32>], vector<16xf32>,
    %add3A_485 = arith.addf %gather3A_483, %gather3A_484 : vector<16xf32>
    %gather3A_486 = tpu.vector_load_idx %arg17[%get3A_411] : memref<10000xf32, #tpu.memory_space<vmem>>[vector<16xi32>], vector<16xf32>,
    %add3A_487 = arith.addf %add3A_485, %gather3A_486 : vector<16xf32>
    %gather3A_488 = tpu.vector_load_idx %arg21[%add3A_482] : memref<128xf32, #tpu.memory_space<vmem>>[vector<16xi32>], vector<16xf32>,
    %add3A_489 = arith.addf %add3A_487, %gather3A_488 : vector<16xf32>
    %neg3A_490 = arith.constant 0.000000e+00 : f32
    %neg3A_491 = vector.broadcast %neg3A_490 : f32 to vector<16xf32>
    %neg3A_492 = arith.subf %neg3A_491, %add3A_489 : vector<16xf32>
    %exp3A_493 = math.exp %neg3A_492 : vector<16xf32>
    %add3A_494 = arith.constant 1.000000e+00 : f32
    %add3A_495 = vector.broadcast %add3A_494 : f32 to vector<16xf32>
    %add3A_496 = arith.addf %add3A_495, %exp3A_493 : vector<16xf32>
    %div3A_497 = arith.constant 1.000000e+00 : f32
    %div3A_498 = vector.broadcast %div3A_497 : f32 to vector<16xf32>
    %div3A_499 = arith.divf %div3A_498, %add3A_496 : vector<16xf32>
    %gather3A_500 = tpu.vector_load_idx %arg18[%get3A_411] : memref<10240xf32, #tpu.memory_space<vmem>>[vector<16xi32>], vector<16xf32>,
    %gather3A_501 = tpu.vector_load_idx %arg18[%get3A_413] : memref<10240xf32, #tpu.memory_space<vmem>>[vector<16xi32>], vector<16xf32>,
    %mul3A_502 = arith.mulf %gather3A_500, %gather3A_501 : vector<16xf32>
    %iota3A_503 = tpu.iota {dimensions = array<i32: 0>} : vector<16xi32>
    %mul3A_504 = arith.constant 8 : i32
    %mul3A_505 = vector.broadcast %mul3A_504 : i32 to vector<16xi32>
    %mul3A_506 = arith.muli %iota3A_503, %mul3A_505 : vector<16xi32>
    %add3A_507 = arith.constant 384 : i32
    %add3A_508 = vector.broadcast %add3A_507 : i32 to vector<16xi32>
    %add3A_509 = arith.addi %mul3A_506, %add3A_508 : vector<16xi32>
    %convert_element_type3A_510 = arith.sitofp %get3A_411 : vector<16xi32> to vector<16xf32>
    tpu.vector_store_idx %arg27[%add3A_509], %convert_element_type3A_510 : memref<640xf32, #tpu.memory_space<vmem>>[vector<16xi32>], vector<16xf32>,
    %add3A_511 = arith.constant 1 : i32
    %add3A_512 = vector.broadcast %add3A_511 : i32 to vector<16xi32>
    %add3A_513 = arith.addi %add3A_509, %add3A_512 : vector<16xi32>
    %convert_element_type3A_514 = arith.sitofp %get3A_415 : vector<16xi32> to vector<16xf32>
    tpu.vector_store_idx %arg27[%add3A_513], %convert_element_type3A_514 : memref<640xf32, #tpu.memory_space<vmem>>[vector<16xi32>], vector<16xf32>,
    %add3A_515 = arith.constant 2 : i32
    %add3A_516 = vector.broadcast %add3A_515 : i32 to vector<16xi32>
    %add3A_517 = arith.addi %add3A_509, %add3A_516 : vector<16xi32>
    %convert_element_type3A_518 = arith.sitofp %get3A_413 : vector<16xi32> to vector<16xf32>
    tpu.vector_store_idx %arg27[%add3A_517], %convert_element_type3A_518 : memref<640xf32, #tpu.memory_space<vmem>>[vector<16xi32>], vector<16xf32>,
    %add3A_519 = arith.constant 3 : i32
    %add3A_520 = vector.broadcast %add3A_519 : i32 to vector<16xi32>
    %add3A_521 = arith.addi %add3A_509, %add3A_520 : vector<16xi32>
    %mul3A_522 = arith.mulf %div3A_499, %mul3A_502 : vector<16xf32>
    tpu.vector_store_idx %arg27[%add3A_521], %mul3A_522 : memref<640xf32, #tpu.memory_space<vmem>>[vector<16xi32>], vector<16xf32>,
    %add3A_523 = arith.constant 4 : i32
    %add3A_524 = vector.broadcast %add3A_523 : i32 to vector<16xi32>
    %add3A_525 = arith.addi %add3A_509, %add3A_524 : vector<16xi32>
    tpu.vector_store_idx %arg27[%add3A_525], %mul3A_502 : memref<640xf32, #tpu.memory_space<vmem>>[vector<16xi32>], vector<16xf32>,
    %get3A_526 = arith.constant 64 : index
    %get3A_527 = tpu.vector_load %arg24[%get3A_526] {strides = array<i32>} : memref<80xi32, #tpu.memory_space<vmem>>, vector<16xi32>,
    %get3A_528 = arith.constant 64 : index
    %get3A_529 = tpu.vector_load %arg25[%get3A_528] {strides = array<i32>} : memref<80xi32, #tpu.memory_space<vmem>>, vector<16xi32>,
    %get3A_530 = arith.constant 64 : index
    %get3A_531 = tpu.vector_load %arg26[%get3A_530] {strides = array<i32>} : memref<80xi32, #tpu.memory_space<vmem>>, vector<16xi32>,
    %gather3A_532 = tpu.vector_load_idx %arg19[%get3A_527] : memref<10000xf32, #tpu.memory_space<vmem>>[vector<16xi32>], vector<16xf32>,
    %gather3A_533 = tpu.vector_load_idx %arg20[%get3A_527] : memref<10000xf32, #tpu.memory_space<vmem>>[vector<16xi32>], vector<16xf32>,
    %gather3A_534 = tpu.vector_load_idx %arg19[%get3A_529] : memref<10000xf32, #tpu.memory_space<vmem>>[vector<16xi32>], vector<16xf32>,
    %gather3A_535 = tpu.vector_load_idx %arg20[%get3A_529] : memref<10000xf32, #tpu.memory_space<vmem>>[vector<16xi32>], vector<16xf32>,
    %sub3A_536 = arith.subf %gather3A_534, %gather3A_532 : vector<16xf32>
    %sub3A_537 = arith.subf %gather3A_535, %gather3A_533 : vector<16xf32>
    %mul3A_538 = arith.mulf %sub3A_536, %sub3A_536 : vector<16xf32>
    %mul3A_539 = arith.mulf %sub3A_537, %sub3A_537 : vector<16xf32>
    %add3A_540 = arith.addf %mul3A_538, %mul3A_539 : vector<16xf32>
    %broadcast_in_dim3A_541 = arith.constant 0 : i32
    %broadcast_in_dim3A_542 = vector.broadcast %broadcast_in_dim3A_541 : i32 to vector<16xi32>
    %lt3A_543 = arith.cmpf olt, %gather3A, %add3A_540 : vector<16xf32>
    %jit3A_544 = arith.constant 1 : i32
    %jit3A_545 = arith.constant 0 : i32
    %broadcast_in_dim3A_546 = vector.broadcast %jit3A_544 : i32 to vector<16xi32>
    %broadcast_in_dim3A_547 = vector.broadcast %jit3A_545 : i32 to vector<16xi32>
    %select_n3A_548 = arith.select %lt3A_543, %broadcast_in_dim3A_546, %broadcast_in_dim3A_547 : vector<16xi1>, vector<16xi32>
    %add3A_549 = arith.addi %broadcast_in_dim3A_542, %select_n3A_548 : vector<16xi32>
    %lt3A_550 = arith.cmpf olt, %gather3A_52, %add3A_540 : vector<16xf32>
    %jit3A_551 = arith.constant 1 : i32
    %jit3A_552 = arith.constant 0 : i32
    %broadcast_in_dim3A_553 = vector.broadcast %jit3A_551 : i32 to vector<16xi32>
    %broadcast_in_dim3A_554 = vector.broadcast %jit3A_552 : i32 to vector<16xi32>
    %select_n3A_555 = arith.select %lt3A_550, %broadcast_in_dim3A_553, %broadcast_in_dim3A_554 : vector<16xi1>, vector<16xi32>
    %add3A_556 = arith.addi %add3A_549, %select_n3A_555 : vector<16xi32>
    %lt3A_557 = arith.cmpf olt, %gather3A_55, %add3A_540 : vector<16xf32>
    %jit3A_558 = arith.constant 1 : i32
    %jit3A_559 = arith.constant 0 : i32
    %broadcast_in_dim3A_560 = vector.broadcast %jit3A_558 : i32 to vector<16xi32>
    %broadcast_in_dim3A_561 = vector.broadcast %jit3A_559 : i32 to vector<16xi32>
    %select_n3A_562 = arith.select %lt3A_557, %broadcast_in_dim3A_560, %broadcast_in_dim3A_561 : vector<16xi1>, vector<16xi32>
    %add3A_563 = arith.addi %add3A_556, %select_n3A_562 : vector<16xi32>
    %lt3A_564 = arith.cmpf olt, %gather3A_58, %add3A_540 : vector<16xf32>
    %jit3A_565 = arith.constant 1 : i32
    %jit3A_566 = arith.constant 0 : i32
    %broadcast_in_dim3A_567 = vector.broadcast %jit3A_565 : i32 to vector<16xi32>
    %broadcast_in_dim3A_568 = vector.broadcast %jit3A_566 : i32 to vector<16xi32>
    %select_n3A_569 = arith.select %lt3A_564, %broadcast_in_dim3A_567, %broadcast_in_dim3A_568 : vector<16xi1>, vector<16xi32>
    %add3A_570 = arith.addi %add3A_563, %select_n3A_569 : vector<16xi32>
    %lt3A_571 = arith.cmpf olt, %gather3A_61, %add3A_540 : vector<16xf32>
    %jit3A_572 = arith.constant 1 : i32
    %jit3A_573 = arith.constant 0 : i32
    %broadcast_in_dim3A_574 = vector.broadcast %jit3A_572 : i32 to vector<16xi32>
    %broadcast_in_dim3A_575 = vector.broadcast %jit3A_573 : i32 to vector<16xi32>
    %select_n3A_576 = arith.select %lt3A_571, %broadcast_in_dim3A_574, %broadcast_in_dim3A_575 : vector<16xi1>, vector<16xi32>
    %add3A_577 = arith.addi %add3A_570, %select_n3A_576 : vector<16xi32>
    %lt3A_578 = arith.cmpf olt, %gather3A_64, %add3A_540 : vector<16xf32>
    %jit3A_579 = arith.constant 1 : i32
    %jit3A_580 = arith.constant 0 : i32
    %broadcast_in_dim3A_581 = vector.broadcast %jit3A_579 : i32 to vector<16xi32>
    %broadcast_in_dim3A_582 = vector.broadcast %jit3A_580 : i32 to vector<16xi32>
    %select_n3A_583 = arith.select %lt3A_578, %broadcast_in_dim3A_581, %broadcast_in_dim3A_582 : vector<16xi1>, vector<16xi32>
    %add3A_584 = arith.addi %add3A_577, %select_n3A_583 : vector<16xi32>
    %lt3A_585 = arith.cmpf olt, %gather3A_67, %add3A_540 : vector<16xf32>
    %jit3A_586 = arith.constant 1 : i32
    %jit3A_587 = arith.constant 0 : i32
    %broadcast_in_dim3A_588 = vector.broadcast %jit3A_586 : i32 to vector<16xi32>
    %broadcast_in_dim3A_589 = vector.broadcast %jit3A_587 : i32 to vector<16xi32>
    %select_n3A_590 = arith.select %lt3A_585, %broadcast_in_dim3A_588, %broadcast_in_dim3A_589 : vector<16xi1>, vector<16xi32>
    %add3A_591 = arith.addi %add3A_584, %select_n3A_590 : vector<16xi32>
    %lt3A_592 = arith.cmpf olt, %gather3A_70, %add3A_540 : vector<16xf32>
    %jit3A_593 = arith.constant 1 : i32
    %jit3A_594 = arith.constant 0 : i32
    %broadcast_in_dim3A_595 = vector.broadcast %jit3A_593 : i32 to vector<16xi32>
    %broadcast_in_dim3A_596 = vector.broadcast %jit3A_594 : i32 to vector<16xi32>
    %select_n3A_597 = arith.select %lt3A_592, %broadcast_in_dim3A_595, %broadcast_in_dim3A_596 : vector<16xi1>, vector<16xi32>
    %add3A_598 = arith.addi %add3A_591, %select_n3A_597 : vector<16xi32>
    %gather3A_599 = tpu.vector_load_idx %arg15[%get3A_529] : memref<10000xf32, #tpu.memory_space<vmem>>[vector<16xi32>], vector<16xf32>,
    %gather3A_600 = tpu.vector_load_idx %arg16[%get3A_531] : memref<10000xf32, #tpu.memory_space<vmem>>[vector<16xi32>], vector<16xf32>,
    %add3A_601 = arith.addf %gather3A_599, %gather3A_600 : vector<16xf32>
    %gather3A_602 = tpu.vector_load_idx %arg17[%get3A_527] : memref<10000xf32, #tpu.memory_space<vmem>>[vector<16xi32>], vector<16xf32>,
    %add3A_603 = arith.addf %add3A_601, %gather3A_602 : vector<16xf32>
    %gather3A_604 = tpu.vector_load_idx %arg21[%add3A_598] : memref<128xf32, #tpu.memory_space<vmem>>[vector<16xi32>], vector<16xf32>,
    %add3A_605 = arith.addf %add3A_603, %gather3A_604 : vector<16xf32>
    %neg3A_606 = arith.constant 0.000000e+00 : f32
    %neg3A_607 = vector.broadcast %neg3A_606 : f32 to vector<16xf32>
    %neg3A_608 = arith.subf %neg3A_607, %add3A_605 : vector<16xf32>
    %exp3A_609 = math.exp %neg3A_608 : vector<16xf32>
    %add3A_610 = arith.constant 1.000000e+00 : f32
    %add3A_611 = vector.broadcast %add3A_610 : f32 to vector<16xf32>
    %add3A_612 = arith.addf %add3A_611, %exp3A_609 : vector<16xf32>
    %div3A_613 = arith.constant 1.000000e+00 : f32
    %div3A_614 = vector.broadcast %div3A_613 : f32 to vector<16xf32>
    %div3A_615 = arith.divf %div3A_614, %add3A_612 : vector<16xf32>
    %gather3A_616 = tpu.vector_load_idx %arg18[%get3A_527] : memref<10240xf32, #tpu.memory_space<vmem>>[vector<16xi32>], vector<16xf32>,
    %gather3A_617 = tpu.vector_load_idx %arg18[%get3A_529] : memref<10240xf32, #tpu.memory_space<vmem>>[vector<16xi32>], vector<16xf32>,
    %mul3A_618 = arith.mulf %gather3A_616, %gather3A_617 : vector<16xf32>
    %iota3A_619 = tpu.iota {dimensions = array<i32: 0>} : vector<16xi32>
    %mul3A_620 = arith.constant 8 : i32
    %mul3A_621 = vector.broadcast %mul3A_620 : i32 to vector<16xi32>
    %mul3A_622 = arith.muli %iota3A_619, %mul3A_621 : vector<16xi32>
    %add3A_623 = arith.constant 512 : i32
    %add3A_624 = vector.broadcast %add3A_623 : i32 to vector<16xi32>
    %add3A_625 = arith.addi %mul3A_622, %add3A_624 : vector<16xi32>
    %convert_element_type3A_626 = arith.sitofp %get3A_527 : vector<16xi32> to vector<16xf32>
    tpu.vector_store_idx %arg27[%add3A_625], %convert_element_type3A_626 : memref<640xf32, #tpu.memory_space<vmem>>[vector<16xi32>], vector<16xf32>,
    %add3A_627 = arith.constant 1 : i32
    %add3A_628 = vector.broadcast %add3A_627 : i32 to vector<16xi32>
    %add3A_629 = arith.addi %add3A_625, %add3A_628 : vector<16xi32>
    %convert_element_type3A_630 = arith.sitofp %get3A_531 : vector<16xi32> to vector<16xf32>
    tpu.vector_store_idx %arg27[%add3A_629], %convert_element_type3A_630 : memref<640xf32, #tpu.memory_space<vmem>>[vector<16xi32>], vector<16xf32>,
    %add3A_631 = arith.constant 2 : i32
    %add3A_632 = vector.broadcast %add3A_631 : i32 to vector<16xi32>
    %add3A_633 = arith.addi %add3A_625, %add3A_632 : vector<16xi32>
    %convert_element_type3A_634 = arith.sitofp %get3A_529 : vector<16xi32> to vector<16xf32>
    tpu.vector_store_idx %arg27[%add3A_633], %convert_element_type3A_634 : memref<640xf32, #tpu.memory_space<vmem>>[vector<16xi32>], vector<16xf32>,
    %add3A_635 = arith.constant 3 : i32
    %add3A_636 = vector.broadcast %add3A_635 : i32 to vector<16xi32>
    %add3A_637 = arith.addi %add3A_625, %add3A_636 : vector<16xi32>
    %mul3A_638 = arith.mulf %div3A_615, %mul3A_618 : vector<16xf32>
    tpu.vector_store_idx %arg27[%add3A_637], %mul3A_638 : memref<640xf32, #tpu.memory_space<vmem>>[vector<16xi32>], vector<16xf32>,
    %add3A_639 = arith.constant 4 : i32
    %add3A_640 = vector.broadcast %add3A_639 : i32 to vector<16xi32>
    %add3A_641 = arith.addi %add3A_625, %add3A_640 : vector<16xi32>
    tpu.vector_store_idx %arg27[%add3A_641], %mul3A_618 : memref<640xf32, #tpu.memory_space<vmem>>[vector<16xi32>], vector<16xf32>,
    %mul3A_642 = arith.constant 8 : i32
    %mul3A_643 = arith.muli %sub3A_47, %mul3A_642 : i32
    "tpu.region"() ({
      %run_scoped3A = tpu.sem_alloc : memref<!tpu.dma_semaphore, #tpu.memory_space<semaphore_mem>>
      %dma_start3A = tpu.memref_slice %arg13[%mul3A_643] : memref<1280000xf32, #tpu.memory_space<hbm>> -> memref<640xf32, #tpu.memory_space<hbm>>
      %dma_start3A_644 = tpu.memref_slice %arg13[%mul3A_643] : memref<1280000xf32, #tpu.memory_space<hbm>> -> memref<640xf32, #tpu.memory_space<hbm>>
      tpu.enqueue_dma source(%arg27 : memref<640xf32, #tpu.memory_space<vmem>>) target(%dma_start3A_644 : memref<640xf32, #tpu.memory_space<hbm>>) target_semaphore(%run_scoped3A : memref<!tpu.dma_semaphore, #tpu.memory_space<semaphore_mem>>)
      %dma_wait3A = tpu.memref_slice %arg13[%mul3A_643] : memref<1280000xf32, #tpu.memory_space<hbm>> -> memref<640xf32, #tpu.memory_space<hbm>>
      %dma_wait3A_645 = tpu.memref_slice %arg13[%mul3A_643] : memref<1280000xf32, #tpu.memory_space<hbm>> -> memref<640xf32, #tpu.memory_space<hbm>>
      tpu.wait_dma2 semaphore(%run_scoped3A : memref<!tpu.dma_semaphore, #tpu.memory_space<semaphore_mem>>) src(%arg27 : memref<640xf32, #tpu.memory_space<vmem>>) dst(%dma_wait3A_645 : memref<640xf32, #tpu.memory_space<hbm>>)
      tpu.yield
    }) : () -> ()
    return
  }
}

#map = affine_map<(d0, d1) -> (0, 0)>
#map1 = affine_map<(d0, d1) -> (0)>
#map2 = affine_map<(d0, d1) -> (0, 0, 0)>
module attributes {stable_mosaic.version = 14 : i64} {
  func.func @k(%arg0: i32, %arg1: i32, %arg2: memref<20000x128xf32, #tpu.memory_space<hbm>>, %arg3: memref<1280000xf32, #tpu.memory_space<hbm>>, %arg4: memref<2x10240x128xf32, #tpu.memory_space<hbm>>, %arg5: memref<10240x128xf32, #tpu.memory_space<vmem_shared>>, %arg6: memref<640xf32, #tpu.memory_space<vmem>>, %arg7: memref<640xf32, #tpu.memory_space<vmem>>, %arg8: memref<80xi32, #tpu.memory_space<vmem>>, %arg9: memref<80xi32, #tpu.memory_space<vmem>>, %arg10: memref<80xi32, #tpu.memory_space<vmem>>, %arg11: memref<80xi32, #tpu.memory_space<vmem>>, %arg12: memref<80xi32, #tpu.memory_space<vmem>>, %arg13: memref<80xi32, #tpu.memory_space<vmem>>, %arg14: memref<80x128xf32, #tpu.memory_space<vmem>>, %arg15: memref<80x128xf32, #tpu.memory_space<vmem>>, %arg16: memref<80x128xf32, #tpu.memory_space<vmem>>, %arg17: memref<80x128xf32, #tpu.memory_space<vmem>>, %arg18: memref<!tpu.dma_semaphore, #tpu.memory_space<semaphore_mem>>, %arg19: memref<!tpu.dma_semaphore, #tpu.memory_space<semaphore_mem>>, %arg20: memref<!tpu.dma_semaphore, #tpu.memory_space<semaphore_mem>>, %arg21: memref<!tpu.dma_semaphore, #tpu.memory_space<semaphore_mem>>) attributes {dimension_semantics = [#tpu.dimension_semantics<core_parallel>, #tpu.dimension_semantics<subcore_parallel>], iteration_bounds = array<i64: 2, 16>, scalar_prefetch = 0 : i64, scratch_operands = 17 : i64, tpu.core_type = #tpu.core_type<sc_vector_subcore>, window_params = [{transform_indices = #map}, {transform_indices = #map1}, {transform_indices = #map2}]} {
    %broadcast_in_dim3A = arith.constant 0.000000e+00 : f32
    %broadcast_in_dim3A_0 = vector.broadcast %broadcast_in_dim3A : f32 to vector<16xf32>
    %scan3A = arith.constant 0 : i32
    %scan3A_1 = arith.constant 0 : i32
    %scan3A_2 = arith.constant 80 : i32
    %scan3A_3 = arith.addi %scan3A_1, %scan3A_2 : i32
    %scan3A_4 = arith.constant 1 : i32
    %scan3A_5 = scf.for %scan3A_35 = %scan3A_1 to %scan3A_3 step %scan3A_4 iter_args(%scan3A_36 = %scan3A) -> (i32)  : i32 {
      %swap3A = arith.index_cast %scan3A_35 : i32 to index
      %swap3A_37 = arith.constant 0 : index
      %swap3A_38 = tpu.vector_load %arg14[%swap3A, %swap3A_37] {strides = array<i32>} : memref<80x128xf32, #tpu.memory_space<vmem>>, vector<16xf32>,
      tpu.vector_store %arg14[%swap3A, %swap3A_37], %broadcast_in_dim3A_0 {strides = array<i32>} : memref<80x128xf32, #tpu.memory_space<vmem>>, vector<16xf32>,
      %swap3A_39 = arith.index_cast %scan3A_35 : i32 to index
      %swap3A_40 = arith.constant 16 : index
      %swap3A_41 = tpu.vector_load %arg14[%swap3A_39, %swap3A_40] {strides = array<i32>} : memref<80x128xf32, #tpu.memory_space<vmem>>, vector<16xf32>,
      tpu.vector_store %arg14[%swap3A_39, %swap3A_40], %broadcast_in_dim3A_0 {strides = array<i32>} : memref<80x128xf32, #tpu.memory_space<vmem>>, vector<16xf32>,
      %swap3A_42 = arith.index_cast %scan3A_35 : i32 to index
      %swap3A_43 = arith.constant 32 : index
      %swap3A_44 = tpu.vector_load %arg14[%swap3A_42, %swap3A_43] {strides = array<i32>} : memref<80x128xf32, #tpu.memory_space<vmem>>, vector<16xf32>,
      tpu.vector_store %arg14[%swap3A_42, %swap3A_43], %broadcast_in_dim3A_0 {strides = array<i32>} : memref<80x128xf32, #tpu.memory_space<vmem>>, vector<16xf32>,
      %swap3A_45 = arith.index_cast %scan3A_35 : i32 to index
      %swap3A_46 = arith.constant 48 : index
      %swap3A_47 = tpu.vector_load %arg14[%swap3A_45, %swap3A_46] {strides = array<i32>} : memref<80x128xf32, #tpu.memory_space<vmem>>, vector<16xf32>,
      tpu.vector_store %arg14[%swap3A_45, %swap3A_46], %broadcast_in_dim3A_0 {strides = array<i32>} : memref<80x128xf32, #tpu.memory_space<vmem>>, vector<16xf32>,
      %swap3A_48 = arith.index_cast %scan3A_35 : i32 to index
      %swap3A_49 = arith.constant 64 : index
      %swap3A_50 = tpu.vector_load %arg14[%swap3A_48, %swap3A_49] {strides = array<i32>} : memref<80x128xf32, #tpu.memory_space<vmem>>, vector<16xf32>,
      tpu.vector_store %arg14[%swap3A_48, %swap3A_49], %broadcast_in_dim3A_0 {strides = array<i32>} : memref<80x128xf32, #tpu.memory_space<vmem>>, vector<16xf32>,
      %swap3A_51 = arith.index_cast %scan3A_35 : i32 to index
      %swap3A_52 = arith.constant 80 : index
      %swap3A_53 = tpu.vector_load %arg14[%swap3A_51, %swap3A_52] {strides = array<i32>} : memref<80x128xf32, #tpu.memory_space<vmem>>, vector<16xf32>,
      tpu.vector_store %arg14[%swap3A_51, %swap3A_52], %broadcast_in_dim3A_0 {strides = array<i32>} : memref<80x128xf32, #tpu.memory_space<vmem>>, vector<16xf32>,
      %swap3A_54 = arith.index_cast %scan3A_35 : i32 to index
      %swap3A_55 = arith.constant 96 : index
      %swap3A_56 = tpu.vector_load %arg14[%swap3A_54, %swap3A_55] {strides = array<i32>} : memref<80x128xf32, #tpu.memory_space<vmem>>, vector<16xf32>,
      tpu.vector_store %arg14[%swap3A_54, %swap3A_55], %broadcast_in_dim3A_0 {strides = array<i32>} : memref<80x128xf32, #tpu.memory_space<vmem>>, vector<16xf32>,
      %swap3A_57 = arith.index_cast %scan3A_35 : i32 to index
      %swap3A_58 = arith.constant 112 : index
      %swap3A_59 = tpu.vector_load %arg14[%swap3A_57, %swap3A_58] {strides = array<i32>} : memref<80x128xf32, #tpu.memory_space<vmem>>, vector<16xf32>,
      tpu.vector_store %arg14[%swap3A_57, %swap3A_58], %broadcast_in_dim3A_0 {strides = array<i32>} : memref<80x128xf32, #tpu.memory_space<vmem>>, vector<16xf32>,
      %scan3A_60 = arith.constant 0 : i32
      scf.yield %scan3A_60 : i32
    }
    %scan3A_6 = arith.constant 80 : i32
    %mul3A = arith.constant 640 : i32
    %mul3A_7 = arith.muli %arg1, %mul3A : i32
    %add3A = arith.constant 0 : i32
    %add3A_8 = arith.addi %mul3A_7, %add3A : i32
    "tpu.region"() ({
      %run_scoped3A = tpu.sem_alloc : memref<!tpu.dma_semaphore, #tpu.memory_space<semaphore_mem>>
      %dma_start3A = arith.constant 0 : i32
      %dma_start3A_35 = tpu.memref_slice %arg5[%add3A_8, %dma_start3A] : memref<10240x128xf32, #tpu.memory_space<vmem_shared>> -> memref<80x128xf32, #tpu.memory_space<vmem_shared>>
      %dma_start3A_36 = arith.constant 0 : i32
      %dma_start3A_37 = tpu.memref_slice %arg5[%add3A_8, %dma_start3A_36] : memref<10240x128xf32, #tpu.memory_space<vmem_shared>> -> memref<80x128xf32, #tpu.memory_space<vmem_shared>>
      tpu.enqueue_dma source(%arg14 : memref<80x128xf32, #tpu.memory_space<vmem>>) target(%dma_start3A_37 : memref<80x128xf32, #tpu.memory_space<vmem_shared>>) target_semaphore(%run_scoped3A : memref<!tpu.dma_semaphore, #tpu.memory_space<semaphore_mem>>)
      %dma_wait3A = arith.constant 0 : i32
      %dma_wait3A_38 = tpu.memref_slice %arg5[%add3A_8, %dma_wait3A] : memref<10240x128xf32, #tpu.memory_space<vmem_shared>> -> memref<80x128xf32, #tpu.memory_space<vmem_shared>>
      %dma_wait3A_39 = arith.constant 0 : i32
      %dma_wait3A_40 = tpu.memref_slice %arg5[%add3A_8, %dma_wait3A_39] : memref<10240x128xf32, #tpu.memory_space<vmem_shared>> -> memref<80x128xf32, #tpu.memory_space<vmem_shared>>
      tpu.wait_dma2 semaphore(%run_scoped3A : memref<!tpu.dma_semaphore, #tpu.memory_space<semaphore_mem>>) src(%arg14 : memref<80x128xf32, #tpu.memory_space<vmem>>) dst(%dma_wait3A_40 : memref<80x128xf32, #tpu.memory_space<vmem_shared>>)
      tpu.yield
    }) : () -> ()
    %add3A_9 = arith.constant 80 : i32
    %add3A_10 = arith.addi %mul3A_7, %add3A_9 : i32
    "tpu.region"() ({
      %run_scoped3A = tpu.sem_alloc : memref<!tpu.dma_semaphore, #tpu.memory_space<semaphore_mem>>
      %dma_start3A = arith.constant 0 : i32
      %dma_start3A_35 = tpu.memref_slice %arg5[%add3A_10, %dma_start3A] : memref<10240x128xf32, #tpu.memory_space<vmem_shared>> -> memref<80x128xf32, #tpu.memory_space<vmem_shared>>
      %dma_start3A_36 = arith.constant 0 : i32
      %dma_start3A_37 = tpu.memref_slice %arg5[%add3A_10, %dma_start3A_36] : memref<10240x128xf32, #tpu.memory_space<vmem_shared>> -> memref<80x128xf32, #tpu.memory_space<vmem_shared>>
      tpu.enqueue_dma source(%arg14 : memref<80x128xf32, #tpu.memory_space<vmem>>) target(%dma_start3A_37 : memref<80x128xf32, #tpu.memory_space<vmem_shared>>) target_semaphore(%run_scoped3A : memref<!tpu.dma_semaphore, #tpu.memory_space<semaphore_mem>>)
      %dma_wait3A = arith.constant 0 : i32
      %dma_wait3A_38 = tpu.memref_slice %arg5[%add3A_10, %dma_wait3A] : memref<10240x128xf32, #tpu.memory_space<vmem_shared>> -> memref<80x128xf32, #tpu.memory_space<vmem_shared>>
      %dma_wait3A_39 = arith.constant 0 : i32
      %dma_wait3A_40 = tpu.memref_slice %arg5[%add3A_10, %dma_wait3A_39] : memref<10240x128xf32, #tpu.memory_space<vmem_shared>> -> memref<80x128xf32, #tpu.memory_space<vmem_shared>>
      tpu.wait_dma2 semaphore(%run_scoped3A : memref<!tpu.dma_semaphore, #tpu.memory_space<semaphore_mem>>) src(%arg14 : memref<80x128xf32, #tpu.memory_space<vmem>>) dst(%dma_wait3A_40 : memref<80x128xf32, #tpu.memory_space<vmem_shared>>)
      tpu.yield
    }) : () -> ()
    %add3A_11 = arith.constant 160 : i32
    %add3A_12 = arith.addi %mul3A_7, %add3A_11 : i32
    "tpu.region"() ({
      %run_scoped3A = tpu.sem_alloc : memref<!tpu.dma_semaphore, #tpu.memory_space<semaphore_mem>>
      %dma_start3A = arith.constant 0 : i32
      %dma_start3A_35 = tpu.memref_slice %arg5[%add3A_12, %dma_start3A] : memref<10240x128xf32, #tpu.memory_space<vmem_shared>> -> memref<80x128xf32, #tpu.memory_space<vmem_shared>>
      %dma_start3A_36 = arith.constant 0 : i32
      %dma_start3A_37 = tpu.memref_slice %arg5[%add3A_12, %dma_start3A_36] : memref<10240x128xf32, #tpu.memory_space<vmem_shared>> -> memref<80x128xf32, #tpu.memory_space<vmem_shared>>
      tpu.enqueue_dma source(%arg14 : memref<80x128xf32, #tpu.memory_space<vmem>>) target(%dma_start3A_37 : memref<80x128xf32, #tpu.memory_space<vmem_shared>>) target_semaphore(%run_scoped3A : memref<!tpu.dma_semaphore, #tpu.memory_space<semaphore_mem>>)
      %dma_wait3A = arith.constant 0 : i32
      %dma_wait3A_38 = tpu.memref_slice %arg5[%add3A_12, %dma_wait3A] : memref<10240x128xf32, #tpu.memory_space<vmem_shared>> -> memref<80x128xf32, #tpu.memory_space<vmem_shared>>
      %dma_wait3A_39 = arith.constant 0 : i32
      %dma_wait3A_40 = tpu.memref_slice %arg5[%add3A_12, %dma_wait3A_39] : memref<10240x128xf32, #tpu.memory_space<vmem_shared>> -> memref<80x128xf32, #tpu.memory_space<vmem_shared>>
      tpu.wait_dma2 semaphore(%run_scoped3A : memref<!tpu.dma_semaphore, #tpu.memory_space<semaphore_mem>>) src(%arg14 : memref<80x128xf32, #tpu.memory_space<vmem>>) dst(%dma_wait3A_40 : memref<80x128xf32, #tpu.memory_space<vmem_shared>>)
      tpu.yield
    }) : () -> ()
    %add3A_13 = arith.constant 240 : i32
    %add3A_14 = arith.addi %mul3A_7, %add3A_13 : i32
    "tpu.region"() ({
      %run_scoped3A = tpu.sem_alloc : memref<!tpu.dma_semaphore, #tpu.memory_space<semaphore_mem>>
      %dma_start3A = arith.constant 0 : i32
      %dma_start3A_35 = tpu.memref_slice %arg5[%add3A_14, %dma_start3A] : memref<10240x128xf32, #tpu.memory_space<vmem_shared>> -> memref<80x128xf32, #tpu.memory_space<vmem_shared>>
      %dma_start3A_36 = arith.constant 0 : i32
      %dma_start3A_37 = tpu.memref_slice %arg5[%add3A_14, %dma_start3A_36] : memref<10240x128xf32, #tpu.memory_space<vmem_shared>> -> memref<80x128xf32, #tpu.memory_space<vmem_shared>>
      tpu.enqueue_dma source(%arg14 : memref<80x128xf32, #tpu.memory_space<vmem>>) target(%dma_start3A_37 : memref<80x128xf32, #tpu.memory_space<vmem_shared>>) target_semaphore(%run_scoped3A : memref<!tpu.dma_semaphore, #tpu.memory_space<semaphore_mem>>)
      %dma_wait3A = arith.constant 0 : i32
      %dma_wait3A_38 = tpu.memref_slice %arg5[%add3A_14, %dma_wait3A] : memref<10240x128xf32, #tpu.memory_space<vmem_shared>> -> memref<80x128xf32, #tpu.memory_space<vmem_shared>>
      %dma_wait3A_39 = arith.constant 0 : i32
      %dma_wait3A_40 = tpu.memref_slice %arg5[%add3A_14, %dma_wait3A_39] : memref<10240x128xf32, #tpu.memory_space<vmem_shared>> -> memref<80x128xf32, #tpu.memory_space<vmem_shared>>
      tpu.wait_dma2 semaphore(%run_scoped3A : memref<!tpu.dma_semaphore, #tpu.memory_space<semaphore_mem>>) src(%arg14 : memref<80x128xf32, #tpu.memory_space<vmem>>) dst(%dma_wait3A_40 : memref<80x128xf32, #tpu.memory_space<vmem_shared>>)
      tpu.yield
    }) : () -> ()
    %add3A_15 = arith.constant 320 : i32
    %add3A_16 = arith.addi %mul3A_7, %add3A_15 : i32
    "tpu.region"() ({
      %run_scoped3A = tpu.sem_alloc : memref<!tpu.dma_semaphore, #tpu.memory_space<semaphore_mem>>
      %dma_start3A = arith.constant 0 : i32
      %dma_start3A_35 = tpu.memref_slice %arg5[%add3A_16, %dma_start3A] : memref<10240x128xf32, #tpu.memory_space<vmem_shared>> -> memref<80x128xf32, #tpu.memory_space<vmem_shared>>
      %dma_start3A_36 = arith.constant 0 : i32
      %dma_start3A_37 = tpu.memref_slice %arg5[%add3A_16, %dma_start3A_36] : memref<10240x128xf32, #tpu.memory_space<vmem_shared>> -> memref<80x128xf32, #tpu.memory_space<vmem_shared>>
      tpu.enqueue_dma source(%arg14 : memref<80x128xf32, #tpu.memory_space<vmem>>) target(%dma_start3A_37 : memref<80x128xf32, #tpu.memory_space<vmem_shared>>) target_semaphore(%run_scoped3A : memref<!tpu.dma_semaphore, #tpu.memory_space<semaphore_mem>>)
      %dma_wait3A = arith.constant 0 : i32
      %dma_wait3A_38 = tpu.memref_slice %arg5[%add3A_16, %dma_wait3A] : memref<10240x128xf32, #tpu.memory_space<vmem_shared>> -> memref<80x128xf32, #tpu.memory_space<vmem_shared>>
      %dma_wait3A_39 = arith.constant 0 : i32
      %dma_wait3A_40 = tpu.memref_slice %arg5[%add3A_16, %dma_wait3A_39] : memref<10240x128xf32, #tpu.memory_space<vmem_shared>> -> memref<80x128xf32, #tpu.memory_space<vmem_shared>>
      tpu.wait_dma2 semaphore(%run_scoped3A : memref<!tpu.dma_semaphore, #tpu.memory_space<semaphore_mem>>) src(%arg14 : memref<80x128xf32, #tpu.memory_space<vmem>>) dst(%dma_wait3A_40 : memref<80x128xf32, #tpu.memory_space<vmem_shared>>)
      tpu.yield
    }) : () -> ()
    %add3A_17 = arith.constant 400 : i32
    %add3A_18 = arith.addi %mul3A_7, %add3A_17 : i32
    "tpu.region"() ({
      %run_scoped3A = tpu.sem_alloc : memref<!tpu.dma_semaphore, #tpu.memory_space<semaphore_mem>>
      %dma_start3A = arith.constant 0 : i32
      %dma_start3A_35 = tpu.memref_slice %arg5[%add3A_18, %dma_start3A] : memref<10240x128xf32, #tpu.memory_space<vmem_shared>> -> memref<80x128xf32, #tpu.memory_space<vmem_shared>>
      %dma_start3A_36 = arith.constant 0 : i32
      %dma_start3A_37 = tpu.memref_slice %arg5[%add3A_18, %dma_start3A_36] : memref<10240x128xf32, #tpu.memory_space<vmem_shared>> -> memref<80x128xf32, #tpu.memory_space<vmem_shared>>
      tpu.enqueue_dma source(%arg14 : memref<80x128xf32, #tpu.memory_space<vmem>>) target(%dma_start3A_37 : memref<80x128xf32, #tpu.memory_space<vmem_shared>>) target_semaphore(%run_scoped3A : memref<!tpu.dma_semaphore, #tpu.memory_space<semaphore_mem>>)
      %dma_wait3A = arith.constant 0 : i32
      %dma_wait3A_38 = tpu.memref_slice %arg5[%add3A_18, %dma_wait3A] : memref<10240x128xf32, #tpu.memory_space<vmem_shared>> -> memref<80x128xf32, #tpu.memory_space<vmem_shared>>
      %dma_wait3A_39 = arith.constant 0 : i32
      %dma_wait3A_40 = tpu.memref_slice %arg5[%add3A_18, %dma_wait3A_39] : memref<10240x128xf32, #tpu.memory_space<vmem_shared>> -> memref<80x128xf32, #tpu.memory_space<vmem_shared>>
      tpu.wait_dma2 semaphore(%run_scoped3A : memref<!tpu.dma_semaphore, #tpu.memory_space<semaphore_mem>>) src(%arg14 : memref<80x128xf32, #tpu.memory_space<vmem>>) dst(%dma_wait3A_40 : memref<80x128xf32, #tpu.memory_space<vmem_shared>>)
      tpu.yield
    }) : () -> ()
    %add3A_19 = arith.constant 480 : i32
    %add3A_20 = arith.addi %mul3A_7, %add3A_19 : i32
    "tpu.region"() ({
      %run_scoped3A = tpu.sem_alloc : memref<!tpu.dma_semaphore, #tpu.memory_space<semaphore_mem>>
      %dma_start3A = arith.constant 0 : i32
      %dma_start3A_35 = tpu.memref_slice %arg5[%add3A_20, %dma_start3A] : memref<10240x128xf32, #tpu.memory_space<vmem_shared>> -> memref<80x128xf32, #tpu.memory_space<vmem_shared>>
      %dma_start3A_36 = arith.constant 0 : i32
      %dma_start3A_37 = tpu.memref_slice %arg5[%add3A_20, %dma_start3A_36] : memref<10240x128xf32, #tpu.memory_space<vmem_shared>> -> memref<80x128xf32, #tpu.memory_space<vmem_shared>>
      tpu.enqueue_dma source(%arg14 : memref<80x128xf32, #tpu.memory_space<vmem>>) target(%dma_start3A_37 : memref<80x128xf32, #tpu.memory_space<vmem_shared>>) target_semaphore(%run_scoped3A : memref<!tpu.dma_semaphore, #tpu.memory_space<semaphore_mem>>)
      %dma_wait3A = arith.constant 0 : i32
      %dma_wait3A_38 = tpu.memref_slice %arg5[%add3A_20, %dma_wait3A] : memref<10240x128xf32, #tpu.memory_space<vmem_shared>> -> memref<80x128xf32, #tpu.memory_space<vmem_shared>>
      %dma_wait3A_39 = arith.constant 0 : i32
      %dma_wait3A_40 = tpu.memref_slice %arg5[%add3A_20, %dma_wait3A_39] : memref<10240x128xf32, #tpu.memory_space<vmem_shared>> -> memref<80x128xf32, #tpu.memory_space<vmem_shared>>
      tpu.wait_dma2 semaphore(%run_scoped3A : memref<!tpu.dma_semaphore, #tpu.memory_space<semaphore_mem>>) src(%arg14 : memref<80x128xf32, #tpu.memory_space<vmem>>) dst(%dma_wait3A_40 : memref<80x128xf32, #tpu.memory_space<vmem_shared>>)
      tpu.yield
    }) : () -> ()
    %add3A_21 = arith.constant 560 : i32
    %add3A_22 = arith.addi %mul3A_7, %add3A_21 : i32
    "tpu.region"() ({
      %run_scoped3A = tpu.sem_alloc : memref<!tpu.dma_semaphore, #tpu.memory_space<semaphore_mem>>
      %dma_start3A = arith.constant 0 : i32
      %dma_start3A_35 = tpu.memref_slice %arg5[%add3A_22, %dma_start3A] : memref<10240x128xf32, #tpu.memory_space<vmem_shared>> -> memref<80x128xf32, #tpu.memory_space<vmem_shared>>
      %dma_start3A_36 = arith.constant 0 : i32
      %dma_start3A_37 = tpu.memref_slice %arg5[%add3A_22, %dma_start3A_36] : memref<10240x128xf32, #tpu.memory_space<vmem_shared>> -> memref<80x128xf32, #tpu.memory_space<vmem_shared>>
      tpu.enqueue_dma source(%arg14 : memref<80x128xf32, #tpu.memory_space<vmem>>) target(%dma_start3A_37 : memref<80x128xf32, #tpu.memory_space<vmem_shared>>) target_semaphore(%run_scoped3A : memref<!tpu.dma_semaphore, #tpu.memory_space<semaphore_mem>>)
      %dma_wait3A = arith.constant 0 : i32
      %dma_wait3A_38 = tpu.memref_slice %arg5[%add3A_22, %dma_wait3A] : memref<10240x128xf32, #tpu.memory_space<vmem_shared>> -> memref<80x128xf32, #tpu.memory_space<vmem_shared>>
      %dma_wait3A_39 = arith.constant 0 : i32
      %dma_wait3A_40 = tpu.memref_slice %arg5[%add3A_22, %dma_wait3A_39] : memref<10240x128xf32, #tpu.memory_space<vmem_shared>> -> memref<80x128xf32, #tpu.memory_space<vmem_shared>>
      tpu.wait_dma2 semaphore(%run_scoped3A : memref<!tpu.dma_semaphore, #tpu.memory_space<semaphore_mem>>) src(%arg14 : memref<80x128xf32, #tpu.memory_space<vmem>>) dst(%dma_wait3A_40 : memref<80x128xf32, #tpu.memory_space<vmem_shared>>)
      tpu.yield
    }) : () -> ()
    %barrier3A = arith.constant 0 : index
    tpu.barrier barrier_id(%barrier3A)
    %mul3A_23 = arith.constant 10000 : i32
    %mul3A_24 = arith.muli %arg0, %mul3A_23 : i32
    %mul3A_25 = arith.constant 10000 : i32
    %mul3A_26 = arith.muli %arg1, %mul3A_25 : i32
    %scan3A_27 = arith.constant 0 : i32
    %scan3A_28 = arith.constant 0 : i32
    %scan3A_29 = arith.constant 63 : i32
    %scan3A_30 = arith.addi %scan3A_28, %scan3A_29 : i32
    %scan3A_31 = arith.constant 1 : i32
    %scan3A_32 = scf.for %scan3A_35 = %scan3A_28 to %scan3A_30 step %scan3A_31 iter_args(%scan3A_36 = %scan3A_27) -> (i32)  : i32 {
      %mul3A_37 = arith.constant 2 : i32
      %mul3A_38 = arith.muli %mul3A_37, %scan3A_35 : i32
      %mul3A_39 = arith.constant 2 : i32
      %mul3A_40 = arith.muli %mul3A_39, %scan3A_35 : i32
      %add3A_41 = arith.constant 1 : i32
      %add3A_42 = arith.addi %mul3A_40, %add3A_41 : i32
      %mul3A_43 = arith.constant 80 : i32
      %mul3A_44 = arith.muli %mul3A_38, %mul3A_43 : i32
      %add3A_45 = arith.addi %mul3A_26, %mul3A_44 : i32
      %mul3A_46 = arith.constant 8 : i32
      %mul3A_47 = arith.muli %add3A_45, %mul3A_46 : i32
      "tpu.region"() ({
        %run_scoped3A = tpu.sem_alloc : memref<!tpu.dma_semaphore, #tpu.memory_space<semaphore_mem>>
        %dma_start3A_202 = tpu.memref_slice %arg3[%mul3A_47] : memref<1280000xf32, #tpu.memory_space<hbm>> -> memref<640xf32, #tpu.memory_space<hbm>>
        %dma_start3A_203 = tpu.memref_slice %arg3[%mul3A_47] : memref<1280000xf32, #tpu.memory_space<hbm>> -> memref<640xf32, #tpu.memory_space<hbm>>
        tpu.enqueue_dma source(%dma_start3A_203 : memref<640xf32, #tpu.memory_space<hbm>>) target(%arg6 : memref<640xf32, #tpu.memory_space<vmem>>) target_semaphore(%run_scoped3A : memref<!tpu.dma_semaphore, #tpu.memory_space<semaphore_mem>>)
        %dma_wait3A = tpu.memref_slice %arg3[%mul3A_47] : memref<1280000xf32, #tpu.memory_space<hbm>> -> memref<640xf32, #tpu.memory_space<hbm>>
        %dma_wait3A_204 = tpu.memref_slice %arg3[%mul3A_47] : memref<1280000xf32, #tpu.memory_space<hbm>> -> memref<640xf32, #tpu.memory_space<hbm>>
        tpu.wait_dma2 semaphore(%run_scoped3A : memref<!tpu.dma_semaphore, #tpu.memory_space<semaphore_mem>>) src(%dma_wait3A_204 : memref<640xf32, #tpu.memory_space<hbm>>) dst(%arg6 : memref<640xf32, #tpu.memory_space<vmem>>)
        tpu.yield
      }) : () -> ()
      %iota3A = tpu.iota {dimensions = array<i32: 0>} : vector<16xi32>
      %mul3A_48 = arith.constant 8 : i32
      %mul3A_49 = vector.broadcast %mul3A_48 : i32 to vector<16xi32>
      %mul3A_50 = arith.muli %iota3A, %mul3A_49 : vector<16xi32>
      %add3A_51 = arith.constant 0 : i32
      %add3A_52 = vector.broadcast %add3A_51 : i32 to vector<16xi32>
      %add3A_53 = arith.addi %mul3A_50, %add3A_52 : vector<16xi32>
      %gather3A = tpu.vector_load_idx %arg6[%add3A_53] : memref<640xf32, #tpu.memory_space<vmem>>[vector<16xi32>], vector<16xf32>,
      %convert_element_type3A = arith.fptosi %gather3A : vector<16xf32> to vector<16xi32>
      %add3A_54 = arith.constant 1 : i32
      %add3A_55 = vector.broadcast %add3A_54 : i32 to vector<16xi32>
      %add3A_56 = arith.addi %add3A_53, %add3A_55 : vector<16xi32>
      %gather3A_57 = tpu.vector_load_idx %arg6[%add3A_56] : memref<640xf32, #tpu.memory_space<vmem>>[vector<16xi32>], vector<16xf32>,
      %convert_element_type3A_58 = arith.fptosi %gather3A_57 : vector<16xf32> to vector<16xi32>
      %add3A_59 = arith.constant 2 : i32
      %add3A_60 = vector.broadcast %add3A_59 : i32 to vector<16xi32>
      %add3A_61 = arith.addi %add3A_53, %add3A_60 : vector<16xi32>
      %gather3A_62 = tpu.vector_load_idx %arg6[%add3A_61] : memref<640xf32, #tpu.memory_space<vmem>>[vector<16xi32>], vector<16xf32>,
      %convert_element_type3A_63 = arith.fptosi %gather3A_62 : vector<16xf32> to vector<16xi32>
      %add3A_64 = vector.broadcast %mul3A_24 : i32 to vector<16xi32>
      %add3A_65 = arith.addi %convert_element_type3A, %add3A_64 : vector<16xi32>
      %swap3A = arith.constant 0 : index
      %swap3A_66 = tpu.vector_load %arg8[%swap3A] {strides = array<i32>} : memref<80xi32, #tpu.memory_space<vmem>>, vector<16xi32>,
      tpu.vector_store %arg8[%swap3A], %add3A_65 {strides = array<i32>} : memref<80xi32, #tpu.memory_space<vmem>>, vector<16xi32>,
      %add3A_67 = vector.broadcast %mul3A_24 : i32 to vector<16xi32>
      %add3A_68 = arith.addi %convert_element_type3A_58, %add3A_67 : vector<16xi32>
      %swap3A_69 = arith.constant 0 : index
      %swap3A_70 = tpu.vector_load %arg10[%swap3A_69] {strides = array<i32>} : memref<80xi32, #tpu.memory_space<vmem>>, vector<16xi32>,
      tpu.vector_store %arg10[%swap3A_69], %add3A_68 {strides = array<i32>} : memref<80xi32, #tpu.memory_space<vmem>>, vector<16xi32>,
      %swap3A_71 = arith.constant 0 : index
      %swap3A_72 = tpu.vector_load %arg12[%swap3A_71] {strides = array<i32>} : memref<80xi32, #tpu.memory_space<vmem>>, vector<16xi32>,
      tpu.vector_store %arg12[%swap3A_71], %convert_element_type3A_63 {strides = array<i32>} : memref<80xi32, #tpu.memory_space<vmem>>, vector<16xi32>,
      %iota3A_73 = tpu.iota {dimensions = array<i32: 0>} : vector<16xi32>
      %mul3A_74 = arith.constant 8 : i32
      %mul3A_75 = vector.broadcast %mul3A_74 : i32 to vector<16xi32>
      %mul3A_76 = arith.muli %iota3A_73, %mul3A_75 : vector<16xi32>
      %add3A_77 = arith.constant 128 : i32
      %add3A_78 = vector.broadcast %add3A_77 : i32 to vector<16xi32>
      %add3A_79 = arith.addi %mul3A_76, %add3A_78 : vector<16xi32>
      %gather3A_80 = tpu.vector_load_idx %arg6[%add3A_79] : memref<640xf32, #tpu.memory_space<vmem>>[vector<16xi32>], vector<16xf32>,
      %convert_element_type3A_81 = arith.fptosi %gather3A_80 : vector<16xf32> to vector<16xi32>
      %add3A_82 = arith.constant 1 : i32
      %add3A_83 = vector.broadcast %add3A_82 : i32 to vector<16xi32>
      %add3A_84 = arith.addi %add3A_79, %add3A_83 : vector<16xi32>
      %gather3A_85 = tpu.vector_load_idx %arg6[%add3A_84] : memref<640xf32, #tpu.memory_space<vmem>>[vector<16xi32>], vector<16xf32>,
      %convert_element_type3A_86 = arith.fptosi %gather3A_85 : vector<16xf32> to vector<16xi32>
      %add3A_87 = arith.constant 2 : i32
      %add3A_88 = vector.broadcast %add3A_87 : i32 to vector<16xi32>
      %add3A_89 = arith.addi %add3A_79, %add3A_88 : vector<16xi32>
      %gather3A_90 = tpu.vector_load_idx %arg6[%add3A_89] : memref<640xf32, #tpu.memory_space<vmem>>[vector<16xi32>], vector<16xf32>,
      %convert_element_type3A_91 = arith.fptosi %gather3A_90 : vector<16xf32> to vector<16xi32>
      %add3A_92 = vector.broadcast %mul3A_24 : i32 to vector<16xi32>
      %add3A_93 = arith.addi %convert_element_type3A_81, %add3A_92 : vector<16xi32>
      %swap3A_94 = arith.constant 16 : index
      %swap3A_95 = tpu.vector_load %arg8[%swap3A_94] {strides = array<i32>} : memref<80xi32, #tpu.memory_space<vmem>>, vector<16xi32>,
      tpu.vector_store %arg8[%swap3A_94], %add3A_93 {strides = array<i32>} : memref<80xi32, #tpu.memory_space<vmem>>, vector<16xi32>,
      %add3A_96 = vector.broadcast %mul3A_24 : i32 to vector<16xi32>
      %add3A_97 = arith.addi %convert_element_type3A_86, %add3A_96 : vector<16xi32>
      %swap3A_98 = arith.constant 16 : index
      %swap3A_99 = tpu.vector_load %arg10[%swap3A_98] {strides = array<i32>} : memref<80xi32, #tpu.memory_space<vmem>>, vector<16xi32>,
      tpu.vector_store %arg10[%swap3A_98], %add3A_97 {strides = array<i32>} : memref<80xi32, #tpu.memory_space<vmem>>, vector<16xi32>,
      %swap3A_100 = arith.constant 16 : index
      %swap3A_101 = tpu.vector_load %arg12[%swap3A_100] {strides = array<i32>} : memref<80xi32, #tpu.memory_space<vmem>>, vector<16xi32>,
      tpu.vector_store %arg12[%swap3A_100], %convert_element_type3A_91 {strides = array<i32>} : memref<80xi32, #tpu.memory_space<vmem>>, vector<16xi32>,
      %iota3A_102 = tpu.iota {dimensions = array<i32: 0>} : vector<16xi32>
      %mul3A_103 = arith.constant 8 : i32
      %mul3A_104 = vector.broadcast %mul3A_103 : i32 to vector<16xi32>
      %mul3A_105 = arith.muli %iota3A_102, %mul3A_104 : vector<16xi32>
      %add3A_106 = arith.constant 256 : i32
      %add3A_107 = vector.broadcast %add3A_106 : i32 to vector<16xi32>
      %add3A_108 = arith.addi %mul3A_105, %add3A_107 : vector<16xi32>
      %gather3A_109 = tpu.vector_load_idx %arg6[%add3A_108] : memref<640xf32, #tpu.memory_space<vmem>>[vector<16xi32>], vector<16xf32>,
      %convert_element_type3A_110 = arith.fptosi %gather3A_109 : vector<16xf32> to vector<16xi32>
      %add3A_111 = arith.constant 1 : i32
      %add3A_112 = vector.broadcast %add3A_111 : i32 to vector<16xi32>
      %add3A_113 = arith.addi %add3A_108, %add3A_112 : vector<16xi32>
      %gather3A_114 = tpu.vector_load_idx %arg6[%add3A_113] : memref<640xf32, #tpu.memory_space<vmem>>[vector<16xi32>], vector<16xf32>,
      %convert_element_type3A_115 = arith.fptosi %gather3A_114 : vector<16xf32> to vector<16xi32>
      %add3A_116 = arith.constant 2 : i32
      %add3A_117 = vector.broadcast %add3A_116 : i32 to vector<16xi32>
      %add3A_118 = arith.addi %add3A_108, %add3A_117 : vector<16xi32>
      %gather3A_119 = tpu.vector_load_idx %arg6[%add3A_118] : memref<640xf32, #tpu.memory_space<vmem>>[vector<16xi32>], vector<16xf32>,
      %convert_element_type3A_120 = arith.fptosi %gather3A_119 : vector<16xf32> to vector<16xi32>
      %add3A_121 = vector.broadcast %mul3A_24 : i32 to vector<16xi32>
      %add3A_122 = arith.addi %convert_element_type3A_110, %add3A_121 : vector<16xi32>
      %swap3A_123 = arith.constant 32 : index
      %swap3A_124 = tpu.vector_load %arg8[%swap3A_123] {strides = array<i32>} : memref<80xi32, #tpu.memory_space<vmem>>, vector<16xi32>,
      tpu.vector_store %arg8[%swap3A_123], %add3A_122 {strides = array<i32>} : memref<80xi32, #tpu.memory_space<vmem>>, vector<16xi32>,
      %add3A_125 = vector.broadcast %mul3A_24 : i32 to vector<16xi32>
      %add3A_126 = arith.addi %convert_element_type3A_115, %add3A_125 : vector<16xi32>
      %swap3A_127 = arith.constant 32 : index
      %swap3A_128 = tpu.vector_load %arg10[%swap3A_127] {strides = array<i32>} : memref<80xi32, #tpu.memory_space<vmem>>, vector<16xi32>,
      tpu.vector_store %arg10[%swap3A_127], %add3A_126 {strides = array<i32>} : memref<80xi32, #tpu.memory_space<vmem>>, vector<16xi32>,
      %swap3A_129 = arith.constant 32 : index
      %swap3A_130 = tpu.vector_load %arg12[%swap3A_129] {strides = array<i32>} : memref<80xi32, #tpu.memory_space<vmem>>, vector<16xi32>,
      tpu.vector_store %arg12[%swap3A_129], %convert_element_type3A_120 {strides = array<i32>} : memref<80xi32, #tpu.memory_space<vmem>>, vector<16xi32>,
      %iota3A_131 = tpu.iota {dimensions = array<i32: 0>} : vector<16xi32>
      %mul3A_132 = arith.constant 8 : i32
      %mul3A_133 = vector.broadcast %mul3A_132 : i32 to vector<16xi32>
      %mul3A_134 = arith.muli %iota3A_131, %mul3A_133 : vector<16xi32>
      %add3A_135 = arith.constant 384 : i32
      %add3A_136 = vector.broadcast %add3A_135 : i32 to vector<16xi32>
      %add3A_137 = arith.addi %mul3A_134, %add3A_136 : vector<16xi32>
      %gather3A_138 = tpu.vector_load_idx %arg6[%add3A_137] : memref<640xf32, #tpu.memory_space<vmem>>[vector<16xi32>], vector<16xf32>,
      %convert_element_type3A_139 = arith.fptosi %gather3A_138 : vector<16xf32> to vector<16xi32>
      %add3A_140 = arith.constant 1 : i32
      %add3A_141 = vector.broadcast %add3A_140 : i32 to vector<16xi32>
      %add3A_142 = arith.addi %add3A_137, %add3A_141 : vector<16xi32>
      %gather3A_143 = tpu.vector_load_idx %arg6[%add3A_142] : memref<640xf32, #tpu.memory_space<vmem>>[vector<16xi32>], vector<16xf32>,
      %convert_element_type3A_144 = arith.fptosi %gather3A_143 : vector<16xf32> to vector<16xi32>
      %add3A_145 = arith.constant 2 : i32
      %add3A_146 = vector.broadcast %add3A_145 : i32 to vector<16xi32>
      %add3A_147 = arith.addi %add3A_137, %add3A_146 : vector<16xi32>
      %gather3A_148 = tpu.vector_load_idx %arg6[%add3A_147] : memref<640xf32, #tpu.memory_space<vmem>>[vector<16xi32>], vector<16xf32>,
      %convert_element_type3A_149 = arith.fptosi %gather3A_148 : vector<16xf32> to vector<16xi32>
      %add3A_150 = vector.broadcast %mul3A_24 : i32 to vector<16xi32>
      %add3A_151 = arith.addi %convert_element_type3A_139, %add3A_150 : vector<16xi32>
      %swap3A_152 = arith.constant 48 : index
      %swap3A_153 = tpu.vector_load %arg8[%swap3A_152] {strides = array<i32>} : memref<80xi32, #tpu.memory_space<vmem>>, vector<16xi32>,
      tpu.vector_store %arg8[%swap3A_152], %add3A_151 {strides = array<i32>} : memref<80xi32, #tpu.memory_space<vmem>>, vector<16xi32>,
      %add3A_154 = vector.broadcast %mul3A_24 : i32 to vector<16xi32>
      %add3A_155 = arith.addi %convert_element_type3A_144, %add3A_154 : vector<16xi32>
      %swap3A_156 = arith.constant 48 : index
      %swap3A_157 = tpu.vector_load %arg10[%swap3A_156] {strides = array<i32>} : memref<80xi32, #tpu.memory_space<vmem>>, vector<16xi32>,
      tpu.vector_store %arg10[%swap3A_156], %add3A_155 {strides = array<i32>} : memref<80xi32, #tpu.memory_space<vmem>>, vector<16xi32>,
      %swap3A_158 = arith.constant 48 : index
      %swap3A_159 = tpu.vector_load %arg12[%swap3A_158] {strides = array<i32>} : memref<80xi32, #tpu.memory_space<vmem>>, vector<16xi32>,
      tpu.vector_store %arg12[%swap3A_158], %convert_element_type3A_149 {strides = array<i32>} : memref<80xi32, #tpu.memory_space<vmem>>, vector<16xi32>,
      %iota3A_160 = tpu.iota {dimensions = array<i32: 0>} : vector<16xi32>
      %mul3A_161 = arith.constant 8 : i32
      %mul3A_162 = vector.broadcast %mul3A_161 : i32 to vector<16xi32>
      %mul3A_163 = arith.muli %iota3A_160, %mul3A_162 : vector<16xi32>
      %add3A_164 = arith.constant 512 : i32
      %add3A_165 = vector.broadcast %add3A_164 : i32 to vector<16xi32>
      %add3A_166 = arith.addi %mul3A_163, %add3A_165 : vector<16xi32>
      %gather3A_167 = tpu.vector_load_idx %arg6[%add3A_166] : memref<640xf32, #tpu.memory_space<vmem>>[vector<16xi32>], vector<16xf32>,
      %convert_element_type3A_168 = arith.fptosi %gather3A_167 : vector<16xf32> to vector<16xi32>
      %add3A_169 = arith.constant 1 : i32
      %add3A_170 = vector.broadcast %add3A_169 : i32 to vector<16xi32>
      %add3A_171 = arith.addi %add3A_166, %add3A_170 : vector<16xi32>
      %gather3A_172 = tpu.vector_load_idx %arg6[%add3A_171] : memref<640xf32, #tpu.memory_space<vmem>>[vector<16xi32>], vector<16xf32>,
      %convert_element_type3A_173 = arith.fptosi %gather3A_172 : vector<16xf32> to vector<16xi32>
      %add3A_174 = arith.constant 2 : i32
      %add3A_175 = vector.broadcast %add3A_174 : i32 to vector<16xi32>
      %add3A_176 = arith.addi %add3A_166, %add3A_175 : vector<16xi32>
      %gather3A_177 = tpu.vector_load_idx %arg6[%add3A_176] : memref<640xf32, #tpu.memory_space<vmem>>[vector<16xi32>], vector<16xf32>,
      %convert_element_type3A_178 = arith.fptosi %gather3A_177 : vector<16xf32> to vector<16xi32>
      %add3A_179 = vector.broadcast %mul3A_24 : i32 to vector<16xi32>
      %add3A_180 = arith.addi %convert_element_type3A_168, %add3A_179 : vector<16xi32>
      %swap3A_181 = arith.constant 64 : index
      %swap3A_182 = tpu.vector_load %arg8[%swap3A_181] {strides = array<i32>} : memref<80xi32, #tpu.memory_space<vmem>>, vector<16xi32>,
      tpu.vector_store %arg8[%swap3A_181], %add3A_180 {strides = array<i32>} : memref<80xi32, #tpu.memory_space<vmem>>, vector<16xi32>,
      %add3A_183 = vector.broadcast %mul3A_24 : i32 to vector<16xi32>
      %add3A_184 = arith.addi %convert_element_type3A_173, %add3A_183 : vector<16xi32>
      %swap3A_185 = arith.constant 64 : index
      %swap3A_186 = tpu.vector_load %arg10[%swap3A_185] {strides = array<i32>} : memref<80xi32, #tpu.memory_space<vmem>>, vector<16xi32>,
      tpu.vector_store %arg10[%swap3A_185], %add3A_184 {strides = array<i32>} : memref<80xi32, #tpu.memory_space<vmem>>, vector<16xi32>,
      %swap3A_187 = arith.constant 64 : index
      %swap3A_188 = tpu.vector_load %arg12[%swap3A_187] {strides = array<i32>} : memref<80xi32, #tpu.memory_space<vmem>>, vector<16xi32>,
      tpu.vector_store %arg12[%swap3A_187], %convert_element_type3A_178 {strides = array<i32>} : memref<80xi32, #tpu.memory_space<vmem>>, vector<16xi32>,
      %dma_start3A = arith.constant 0 : i32
      %dma_start3A_189 = arith.constant 0 : i32
      %dma_start3A_190 = tpu.memref_slice %arg2[%dma_start3A, %dma_start3A_189] : memref<20000x128xf32, #tpu.memory_space<hbm>> -> memref<20000x128xf32, #tpu.memory_space<hbm>>
      tpu.enqueue_indirect_dma source(%dma_start3A_190 : memref<20000x128xf32, #tpu.memory_space<hbm>>) target(%arg14 : memref<80x128xf32, #tpu.memory_space<vmem>>) offsets(%arg8 : memref<80xi32, #tpu.memory_space<vmem>>) semaphore(%arg18 : memref<!tpu.dma_semaphore, #tpu.memory_space<semaphore_mem>>)
      %dma_start3A_191 = arith.constant 0 : i32
      %dma_start3A_192 = arith.constant 0 : i32
      %dma_start3A_193 = tpu.memref_slice %arg2[%dma_start3A_191, %dma_start3A_192] : memref<20000x128xf32, #tpu.memory_space<hbm>> -> memref<20000x128xf32, #tpu.memory_space<hbm>>
      tpu.enqueue_indirect_dma source(%dma_start3A_193 : memref<20000x128xf32, #tpu.memory_space<hbm>>) target(%arg16 : memref<80x128xf32, #tpu.memory_space<vmem>>) offsets(%arg10 : memref<80xi32, #tpu.memory_space<vmem>>) semaphore(%arg18 : memref<!tpu.dma_semaphore, #tpu.memory_space<semaphore_mem>>)
      %lt3A = arith.constant 125 : i32
      %lt3A_194 = arith.cmpi slt, %add3A_42, %lt3A : i32
      %convert_element_type3A_195 = arith.extui %lt3A_194 : i1 to i32
      %cond3A = arith.constant 0 : i32
      %cond3A_196 = arith.cmpi ne, %convert_element_type3A_195, %cond3A : i32
      scf.if %cond3A_196 {
        %mul3A_202 = arith.constant 80 : i32
        %mul3A_203 = arith.muli %add3A_42, %mul3A_202 : i32
        %add3A_204 = arith.addi %mul3A_26, %mul3A_203 : i32
        %mul3A_205 = arith.constant 8 : i32
        %mul3A_206 = arith.muli %add3A_204, %mul3A_205 : i32
        "tpu.region"() ({
          %run_scoped3A = tpu.sem_alloc : memref<!tpu.dma_semaphore, #tpu.memory_space<semaphore_mem>>
          %dma_start3A_395 = tpu.memref_slice %arg3[%mul3A_206] : memref<1280000xf32, #tpu.memory_space<hbm>> -> memref<640xf32, #tpu.memory_space<hbm>>
          %dma_start3A_396 = tpu.memref_slice %arg3[%mul3A_206] : memref<1280000xf32, #tpu.memory_space<hbm>> -> memref<640xf32, #tpu.memory_space<hbm>>
          tpu.enqueue_dma source(%dma_start3A_396 : memref<640xf32, #tpu.memory_space<hbm>>) target(%arg7 : memref<640xf32, #tpu.memory_space<vmem>>) target_semaphore(%run_scoped3A : memref<!tpu.dma_semaphore, #tpu.memory_space<semaphore_mem>>)
          %dma_wait3A_397 = tpu.memref_slice %arg3[%mul3A_206] : memref<1280000xf32, #tpu.memory_space<hbm>> -> memref<640xf32, #tpu.memory_space<hbm>>
          %dma_wait3A_398 = tpu.memref_slice %arg3[%mul3A_206] : memref<1280000xf32, #tpu.memory_space<hbm>> -> memref<640xf32, #tpu.memory_space<hbm>>
          tpu.wait_dma2 semaphore(%run_scoped3A : memref<!tpu.dma_semaphore, #tpu.memory_space<semaphore_mem>>) src(%dma_wait3A_398 : memref<640xf32, #tpu.memory_space<hbm>>) dst(%arg7 : memref<640xf32, #tpu.memory_space<vmem>>)
          tpu.yield
        }) : () -> ()
        %iota3A_207 = tpu.iota {dimensions = array<i32: 0>} : vector<16xi32>
        %mul3A_208 = arith.constant 8 : i32
        %mul3A_209 = vector.broadcast %mul3A_208 : i32 to vector<16xi32>
        %mul3A_210 = arith.muli %iota3A_207, %mul3A_209 : vector<16xi32>
        %add3A_211 = arith.constant 0 : i32
        %add3A_212 = vector.broadcast %add3A_211 : i32 to vector<16xi32>
        %add3A_213 = arith.addi %mul3A_210, %add3A_212 : vector<16xi32>
        %gather3A_214 = tpu.vector_load_idx %arg7[%add3A_213] : memref<640xf32, #tpu.memory_space<vmem>>[vector<16xi32>], vector<16xf32>,
        %convert_element_type3A_215 = arith.fptosi %gather3A_214 : vector<16xf32> to vector<16xi32>
        %add3A_216 = arith.constant 1 : i32
        %add3A_217 = vector.broadcast %add3A_216 : i32 to vector<16xi32>
        %add3A_218 = arith.addi %add3A_213, %add3A_217 : vector<16xi32>
        %gather3A_219 = tpu.vector_load_idx %arg7[%add3A_218] : memref<640xf32, #tpu.memory_space<vmem>>[vector<16xi32>], vector<16xf32>,
        %convert_element_type3A_220 = arith.fptosi %gather3A_219 : vector<16xf32> to vector<16xi32>
        %add3A_221 = arith.constant 2 : i32
        %add3A_222 = vector.broadcast %add3A_221 : i32 to vector<16xi32>
        %add3A_223 = arith.addi %add3A_213, %add3A_222 : vector<16xi32>
        %gather3A_224 = tpu.vector_load_idx %arg7[%add3A_223] : memref<640xf32, #tpu.memory_space<vmem>>[vector<16xi32>], vector<16xf32>,
        %convert_element_type3A_225 = arith.fptosi %gather3A_224 : vector<16xf32> to vector<16xi32>
        %add3A_226 = vector.broadcast %mul3A_24 : i32 to vector<16xi32>
        %add3A_227 = arith.addi %convert_element_type3A_215, %add3A_226 : vector<16xi32>
        %swap3A_228 = arith.constant 0 : index
        %swap3A_229 = tpu.vector_load %arg9[%swap3A_228] {strides = array<i32>} : memref<80xi32, #tpu.memory_space<vmem>>, vector<16xi32>,
        tpu.vector_store %arg9[%swap3A_228], %add3A_227 {strides = array<i32>} : memref<80xi32, #tpu.memory_space<vmem>>, vector<16xi32>,
        %add3A_230 = vector.broadcast %mul3A_24 : i32 to vector<16xi32>
        %add3A_231 = arith.addi %convert_element_type3A_220, %add3A_230 : vector<16xi32>
        %swap3A_232 = arith.constant 0 : index
        %swap3A_233 = tpu.vector_load %arg11[%swap3A_232] {strides = array<i32>} : memref<80xi32, #tpu.memory_space<vmem>>, vector<16xi32>,
        tpu.vector_store %arg11[%swap3A_232], %add3A_231 {strides = array<i32>} : memref<80xi32, #tpu.memory_space<vmem>>, vector<16xi32>,
        %swap3A_234 = arith.constant 0 : index
        %swap3A_235 = tpu.vector_load %arg13[%swap3A_234] {strides = array<i32>} : memref<80xi32, #tpu.memory_space<vmem>>, vector<16xi32>,
        tpu.vector_store %arg13[%swap3A_234], %convert_element_type3A_225 {strides = array<i32>} : memref<80xi32, #tpu.memory_space<vmem>>, vector<16xi32>,
        %iota3A_236 = tpu.iota {dimensions = array<i32: 0>} : vector<16xi32>
        %mul3A_237 = arith.constant 8 : i32
        %mul3A_238 = vector.broadcast %mul3A_237 : i32 to vector<16xi32>
        %mul3A_239 = arith.muli %iota3A_236, %mul3A_238 : vector<16xi32>
        %add3A_240 = arith.constant 128 : i32
        %add3A_241 = vector.broadcast %add3A_240 : i32 to vector<16xi32>
        %add3A_242 = arith.addi %mul3A_239, %add3A_241 : vector<16xi32>
        %gather3A_243 = tpu.vector_load_idx %arg7[%add3A_242] : memref<640xf32, #tpu.memory_space<vmem>>[vector<16xi32>], vector<16xf32>,
        %convert_element_type3A_244 = arith.fptosi %gather3A_243 : vector<16xf32> to vector<16xi32>
        %add3A_245 = arith.constant 1 : i32
        %add3A_246 = vector.broadcast %add3A_245 : i32 to vector<16xi32>
        %add3A_247 = arith.addi %add3A_242, %add3A_246 : vector<16xi32>
        %gather3A_248 = tpu.vector_load_idx %arg7[%add3A_247] : memref<640xf32, #tpu.memory_space<vmem>>[vector<16xi32>], vector<16xf32>,
        %convert_element_type3A_249 = arith.fptosi %gather3A_248 : vector<16xf32> to vector<16xi32>
        %add3A_250 = arith.constant 2 : i32
        %add3A_251 = vector.broadcast %add3A_250 : i32 to vector<16xi32>
        %add3A_252 = arith.addi %add3A_242, %add3A_251 : vector<16xi32>
        %gather3A_253 = tpu.vector_load_idx %arg7[%add3A_252] : memref<640xf32, #tpu.memory_space<vmem>>[vector<16xi32>], vector<16xf32>,
        %convert_element_type3A_254 = arith.fptosi %gather3A_253 : vector<16xf32> to vector<16xi32>
        %add3A_255 = vector.broadcast %mul3A_24 : i32 to vector<16xi32>
        %add3A_256 = arith.addi %convert_element_type3A_244, %add3A_255 : vector<16xi32>
        %swap3A_257 = arith.constant 16 : index
        %swap3A_258 = tpu.vector_load %arg9[%swap3A_257] {strides = array<i32>} : memref<80xi32, #tpu.memory_space<vmem>>, vector<16xi32>,
        tpu.vector_store %arg9[%swap3A_257], %add3A_256 {strides = array<i32>} : memref<80xi32, #tpu.memory_space<vmem>>, vector<16xi32>,
        %add3A_259 = vector.broadcast %mul3A_24 : i32 to vector<16xi32>
        %add3A_260 = arith.addi %convert_element_type3A_249, %add3A_259 : vector<16xi32>
        %swap3A_261 = arith.constant 16 : index
        %swap3A_262 = tpu.vector_load %arg11[%swap3A_261] {strides = array<i32>} : memref<80xi32, #tpu.memory_space<vmem>>, vector<16xi32>,
        tpu.vector_store %arg11[%swap3A_261], %add3A_260 {strides = array<i32>} : memref<80xi32, #tpu.memory_space<vmem>>, vector<16xi32>,
        %swap3A_263 = arith.constant 16 : index
        %swap3A_264 = tpu.vector_load %arg13[%swap3A_263] {strides = array<i32>} : memref<80xi32, #tpu.memory_space<vmem>>, vector<16xi32>,
        tpu.vector_store %arg13[%swap3A_263], %convert_element_type3A_254 {strides = array<i32>} : memref<80xi32, #tpu.memory_space<vmem>>, vector<16xi32>,
        %iota3A_265 = tpu.iota {dimensions = array<i32: 0>} : vector<16xi32>
        %mul3A_266 = arith.constant 8 : i32
        %mul3A_267 = vector.broadcast %mul3A_266 : i32 to vector<16xi32>
        %mul3A_268 = arith.muli %iota3A_265, %mul3A_267 : vector<16xi32>
        %add3A_269 = arith.constant 256 : i32
        %add3A_270 = vector.broadcast %add3A_269 : i32 to vector<16xi32>
        %add3A_271 = arith.addi %mul3A_268, %add3A_270 : vector<16xi32>
        %gather3A_272 = tpu.vector_load_idx %arg7[%add3A_271] : memref<640xf32, #tpu.memory_space<vmem>>[vector<16xi32>], vector<16xf32>,
        %convert_element_type3A_273 = arith.fptosi %gather3A_272 : vector<16xf32> to vector<16xi32>
        %add3A_274 = arith.constant 1 : i32
        %add3A_275 = vector.broadcast %add3A_274 : i32 to vector<16xi32>
        %add3A_276 = arith.addi %add3A_271, %add3A_275 : vector<16xi32>
        %gather3A_277 = tpu.vector_load_idx %arg7[%add3A_276] : memref<640xf32, #tpu.memory_space<vmem>>[vector<16xi32>], vector<16xf32>,
        %convert_element_type3A_278 = arith.fptosi %gather3A_277 : vector<16xf32> to vector<16xi32>
        %add3A_279 = arith.constant 2 : i32
        %add3A_280 = vector.broadcast %add3A_279 : i32 to vector<16xi32>
        %add3A_281 = arith.addi %add3A_271, %add3A_280 : vector<16xi32>
        %gather3A_282 = tpu.vector_load_idx %arg7[%add3A_281] : memref<640xf32, #tpu.memory_space<vmem>>[vector<16xi32>], vector<16xf32>,
        %convert_element_type3A_283 = arith.fptosi %gather3A_282 : vector<16xf32> to vector<16xi32>
        %add3A_284 = vector.broadcast %mul3A_24 : i32 to vector<16xi32>
        %add3A_285 = arith.addi %convert_element_type3A_273, %add3A_284 : vector<16xi32>
        %swap3A_286 = arith.constant 32 : index
        %swap3A_287 = tpu.vector_load %arg9[%swap3A_286] {strides = array<i32>} : memref<80xi32, #tpu.memory_space<vmem>>, vector<16xi32>,
        tpu.vector_store %arg9[%swap3A_286], %add3A_285 {strides = array<i32>} : memref<80xi32, #tpu.memory_space<vmem>>, vector<16xi32>,
        %add3A_288 = vector.broadcast %mul3A_24 : i32 to vector<16xi32>
        %add3A_289 = arith.addi %convert_element_type3A_278, %add3A_288 : vector<16xi32>
        %swap3A_290 = arith.constant 32 : index
        %swap3A_291 = tpu.vector_load %arg11[%swap3A_290] {strides = array<i32>} : memref<80xi32, #tpu.memory_space<vmem>>, vector<16xi32>,
        tpu.vector_store %arg11[%swap3A_290], %add3A_289 {strides = array<i32>} : memref<80xi32, #tpu.memory_space<vmem>>, vector<16xi32>,
        %swap3A_292 = arith.constant 32 : index
        %swap3A_293 = tpu.vector_load %arg13[%swap3A_292] {strides = array<i32>} : memref<80xi32, #tpu.memory_space<vmem>>, vector<16xi32>,
        tpu.vector_store %arg13[%swap3A_292], %convert_element_type3A_283 {strides = array<i32>} : memref<80xi32, #tpu.memory_space<vmem>>, vector<16xi32>,
        %iota3A_294 = tpu.iota {dimensions = array<i32: 0>} : vector<16xi32>
        %mul3A_295 = arith.constant 8 : i32
        %mul3A_296 = vector.broadcast %mul3A_295 : i32 to vector<16xi32>
        %mul3A_297 = arith.muli %iota3A_294, %mul3A_296 : vector<16xi32>
        %add3A_298 = arith.constant 384 : i32
        %add3A_299 = vector.broadcast %add3A_298 : i32 to vector<16xi32>
        %add3A_300 = arith.addi %mul3A_297, %add3A_299 : vector<16xi32>
        %gather3A_301 = tpu.vector_load_idx %arg7[%add3A_300] : memref<640xf32, #tpu.memory_space<vmem>>[vector<16xi32>], vector<16xf32>,
        %convert_element_type3A_302 = arith.fptosi %gather3A_301 : vector<16xf32> to vector<16xi32>
        %add3A_303 = arith.constant 1 : i32
        %add3A_304 = vector.broadcast %add3A_303 : i32 to vector<16xi32>
        %add3A_305 = arith.addi %add3A_300, %add3A_304 : vector<16xi32>
        %gather3A_306 = tpu.vector_load_idx %arg7[%add3A_305] : memref<640xf32, #tpu.memory_space<vmem>>[vector<16xi32>], vector<16xf32>,
        %convert_element_type3A_307 = arith.fptosi %gather3A_306 : vector<16xf32> to vector<16xi32>
        %add3A_308 = arith.constant 2 : i32
        %add3A_309 = vector.broadcast %add3A_308 : i32 to vector<16xi32>
        %add3A_310 = arith.addi %add3A_300, %add3A_309 : vector<16xi32>
        %gather3A_311 = tpu.vector_load_idx %arg7[%add3A_310] : memref<640xf32, #tpu.memory_space<vmem>>[vector<16xi32>], vector<16xf32>,
        %convert_element_type3A_312 = arith.fptosi %gather3A_311 : vector<16xf32> to vector<16xi32>
        %add3A_313 = vector.broadcast %mul3A_24 : i32 to vector<16xi32>
        %add3A_314 = arith.addi %convert_element_type3A_302, %add3A_313 : vector<16xi32>
        %swap3A_315 = arith.constant 48 : index
        %swap3A_316 = tpu.vector_load %arg9[%swap3A_315] {strides = array<i32>} : memref<80xi32, #tpu.memory_space<vmem>>, vector<16xi32>,
        tpu.vector_store %arg9[%swap3A_315], %add3A_314 {strides = array<i32>} : memref<80xi32, #tpu.memory_space<vmem>>, vector<16xi32>,
        %add3A_317 = vector.broadcast %mul3A_24 : i32 to vector<16xi32>
        %add3A_318 = arith.addi %convert_element_type3A_307, %add3A_317 : vector<16xi32>
        %swap3A_319 = arith.constant 48 : index
        %swap3A_320 = tpu.vector_load %arg11[%swap3A_319] {strides = array<i32>} : memref<80xi32, #tpu.memory_space<vmem>>, vector<16xi32>,
        tpu.vector_store %arg11[%swap3A_319], %add3A_318 {strides = array<i32>} : memref<80xi32, #tpu.memory_space<vmem>>, vector<16xi32>,
        %swap3A_321 = arith.constant 48 : index
        %swap3A_322 = tpu.vector_load %arg13[%swap3A_321] {strides = array<i32>} : memref<80xi32, #tpu.memory_space<vmem>>, vector<16xi32>,
        tpu.vector_store %arg13[%swap3A_321], %convert_element_type3A_312 {strides = array<i32>} : memref<80xi32, #tpu.memory_space<vmem>>, vector<16xi32>,
        %iota3A_323 = tpu.iota {dimensions = array<i32: 0>} : vector<16xi32>
        %mul3A_324 = arith.constant 8 : i32
        %mul3A_325 = vector.broadcast %mul3A_324 : i32 to vector<16xi32>
        %mul3A_326 = arith.muli %iota3A_323, %mul3A_325 : vector<16xi32>
        %add3A_327 = arith.constant 512 : i32
        %add3A_328 = vector.broadcast %add3A_327 : i32 to vector<16xi32>
        %add3A_329 = arith.addi %mul3A_326, %add3A_328 : vector<16xi32>
        %gather3A_330 = tpu.vector_load_idx %arg7[%add3A_329] : memref<640xf32, #tpu.memory_space<vmem>>[vector<16xi32>], vector<16xf32>,
        %convert_element_type3A_331 = arith.fptosi %gather3A_330 : vector<16xf32> to vector<16xi32>
        %add3A_332 = arith.constant 1 : i32
        %add3A_333 = vector.broadcast %add3A_332 : i32 to vector<16xi32>
        %add3A_334 = arith.addi %add3A_329, %add3A_333 : vector<16xi32>
        %gather3A_335 = tpu.vector_load_idx %arg7[%add3A_334] : memref<640xf32, #tpu.memory_space<vmem>>[vector<16xi32>], vector<16xf32>,
        %convert_element_type3A_336 = arith.fptosi %gather3A_335 : vector<16xf32> to vector<16xi32>
        %add3A_337 = arith.constant 2 : i32
        %add3A_338 = vector.broadcast %add3A_337 : i32 to vector<16xi32>
        %add3A_339 = arith.addi %add3A_329, %add3A_338 : vector<16xi32>
        %gather3A_340 = tpu.vector_load_idx %arg7[%add3A_339] : memref<640xf32, #tpu.memory_space<vmem>>[vector<16xi32>], vector<16xf32>,
        %convert_element_type3A_341 = arith.fptosi %gather3A_340 : vector<16xf32> to vector<16xi32>
        %add3A_342 = vector.broadcast %mul3A_24 : i32 to vector<16xi32>
        %add3A_343 = arith.addi %convert_element_type3A_331, %add3A_342 : vector<16xi32>
        %swap3A_344 = arith.constant 64 : index
        %swap3A_345 = tpu.vector_load %arg9[%swap3A_344] {strides = array<i32>} : memref<80xi32, #tpu.memory_space<vmem>>, vector<16xi32>,
        tpu.vector_store %arg9[%swap3A_344], %add3A_343 {strides = array<i32>} : memref<80xi32, #tpu.memory_space<vmem>>, vector<16xi32>,
        %add3A_346 = vector.broadcast %mul3A_24 : i32 to vector<16xi32>
        %add3A_347 = arith.addi %convert_element_type3A_336, %add3A_346 : vector<16xi32>
        %swap3A_348 = arith.constant 64 : index
        %swap3A_349 = tpu.vector_load %arg11[%swap3A_348] {strides = array<i32>} : memref<80xi32, #tpu.memory_space<vmem>>, vector<16xi32>,
        tpu.vector_store %arg11[%swap3A_348], %add3A_347 {strides = array<i32>} : memref<80xi32, #tpu.memory_space<vmem>>, vector<16xi32>,
        %swap3A_350 = arith.constant 64 : index
        %swap3A_351 = tpu.vector_load %arg13[%swap3A_350] {strides = array<i32>} : memref<80xi32, #tpu.memory_space<vmem>>, vector<16xi32>,
        tpu.vector_store %arg13[%swap3A_350], %convert_element_type3A_341 {strides = array<i32>} : memref<80xi32, #tpu.memory_space<vmem>>, vector<16xi32>,
        %dma_start3A_352 = arith.constant 0 : i32
        %dma_start3A_353 = arith.constant 0 : i32
        %dma_start3A_354 = tpu.memref_slice %arg2[%dma_start3A_352, %dma_start3A_353] : memref<20000x128xf32, #tpu.memory_space<hbm>> -> memref<20000x128xf32, #tpu.memory_space<hbm>>
        tpu.enqueue_indirect_dma source(%dma_start3A_354 : memref<20000x128xf32, #tpu.memory_space<hbm>>) target(%arg15 : memref<80x128xf32, #tpu.memory_space<vmem>>) offsets(%arg9 : memref<80xi32, #tpu.memory_space<vmem>>) semaphore(%arg19 : memref<!tpu.dma_semaphore, #tpu.memory_space<semaphore_mem>>)
        %dma_start3A_355 = arith.constant 0 : i32
        %dma_start3A_356 = arith.constant 0 : i32
        %dma_start3A_357 = tpu.memref_slice %arg2[%dma_start3A_355, %dma_start3A_356] : memref<20000x128xf32, #tpu.memory_space<hbm>> -> memref<20000x128xf32, #tpu.memory_space<hbm>>
        tpu.enqueue_indirect_dma source(%dma_start3A_357 : memref<20000x128xf32, #tpu.memory_space<hbm>>) target(%arg17 : memref<80x128xf32, #tpu.memory_space<vmem>>) offsets(%arg11 : memref<80xi32, #tpu.memory_space<vmem>>) semaphore(%arg19 : memref<!tpu.dma_semaphore, #tpu.memory_space<semaphore_mem>>)
        %dma_wait3A = arith.constant 0 : i32
        %dma_wait3A_358 = arith.constant 0 : i32
        %dma_wait3A_359 = tpu.memref_slice %arg2[%dma_wait3A, %dma_wait3A_358] : memref<20000x128xf32, #tpu.memory_space<hbm>> -> memref<20000x128xf32, #tpu.memory_space<hbm>>
        tpu.wait_indirect_dma semaphore(%arg18 : memref<!tpu.dma_semaphore, #tpu.memory_space<semaphore_mem>>) src(%dma_wait3A_359 : memref<20000x128xf32, #tpu.memory_space<hbm>>) dst(%arg14 : memref<80x128xf32, #tpu.memory_space<vmem>>)
        %dma_wait3A_360 = arith.constant 0 : i32
        %dma_wait3A_361 = arith.constant 0 : i32
        %dma_wait3A_362 = tpu.memref_slice %arg2[%dma_wait3A_360, %dma_wait3A_361] : memref<20000x128xf32, #tpu.memory_space<hbm>> -> memref<20000x128xf32, #tpu.memory_space<hbm>>
        tpu.wait_indirect_dma semaphore(%arg18 : memref<!tpu.dma_semaphore, #tpu.memory_space<semaphore_mem>>) src(%dma_wait3A_362 : memref<20000x128xf32, #tpu.memory_space<hbm>>) dst(%arg16 : memref<80x128xf32, #tpu.memory_space<vmem>>)
        %scan3A_363 = arith.constant 0 : i32
        %scan3A_364 = arith.constant 0 : i32
        %scan3A_365 = arith.constant 80 : i32
        %scan3A_366 = arith.addi %scan3A_364, %scan3A_365 : i32
        %scan3A_367 = arith.constant 1 : i32
        %scan3A_368 = scf.for %scan3A_395 = %scan3A_364 to %scan3A_366 step %scan3A_367 iter_args(%scan3A_396 = %scan3A_363) -> (i32)  : i32 {
          %mul3A_397 = arith.constant 8 : i32
          %mul3A_398 = arith.muli %scan3A_395, %mul3A_397 : i32
          %add3A_399 = arith.constant 3 : i32
          %add3A_400 = arith.addi %mul3A_398, %add3A_399 : i32
          %broadcast_in_dim3A_401 = vector.broadcast %add3A_400 : i32 to vector<16xi32>
          %gather3A_402 = tpu.vector_load_idx %arg6[%broadcast_in_dim3A_401] : memref<640xf32, #tpu.memory_space<vmem>>[vector<16xi32>], vector<16xf32>,
          %mul3A_403 = arith.constant 8 : i32
          %mul3A_404 = arith.muli %scan3A_395, %mul3A_403 : i32
          %add3A_405 = arith.constant 4 : i32
          %add3A_406 = arith.addi %mul3A_404, %add3A_405 : i32
          %broadcast_in_dim3A_407 = vector.broadcast %add3A_406 : i32 to vector<16xi32>
          %gather3A_408 = tpu.vector_load_idx %arg6[%broadcast_in_dim3A_407] : memref<640xf32, #tpu.memory_space<vmem>>[vector<16xi32>], vector<16xf32>,
          %get3A = arith.index_cast %scan3A_395 : i32 to index
          %get3A_409 = arith.constant 0 : index
          %get3A_410 = tpu.vector_load %arg14[%get3A, %get3A_409] {strides = array<i32>} : memref<80x128xf32, #tpu.memory_space<vmem>>, vector<16xf32>,
          %mul3A_411 = arith.mulf %gather3A_402, %get3A_410 : vector<16xf32>
          %get3A_412 = arith.index_cast %scan3A_395 : i32 to index
          %get3A_413 = arith.constant 0 : index
          %get3A_414 = tpu.vector_load %arg16[%get3A_412, %get3A_413] {strides = array<i32>} : memref<80x128xf32, #tpu.memory_space<vmem>>, vector<16xf32>,
          %mul3A_415 = arith.mulf %gather3A_408, %get3A_414 : vector<16xf32>
          %add3A_416 = arith.addf %mul3A_411, %mul3A_415 : vector<16xf32>
          %swap3A_417 = arith.index_cast %scan3A_395 : i32 to index
          %swap3A_418 = arith.constant 0 : index
          %swap3A_419 = tpu.vector_load %arg14[%swap3A_417, %swap3A_418] {strides = array<i32>} : memref<80x128xf32, #tpu.memory_space<vmem>>, vector<16xf32>,
          tpu.vector_store %arg14[%swap3A_417, %swap3A_418], %add3A_416 {strides = array<i32>} : memref<80x128xf32, #tpu.memory_space<vmem>>, vector<16xf32>,
          %get3A_420 = arith.index_cast %scan3A_395 : i32 to index
          %get3A_421 = arith.constant 16 : index
          %get3A_422 = tpu.vector_load %arg14[%get3A_420, %get3A_421] {strides = array<i32>} : memref<80x128xf32, #tpu.memory_space<vmem>>, vector<16xf32>,
          %mul3A_423 = arith.mulf %gather3A_402, %get3A_422 : vector<16xf32>
          %get3A_424 = arith.index_cast %scan3A_395 : i32 to index
          %get3A_425 = arith.constant 16 : index
          %get3A_426 = tpu.vector_load %arg16[%get3A_424, %get3A_425] {strides = array<i32>} : memref<80x128xf32, #tpu.memory_space<vmem>>, vector<16xf32>,
          %mul3A_427 = arith.mulf %gather3A_408, %get3A_426 : vector<16xf32>
          %add3A_428 = arith.addf %mul3A_423, %mul3A_427 : vector<16xf32>
          %swap3A_429 = arith.index_cast %scan3A_395 : i32 to index
          %swap3A_430 = arith.constant 16 : index
          %swap3A_431 = tpu.vector_load %arg14[%swap3A_429, %swap3A_430] {strides = array<i32>} : memref<80x128xf32, #tpu.memory_space<vmem>>, vector<16xf32>,
          tpu.vector_store %arg14[%swap3A_429, %swap3A_430], %add3A_428 {strides = array<i32>} : memref<80x128xf32, #tpu.memory_space<vmem>>, vector<16xf32>,
          %get3A_432 = arith.index_cast %scan3A_395 : i32 to index
          %get3A_433 = arith.constant 32 : index
          %get3A_434 = tpu.vector_load %arg14[%get3A_432, %get3A_433] {strides = array<i32>} : memref<80x128xf32, #tpu.memory_space<vmem>>, vector<16xf32>,
          %mul3A_435 = arith.mulf %gather3A_402, %get3A_434 : vector<16xf32>
          %get3A_436 = arith.index_cast %scan3A_395 : i32 to index
          %get3A_437 = arith.constant 32 : index
          %get3A_438 = tpu.vector_load %arg16[%get3A_436, %get3A_437] {strides = array<i32>} : memref<80x128xf32, #tpu.memory_space<vmem>>, vector<16xf32>,
          %mul3A_439 = arith.mulf %gather3A_408, %get3A_438 : vector<16xf32>
          %add3A_440 = arith.addf %mul3A_435, %mul3A_439 : vector<16xf32>
          %swap3A_441 = arith.index_cast %scan3A_395 : i32 to index
          %swap3A_442 = arith.constant 32 : index
          %swap3A_443 = tpu.vector_load %arg14[%swap3A_441, %swap3A_442] {strides = array<i32>} : memref<80x128xf32, #tpu.memory_space<vmem>>, vector<16xf32>,
          tpu.vector_store %arg14[%swap3A_441, %swap3A_442], %add3A_440 {strides = array<i32>} : memref<80x128xf32, #tpu.memory_space<vmem>>, vector<16xf32>,
          %get3A_444 = arith.index_cast %scan3A_395 : i32 to index
          %get3A_445 = arith.constant 48 : index
          %get3A_446 = tpu.vector_load %arg14[%get3A_444, %get3A_445] {strides = array<i32>} : memref<80x128xf32, #tpu.memory_space<vmem>>, vector<16xf32>,
          %mul3A_447 = arith.mulf %gather3A_402, %get3A_446 : vector<16xf32>
          %get3A_448 = arith.index_cast %scan3A_395 : i32 to index
          %get3A_449 = arith.constant 48 : index
          %get3A_450 = tpu.vector_load %arg16[%get3A_448, %get3A_449] {strides = array<i32>} : memref<80x128xf32, #tpu.memory_space<vmem>>, vector<16xf32>,
          %mul3A_451 = arith.mulf %gather3A_408, %get3A_450 : vector<16xf32>
          %add3A_452 = arith.addf %mul3A_447, %mul3A_451 : vector<16xf32>
          %swap3A_453 = arith.index_cast %scan3A_395 : i32 to index
          %swap3A_454 = arith.constant 48 : index
          %swap3A_455 = tpu.vector_load %arg14[%swap3A_453, %swap3A_454] {strides = array<i32>} : memref<80x128xf32, #tpu.memory_space<vmem>>, vector<16xf32>,
          tpu.vector_store %arg14[%swap3A_453, %swap3A_454], %add3A_452 {strides = array<i32>} : memref<80x128xf32, #tpu.memory_space<vmem>>, vector<16xf32>,
          %get3A_456 = arith.index_cast %scan3A_395 : i32 to index
          %get3A_457 = arith.constant 64 : index
          %get3A_458 = tpu.vector_load %arg14[%get3A_456, %get3A_457] {strides = array<i32>} : memref<80x128xf32, #tpu.memory_space<vmem>>, vector<16xf32>,
          %mul3A_459 = arith.mulf %gather3A_402, %get3A_458 : vector<16xf32>
          %get3A_460 = arith.index_cast %scan3A_395 : i32 to index
          %get3A_461 = arith.constant 64 : index
          %get3A_462 = tpu.vector_load %arg16[%get3A_460, %get3A_461] {strides = array<i32>} : memref<80x128xf32, #tpu.memory_space<vmem>>, vector<16xf32>,
          %mul3A_463 = arith.mulf %gather3A_408, %get3A_462 : vector<16xf32>
          %add3A_464 = arith.addf %mul3A_459, %mul3A_463 : vector<16xf32>
          %swap3A_465 = arith.index_cast %scan3A_395 : i32 to index
          %swap3A_466 = arith.constant 64 : index
          %swap3A_467 = tpu.vector_load %arg14[%swap3A_465, %swap3A_466] {strides = array<i32>} : memref<80x128xf32, #tpu.memory_space<vmem>>, vector<16xf32>,
          tpu.vector_store %arg14[%swap3A_465, %swap3A_466], %add3A_464 {strides = array<i32>} : memref<80x128xf32, #tpu.memory_space<vmem>>, vector<16xf32>,
          %get3A_468 = arith.index_cast %scan3A_395 : i32 to index
          %get3A_469 = arith.constant 80 : index
          %get3A_470 = tpu.vector_load %arg14[%get3A_468, %get3A_469] {strides = array<i32>} : memref<80x128xf32, #tpu.memory_space<vmem>>, vector<16xf32>,
          %mul3A_471 = arith.mulf %gather3A_402, %get3A_470 : vector<16xf32>
          %get3A_472 = arith.index_cast %scan3A_395 : i32 to index
          %get3A_473 = arith.constant 80 : index
          %get3A_474 = tpu.vector_load %arg16[%get3A_472, %get3A_473] {strides = array<i32>} : memref<80x128xf32, #tpu.memory_space<vmem>>, vector<16xf32>,
          %mul3A_475 = arith.mulf %gather3A_408, %get3A_474 : vector<16xf32>
          %add3A_476 = arith.addf %mul3A_471, %mul3A_475 : vector<16xf32>
          %swap3A_477 = arith.index_cast %scan3A_395 : i32 to index
          %swap3A_478 = arith.constant 80 : index
          %swap3A_479 = tpu.vector_load %arg14[%swap3A_477, %swap3A_478] {strides = array<i32>} : memref<80x128xf32, #tpu.memory_space<vmem>>, vector<16xf32>,
          tpu.vector_store %arg14[%swap3A_477, %swap3A_478], %add3A_476 {strides = array<i32>} : memref<80x128xf32, #tpu.memory_space<vmem>>, vector<16xf32>,
          %get3A_480 = arith.index_cast %scan3A_395 : i32 to index
          %get3A_481 = arith.constant 96 : index
          %get3A_482 = tpu.vector_load %arg14[%get3A_480, %get3A_481] {strides = array<i32>} : memref<80x128xf32, #tpu.memory_space<vmem>>, vector<16xf32>,
          %mul3A_483 = arith.mulf %gather3A_402, %get3A_482 : vector<16xf32>
          %get3A_484 = arith.index_cast %scan3A_395 : i32 to index
          %get3A_485 = arith.constant 96 : index
          %get3A_486 = tpu.vector_load %arg16[%get3A_484, %get3A_485] {strides = array<i32>} : memref<80x128xf32, #tpu.memory_space<vmem>>, vector<16xf32>,
          %mul3A_487 = arith.mulf %gather3A_408, %get3A_486 : vector<16xf32>
          %add3A_488 = arith.addf %mul3A_483, %mul3A_487 : vector<16xf32>
          %swap3A_489 = arith.index_cast %scan3A_395 : i32 to index
          %swap3A_490 = arith.constant 96 : index
          %swap3A_491 = tpu.vector_load %arg14[%swap3A_489, %swap3A_490] {strides = array<i32>} : memref<80x128xf32, #tpu.memory_space<vmem>>, vector<16xf32>,
          tpu.vector_store %arg14[%swap3A_489, %swap3A_490], %add3A_488 {strides = array<i32>} : memref<80x128xf32, #tpu.memory_space<vmem>>, vector<16xf32>,
          %get3A_492 = arith.index_cast %scan3A_395 : i32 to index
          %get3A_493 = arith.constant 112 : index
          %get3A_494 = tpu.vector_load %arg14[%get3A_492, %get3A_493] {strides = array<i32>} : memref<80x128xf32, #tpu.memory_space<vmem>>, vector<16xf32>,
          %mul3A_495 = arith.mulf %gather3A_402, %get3A_494 : vector<16xf32>
          %get3A_496 = arith.index_cast %scan3A_395 : i32 to index
          %get3A_497 = arith.constant 112 : index
          %get3A_498 = tpu.vector_load %arg16[%get3A_496, %get3A_497] {strides = array<i32>} : memref<80x128xf32, #tpu.memory_space<vmem>>, vector<16xf32>,
          %mul3A_499 = arith.mulf %gather3A_408, %get3A_498 : vector<16xf32>
          %add3A_500 = arith.addf %mul3A_495, %mul3A_499 : vector<16xf32>
          %swap3A_501 = arith.index_cast %scan3A_395 : i32 to index
          %swap3A_502 = arith.constant 112 : index
          %swap3A_503 = tpu.vector_load %arg14[%swap3A_501, %swap3A_502] {strides = array<i32>} : memref<80x128xf32, #tpu.memory_space<vmem>>, vector<16xf32>,
          tpu.vector_store %arg14[%swap3A_501, %swap3A_502], %add3A_500 {strides = array<i32>} : memref<80x128xf32, #tpu.memory_space<vmem>>, vector<16xf32>,
          %scan3A_504 = arith.constant 0 : i32
          scf.yield %scan3A_504 : i32
        }
        %scan3A_369 = arith.constant 80 : i32
        %dma_start3A_370 = arith.constant 0 : i32
        %dma_start3A_371 = arith.constant 0 : i32
        %dma_start3A_372 = tpu.memref_slice %arg5[%dma_start3A_370, %dma_start3A_371] : memref<10240x128xf32, #tpu.memory_space<vmem_shared>> -> memref<10240x128xf32, #tpu.memory_space<vmem_shared>>
        tpu.enqueue_indirect_dma source(%arg14 : memref<80x128xf32, #tpu.memory_space<vmem>>) target(%dma_start3A_372 : memref<10240x128xf32, #tpu.memory_space<vmem_shared>>) offsets(%arg12 : memref<80xi32, #tpu.memory_space<vmem>>) semaphore(%arg20 : memref<!tpu.dma_semaphore, #tpu.memory_space<semaphore_mem>>) {add = true}
        %dma_wait3A_373 = arith.constant 0 : i32
        %dma_wait3A_374 = arith.constant 0 : i32
        %dma_wait3A_375 = tpu.memref_slice %arg2[%dma_wait3A_373, %dma_wait3A_374] : memref<20000x128xf32, #tpu.memory_space<hbm>> -> memref<20000x128xf32, #tpu.memory_space<hbm>>
        tpu.wait_indirect_dma semaphore(%arg19 : memref<!tpu.dma_semaphore, #tpu.memory_space<semaphore_mem>>) src(%dma_wait3A_375 : memref<20000x128xf32, #tpu.memory_space<hbm>>) dst(%arg15 : memref<80x128xf32, #tpu.memory_space<vmem>>)
        %dma_wait3A_376 = arith.constant 0 : i32
        %dma_wait3A_377 = arith.constant 0 : i32
        %dma_wait3A_378 = tpu.memref_slice %arg2[%dma_wait3A_376, %dma_wait3A_377] : memref<20000x128xf32, #tpu.memory_space<hbm>> -> memref<20000x128xf32, #tpu.memory_space<hbm>>
        tpu.wait_indirect_dma semaphore(%arg19 : memref<!tpu.dma_semaphore, #tpu.memory_space<semaphore_mem>>) src(%dma_wait3A_378 : memref<20000x128xf32, #tpu.memory_space<hbm>>) dst(%arg17 : memref<80x128xf32, #tpu.memory_space<vmem>>)
        %scan3A_379 = arith.constant 0 : i32
        %scan3A_380 = arith.constant 0 : i32
        %scan3A_381 = arith.constant 80 : i32
        %scan3A_382 = arith.addi %scan3A_380, %scan3A_381 : i32
        %scan3A_383 = arith.constant 1 : i32
        %scan3A_384 = scf.for %scan3A_395 = %scan3A_380 to %scan3A_382 step %scan3A_383 iter_args(%scan3A_396 = %scan3A_379) -> (i32)  : i32 {
          %mul3A_397 = arith.constant 8 : i32
          %mul3A_398 = arith.muli %scan3A_395, %mul3A_397 : i32
          %add3A_399 = arith.constant 3 : i32
          %add3A_400 = arith.addi %mul3A_398, %add3A_399 : i32
          %broadcast_in_dim3A_401 = vector.broadcast %add3A_400 : i32 to vector<16xi32>
          %gather3A_402 = tpu.vector_load_idx %arg7[%broadcast_in_dim3A_401] : memref<640xf32, #tpu.memory_space<vmem>>[vector<16xi32>], vector<16xf32>,
          %mul3A_403 = arith.constant 8 : i32
          %mul3A_404 = arith.muli %scan3A_395, %mul3A_403 : i32
          %add3A_405 = arith.constant 4 : i32
          %add3A_406 = arith.addi %mul3A_404, %add3A_405 : i32
          %broadcast_in_dim3A_407 = vector.broadcast %add3A_406 : i32 to vector<16xi32>
          %gather3A_408 = tpu.vector_load_idx %arg7[%broadcast_in_dim3A_407] : memref<640xf32, #tpu.memory_space<vmem>>[vector<16xi32>], vector<16xf32>,
          %get3A = arith.index_cast %scan3A_395 : i32 to index
          %get3A_409 = arith.constant 0 : index
          %get3A_410 = tpu.vector_load %arg15[%get3A, %get3A_409] {strides = array<i32>} : memref<80x128xf32, #tpu.memory_space<vmem>>, vector<16xf32>,
          %mul3A_411 = arith.mulf %gather3A_402, %get3A_410 : vector<16xf32>
          %get3A_412 = arith.index_cast %scan3A_395 : i32 to index
          %get3A_413 = arith.constant 0 : index
          %get3A_414 = tpu.vector_load %arg17[%get3A_412, %get3A_413] {strides = array<i32>} : memref<80x128xf32, #tpu.memory_space<vmem>>, vector<16xf32>,
          %mul3A_415 = arith.mulf %gather3A_408, %get3A_414 : vector<16xf32>
          %add3A_416 = arith.addf %mul3A_411, %mul3A_415 : vector<16xf32>
          %swap3A_417 = arith.index_cast %scan3A_395 : i32 to index
          %swap3A_418 = arith.constant 0 : index
          %swap3A_419 = tpu.vector_load %arg15[%swap3A_417, %swap3A_418] {strides = array<i32>} : memref<80x128xf32, #tpu.memory_space<vmem>>, vector<16xf32>,
          tpu.vector_store %arg15[%swap3A_417, %swap3A_418], %add3A_416 {strides = array<i32>} : memref<80x128xf32, #tpu.memory_space<vmem>>, vector<16xf32>,
          %get3A_420 = arith.index_cast %scan3A_395 : i32 to index
          %get3A_421 = arith.constant 16 : index
          %get3A_422 = tpu.vector_load %arg15[%get3A_420, %get3A_421] {strides = array<i32>} : memref<80x128xf32, #tpu.memory_space<vmem>>, vector<16xf32>,
          %mul3A_423 = arith.mulf %gather3A_402, %get3A_422 : vector<16xf32>
          %get3A_424 = arith.index_cast %scan3A_395 : i32 to index
          %get3A_425 = arith.constant 16 : index
          %get3A_426 = tpu.vector_load %arg17[%get3A_424, %get3A_425] {strides = array<i32>} : memref<80x128xf32, #tpu.memory_space<vmem>>, vector<16xf32>,
          %mul3A_427 = arith.mulf %gather3A_408, %get3A_426 : vector<16xf32>
          %add3A_428 = arith.addf %mul3A_423, %mul3A_427 : vector<16xf32>
          %swap3A_429 = arith.index_cast %scan3A_395 : i32 to index
          %swap3A_430 = arith.constant 16 : index
          %swap3A_431 = tpu.vector_load %arg15[%swap3A_429, %swap3A_430] {strides = array<i32>} : memref<80x128xf32, #tpu.memory_space<vmem>>, vector<16xf32>,
          tpu.vector_store %arg15[%swap3A_429, %swap3A_430], %add3A_428 {strides = array<i32>} : memref<80x128xf32, #tpu.memory_space<vmem>>, vector<16xf32>,
          %get3A_432 = arith.index_cast %scan3A_395 : i32 to index
          %get3A_433 = arith.constant 32 : index
          %get3A_434 = tpu.vector_load %arg15[%get3A_432, %get3A_433] {strides = array<i32>} : memref<80x128xf32, #tpu.memory_space<vmem>>, vector<16xf32>,
          %mul3A_435 = arith.mulf %gather3A_402, %get3A_434 : vector<16xf32>
          %get3A_436 = arith.index_cast %scan3A_395 : i32 to index
          %get3A_437 = arith.constant 32 : index
          %get3A_438 = tpu.vector_load %arg17[%get3A_436, %get3A_437] {strides = array<i32>} : memref<80x128xf32, #tpu.memory_space<vmem>>, vector<16xf32>,
          %mul3A_439 = arith.mulf %gather3A_408, %get3A_438 : vector<16xf32>
          %add3A_440 = arith.addf %mul3A_435, %mul3A_439 : vector<16xf32>
          %swap3A_441 = arith.index_cast %scan3A_395 : i32 to index
          %swap3A_442 = arith.constant 32 : index
          %swap3A_443 = tpu.vector_load %arg15[%swap3A_441, %swap3A_442] {strides = array<i32>} : memref<80x128xf32, #tpu.memory_space<vmem>>, vector<16xf32>,
          tpu.vector_store %arg15[%swap3A_441, %swap3A_442], %add3A_440 {strides = array<i32>} : memref<80x128xf32, #tpu.memory_space<vmem>>, vector<16xf32>,
          %get3A_444 = arith.index_cast %scan3A_395 : i32 to index
          %get3A_445 = arith.constant 48 : index
          %get3A_446 = tpu.vector_load %arg15[%get3A_444, %get3A_445] {strides = array<i32>} : memref<80x128xf32, #tpu.memory_space<vmem>>, vector<16xf32>,
          %mul3A_447 = arith.mulf %gather3A_402, %get3A_446 : vector<16xf32>
          %get3A_448 = arith.index_cast %scan3A_395 : i32 to index
          %get3A_449 = arith.constant 48 : index
          %get3A_450 = tpu.vector_load %arg17[%get3A_448, %get3A_449] {strides = array<i32>} : memref<80x128xf32, #tpu.memory_space<vmem>>, vector<16xf32>,
          %mul3A_451 = arith.mulf %gather3A_408, %get3A_450 : vector<16xf32>
          %add3A_452 = arith.addf %mul3A_447, %mul3A_451 : vector<16xf32>
          %swap3A_453 = arith.index_cast %scan3A_395 : i32 to index
          %swap3A_454 = arith.constant 48 : index
          %swap3A_455 = tpu.vector_load %arg15[%swap3A_453, %swap3A_454] {strides = array<i32>} : memref<80x128xf32, #tpu.memory_space<vmem>>, vector<16xf32>,
          tpu.vector_store %arg15[%swap3A_453, %swap3A_454], %add3A_452 {strides = array<i32>} : memref<80x128xf32, #tpu.memory_space<vmem>>, vector<16xf32>,
          %get3A_456 = arith.index_cast %scan3A_395 : i32 to index
          %get3A_457 = arith.constant 64 : index
          %get3A_458 = tpu.vector_load %arg15[%get3A_456, %get3A_457] {strides = array<i32>} : memref<80x128xf32, #tpu.memory_space<vmem>>, vector<16xf32>,
          %mul3A_459 = arith.mulf %gather3A_402, %get3A_458 : vector<16xf32>
          %get3A_460 = arith.index_cast %scan3A_395 : i32 to index
          %get3A_461 = arith.constant 64 : index
          %get3A_462 = tpu.vector_load %arg17[%get3A_460, %get3A_461] {strides = array<i32>} : memref<80x128xf32, #tpu.memory_space<vmem>>, vector<16xf32>,
          %mul3A_463 = arith.mulf %gather3A_408, %get3A_462 : vector<16xf32>
          %add3A_464 = arith.addf %mul3A_459, %mul3A_463 : vector<16xf32>
          %swap3A_465 = arith.index_cast %scan3A_395 : i32 to index
          %swap3A_466 = arith.constant 64 : index
          %swap3A_467 = tpu.vector_load %arg15[%swap3A_465, %swap3A_466] {strides = array<i32>} : memref<80x128xf32, #tpu.memory_space<vmem>>, vector<16xf32>,
          tpu.vector_store %arg15[%swap3A_465, %swap3A_466], %add3A_464 {strides = array<i32>} : memref<80x128xf32, #tpu.memory_space<vmem>>, vector<16xf32>,
          %get3A_468 = arith.index_cast %scan3A_395 : i32 to index
          %get3A_469 = arith.constant 80 : index
          %get3A_470 = tpu.vector_load %arg15[%get3A_468, %get3A_469] {strides = array<i32>} : memref<80x128xf32, #tpu.memory_space<vmem>>, vector<16xf32>,
          %mul3A_471 = arith.mulf %gather3A_402, %get3A_470 : vector<16xf32>
          %get3A_472 = arith.index_cast %scan3A_395 : i32 to index
          %get3A_473 = arith.constant 80 : index
          %get3A_474 = tpu.vector_load %arg17[%get3A_472, %get3A_473] {strides = array<i32>} : memref<80x128xf32, #tpu.memory_space<vmem>>, vector<16xf32>,
          %mul3A_475 = arith.mulf %gather3A_408, %get3A_474 : vector<16xf32>
          %add3A_476 = arith.addf %mul3A_471, %mul3A_475 : vector<16xf32>
          %swap3A_477 = arith.index_cast %scan3A_395 : i32 to index
          %swap3A_478 = arith.constant 80 : index
          %swap3A_479 = tpu.vector_load %arg15[%swap3A_477, %swap3A_478] {strides = array<i32>} : memref<80x128xf32, #tpu.memory_space<vmem>>, vector<16xf32>,
          tpu.vector_store %arg15[%swap3A_477, %swap3A_478], %add3A_476 {strides = array<i32>} : memref<80x128xf32, #tpu.memory_space<vmem>>, vector<16xf32>,
          %get3A_480 = arith.index_cast %scan3A_395 : i32 to index
          %get3A_481 = arith.constant 96 : index
          %get3A_482 = tpu.vector_load %arg15[%get3A_480, %get3A_481] {strides = array<i32>} : memref<80x128xf32, #tpu.memory_space<vmem>>, vector<16xf32>,
          %mul3A_483 = arith.mulf %gather3A_402, %get3A_482 : vector<16xf32>
          %get3A_484 = arith.index_cast %scan3A_395 : i32 to index
          %get3A_485 = arith.constant 96 : index
          %get3A_486 = tpu.vector_load %arg17[%get3A_484, %get3A_485] {strides = array<i32>} : memref<80x128xf32, #tpu.memory_space<vmem>>, vector<16xf32>,
          %mul3A_487 = arith.mulf %gather3A_408, %get3A_486 : vector<16xf32>
          %add3A_488 = arith.addf %mul3A_483, %mul3A_487 : vector<16xf32>
          %swap3A_489 = arith.index_cast %scan3A_395 : i32 to index
          %swap3A_490 = arith.constant 96 : index
          %swap3A_491 = tpu.vector_load %arg15[%swap3A_489, %swap3A_490] {strides = array<i32>} : memref<80x128xf32, #tpu.memory_space<vmem>>, vector<16xf32>,
          tpu.vector_store %arg15[%swap3A_489, %swap3A_490], %add3A_488 {strides = array<i32>} : memref<80x128xf32, #tpu.memory_space<vmem>>, vector<16xf32>,
          %get3A_492 = arith.index_cast %scan3A_395 : i32 to index
          %get3A_493 = arith.constant 112 : index
          %get3A_494 = tpu.vector_load %arg15[%get3A_492, %get3A_493] {strides = array<i32>} : memref<80x128xf32, #tpu.memory_space<vmem>>, vector<16xf32>,
          %mul3A_495 = arith.mulf %gather3A_402, %get3A_494 : vector<16xf32>
          %get3A_496 = arith.index_cast %scan3A_395 : i32 to index
          %get3A_497 = arith.constant 112 : index
          %get3A_498 = tpu.vector_load %arg17[%get3A_496, %get3A_497] {strides = array<i32>} : memref<80x128xf32, #tpu.memory_space<vmem>>, vector<16xf32>,
          %mul3A_499 = arith.mulf %gather3A_408, %get3A_498 : vector<16xf32>
          %add3A_500 = arith.addf %mul3A_495, %mul3A_499 : vector<16xf32>
          %swap3A_501 = arith.index_cast %scan3A_395 : i32 to index
          %swap3A_502 = arith.constant 112 : index
          %swap3A_503 = tpu.vector_load %arg15[%swap3A_501, %swap3A_502] {strides = array<i32>} : memref<80x128xf32, #tpu.memory_space<vmem>>, vector<16xf32>,
          tpu.vector_store %arg15[%swap3A_501, %swap3A_502], %add3A_500 {strides = array<i32>} : memref<80x128xf32, #tpu.memory_space<vmem>>, vector<16xf32>,
          %scan3A_504 = arith.constant 0 : i32
          scf.yield %scan3A_504 : i32
        }
        %scan3A_385 = arith.constant 80 : i32
        %dma_start3A_386 = arith.constant 0 : i32
        %dma_start3A_387 = arith.constant 0 : i32
        %dma_start3A_388 = tpu.memref_slice %arg5[%dma_start3A_386, %dma_start3A_387] : memref<10240x128xf32, #tpu.memory_space<vmem_shared>> -> memref<10240x128xf32, #tpu.memory_space<vmem_shared>>
        tpu.enqueue_indirect_dma source(%arg15 : memref<80x128xf32, #tpu.memory_space<vmem>>) target(%dma_start3A_388 : memref<10240x128xf32, #tpu.memory_space<vmem_shared>>) offsets(%arg13 : memref<80xi32, #tpu.memory_space<vmem>>) semaphore(%arg21 : memref<!tpu.dma_semaphore, #tpu.memory_space<semaphore_mem>>) {add = true}
        %dma_wait3A_389 = arith.constant 0 : i32
        %dma_wait3A_390 = arith.constant 0 : i32
        %dma_wait3A_391 = tpu.memref_slice %arg5[%dma_wait3A_389, %dma_wait3A_390] : memref<10240x128xf32, #tpu.memory_space<vmem_shared>> -> memref<10240x128xf32, #tpu.memory_space<vmem_shared>>
        tpu.wait_indirect_dma semaphore(%arg20 : memref<!tpu.dma_semaphore, #tpu.memory_space<semaphore_mem>>) src(%arg14 : memref<80x128xf32, #tpu.memory_space<vmem>>) dst(%dma_wait3A_391 : memref<10240x128xf32, #tpu.memory_space<vmem_shared>>)
        %dma_wait3A_392 = arith.constant 0 : i32
        %dma_wait3A_393 = arith.constant 0 : i32
        %dma_wait3A_394 = tpu.memref_slice %arg5[%dma_wait3A_392, %dma_wait3A_393] : memref<10240x128xf32, #tpu.memory_space<vmem_shared>> -> memref<10240x128xf32, #tpu.memory_space<vmem_shared>>
        tpu.wait_indirect_dma semaphore(%arg21 : memref<!tpu.dma_semaphore, #tpu.memory_space<semaphore_mem>>) src(%arg15 : memref<80x128xf32, #tpu.memory_space<vmem>>) dst(%dma_wait3A_394 : memref<10240x128xf32, #tpu.memory_space<vmem_shared>>)
      } else {
      }
      %ge3A = arith.constant 125 : i32
      %ge3A_197 = arith.cmpi sge, %add3A_42, %ge3A : i32
      %convert_element_type3A_198 = arith.extui %ge3A_197 : i1 to i32
      %cond3A_199 = arith.constant 0 : i32
      %cond3A_200 = arith.cmpi ne, %convert_element_type3A_198, %cond3A_199 : i32
      scf.if %cond3A_200 {
        %dma_wait3A = arith.constant 0 : i32
        %dma_wait3A_202 = arith.constant 0 : i32
        %dma_wait3A_203 = tpu.memref_slice %arg2[%dma_wait3A, %dma_wait3A_202] : memref<20000x128xf32, #tpu.memory_space<hbm>> -> memref<20000x128xf32, #tpu.memory_space<hbm>>
        tpu.wait_indirect_dma semaphore(%arg18 : memref<!tpu.dma_semaphore, #tpu.memory_space<semaphore_mem>>) src(%dma_wait3A_203 : memref<20000x128xf32, #tpu.memory_space<hbm>>) dst(%arg14 : memref<80x128xf32, #tpu.memory_space<vmem>>)
        %dma_wait3A_204 = arith.constant 0 : i32
        %dma_wait3A_205 = arith.constant 0 : i32
        %dma_wait3A_206 = tpu.memref_slice %arg2[%dma_wait3A_204, %dma_wait3A_205] : memref<20000x128xf32, #tpu.memory_space<hbm>> -> memref<20000x128xf32, #tpu.memory_space<hbm>>
        tpu.wait_indirect_dma semaphore(%arg18 : memref<!tpu.dma_semaphore, #tpu.memory_space<semaphore_mem>>) src(%dma_wait3A_206 : memref<20000x128xf32, #tpu.memory_space<hbm>>) dst(%arg16 : memref<80x128xf32, #tpu.memory_space<vmem>>)
        %scan3A_207 = arith.constant 0 : i32
        %scan3A_208 = arith.constant 0 : i32
        %scan3A_209 = arith.constant 80 : i32
        %scan3A_210 = arith.addi %scan3A_208, %scan3A_209 : i32
        %scan3A_211 = arith.constant 1 : i32
        %scan3A_212 = scf.for %scan3A_220 = %scan3A_208 to %scan3A_210 step %scan3A_211 iter_args(%scan3A_221 = %scan3A_207) -> (i32)  : i32 {
          %mul3A_222 = arith.constant 8 : i32
          %mul3A_223 = arith.muli %scan3A_220, %mul3A_222 : i32
          %add3A_224 = arith.constant 3 : i32
          %add3A_225 = arith.addi %mul3A_223, %add3A_224 : i32
          %broadcast_in_dim3A_226 = vector.broadcast %add3A_225 : i32 to vector<16xi32>
          %gather3A_227 = tpu.vector_load_idx %arg6[%broadcast_in_dim3A_226] : memref<640xf32, #tpu.memory_space<vmem>>[vector<16xi32>], vector<16xf32>,
          %mul3A_228 = arith.constant 8 : i32
          %mul3A_229 = arith.muli %scan3A_220, %mul3A_228 : i32
          %add3A_230 = arith.constant 4 : i32
          %add3A_231 = arith.addi %mul3A_229, %add3A_230 : i32
          %broadcast_in_dim3A_232 = vector.broadcast %add3A_231 : i32 to vector<16xi32>
          %gather3A_233 = tpu.vector_load_idx %arg6[%broadcast_in_dim3A_232] : memref<640xf32, #tpu.memory_space<vmem>>[vector<16xi32>], vector<16xf32>,
          %get3A = arith.index_cast %scan3A_220 : i32 to index
          %get3A_234 = arith.constant 0 : index
          %get3A_235 = tpu.vector_load %arg14[%get3A, %get3A_234] {strides = array<i32>} : memref<80x128xf32, #tpu.memory_space<vmem>>, vector<16xf32>,
          %mul3A_236 = arith.mulf %gather3A_227, %get3A_235 : vector<16xf32>
          %get3A_237 = arith.index_cast %scan3A_220 : i32 to index
          %get3A_238 = arith.constant 0 : index
          %get3A_239 = tpu.vector_load %arg16[%get3A_237, %get3A_238] {strides = array<i32>} : memref<80x128xf32, #tpu.memory_space<vmem>>, vector<16xf32>,
          %mul3A_240 = arith.mulf %gather3A_233, %get3A_239 : vector<16xf32>
          %add3A_241 = arith.addf %mul3A_236, %mul3A_240 : vector<16xf32>
          %swap3A_242 = arith.index_cast %scan3A_220 : i32 to index
          %swap3A_243 = arith.constant 0 : index
          %swap3A_244 = tpu.vector_load %arg14[%swap3A_242, %swap3A_243] {strides = array<i32>} : memref<80x128xf32, #tpu.memory_space<vmem>>, vector<16xf32>,
          tpu.vector_store %arg14[%swap3A_242, %swap3A_243], %add3A_241 {strides = array<i32>} : memref<80x128xf32, #tpu.memory_space<vmem>>, vector<16xf32>,
          %get3A_245 = arith.index_cast %scan3A_220 : i32 to index
          %get3A_246 = arith.constant 16 : index
          %get3A_247 = tpu.vector_load %arg14[%get3A_245, %get3A_246] {strides = array<i32>} : memref<80x128xf32, #tpu.memory_space<vmem>>, vector<16xf32>,
          %mul3A_248 = arith.mulf %gather3A_227, %get3A_247 : vector<16xf32>
          %get3A_249 = arith.index_cast %scan3A_220 : i32 to index
          %get3A_250 = arith.constant 16 : index
          %get3A_251 = tpu.vector_load %arg16[%get3A_249, %get3A_250] {strides = array<i32>} : memref<80x128xf32, #tpu.memory_space<vmem>>, vector<16xf32>,
          %mul3A_252 = arith.mulf %gather3A_233, %get3A_251 : vector<16xf32>
          %add3A_253 = arith.addf %mul3A_248, %mul3A_252 : vector<16xf32>
          %swap3A_254 = arith.index_cast %scan3A_220 : i32 to index
          %swap3A_255 = arith.constant 16 : index
          %swap3A_256 = tpu.vector_load %arg14[%swap3A_254, %swap3A_255] {strides = array<i32>} : memref<80x128xf32, #tpu.memory_space<vmem>>, vector<16xf32>,
          tpu.vector_store %arg14[%swap3A_254, %swap3A_255], %add3A_253 {strides = array<i32>} : memref<80x128xf32, #tpu.memory_space<vmem>>, vector<16xf32>,
          %get3A_257 = arith.index_cast %scan3A_220 : i32 to index
          %get3A_258 = arith.constant 32 : index
          %get3A_259 = tpu.vector_load %arg14[%get3A_257, %get3A_258] {strides = array<i32>} : memref<80x128xf32, #tpu.memory_space<vmem>>, vector<16xf32>,
          %mul3A_260 = arith.mulf %gather3A_227, %get3A_259 : vector<16xf32>
          %get3A_261 = arith.index_cast %scan3A_220 : i32 to index
          %get3A_262 = arith.constant 32 : index
          %get3A_263 = tpu.vector_load %arg16[%get3A_261, %get3A_262] {strides = array<i32>} : memref<80x128xf32, #tpu.memory_space<vmem>>, vector<16xf32>,
          %mul3A_264 = arith.mulf %gather3A_233, %get3A_263 : vector<16xf32>
          %add3A_265 = arith.addf %mul3A_260, %mul3A_264 : vector<16xf32>
          %swap3A_266 = arith.index_cast %scan3A_220 : i32 to index
          %swap3A_267 = arith.constant 32 : index
          %swap3A_268 = tpu.vector_load %arg14[%swap3A_266, %swap3A_267] {strides = array<i32>} : memref<80x128xf32, #tpu.memory_space<vmem>>, vector<16xf32>,
          tpu.vector_store %arg14[%swap3A_266, %swap3A_267], %add3A_265 {strides = array<i32>} : memref<80x128xf32, #tpu.memory_space<vmem>>, vector<16xf32>,
          %get3A_269 = arith.index_cast %scan3A_220 : i32 to index
          %get3A_270 = arith.constant 48 : index
          %get3A_271 = tpu.vector_load %arg14[%get3A_269, %get3A_270] {strides = array<i32>} : memref<80x128xf32, #tpu.memory_space<vmem>>, vector<16xf32>,
          %mul3A_272 = arith.mulf %gather3A_227, %get3A_271 : vector<16xf32>
          %get3A_273 = arith.index_cast %scan3A_220 : i32 to index
          %get3A_274 = arith.constant 48 : index
          %get3A_275 = tpu.vector_load %arg16[%get3A_273, %get3A_274] {strides = array<i32>} : memref<80x128xf32, #tpu.memory_space<vmem>>, vector<16xf32>,
          %mul3A_276 = arith.mulf %gather3A_233, %get3A_275 : vector<16xf32>
          %add3A_277 = arith.addf %mul3A_272, %mul3A_276 : vector<16xf32>
          %swap3A_278 = arith.index_cast %scan3A_220 : i32 to index
          %swap3A_279 = arith.constant 48 : index
          %swap3A_280 = tpu.vector_load %arg14[%swap3A_278, %swap3A_279] {strides = array<i32>} : memref<80x128xf32, #tpu.memory_space<vmem>>, vector<16xf32>,
          tpu.vector_store %arg14[%swap3A_278, %swap3A_279], %add3A_277 {strides = array<i32>} : memref<80x128xf32, #tpu.memory_space<vmem>>, vector<16xf32>,
          %get3A_281 = arith.index_cast %scan3A_220 : i32 to index
          %get3A_282 = arith.constant 64 : index
          %get3A_283 = tpu.vector_load %arg14[%get3A_281, %get3A_282] {strides = array<i32>} : memref<80x128xf32, #tpu.memory_space<vmem>>, vector<16xf32>,
          %mul3A_284 = arith.mulf %gather3A_227, %get3A_283 : vector<16xf32>
          %get3A_285 = arith.index_cast %scan3A_220 : i32 to index
          %get3A_286 = arith.constant 64 : index
          %get3A_287 = tpu.vector_load %arg16[%get3A_285, %get3A_286] {strides = array<i32>} : memref<80x128xf32, #tpu.memory_space<vmem>>, vector<16xf32>,
          %mul3A_288 = arith.mulf %gather3A_233, %get3A_287 : vector<16xf32>
          %add3A_289 = arith.addf %mul3A_284, %mul3A_288 : vector<16xf32>
          %swap3A_290 = arith.index_cast %scan3A_220 : i32 to index
          %swap3A_291 = arith.constant 64 : index
          %swap3A_292 = tpu.vector_load %arg14[%swap3A_290, %swap3A_291] {strides = array<i32>} : memref<80x128xf32, #tpu.memory_space<vmem>>, vector<16xf32>,
          tpu.vector_store %arg14[%swap3A_290, %swap3A_291], %add3A_289 {strides = array<i32>} : memref<80x128xf32, #tpu.memory_space<vmem>>, vector<16xf32>,
          %get3A_293 = arith.index_cast %scan3A_220 : i32 to index
          %get3A_294 = arith.constant 80 : index
          %get3A_295 = tpu.vector_load %arg14[%get3A_293, %get3A_294] {strides = array<i32>} : memref<80x128xf32, #tpu.memory_space<vmem>>, vector<16xf32>,
          %mul3A_296 = arith.mulf %gather3A_227, %get3A_295 : vector<16xf32>
          %get3A_297 = arith.index_cast %scan3A_220 : i32 to index
          %get3A_298 = arith.constant 80 : index
          %get3A_299 = tpu.vector_load %arg16[%get3A_297, %get3A_298] {strides = array<i32>} : memref<80x128xf32, #tpu.memory_space<vmem>>, vector<16xf32>,
          %mul3A_300 = arith.mulf %gather3A_233, %get3A_299 : vector<16xf32>
          %add3A_301 = arith.addf %mul3A_296, %mul3A_300 : vector<16xf32>
          %swap3A_302 = arith.index_cast %scan3A_220 : i32 to index
          %swap3A_303 = arith.constant 80 : index
          %swap3A_304 = tpu.vector_load %arg14[%swap3A_302, %swap3A_303] {strides = array<i32>} : memref<80x128xf32, #tpu.memory_space<vmem>>, vector<16xf32>,
          tpu.vector_store %arg14[%swap3A_302, %swap3A_303], %add3A_301 {strides = array<i32>} : memref<80x128xf32, #tpu.memory_space<vmem>>, vector<16xf32>,
          %get3A_305 = arith.index_cast %scan3A_220 : i32 to index
          %get3A_306 = arith.constant 96 : index
          %get3A_307 = tpu.vector_load %arg14[%get3A_305, %get3A_306] {strides = array<i32>} : memref<80x128xf32, #tpu.memory_space<vmem>>, vector<16xf32>,
          %mul3A_308 = arith.mulf %gather3A_227, %get3A_307 : vector<16xf32>
          %get3A_309 = arith.index_cast %scan3A_220 : i32 to index
          %get3A_310 = arith.constant 96 : index
          %get3A_311 = tpu.vector_load %arg16[%get3A_309, %get3A_310] {strides = array<i32>} : memref<80x128xf32, #tpu.memory_space<vmem>>, vector<16xf32>,
          %mul3A_312 = arith.mulf %gather3A_233, %get3A_311 : vector<16xf32>
          %add3A_313 = arith.addf %mul3A_308, %mul3A_312 : vector<16xf32>
          %swap3A_314 = arith.index_cast %scan3A_220 : i32 to index
          %swap3A_315 = arith.constant 96 : index
          %swap3A_316 = tpu.vector_load %arg14[%swap3A_314, %swap3A_315] {strides = array<i32>} : memref<80x128xf32, #tpu.memory_space<vmem>>, vector<16xf32>,
          tpu.vector_store %arg14[%swap3A_314, %swap3A_315], %add3A_313 {strides = array<i32>} : memref<80x128xf32, #tpu.memory_space<vmem>>, vector<16xf32>,
          %get3A_317 = arith.index_cast %scan3A_220 : i32 to index
          %get3A_318 = arith.constant 112 : index
          %get3A_319 = tpu.vector_load %arg14[%get3A_317, %get3A_318] {strides = array<i32>} : memref<80x128xf32, #tpu.memory_space<vmem>>, vector<16xf32>,
          %mul3A_320 = arith.mulf %gather3A_227, %get3A_319 : vector<16xf32>
          %get3A_321 = arith.index_cast %scan3A_220 : i32 to index
          %get3A_322 = arith.constant 112 : index
          %get3A_323 = tpu.vector_load %arg16[%get3A_321, %get3A_322] {strides = array<i32>} : memref<80x128xf32, #tpu.memory_space<vmem>>, vector<16xf32>,
          %mul3A_324 = arith.mulf %gather3A_233, %get3A_323 : vector<16xf32>
          %add3A_325 = arith.addf %mul3A_320, %mul3A_324 : vector<16xf32>
          %swap3A_326 = arith.index_cast %scan3A_220 : i32 to index
          %swap3A_327 = arith.constant 112 : index
          %swap3A_328 = tpu.vector_load %arg14[%swap3A_326, %swap3A_327] {strides = array<i32>} : memref<80x128xf32, #tpu.memory_space<vmem>>, vector<16xf32>,
          tpu.vector_store %arg14[%swap3A_326, %swap3A_327], %add3A_325 {strides = array<i32>} : memref<80x128xf32, #tpu.memory_space<vmem>>, vector<16xf32>,
          %scan3A_329 = arith.constant 0 : i32
          scf.yield %scan3A_329 : i32
        }
        %scan3A_213 = arith.constant 80 : i32
        %dma_start3A_214 = arith.constant 0 : i32
        %dma_start3A_215 = arith.constant 0 : i32
        %dma_start3A_216 = tpu.memref_slice %arg5[%dma_start3A_214, %dma_start3A_215] : memref<10240x128xf32, #tpu.memory_space<vmem_shared>> -> memref<10240x128xf32, #tpu.memory_space<vmem_shared>>
        tpu.enqueue_indirect_dma source(%arg14 : memref<80x128xf32, #tpu.memory_space<vmem>>) target(%dma_start3A_216 : memref<10240x128xf32, #tpu.memory_space<vmem_shared>>) offsets(%arg12 : memref<80xi32, #tpu.memory_space<vmem>>) semaphore(%arg20 : memref<!tpu.dma_semaphore, #tpu.memory_space<semaphore_mem>>) {add = true}
        %dma_wait3A_217 = arith.constant 0 : i32
        %dma_wait3A_218 = arith.constant 0 : i32
        %dma_wait3A_219 = tpu.memref_slice %arg5[%dma_wait3A_217, %dma_wait3A_218] : memref<10240x128xf32, #tpu.memory_space<vmem_shared>> -> memref<10240x128xf32, #tpu.memory_space<vmem_shared>>
        tpu.wait_indirect_dma semaphore(%arg20 : memref<!tpu.dma_semaphore, #tpu.memory_space<semaphore_mem>>) src(%arg14 : memref<80x128xf32, #tpu.memory_space<vmem>>) dst(%dma_wait3A_219 : memref<10240x128xf32, #tpu.memory_space<vmem_shared>>)
      } else {
      }
      %scan3A_201 = arith.constant 0 : i32
      scf.yield %scan3A_201 : i32
    }
    %scan3A_33 = arith.constant 63 : i32
    %barrier3A_34 = arith.constant 0 : index
    tpu.barrier barrier_id(%barrier3A_34)
    "tpu.region"() ({
      %run_scoped3A = tpu.sem_alloc : memref<!tpu.dma_semaphore, #tpu.memory_space<semaphore_mem>>
      %dma_start3A = arith.constant 0 : i32
      %dma_start3A_35 = tpu.memref_slice %arg4[%arg0, %mul3A_7, %dma_start3A] : memref<2x10240x128xf32, #tpu.memory_space<hbm>> -> memref<1x640x128xf32, #tpu.memory_space<hbm>>
      %dma_start3A_36 = tpu.memref_squeeze %dma_start3A_35 : memref<1x640x128xf32, #tpu.memory_space<hbm>> -> memref<640x128xf32, #tpu.memory_space<hbm>>
      %dma_start3A_37 = arith.constant 0 : i32
      %dma_start3A_38 = tpu.memref_slice %arg5[%mul3A_7, %dma_start3A_37] : memref<10240x128xf32, #tpu.memory_space<vmem_shared>> -> memref<640x128xf32, #tpu.memory_space<vmem_shared>>
      tpu.enqueue_dma source(%dma_start3A_38 : memref<640x128xf32, #tpu.memory_space<vmem_shared>>) target(%dma_start3A_36 : memref<640x128xf32, #tpu.memory_space<hbm>>) target_semaphore(%run_scoped3A : memref<!tpu.dma_semaphore, #tpu.memory_space<semaphore_mem>>)
      %dma_wait3A = arith.constant 0 : i32
      %dma_wait3A_39 = tpu.memref_slice %arg4[%arg0, %mul3A_7, %dma_wait3A] : memref<2x10240x128xf32, #tpu.memory_space<hbm>> -> memref<1x640x128xf32, #tpu.memory_space<hbm>>
      %dma_wait3A_40 = tpu.memref_squeeze %dma_wait3A_39 : memref<1x640x128xf32, #tpu.memory_space<hbm>> -> memref<640x128xf32, #tpu.memory_space<hbm>>
      %dma_wait3A_41 = arith.constant 0 : i32
      %dma_wait3A_42 = tpu.memref_slice %arg5[%mul3A_7, %dma_wait3A_41] : memref<10240x128xf32, #tpu.memory_space<vmem_shared>> -> memref<640x128xf32, #tpu.memory_space<vmem_shared>>
      tpu.wait_dma2 semaphore(%run_scoped3A : memref<!tpu.dma_semaphore, #tpu.memory_space<semaphore_mem>>) src(%dma_wait3A_42 : memref<640x128xf32, #tpu.memory_space<vmem_shared>>) dst(%dma_wait3A_40 : memref<640x128xf32, #tpu.memory_space<hbm>>)
      tpu.yield
    }) : () -> ()
    return
  }
}

module attributes {stable_mosaic.version = 14 : i64} {
  func.func @body(%arg0: i32, %arg1: i32, %arg2: memref<1000x256xf32, #tpu.memory_space<vmem>>, %arg3: memref<1x128x256xf32, #tpu.memory_space<vmem>>, %arg4: memref<256x8xf32, #tpu.memory_space<vmem>>, %arg5: memref<1000x128xf32, #tpu.memory_space<vmem>>, %arg6: memref<1000x8xf32, #tpu.memory_space<vmem>>) attributes {dimension_semantics = [#tpu.dimension_semantics<arbitrary>, #tpu.dimension_semantics<arbitrary>], iteration_bounds = array<i64: 2, 10>, scalar_prefetch = 0 : i64, scratch_operands = 0 : i64, tpu.core_type = #tpu.core_type<tc>, window_params = [{transform_indices = @transform_0, window_bounds = array<i64: 1000, 256>}, {transform_indices = @transform_1, window_bounds = array<i64: 1, 128, 256>}, {pipeline_mode = #tpu.pipeline_mode<synchronous>, transform_indices = @transform_2, window_bounds = array<i64: 256, 8>}, {transform_indices = @transform_3, window_bounds = array<i64: 1000, 128>}, {transform_indices = @transform_4, window_bounds = array<i64: 1000, 8>}]} {
    %get3A = arith.constant 0 : index
    %get3A_0 = arith.constant 0 : index
    %get3A_1 = vector.load %arg2[%get3A, %get3A_0] : memref<1000x256xf32, #tpu.memory_space<vmem>>, vector<1000x256xf32>
    %get3A_2 = arith.constant 0 : index
    %get3A_3 = arith.constant 0 : index
    %get3A_4 = arith.constant 0 : index
    %get3A_5 = vector.load %arg3[%get3A_2, %get3A_3, %get3A_4] : memref<1x128x256xf32, #tpu.memory_space<vmem>>, vector<1x128x256xf32>
    %get3A_6 = vector.shape_cast %get3A_5 : vector<1x128x256xf32> to vector<128x256xf32>
    %dot_general3A = arith.constant dense<0.000000e+00> : vector<1000x128xf32>
    %dot_general3A_7 = tpu.matmul %get3A_1, %get3A_6, %dot_general3A {dimension_numbers = #tpu.dot_dimension_numbers<[1], [1], [0], [0], [0, 0, 1, 0], [], []>, precision = #tpu.contract_precision<fp32>, transpose_lhs_hint = false} : vector<1000x256xf32>, vector<128x256xf32>, vector<1000x128xf32> -> vector<1000x128xf32>
    %swap3A = arith.constant 0 : index
    %swap3A_8 = arith.constant 0 : index
    %swap3A_9 = vector.load %arg5[%swap3A, %swap3A_8] : memref<1000x128xf32, #tpu.memory_space<vmem>>, vector<1000x128xf32>
    tpu.vector_store %arg5[%swap3A, %swap3A_8], %dot_general3A_7 {strides = array<i32>} : memref<1000x128xf32, #tpu.memory_space<vmem>>, vector<1000x128xf32>,
    %get3A_10 = arith.constant 0 : index
    %get3A_11 = arith.constant 0 : index
    %get3A_12 = vector.load %arg4[%get3A_10, %get3A_11] : memref<256x8xf32, #tpu.memory_space<vmem>>, vector<256x8xf32>
    %dot_general3A_13 = arith.constant dense<0.000000e+00> : vector<1000x8xf32>
    %dot_general3A_14 = tpu.matmul %get3A_1, %get3A_12, %dot_general3A_13 {dimension_numbers = #tpu.dot_dimension_numbers<[1], [0], [0], [1], [0, 0, 1, 1], [], []>, precision = #tpu.contract_precision<fp32>, transpose_lhs_hint = false} : vector<1000x256xf32>, vector<256x8xf32>, vector<1000x8xf32> -> vector<1000x8xf32>
    %swap3A_15 = arith.constant 0 : index
    %swap3A_16 = arith.constant 0 : index
    %swap3A_17 = vector.load %arg6[%swap3A_15, %swap3A_16] : memref<1000x8xf32, #tpu.memory_space<vmem>>, vector<1000x8xf32>
    tpu.vector_store %arg6[%swap3A_15, %swap3A_16], %dot_general3A_14 {strides = array<i32>} : memref<1000x8xf32, #tpu.memory_space<vmem>>, vector<1000x8xf32>,
    return
  }
  func.func @transform_0(%arg0: i32, %arg1: i32) -> (i32, i32) {
    %c0_i32 = arith.constant 0 : i32
    %c0_i32_0 = arith.constant 0 : i32
    return %arg1, %c0_i32 : i32, i32
  }
  func.func @transform_1(%arg0: i32, %arg1: i32) -> (i32, i32, i32) {
    %c0_i32 = arith.constant 0 : i32
    %c0_i32_0 = arith.constant 0 : i32
    %c0_i32_1 = arith.constant 0 : i32
    return %arg0, %c0_i32, %c0_i32_0 : i32, i32, i32
  }
  func.func @transform_2(%arg0: i32, %arg1: i32) -> (i32, i32) {
    %c0_i32 = arith.constant 0 : i32
    %c0_i32_0 = arith.constant 0 : i32
    %c0_i32_1 = arith.constant 0 : i32
    return %c0_i32, %c0_i32_0 : i32, i32
  }
  func.func @transform_3(%arg0: i32, %arg1: i32) -> (i32, i32) {
    %mul3A = arith.constant 10 : i32
    %mul3A_0 = arith.muli %arg0, %mul3A : i32
    %add3A = arith.addi %mul3A_0, %arg1 : i32
    %c0_i32 = arith.constant 0 : i32
    %c0_i32_1 = arith.constant 0 : i32
    return %add3A, %c0_i32 : i32, i32
  }
  func.func @transform_4(%arg0: i32, %arg1: i32) -> (i32, i32) {
    %c0_i32 = arith.constant 0 : i32
    %c0_i32_0 = arith.constant 0 : i32
    return %arg1, %c0_i32 : i32, i32
  }
}

</mosaic_0001>

<sc_bundles>
// kernel: kernel.5.cloned.1.call-start
scs
__scs_entry_jumppad:
0x0: {  	(pc) =	sbr.rel $0x88, $3  }
0x1: {  	(tag) =	ssettag $0x0;
	lr =	simm.s32 $0x1  }
0x2: {  	[smem:$0x3F96] =	sst lr;
	_ =	strace $0xD0000000  }
0x3: {  	_ = 	snop  }
0x4: {  	_ = 	snop  }
0x5: {  	_ = 	snop  }
0x6: {  	_ = 	snop  }
0x7: {  	_ = 	snop  }
__scs_overlays_trampoline_lowered:
0x8: {  	[smem:$0x3FA5] =	sst s0  }
0x9: {  	[smem:$0x3FA6] =	sst s1  }
0xa: {  	[smem:$0x3FA7] =	sst s2  }
0xb: {  	[smem:$0x3FA8] =	sst s3  }
0xc: {  	[smem:$0x3FA9] =	sst s4  }
0xd: {  	[smem:$0x3FAA] =	sst s5  }
0xe: {  	[smem:$0x3FAB] =	sst s6  }
0xf: {  	[smem:$0x3FAC] =	sst s7  }
0x10: {  	[smem:$0x3FAD] =	sst s8  }
0x11: {  	[smem:$0x3FAE] =	sst s9;
	s0 =	simm.s32 @!p0 $0x0  }
0x12: {  	s1 =	sld [smem:$0x3F94];
	s0 =	simm.s32 @p0 $0x1  }
0x13: {  	[smem:$0x3FAF] =	sst s0;
	s0 =	simm.s32 @!p1 $0x0  }
0x14: {  	s2 =	sld [smem:$0x3F93];
	s0 =	simm.s32 @p1 $0x1  }
0x15: {  	[smem:$0x3FB0] =	sst s0;
	s0 =	simm.s32 @!p2 $0x0  }
0x16: {  	s3 =	sld [smem:$0x3FDB];
	s0 =	simm.s32 @p2 $0x1  }
0x17: {  	s4 =	simm.s32 $0x1BF5;
	[smem:$0x3FB2] =	sst s0  }
0x18: {  	s0 =	sld [smem:$0x3F95];
	_ =	swait.ge [sflag:s4], $0x0  }
0x19: {  	s7 =	sld [smem:$0x3F96]  }
0x1a: {  	s8 =	sadd.s32 $0xFFFFE003, lr  }
0x1b: {  	s9 =	sadd.s32 $0xFFFFFEF7, lr;
	s5 =	simm.s32 $0xFFFFFFFF;
	p2 =	slt.u32 s8, $0xFFFFF086  }
0x1c: {  	p1 =	slt.u32 s9, $0xF7A;
	s5 =	simm.s32 @!p2 $0x0  }
0x1d: {  	s5 =	simm.s32 @p1 $0x1;
	p0 =	seq.s32 s7, s2  }
0x1e: {  	s7 =	smul.u32 @!p0 $0xF7A, s2;
	p2 =	seq.s32 @!p0 s5, $0x0  }
0x1f: {  	s9 =	smul.u32 $0xF7A, s1;
	s8 =	simm.s32 @!p0 $0x1BF5;
	p2 =	por !p2, p0  }
0x20: {  	[sflag:s8] =	ssyncset.s32 @!p0 $0xFFFFF086;
	s6 =	sadd.s32 @!p0 s3, s7;
	s7 =	simm.s32 @!p0 $0x108  }
0x21: {  	s3 =	sadd.s32 s3, s9;
	s6 =	sadd.s32 @!p0 $0x88, s6;
	s7 =	simm.s32 @p2 $0x1082  }
0x22: {  	[simem:s7], [sflag:s8] =	dma.local @!p0 [hbm:s6], $0xF7A  }
0x23: {  	s9 =	sor.u32 $0xD0000000, s2;
	s6 =	simm.s32 $0x108;
	_ =	swait.ge @!p0 [sflag:s8], $0x0  }
0x24: {  	s3 =	sadd.s32 $0x88, s3;
	s6 =	simm.s32 @!p1 $0x1082;
	[sflag:s4] =	ssyncset.s32 $0xFFFFF086  }
0x25: {  	[simem:s6], [sflag:s4] =	dma.local [hbm:s3], $0xF7A  }
0x26: {  	[smem:$0x3F96] =	sst s1;
	(tag) =	ssettag s2;
	_ =	strace s9  }
0x27: {  	s1 =	sld [smem:$0x3FA6]  }
0x28: {  	s2 =	sld [smem:$0x3FA7]  }
0x29: {  	s4 =	sld [smem:$0x3FA9]  }
0x2a: {  	p0 =	seq.s32 s5, $0x0;
	s5 =	sld [smem:$0x3FAA]  }
0x2b: {  	s6 =	sld [smem:$0x3FAB]  }
0x2c: {  	s7 =	sld [smem:$0x3FAC]  }
0x2d: {  	s3 =	simm.s32 $0x108;
	s8 =	sld [smem:$0x3FAD]  }
0x2e: {  	s3 =	simm.s32 @!p0 $0x1082;
	s9 =	sld [smem:$0x3FAE]  }
0x2f: {  	lr =	sadd.s32 s0, s3;
	s0 =	sld [smem:$0x3FA5]  }
0x30: {  	s3 =	sld [smem:$0x3FA8]  }
0x31: {  	[smem:$0x3FB1] =	sst s10  }
0x32: {  	s10 =	sld [smem:$0x3FAF];
	_ =	sdelay $0x3  }
0x33: {  	p0 =	seq.s32 s10, $0x1;
	s10 =	sld [smem:$0x3FB1];
	_ =	sdelay $0x3  }
0x34: {  	[smem:$0x3FB1] =	sst s10  }
0x35: {  	s10 =	sld [smem:$0x3FB0];
	_ =	sdelay $0x3  }
0x36: {  	p1 =	seq.s32 s10, $0x1;
	s10 =	sld [smem:$0x3FB1];
	_ =	sdelay $0x3  }
0x37: {  	[smem:$0x3FB1] =	sst s10  }
0x38: {  	s10 =	sld [smem:$0x3FB2]  }
0x39: {  	_ = 	snop;
	(pc) =	sbr.ind lr, $3  }
0x3a: {  	_ = 	snop  }
0x3b: {  	_ = 	snop  }
0x3c: {  	p2 =	seq.s32 s10, $0x1;
	s10 =	sld [smem:$0x3FB1]  }
0x3d: {  	_ =	shalt  }
0x3e: {  	_ =	shalt  }
0x3f: {  	_ =	shalt  }
0x40: {  	_ =	shalt  }
0x41: {  	_ =	shalt  }
0x42: {  	_ =	shalt  }
0x43: {  	_ =	shalt  }
0x44: {  	_ =	shalt  }
0x45: {  	_ =	shalt  }
0x46: {  	_ =	shalt  }
0x47: {  	_ =	shalt  }
0x48: {  	_ =	shalt  }
0x49: {  	_ =	shalt  }
0x4a: {  	_ =	shalt  }
0x4b: {  	_ =	shalt  }
0x4c: {  	_ =	shalt  }
0x4d: {  	_ =	shalt  }
0x4e: {  	_ =	shalt  }
0x4f: {  	_ =	shalt  }
0x50: {  	_ =	shalt  }
0x51: {  	_ =	shalt  }
0x52: {  	_ =	shalt  }
0x53: {  	_ =	shalt  }
0x54: {  	_ =	shalt  }
0x55: {  	_ =	shalt  }
0x56: {  	_ =	shalt  }
0x57: {  	_ =	shalt  }
0x58: {  	_ =	shalt  }
0x59: {  	_ =	shalt  }
0x5a: {  	_ =	shalt  }
0x5b: {  	_ =	shalt  }
0x5c: {  	_ =	shalt  }
0x5d: {  	_ =	shalt  }
0x5e: {  	_ =	shalt  }
0x5f: {  	_ =	shalt  }
0x60: {  	_ =	shalt  }
0x61: {  	_ =	shalt  }
0x62: {  	_ =	shalt  }
0x63: {  	_ =	shalt  }
0x64: {  	_ =	shalt  }
0x65: {  	_ =	shalt  }
0x66: {  	_ =	shalt  }
0x67: {  	_ =	shalt  }
0x68: {  	_ =	shalt  }
0x69: {  	_ =	shalt  }
0x6a: {  	_ =	shalt  }
0x6b: {  	_ =	shalt  }
0x6c: {  	_ =	shalt  }
0x6d: {  	_ =	shalt  }
0x6e: {  	_ =	shalt  }
0x6f: {  	_ =	shalt  }
0x70: {  	_ =	shalt  }
0x71: {  	_ =	shalt  }
0x72: {  	_ =	shalt  }
0x73: {  	_ =	shalt  }
0x74: {  	_ =	shalt  }
0x75: {  	_ =	shalt  }
0x76: {  	_ =	shalt  }
0x77: {  	_ =	shalt  }
0x78: {  	_ =	shalt  }
0x79: {  	_ =	shalt  }
0x7a: {  	_ =	shalt  }
0x7b: {  	_ =	shalt  }
0x7c: {  	_ =	shalt  }
0x7d: {  	_ =	shalt  }
0x7e: {  	_ =	shalt  }
0x7f: {  	_ =	shalt  }
0x80: {  	_ =	shalt  }
0x81: {  	_ =	shalt  }
0x82: {  	_ =	shalt  }
0x83: {  	_ =	shalt  }
0x84: {  	_ =	shalt  }
0x85: {  	_ =	shalt  }
0x86: {  	_ =	shalt  }
0x87: {  	_ =	shalt  }
.Lfunc_end0:
.L_simem_size_0:
called_computation_lowered:
.L_overlay_start_0:
0x88: {  	s2 =	sld [smem:$0x3FD9]  }
0x89: {  	s3 =	sld [smem:$0x3FFE];
	_ =	sdelay $0x1  }
0x8a: {  	s1 =	srdreg.scid  }
0x8b: {  	s0 =	sand.u32 $0x1, s1  }
0x8c: {  	s17 =	sshll.u32 s0, $0xA;
	s2 =	sadd.s32 s3, s2  }
0x8d: {  	s2 =	sadd.s32 s2, s17  }
0x8e: {  	[smem:$0x3FBD] =	sst s2  }
0x8f: {  	_ = 	snop  }
0x90: {  	s2 =	sld [smem:$0x3FC6];
	(tm) =	ssettm $0x1  }
0x91: {  	s18 =	sld [smem:$0x3FFB];
	_ =	sdelay $0x3  }
0x92: {  	_ =	strace s18  }
0x93: {  	s3 =	sld [smem:$0x3FFC];
	_ =	sdelay $0x3  }
0x94: {  	_ =	strace s3  }
0x95: {  	s3 =	sld [smem:$0x3FFD];
	_ =	sdelay $0x3  }
0x96: {  	_ =	strace s3  }
0x97: {  	_ =	strace $0x8FFFFFFF  }
0x98: {  	s19 =	sld [smem:$0x3FDB];
	_ =	sdelay $0x1  }
0x99: {  	s4 =	simm.s32 $_scs_section_size  }
0x9a: {  	s5 =	simm.s32 $_size__tile_overlayer_lowered;
	s6 =	simm.s32 $_tile_overlayer_lowered  }
0x9b: {  	s22 =	simm.s32 $0x1BFF;
	s21 =	sshll.u32 s6, $0x1;
	s3 =	sadd.s32 s4, s19  }
0x9c: {  	s7 =	simm.s32 $0x0;
	s20 =	sshll.u32 s5, $0x1;
	s5 =	sadd.s32 s21, s3  }
0x9d: {  	[timem:s7], [sflag:s22] =	dma.local [hbm:s5], s20  }
0x9e: {  	_ =	swait.ge [sflag:s22], s20  }
0x9f: {  	s4 =	ssub.s32 $0x0, s20;
	[sflag:s22] =	ssyncset.done $0x0  }
0xa0: {  	[sflag:s22] =	ssyncadd.s32 s4;
	_ =	sdelay $0x1  }
0xa1: {  	s23 =	simm.s32 $0x1B8B  }
0xa2: {  	_ =	swait.ge [sflag:s23], $0x1  }
0xa3: {  	[sflag:s23] =	ssyncset.done $0x0  }
0xa4: {  	s25 =	simm.s32 $0x1B8E;
	s24 =	sld [smem:$0x3FFE];
	[sflag:s23] =	ssyncadd.s32 $0xFFFFFFFF  }
0xa5: {  	s26 =	simm.s32 $execute0_lowered;
	[smem:$0x3FD2] =	sst s25  }
0xa6: {  	s5 =	sshll.u32 s26, $0x1;
	_ =	strace $0x80000046;
	[dreg:$0x1] =	wrdreg $0xFFFFFFFF  }
0xa7: {  	s28 =	simm.s32 $_size_execute0_lowered;
	s3 =	sadd.s32 s3, s5;
	[dreg:$0x0] =	wrdreg $0x0  }
0xa8: {  	s5 =	sshll.u32 s28, $0x1;
	[dreg:$0x2] =	wrdreg s3  }
0xa9: {  	[dreg:$0x3] =	wrdreg s5  }
0xaa: {  	[dreg:$0x4] =	wrdreg $0xC0  }
0xab: {  	_ =	task [dreg:s7], $0x5FFFF  }
0xac: {  	[dreg:$0x1] =	wrdreg $0xFFFFFFFF  }
0xad: {  	[dreg:$0x0] =	wrdreg $0x60  }
0xae: {  	[dreg:$0x2] =	wrdreg s24  }
0xaf: {  	[dreg:$0x3] =	wrdreg s2  }
0xb0: {  	[dreg:$0x4] =	wrdreg $0x0  }
0xb1: {  	[dreg:$0x5] =	wrdreg $0x9  }
0xb2: {  	_ =	task.clear_ibuf [dreg:s7], $0x6FFFF;
	_ =	strace $0x90000046  }
0xb3: {  	s29 =	simm.s32 $0x9;
	_ =	strace $0x80000048  }
0xb4: {  	_ =	swait.ge [sflag:s29], $0x1  }
0xb5: {  	[sflag:s29] =	ssyncadd.s32 $0xFFFFFFFF  }
0xb6: {  	_ =	strace $0x90000048  }
0xb7: {  	_ =	sfence  }
0xb8: {  	s30 =	sld [smem:$0x0];
	_ =	sdelay $0x2  }
0xb9: {  	s31 =	sshll.u32 s1, $0xD;
	s1 =	sshrl.u32 s1, $0x2  }
0xba: {  	s3 =	sand.u32 $0x4000, s31;
	s1 =	sadd.s32 s1, s30  }
0xbb: {  	s0 =	sor.u32 s3, s0;
	s1 =	sshll.u32 s1, $0x11  }
0xbc: {  	s0 =	sor.u32 s1, s0  }
0xbd: {  	s0 =	sadd.s32 $0x8F2B, s0  }
0xbe: {  	[sflag:s0] =	ssyncadd.remote.s32 $0x1  }
0xbf: {  	_ =	sfence.sel $0xFFFF  }
0xc0: {  	[dreg:$0x0] =	wrdreg $0xFFFFFFFF;
	(pc) =	sbr.abs _section_cstart, $3  }
0xc1: {  	[dreg:$0x1] =	wrdreg $0xFFFFFFFF  }
0xc2: {  	_ =	task.clear_ibuf [dreg:s7], $0x2FFFF;
	_ =	strace $0x9FFFFFFF  }
0xc3: {  	(tm) =	ssettm $0x7FFFFFFF  }
tec
execute0_lowered:
.L_overlay_start_1:
0x0: {  	(tag) =	ssettag $0x1  }
0x1: {  	s9 =	rddreg [dreg:$0x0]  }
0x2: {  	s0 =	rddreg [dreg:$0x1]  }
0x3: {  	s2 =	rddreg [dreg:$0x2];
	s3 =	simm.s32 $0x0;
	s18 =	srdreg.scid  }
0x4: {  	s11 =	stileid.u32;
	s28 =	simm.s32 $0x50;
	s29 =	simm.s32 $0xF180  }
0x5: {  	s30 =	simm.s32 $0xF580;
	s31 =	simm.s32 $0x280;
	s12 =	simm.s32 $0xF300  }
0x6: {  	s14 =	simm.s32 $0x0;
	[smem:$0x7FF] =	sst s3;
	s4 =	sadd.s32 $0x6000, s9  }
0x7: {  	s1 =	sadd.s32 $0x1000, s9;
	s5 =	sadd.s32 $0xBC00, s9;
	s15 =	sadd.s32 $0xB600, s9  }
0x8: {  	s16 =	sadd.s32 $0xB000, s9;
	_ =	strace $0x80000047;
	[dreg:$0x4] =	wrdreg s5  }
0x9: {  	s17 =	sadd.s32 $0xA00, s9;
	s6 =	sadd.s32 $0x400, s9;
	[dreg:$0x5] =	wrdreg s15  }
0xa: {  	s19 =	sshll.u32 s11, $0x1;
	s7 =	sadd.s32 $0x200, s9;
	[dreg:$0x6] =	wrdreg s16  }
0xb: {  	s20 =	smul.u32 $0xA00, s11;
	s8 =	sadd.s32 $0xC200, s9;
	[dreg:$0x7] =	wrdreg s17  }
0xc: {  	s9 =	sadd.s32 $0xC400, s9;
	s13 =	smul.u32 $0x2710, s11;
	[dreg:$0x8] =	wrdreg s6  }
0xd: {  	s11 =	simm.s32 $0xF280;
	s5 =	sand.u32 $0x1, s18;
	[dreg:$0x9] =	wrdreg s7  }
0xe: {  	v0 =	vimm.f32 $1.000000000e+00;
	[dreg:$0xa] =	wrdreg s8;
	s6 =	sor.u32 s5, s19;
	s21 =	ssub.s32 $0x2, s5  }
0xf: {  	v1 =	vimm.f32 $0.0e+00;
	v2 =	vimm.s32 $0x0;
	v3 =	vimm.s32 $0x1;
	s7 =	sshrl.u32 s20, $0x2;
	s5 =	smul.u32 $0x1388, s5;
	s10 =	sshrl.u32 s21, $0x1  }
0x10: {  	v4 =	vimm.s32 $0x2;
	v5 =	vimm.s32 $0x3;
	v8 =	vlaneseq.u32;
	s6 =	smul.u32 $0x1388, s6;
	s7 =	sadd.s32 s7, s2;
	s8 =	ssub.s32 s21, s10  }
0x11: {  	v6 =	vimm.s32 $0x4;
	v7 =	vimm.s32 $0x5;
	v8 =	vmul.u32 $0x8, v8;
	[dreg:$0xb] =	wrdreg s7;
	s5 =	sadd.s32 s5, s13;
	s10 =	simm.s32 $0xF200  }
0x12: {  	v9 =	vimm.s32 $0x6;
	v10 =	vimm.s32 $0x7;
	v11 =	vimm.s32 $0x8;
	s6 =	sadd.s32 $0x1338, s6;
	s25 =	sshrl.u32 s5, $0x3;
	s26 =	smax.u32 s8, $0x1  }
0x13: {  	v12 =	vor.u32 $0x1, v8;
	v13 =	vor.u32 $0x2, v8;
	v14 =	vor.u32 $0x3, v8;
	s16 =	sadd.s32 s9, s5;
	s5 =	simm.s32 $0xF000;
	s8 =	simm.s32 $0xF100  }
0x14: {  	v15 =	vor.u32 $0x4, v8;
	v16 =	vor.u32 $0x80, v8;
	v17 =	vor.u32 $0x81, v8;
	s22 =	sshrl.u32 s6, $0x3;
	s6 =	sadd.s32 s9, s6;
	[dreg:$0x10] =	wrdreg s26  }
0x15: {  	v18 =	vor.u32 $0x82, v8;
	v19 =	vor.u32 $0x83, v8;
	v20 =	vor.u32 $0x84, v8;
	s21 =	sadd.s32 s25, s0;
	s26 =	simm.s32 $0xF880;
	s9 =	simm.s32 $0x7900  }
0x16: {  	v21 =	vor.u32 $0x100, v8;
	v22 =	vor.u32 $0x101, v8;
	v23 =	vor.u32 $0x102, v8;
	s23 =	sadd.s32 s4, s22;
	s24 =	sadd.s32 s1, s22;
	[dreg:$0xf] =	wrdreg s6  }
0x17: {  	v24 =	vor.u32 $0x103, v8;
	v25 =	vor.u32 $0x104, v8;
	v26 =	vor.u32 $0x180, v8;
	s7 =	sadd.s32 s0, s22;
	s22 =	sadd.s32 s25, s1;
	[dreg:$0xc] =	wrdreg s23  }
0x18: {  	v27 =	vor.u32 $0x181, v8;
	v28 =	vor.u32 $0x182, v8;
	v29 =	vor.u32 $0x183, v8;
	s0 =	simm.s32 $0x2A00;
	s6 =	simm.s32 $0x5180;
	[dreg:$0xd] =	wrdreg s24  }
0x19: {  	v30 =	vor.u32 $0x184, v8;
	v31 =	vor.u32 $0x200, v8;
	v32 =	vor.u32 $0x201, v8;
	s1 =	simm.s32 $0xC880;
	[dreg:$0xe] =	wrdreg s7;
	s23 =	sadd.s32 s25, s4  }
0x1a: {  	v33 =	vor.u32 $0x202, v8;
	v34 =	vor.u32 $0x203, v8;
	v35 =	vor.u32 $0x204, v8;
	s25 =	simm.s32 $0x1;
	s24 =	simm.s32 $0xA100;
	s7 =	simm.s32 $0xF080  }
.LBB2_1:
0x1b: {  	[tilespmem:$0xF580] =	vst v0  }
0x1c: {  	[tilespmem:$0xF590] =	vst v0  }
0x1d: {  	[tilespmem:$0xF5A0] =	vst v0  }
0x1e: {  	[tilespmem:$0xF5B0] =	vst v0  }
0x1f: {  	[tilespmem:$0xF5C0] =	vst v0  }
0x20: {  	[tilespmem:$0xF600] =	vst v1  }
0x21: {  	[tilespmem:$0xF610] =	vst v1  }
0x22: {  	[tilespmem:$0xF620] =	vst v1  }
0x23: {  	[tilespmem:$0xF630] =	vst v1  }
0x24: {  	[tilespmem:$0xF640] =	vst v1  }
0x25: {  	[tilespmem:$0xF650] =	vst v1  }
0x26: {  	[tilespmem:$0xF660] =	vst v1  }
0x27: {  	[tilespmem:$0xF670] =	vst v1  }
0x28: {  	[tilespmem:$0xF680] =	vst v1  }
0x29: {  	[tilespmem:$0xF690] =	vst v1  }
0x2a: {  	[tilespmem:$0xF6A0] =	vst v1  }
0x2b: {  	[tilespmem:$0xF6B0] =	vst v1  }
0x2c: {  	[tilespmem:$0xF6C0] =	vst v1  }
0x2d: {  	[tilespmem:$0xF6D0] =	vst v1  }
0x2e: {  	[tilespmem:$0xF6E0] =	vst v1  }
0x2f: {  	[tilespmem:$0xF6F0] =	vst v1  }
0x30: {  	[tilespmem:$0xF700] =	vst v1  }
0x31: {  	[tilespmem:$0xF710] =	vst v1  }
0x32: {  	[tilespmem:$0xF720] =	vst v1  }
0x33: {  	[tilespmem:$0xF730] =	vst v1  }
0x34: {  	[tilespmem:$0xF740] =	vst v1  }
0x35: {  	[tilespmem:$0xF750] =	vst v1  }
0x36: {  	[tilespmem:$0xF760] =	vst v1  }
0x37: {  	[tilespmem:$0xF770] =	vst v1  }
0x38: {  	[tilespmem:$0xF780] =	vst v1  }
0x39: {  	[tilespmem:$0xF790] =	vst v1  }
0x3a: {  	[tilespmem:$0xF7A0] =	vst v1  }
0x3b: {  	[tilespmem:$0xF7B0] =	vst v1  }
0x3c: {  	[tilespmem:$0xF7C0] =	vst v1  }
0x3d: {  	[tilespmem:$0xF7D0] =	vst v1  }
0x3e: {  	[tilespmem:$0xF7E0] =	vst v1  }
0x3f: {  	[tilespmem:$0xF7F0] =	vst v1  }
0x40: {  	[tilespmem:$0xF800] =	vst v1  }
0x41: {  	[tilespmem:$0xF810] =	vst v1  }
0x42: {  	[tilespmem:$0xF820] =	vst v1  }
0x43: {  	[tilespmem:$0xF830] =	vst v1  }
0x44: {  	[tilespmem:$0xF840] =	vst v1  }
0x45: {  	[tilespmem:$0xF850] =	vst v1  }
0x46: {  	[tilespmem:$0xF860] =	vst v1  }
0x47: {  	[tilespmem:$0xF870] =	vst v1;
	s15 =	rddreg [dreg:$0xb];
	s17 =	simm.s32 $0xF600  }
0x48: {  	[spmem:s15] =	stream.linear.scatter [tilespmem:s17], [sflag:$0x1], $0x280, $0x38;
	[tilespmem:$0x10080] =	vst v63  }
0x49: {  	_ =	swait.ge [sflag:s25], $0x280  }
0x4a: {  	[sflag:s25] =	ssyncset.done $0x0  }
0x4b: {  	[sflag:s25] =	ssyncadd.s32 $0xFFFFFD80  }
0x4c: {  	s15 =	simm.s32 $0x0;
	[bflag:$0x0] =	sbarrier.arrive $0xFFFF  }
.LBB2_2:
0x4d: {  	s17 =	smul.u32 $0x7D0, s15;
	_ =	sdelay $0x1  }
0x4e: {  	s17 =	sadd.s32 s13, s17  }
0x4f: {  	s17 =	sshrl.u32 s17, $0x3  }
0x50: {  	s20 =	simm.s32 $0x0;
	s17 =	sadd.s32 s4, s17  }
0x51: {  	[tilespmem:s26], [sflag:$0x1] =	stream.linear.gather [hbm4b:s17+s20], $0x7D0, $0x38;
	[tilespmem:$0x10080] =	vst v63  }
0x52: {  	_ =	swait.ge [sflag:s25], $0x7D0  }
0x53: {  	[sflag:s25] =	ssyncset.done $0x0  }
0x54: {  	s20 =	simm.s32 $0x0;
	[sflag:s25] =	ssyncadd.s32 $0xFFFFF830  }
0x55: {  	v36 =	vld [tilespmem:s20+$0xF880];
	_ =	sdelay $0x4  }
0x56: {  	[tilespmem:$0xF180] =	vst v36  }
0x57: {  	v36 =	vld [tilespmem:s20+$0xF890];
	_ =	sdelay $0x4  }
0x58: {  	[tilespmem:$0xF190] =	vst v36  }
0x59: {  	v36 =	vld [tilespmem:s20+$0xF8A0];
	_ =	sdelay $0x4  }
0x5a: {  	[tilespmem:$0xF1A0] =	vst v36  }
0x5b: {  	v36 =	vld [tilespmem:s20+$0xF8B0];
	_ =	sdelay $0x4  }
0x5c: {  	[tilespmem:$0xF1B0] =	vst v36  }
0x5d: {  	v36 =	vld [tilespmem:s20+$0xF8C0];
	_ =	sdelay $0x4  }
0x5e: {  	[tilespmem:$0xF1C0] =	vst v36  }
0x5f: {  	[spmem:s2] =	stream.indirect.scatter.add.f32 [tilespmem:s30], [sflag:$0x1], $0x1, s29, s28, $0xb8;
	[tilespmem:$0x10080] =	vst v63  }
0x60: {  	_ =	swait.ge [sflag:s25], $0x50  }
0x61: {  	s17 =	simm.s32 $0x140;
	s20 =	simm.s32 $0x280;
	[sflag:s25] =	ssyncset.done $0x0  }
.LBB2_3:
0x62: {  	s18 =	sshra.s32 s17, $0x2  }
0x63: {  	[sflag:s25] =	ssyncadd.s32 $0xFFFFFFB0;
	s17 =	smov.u32 s20;
	s19 =	sadd.s32 $0x140, s20  }
0x64: {  	p0 =	sne.s32 s20, $0x1E00;
	v36 =	vld [tilespmem:s18+$0xF880];
	_ =	sdelay $0x4  }
0x65: {  	[tilespmem:$0xF180] =	vst v36  }
0x66: {  	v36 =	vld [tilespmem:s18+$0xF890];
	_ =	sdelay $0x4  }
0x67: {  	[tilespmem:$0xF190] =	vst v36  }
0x68: {  	v36 =	vld [tilespmem:s18+$0xF8A0];
	_ =	sdelay $0x4  }
0x69: {  	[tilespmem:$0xF1A0] =	vst v36  }
0x6a: {  	v36 =	vld [tilespmem:s18+$0xF8B0];
	_ =	sdelay $0x4  }
0x6b: {  	[tilespmem:$0xF1B0] =	vst v36  }
0x6c: {  	v36 =	vld [tilespmem:s18+$0xF8C0];
	_ =	sdelay $0x3  }
.Ltmp0:
0x6d: {  	(pc) =	sbr.rel @p0 .LBB2_3-.Ltmp0, $4  }
0x6e: {  	[tilespmem:$0xF1C0] =	vst v36  }
0x6f: {  	[spmem:s2] =	stream.indirect.scatter.add.f32 [tilespmem:s30], [sflag:$0x1], $0x1, s29, s28, $0xb8;
	[tilespmem:$0x10080] =	vst v63  }
0x70: {  	_ =	swait.ge [sflag:s25], $0x50  }
0x71: {  	s20 =	smov.u32 s19;
	[sflag:s25] =	ssyncset.done $0x0  }
0x72: {  	s17 =	sshra.s32 s17, $0x2;
	[sflag:s25] =	ssyncadd.s32 $0xFFFFFFB0  }
0x73: {  	v36 =	vld [tilespmem:s17+$0xF880];
	_ =	sdelay $0x4  }
0x74: {  	[tilespmem:$0xF180] =	vst v36  }
0x75: {  	v36 =	vld [tilespmem:s17+$0xF890];
	_ =	sdelay $0x4  }
0x76: {  	[tilespmem:$0xF190] =	vst v36  }
0x77: {  	v36 =	vld [tilespmem:s17+$0xF8A0];
	_ =	sdelay $0x4  }
0x78: {  	[tilespmem:$0xF1A0] =	vst v36  }
0x79: {  	v36 =	vld [tilespmem:s17+$0xF8B0];
	_ =	sdelay $0x4  }
0x7a: {  	[tilespmem:$0xF1B0] =	vst v36  }
0x7b: {  	v36 =	vld [tilespmem:s17+$0xF8C0];
	_ =	sdelay $0x2  }
0x7c: {  	s15 =	sadd.s32 $0x1, s15  }
0x7d: {  	p0 =	sne.s32 s15, $0x5  }
.Ltmp1:
0x7e: {  	[tilespmem:$0xF1C0] =	vst v36;
	(pc) =	sbr.rel @p0 .LBB2_2-.Ltmp1, $4  }
0x7f: {  	[spmem:s2] =	stream.indirect.scatter.add.f32 [tilespmem:s30], [sflag:$0x1], $0x1, s29, s28, $0xb8;
	[tilespmem:$0x10080] =	vst v63  }
0x80: {  	_ =	swait.ge [sflag:s25], $0x50  }
0x81: {  	[sflag:s25] =	ssyncset.done $0x0  }
0x82: {  	[sflag:s25] =	ssyncadd.s32 $0xFFFFFFB0  }
0x83: {  	[bflag:$0x0] =	sbarrier.arrive $0xFFFF  }
0x84: {  	s15 =	simm.s32 $0x0;
	s17 =	rddreg [dreg:$0x4]  }
0x85: {  	[tilespmem:s31], [sflag:$0x1] =	stream.linear.gather [hbm4b:s17+s15], $0x2780, $0x38;
	[tilespmem:$0x10080] =	vst v63  }
0x86: {  	_ =	swait.ge [sflag:s25], $0x2780  }
0x87: {  	[sflag:s25] =	ssyncset.done $0x0  }
0x88: {  	s20 =	rddreg [dreg:$0x5];
	[sflag:s25] =	ssyncadd.s32 $0xFFFFD880  }
0x89: {  	[tilespmem:s0], [sflag:$0x1] =	stream.linear.gather [hbm4b:s20+s15], $0x2780, $0x38;
	[tilespmem:$0x10080] =	vst v63  }
0x8a: {  	_ =	swait.ge [sflag:s25], $0x2780  }
0x8b: {  	[sflag:s25] =	ssyncset.done $0x0  }
0x8c: {  	s18 =	rddreg [dreg:$0x6];
	[sflag:s25] =	ssyncadd.s32 $0xFFFFD880  }
0x8d: {  	[tilespmem:s6], [sflag:$0x1] =	stream.linear.gather [hbm4b:s18+s15], $0x2780, $0x38;
	[tilespmem:$0x10080] =	vst v63  }
0x8e: {  	_ =	swait.ge [sflag:s25], $0x2780  }
0x8f: {  	[sflag:s25] =	ssyncset.done $0x0  }
0x90: {  	s19 =	rddreg [dreg:$0x7];
	[sflag:s25] =	ssyncadd.s32 $0xFFFFD880  }
0x91: {  	[tilespmem:s24], [sflag:$0x1] =	stream.linear.gather [hbm4b:s19+s15], $0x2780, $0x38;
	[tilespmem:$0x10080] =	vst v63  }
0x92: {  	_ =	swait.ge [sflag:s25], $0x2780  }
0x93: {  	[sflag:s25] =	ssyncset.done $0x0  }
0x94: {  	s20 =	rddreg [dreg:$0x8];
	[sflag:s25] =	ssyncadd.s32 $0xFFFFD880  }
0x95: {  	[tilespmem:s1], [sflag:$0x1] =	stream.linear.gather [hbm4b:s20+s15], $0x2780, $0x38;
	[tilespmem:$0x10080] =	vst v63  }
0x96: {  	_ =	swait.ge [sflag:s25], $0x2780  }
0x97: {  	[sflag:s25] =	ssyncset.done $0x0  }
0x98: {  	[sflag:s25] =	ssyncadd.s32 $0xFFFFD880  }
0x99: {  	s18 =	rddreg [dreg:$0x0]  }
0x9a: {  	[tilespmem:s5], [sflag:$0x1] =	stream.linear.gather [hbm4b:s18+s15], $0x80, $0x38;
	[tilespmem:$0x10080] =	vst v63  }
0x9b: {  	_ =	swait.ge [sflag:s25], $0x80  }
0x9c: {  	[sflag:s25] =	ssyncset.done $0x0  }
0x9d: {  	s19 =	rddreg [dreg:$0x9];
	[sflag:s25] =	ssyncadd.s32 $0xFFFFFF80  }
0x9e: {  	[tilespmem:s7], [sflag:$0x1] =	stream.linear.gather [hbm4b:s19+s15], $0x80, $0x38;
	[tilespmem:$0x10080] =	vst v63  }
0x9f: {  	_ =	swait.ge [sflag:s25], $0x80  }
0xa0: {  	[sflag:s25] =	ssyncset.done $0x0  }
0xa1: {  	s20 =	rddreg [dreg:$0xa];
	[sflag:s25] =	ssyncadd.s32 $0xFFFFFF80  }
0xa2: {  	[tilespmem:s8], [sflag:$0x1] =	stream.linear.gather [hbm4b:s20+s15], $0x80, $0x38;
	[tilespmem:$0x10080] =	vst v63  }
0xa3: {  	_ =	swait.ge [sflag:s25], $0x80  }
0xa4: {  	[sflag:s25] =	ssyncset.done $0x0  }
0xa5: {  	[sflag:s25] =	ssyncadd.s32 $0xFFFFFF80  }
0xa6: {  	[tilespmem:s9], [sflag:$0x1] =	stream.linear.gather [spmem:s2], $0x2800, $0x38;
	[tilespmem:$0x10080] =	vst v63  }
0xa7: {  	_ =	swait.ge [sflag:s25], $0x2800  }
0xa8: {  	[sflag:s25] =	ssyncset.done $0x0  }
0xa9: {  	s17 =	simm.s32 $0x40;
	s20 =	simm.s32 $0x0;
	[sflag:s25] =	ssyncadd.s32 $0xFFFFD800  }
.LBB2_6:
0xaa: {  	p0 =	sne.s32 s17, $0x9FC0;
	v36 =	vld [tilespmem:s20+$0x7900];
	_ =	sdelay $0x4  }
0xab: {  	v36 =	vmax.f32 v36, $1.000000000e+00  }
0xac: {  	vm0 =	vge.f32 v36, $2.000000000e+00;
	vm1 =	vge.f32 v36, $4.000000000e+00  }
0xad: {  	v37 =	vsel vm0, $0x1, v2;
	v38 =	vsel vm1, $0x1, v2;
	vm0 =	vge.f32 v36, $8.000000000e+00  }
0xae: {  	v37 =	vadd.s32 v38, v37;
	v38 =	vsel vm0, $0x1, v2;
	vm0 =	vge.f32 v36, $1.600000000e+01  }
0xaf: {  	v37 =	vadd.s32 v38, v37;
	v38 =	vsel vm0, $0x1, v2;
	vm0 =	vge.f32 v36, $3.200000000e+01  }
0xb0: {  	v37 =	vadd.s32 v38, v37;
	v38 =	vsel vm0, $0x1, v2;
	vm0 =	vge.f32 v36, $6.400000000e+01  }
0xb1: {  	v37 =	vadd.s32 v38, v37;
	v38 =	vsel vm0, $0x1, v2;
	vm0 =	vge.f32 v36, $1.280000000e+02  }
0xb2: {  	v37 =	vadd.s32 v38, v37;
	v38 =	vsel vm0, $0x1, v2;
	vm0 =	vge.f32 v36, $2.560000000e+02  }
0xb3: {  	v37 =	vadd.s32 v38, v37;
	v38 =	vsel vm0, $0x1, v2;
	vm0 =	vge.f32 v36, $5.120000000e+02  }
0xb4: {  	v37 =	vadd.s32 v38, v37;
	v38 =	vsel vm0, $0x1, v2;
	vm0 =	vge.f32 v36, $1.024000000e+03  }
0xb5: {  	v37 =	vadd.s32 v38, v37;
	v38 =	vsel vm0, $0x1, v2;
	vm0 =	vge.f32 v36, $2.048000000e+03  }
0xb6: {  	v37 =	vadd.s32 v38, v37;
	v38 =	vsel vm0, $0x1, v2;
	vm0 =	vge.f32 v36, $4.096000000e+03  }
0xb7: {  	v37 =	vadd.s32 v38, v37;
	v38 =	vsel vm0, $0x1, v2;
	vm0 =	vge.f32 v36, $8.192000000e+03  }
0xb8: {  	v37 =	vadd.s32 v38, v37;
	v38 =	vsel vm0, $0x1, v2;
	vm0 =	vge.f32 v36, $1.638400000e+04  }
0xb9: {  	v37 =	vadd.s32 v38, v37;
	v38 =	vsel vm0, $0x1, v2;
	vm0 =	vge.f32 v36, $3.276800000e+04  }
0xba: {  	v37 =	vadd.s32 v38, v37;
	v38 =	vsel vm0, $0x1, v2;
	vm0 =	vge.f32 v36, $6.553600000e+04  }
0xbb: {  	v37 =	vadd.s32 v38, v37;
	v38 =	vsel vm0, $0x1, v2;
	vm0 =	vge.f32 v36, $1.310720000e+05  }
0xbc: {  	v37 =	vadd.s32 v38, v37;
	v38 =	vsel vm0, $0x1, v2;
	vm0 =	vge.f32 v36, $2.621440000e+05  }
0xbd: {  	v37 =	vadd.s32 v38, v37;
	v38 =	vsel vm0, $0x1, v2  }
0xbe: {  	v37 =	vadd.s32 v38, v37;
	_ =	sdelay $0x4  }
0xbf: {  	v37 =	vld.idx.msk [tilespmem:v37+s8+$0x0], $0xffff;
	_ =	sdelay $0x3  }
0xc0: {  	v36 =	vmul.f32 $5.000000000e-01, v36;
	_ =	sdelay $0x1  }
0xc1: {  	v38 =	vmul.f32 v36, v37;
	_ =	sdelay $0x1  }
0xc2: {  	v38 =	vmul.f32 v38, v37;
	_ =	sdelay $0x1  }
0xc3: {  	v38 =	vsub.f32 $1.500000000e+00, v38;
	_ =	sdelay $0x1  }
0xc4: {  	v37 =	vmul.f32 v38, v37;
	_ =	sdelay $0x1  }
0xc5: {  	v38 =	vmul.f32 v37, v36;
	_ =	sdelay $0x1  }
0xc6: {  	v38 =	vmul.f32 v38, v37;
	_ =	sdelay $0x1  }
0xc7: {  	v38 =	vsub.f32 $1.500000000e+00, v38;
	_ =	sdelay $0x1  }
0xc8: {  	v37 =	vmul.f32 v38, v37;
	_ =	sdelay $0x1  }
0xc9: {  	v38 =	vmul.f32 v37, v36;
	_ =	sdelay $0x1  }
0xca: {  	v38 =	vmul.f32 v38, v37;
	_ =	sdelay $0x1  }
0xcb: {  	v38 =	vsub.f32 $1.500000000e+00, v38;
	_ =	sdelay $0x1  }
0xcc: {  	v37 =	vmul.f32 v38, v37;
	_ =	sdelay $0x1  }
0xcd: {  	v38 =	vmul.f32 v37, v36;
	_ =	sdelay $0x1  }
0xce: {  	v38 =	vmul.f32 v38, v37;
	_ =	sdelay $0x1  }
0xcf: {  	v38 =	vsub.f32 $1.500000000e+00, v38;
	_ =	sdelay $0x1  }
0xd0: {  	v37 =	vmul.f32 v38, v37;
	_ =	sdelay $0x1  }
0xd1: {  	v36 =	vmul.f32 v37, v36;
	_ =	sdelay $0x1  }
0xd2: {  	v36 =	vmul.f32 v36, v37;
	_ =	sdelay $0x1  }
.Ltmp2:
0xd3: {  	v36 =	vsub.f32 $1.500000000e+00, v36;
	(pc) =	sbr.rel @p0 .LBB2_6-.Ltmp2, $3  }
0xd4: {  	_ = 	snop  }
0xd5: {  	v36 =	vmul.f32 v36, v37;
	_ =	sdelay $0x1  }
0xd6: {  	[tilespmem:s20+$0x7900] =	vst v36;
	s20 =	sshra.s32 s17, $0x2;
	s17 =	sadd.s32 $0x40, s17  }
0xd7: {  	v36 =	vld [tilespmem:s20+$0x7900];
	_ =	sdelay $0x4  }
0xd8: {  	v36 =	vmax.f32 v36, $1.000000000e+00  }
0xd9: {  	vm0 =	vge.f32 v36, $2.000000000e+00;
	vm1 =	vge.f32 v36, $4.000000000e+00  }
0xda: {  	vm12 =	vge.f32 v36, $8.000000000e+00;
	v37 =	vsel vm0, $0x1, v2;
	v38 =	vsel vm1, $0x1, v2  }
0xdb: {  	vm13 =	vge.f32 v36, $1.600000000e+01;
	v47 =	vsel vm12, $0x1, v2;
	v37 =	vadd.s32 v38, v37  }
0xdc: {  	vm14 =	vge.f32 v36, $3.200000000e+01;
	v48 =	vsel vm13, $0x1, v2;
	v37 =	vadd.s32 v47, v37  }
0xdd: {  	vm15 =	vge.f32 v36, $6.400000000e+01;
	v49 =	vsel vm14, $0x1, v2;
	v37 =	vadd.s32 v48, v37  }
0xde: {  	vm4 =	vge.f32 v36, $1.280000000e+02;
	v50 =	vsel vm15, $0x1, v2;
	v37 =	vadd.s32 v49, v37  }
0xdf: {  	vm5 =	vge.f32 v36, $2.560000000e+02;
	v51 =	vsel vm4, $0x1, v2;
	v37 =	vadd.s32 v50, v37  }
0xe0: {  	vm6 =	vge.f32 v36, $5.120000000e+02;
	v52 =	vsel vm5, $0x1, v2;
	v37 =	vadd.s32 v51, v37  }
0xe1: {  	vm7 =	vge.f32 v36, $1.024000000e+03;
	v53 =	vsel vm6, $0x1, v2;
	v37 =	vadd.s32 v52, v37  }
0xe2: {  	vm8 =	vge.f32 v36, $2.048000000e+03;
	v54 =	vsel vm7, $0x1, v2;
	v37 =	vadd.s32 v53, v37  }
0xe3: {  	vm9 =	vge.f32 v36, $4.096000000e+03;
	v55 =	vsel vm8, $0x1, v2;
	v37 =	vadd.s32 v54, v37  }
0xe4: {  	vm10 =	vge.f32 v36, $8.192000000e+03;
	v56 =	vsel vm9, $0x1, v2;
	v37 =	vadd.s32 v55, v37  }
0xe5: {  	vm11 =	vge.f32 v36, $1.638400000e+04;
	v57 =	vsel vm10, $0x1, v2;
	v37 =	vadd.s32 v56, v37  }
0xe6: {  	v58 =	vsel vm11, $0x1, v2;
	vm12 =	vge.f32 v36, $3.276800000e+04;
	v37 =	vadd.s32 v57, v37  }
0xe7: {  	vm13 =	vge.f32 v36, $6.553600000e+04;
	v59 =	vsel vm12, $0x1, v2;
	v37 =	vadd.s32 v58, v37  }
0xe8: {  	vm14 =	vge.f32 v36, $1.310720000e+05;
	v60 =	vsel vm13, $0x1, v2;
	v37 =	vadd.s32 v59, v37  }
0xe9: {  	vm15 =	vge.f32 v36, $2.621440000e+05;
	v61 =	vsel vm14, $0x1, v2;
	v37 =	vadd.s32 v60, v37  }
0xea: {  	v62 =	vsel vm15, $0x1, v2;
	v37 =	vadd.s32 v61, v37  }
0xeb: {  	v37 =	vadd.s32 v62, v37;
	_ =	sdelay $0x4  }
0xec: {  	v37 =	vld.idx.msk [tilespmem:v37+s8+$0x0], $0xffff;
	_ =	sdelay $0x2  }
0xed: {  	v36 =	vmul.f32 $5.000000000e-01, v36;
	_ =	sdelay $0x1  }
0xee: {  	v63 =	vmul.f32 v36, v37;
	_ =	sdelay $0x1  }
0xef: {  	v38 =	vmul.f32 v63, v37;
	_ =	sdelay $0x1  }
0xf0: {  	v38 =	vsub.f32 $1.500000000e+00, v38;
	_ =	sdelay $0x1  }
0xf1: {  	v37 =	vmul.f32 v38, v37;
	_ =	sdelay $0x1  }
0xf2: {  	v38 =	vmul.f32 v37, v36;
	_ =	sdelay $0x1  }
0xf3: {  	v38 =	vmul.f32 v38, v37;
	_ =	sdelay $0x1  }
0xf4: {  	v38 =	vsub.f32 $1.500000000e+00, v38;
	_ =	sdelay $0x1  }
0xf5: {  	v37 =	vmul.f32 v38, v37;
	_ =	sdelay $0x1  }
0xf6: {  	v38 =	vmul.f32 v37, v36;
	_ =	sdelay $0x1  }
0xf7: {  	v38 =	vmul.f32 v38, v37;
	_ =	sdelay $0x1  }
0xf8: {  	v38 =	vsub.f32 $1.500000000e+00, v38;
	_ =	sdelay $0x1  }
0xf9: {  	v37 =	vmul.f32 v38, v37;
	_ =	sdelay $0x1  }
0xfa: {  	v38 =	vmul.f32 v37, v36;
	_ =	sdelay $0x1  }
0xfb: {  	v38 =	vmul.f32 v38, v37;
	_ =	sdelay $0x1  }
0xfc: {  	v38 =	vsub.f32 $1.500000000e+00, v38;
	_ =	sdelay $0x1  }
0xfd: {  	v37 =	vmul.f32 v38, v37;
	_ =	sdelay $0x1  }
0xfe: {  	v36 =	vmul.f32 v37, v36;
	_ =	sdelay $0x1  }
0xff: {  	v36 =	vmul.f32 v36, v37;
	_ =	sdelay $0x1  }
0x100: {  	v36 =	vsub.f32 $1.500000000e+00, v36;
	_ =	sdelay $0x1  }
0x101: {  	v36 =	vmul.f32 v36, v37;
	_ =	sdelay $0x1  }
0x102: {  	[tilespmem:s20+$0x7900] =	vst v36;
	s20 =	smov.u32 s16  }
.LBB2_8:
0x103: {  	s17 =	sadd.s32 s15, s23  }
0x104: {  	[tilespmem:s29], [sflag:$0x1] =	stream.linear.gather [hbm4b:s17+s3], $0x50, $0x38;
	[tilespmem:$0x10080] =	vst v63  }
0x105: {  	_ =	swait.ge [sflag:s25], $0x50  }
0x106: {  	[sflag:s25] =	ssyncset.done $0x0  }
0x107: {  	s18 =	sadd.s32 s15, s22;
	[sflag:s25] =	ssyncadd.s32 $0xFFFFFFB0  }
0x108: {  	[tilespmem:s10], [sflag:$0x1] =	stream.linear.gather [hbm4b:s18+s3], $0x50, $0x38;
	[tilespmem:$0x10080] =	vst v63  }
0x109: {  	_ =	swait.ge [sflag:s25], $0x50  }
0x10a: {  	[sflag:s25] =	ssyncset.done $0x0  }
0x10b: {  	s19 =	sadd.s32 s15, s21;
	[sflag:s25] =	ssyncadd.s32 $0xFFFFFFB0  }
0x10c: {  	[tilespmem:s11], [sflag:$0x1] =	stream.linear.gather [hbm4b:s19+s3], $0x50, $0x38;
	[tilespmem:$0x10080] =	vst v63  }
0x10d: {  	_ =	swait.ge [sflag:s25], $0x50  }
0x10e: {  	[sflag:s25] =	ssyncset.done $0x0  }
0x10f: {  	[sflag:s25] =	ssyncadd.s32 $0xFFFFFFB0  }
0x110: {  	v44 =	vld [tilespmem:$0xF180];
	_ =	sdelay $0x1  }
0x111: {  	v45 =	vld [tilespmem:$0xF200];
	_ =	sdelay $0x5  }
0x112: {  	v36 =	vld.idx.msk [tilespmem:v44+s24+$0x0], $0xffff  }
0x113: {  	v37 =	vld.idx.msk [tilespmem:v44+s1+$0x0], $0xffff  }
0x114: {  	v38 =	vld.idx.msk [tilespmem:v45+s24+$0x0], $0xffff  }
0x115: {  	v39 =	vld.idx.msk [tilespmem:v45+s1+$0x0], $0xffff;
	_ =	sdelay $0x3  }
0x116: {  	v42 =	vld.idx.msk [tilespmem:v3+s7+$0x0], $0xffff  }
0x117: {  	v43 =	vld.idx.msk [tilespmem:v4+s7+$0x0], $0xffff;
	v36 =	vsub.f32 v38, v36;
	v37 =	vsub.f32 v39, v37  }
0x118: {  	v41 =	vld.idx.msk [tilespmem:v5+s7+$0x0], $0xffff  }
0x119: {  	v40 =	vld.idx.msk [tilespmem:v7+s7+$0x0], $0xffff;
	v36 =	vmul.f32 v36, v36;
	v37 =	vmul.f32 v37, v37  }
0x11a: {  	v39 =	vld.idx.msk [tilespmem:v6+s7+$0x0], $0xffff  }
0x11b: {  	v47 =	vld [tilespmem:$0xF280];
	v46 =	vadd.f32 v37, v36  }
0x11c: {  	v38 =	vld.idx.msk [tilespmem:v9+s7+$0x0], $0xffff  }
0x11d: {  	v37 =	vld.idx.msk [tilespmem:v10+s7+$0x0], $0xffff;
	vm0 =	vlt.f32 v42, v46;
	vm1 =	vlt.f32 v43, v46  }
0x11e: {  	v36 =	vld.idx.msk [tilespmem:v11+s7+$0x0], $0xffff;
	vm14 =	vlt.f32 v41, v46;
	v48 =	vsel vm0, $0x1, v2;
	v49 =	vsel vm1, $0x1, v2  }
0x11f: {  	vm15 =	vlt.f32 v39, v46;
	v59 =	vsel vm14, $0x1, v2;
	v48 =	vadd.s32 v49, v48  }
0x120: {  	vm4 =	vlt.f32 v40, v46;
	v60 =	vsel vm15, $0x1, v2;
	v48 =	vadd.s32 v59, v48  }
0x121: {  	vm5 =	vlt.f32 v38, v46;
	v61 =	vsel vm4, $0x1, v2;
	v48 =	vadd.s32 v60, v48  }
0x122: {  	v62 =	vsel vm5, $0x1, v2;
	vm6 =	vlt.f32 v37, v46;
	v48 =	vadd.s32 v61, v48  }
0x123: {  	vm7 =	vlt.f32 v36, v46;
	v63 =	vsel vm6, $0x1, v2;
	v48 =	vadd.s32 v62, v48  }
0x124: {  	v53 =	vsel vm7, $0x1, v2;
	v52 =	vadd.s32 v63, v48  }
0x125: {  	v54 =	vld.idx.msk [tilespmem:v45+s31+$0x0], $0xffff;
	v46 =	vadd.s32 v53, v52  }
0x126: {  	v55 =	vld.idx.msk [tilespmem:v47+s0+$0x0], $0xffff;
	_ =	sdelay $0x1  }
0x127: {  	v50 =	vld.idx.msk [tilespmem:v44+s6+$0x0], $0xffff;
	_ =	sdelay $0x1  }
0x128: {  	v46 =	vld.idx.msk [tilespmem:v46+s5+$0x0], $0xffff  }
0x129: {  	v48 =	vadd.f32 v55, v54;
	_ =	sdelay $0x1  }
0x12a: {  	v48 =	vadd.f32 v50, v48;
	_ =	sdelay $0x1  }
0x12b: {  	v46 =	vadd.f32 v46, v48;
	_ =	sdelay $0x1  }
0x12c: {  	v46 =	vsub.f32 $0.0e+00, v46;
	_ =	sdelay $0x1  }
0x12d: {  	v46 =	vmul.f32 $1.442695020e+00, v46;
	_ =	sdelay $0x1  }
0x12e: {  	(erf) = vpow2.f32 v46;
	_ =	sdelay $0x8  }
0x12f: {  	v46 =	vpop (erf)  }
0x130: {  	v46 =	vadd.f32 $1.000000000e+00, v46;
	_ =	sdelay $0x1  }
0x131: {  	(erf) = vrcp.f32 v46;
	_ =	sdelay $0x1  }
0x132: {  	v56 =	vld.idx.msk [tilespmem:v44+s9+$0x0], $0xffff  }
0x133: {  	v57 =	vld.idx.msk [tilespmem:v45+s9+$0x0], $0xffff;
	_ =	sdelay $0x3  }
0x134: {  	v44 =	vcvt.s32.f32 v44  }
0x135: {  	v47 =	vcvt.s32.f32 v47;
	v46 =	vmul.f32 v57, v56  }
0x136: {  	v59 =	vcvt.s32.f32 v45;
	[tilespmem:v8+s12+$0x0] =	vst.idx.msk $0xffff, v44;
	v58 =	vpop (erf)  }
0x137: {  	[tilespmem:v12+s12+$0x0] =	vst.idx.msk $0xffff, v47;
	v60 =	vmul.f32 v58, v46  }
0x138: {  	[tilespmem:v13+s12+$0x0] =	vst.idx.msk $0xffff, v59  }
0x139: {  	[tilespmem:v14+s12+$0x0] =	vst.idx.msk $0xffff, v60  }
0x13a: {  	[tilespmem:v15+s12+$0x0] =	vst.idx.msk $0xffff, v46  }
0x13b: {  	v44 =	vld [tilespmem:$0xF190];
	_ =	sdelay $0x1  }
0x13c: {  	v45 =	vld [tilespmem:$0xF210];
	_ =	sdelay $0x5  }
0x13d: {  	v46 =	vld.idx.msk [tilespmem:v44+s24+$0x0], $0xffff  }
0x13e: {  	v47 =	vld.idx.msk [tilespmem:v44+s1+$0x0], $0xffff  }
0x13f: {  	v61 =	vld.idx.msk [tilespmem:v45+s24+$0x0], $0xffff  }
0x140: {  	v62 =	vld.idx.msk [tilespmem:v45+s1+$0x0], $0xffff;
	_ =	sdelay $0x4  }
0x141: {  	v46 =	vsub.f32 v61, v46;
	v47 =	vsub.f32 v62, v47;
	_ =	sdelay $0x1  }
0x142: {  	v46 =	vmul.f32 v46, v46;
	v47 =	vmul.f32 v47, v47;
	_ =	sdelay $0x1  }
0x143: {  	v46 =	vadd.f32 v47, v46;
	_ =	sdelay $0x1  }
0x144: {  	vm8 =	vlt.f32 v42, v46;
	vm9 =	vlt.f32 v43, v46  }
0x145: {  	v47 =	vld [tilespmem:$0xF290];
	vm10 =	vlt.f32 v41, v46;
	v63 =	vsel vm8, $0x1, v2;
	v52 =	vsel vm9, $0x1, v2  }
0x146: {  	vm11 =	vlt.f32 v39, v46;
	v53 =	vsel vm10, $0x1, v2;
	v48 =	vadd.s32 v52, v63  }
0x147: {  	vm12 =	vlt.f32 v40, v46;
	v54 =	vsel vm11, $0x1, v2;
	v48 =	vadd.s32 v53, v48  }
0x148: {  	vm13 =	vlt.f32 v38, v46;
	v55 =	vsel vm12, $0x1, v2;
	v48 =	vadd.s32 v54, v48  }
0x149: {  	vm14 =	vlt.f32 v37, v46;
	v56 =	vsel vm13, $0x1, v2;
	v48 =	vadd.s32 v55, v48  }
0x14a: {  	vm15 =	vlt.f32 v36, v46;
	v57 =	vsel vm14, $0x1, v2;
	v48 =	vadd.s32 v56, v48  }
0x14b: {  	v59 =	vsel vm15, $0x1, v2;
	v58 =	vadd.s32 v57, v48  }
0x14c: {  	v60 =	vld.idx.msk [tilespmem:v45+s31+$0x0], $0xffff;
	v46 =	vadd.s32 v59, v58  }
0x14d: {  	v61 =	vld.idx.msk [tilespmem:v47+s0+$0x0], $0xffff;
	_ =	sdelay $0x1  }
0x14e: {  	v62 =	vld.idx.msk [tilespmem:v44+s6+$0x0], $0xffff;
	_ =	sdelay $0x1  }
0x14f: {  	v46 =	vld.idx.msk [tilespmem:v46+s5+$0x0], $0xffff  }
0x150: {  	v48 =	vadd.f32 v61, v60;
	_ =	sdelay $0x1  }
0x151: {  	v48 =	vadd.f32 v62, v48;
	_ =	sdelay $0x1  }
0x152: {  	v46 =	vadd.f32 v46, v48;
	_ =	sdelay $0x1  }
0x153: {  	v46 =	vsub.f32 $0.0e+00, v46;
	_ =	sdelay $0x1  }
0x154: {  	v46 =	vmul.f32 $1.442695020e+00, v46;
	_ =	sdelay $0x1  }
0x155: {  	(erf) = vpow2.f32 v46;
	_ =	sdelay $0x8  }
0x156: {  	v46 =	vpop (erf)  }
0x157: {  	v46 =	vadd.f32 $1.000000000e+00, v46;
	_ =	sdelay $0x1  }
0x158: {  	(erf) = vrcp.f32 v46;
	_ =	sdelay $0x1  }
0x159: {  	v63 =	vld.idx.msk [tilespmem:v44+s9+$0x0], $0xffff  }
0x15a: {  	v52 =	vld.idx.msk [tilespmem:v45+s9+$0x0], $0xffff;
	_ =	sdelay $0x3  }
0x15b: {  	v44 =	vcvt.s32.f32 v44  }
0x15c: {  	v47 =	vcvt.s32.f32 v47;
	v46 =	vmul.f32 v52, v63  }
0x15d: {  	v54 =	vcvt.s32.f32 v45;
	[tilespmem:v16+s12+$0x0] =	vst.idx.msk $0xffff, v44;
	v53 =	vpop (erf)  }
0x15e: {  	[tilespmem:v17+s12+$0x0] =	vst.idx.msk $0xffff, v47;
	v55 =	vmul.f32 v53, v46  }
0x15f: {  	[tilespmem:v18+s12+$0x0] =	vst.idx.msk $0xffff, v54  }
0x160: {  	[tilespmem:v19+s12+$0x0] =	vst.idx.msk $0xffff, v55  }
0x161: {  	[tilespmem:v20+s12+$0x0] =	vst.idx.msk $0xffff, v46  }
0x162: {  	v44 =	vld [tilespmem:$0xF1A0];
	_ =	sdelay $0x1  }
0x163: {  	v45 =	vld [tilespmem:$0xF220];
	_ =	sdelay $0x5  }
0x164: {  	v46 =	vld.idx.msk [tilespmem:v44+s24+$0x0], $0xffff  }
0x165: {  	v47 =	vld.idx.msk [tilespmem:v44+s1+$0x0], $0xffff  }
0x166: {  	v56 =	vld.idx.msk [tilespmem:v45+s24+$0x0], $0xffff  }
0x167: {  	v57 =	vld.idx.msk [tilespmem:v45+s1+$0x0], $0xffff;
	_ =	sdelay $0x4  }
0x168: {  	v46 =	vsub.f32 v56, v46;
	v47 =	vsub.f32 v57, v47;
	_ =	sdelay $0x1  }
0x169: {  	v46 =	vmul.f32 v46, v46;
	v47 =	vmul.f32 v47, v47;
	_ =	sdelay $0x1  }
0x16a: {  	v46 =	vadd.f32 v47, v46;
	_ =	sdelay $0x1  }
0x16b: {  	vm4 =	vlt.f32 v42, v46;
	vm5 =	vlt.f32 v43, v46  }
0x16c: {  	v47 =	vld [tilespmem:$0xF2A0];
	vm6 =	vlt.f32 v41, v46;
	v58 =	vsel vm4, $0x1, v2;
	v59 =	vsel vm5, $0x1, v2  }
0x16d: {  	vm7 =	vlt.f32 v39, v46;
	v60 =	vsel vm6, $0x1, v2;
	v48 =	vadd.s32 v59, v58  }
0x16e: {  	vm8 =	vlt.f32 v40, v46;
	v61 =	vsel vm7, $0x1, v2;
	v48 =	vadd.s32 v60, v48  }
0x16f: {  	vm9 =	vlt.f32 v38, v46;
	v62 =	vsel vm8, $0x1, v2;
	v48 =	vadd.s32 v61, v48  }
0x170: {  	vm10 =	vlt.f32 v37, v46;
	v63 =	vsel vm9, $0x1, v2;
	v48 =	vadd.s32 v62, v48  }
0x171: {  	vm11 =	vlt.f32 v36, v46;
	v52 =	vsel vm10, $0x1, v2;
	v48 =	vadd.s32 v63, v48  }
0x172: {  	v54 =	vsel vm11, $0x1, v2;
	v53 =	vadd.s32 v52, v48  }
0x173: {  	v55 =	vld.idx.msk [tilespmem:v45+s31+$0x0], $0xffff;
	v46 =	vadd.s32 v54, v53  }
0x174: {  	v56 =	vld.idx.msk [tilespmem:v47+s0+$0x0], $0xffff;
	_ =	sdelay $0x1  }
0x175: {  	v57 =	vld.idx.msk [tilespmem:v44+s6+$0x0], $0xffff;
	_ =	sdelay $0x1  }
0x176: {  	v46 =	vld.idx.msk [tilespmem:v46+s5+$0x0], $0xffff  }
0x177: {  	v48 =	vadd.f32 v56, v55;
	_ =	sdelay $0x1  }
0x178: {  	v48 =	vadd.f32 v57, v48;
	_ =	sdelay $0x1  }
0x179: {  	v46 =	vadd.f32 v46, v48;
	_ =	sdelay $0x1  }
0x17a: {  	v46 =	vsub.f32 $0.0e+00, v46;
	_ =	sdelay $0x1  }
0x17b: {  	v46 =	vmul.f32 $1.442695020e+00, v46;
	_ =	sdelay $0x1  }
0x17c: {  	(erf) = vpow2.f32 v46;
	_ =	sdelay $0x8  }
0x17d: {  	v46 =	vpop (erf)  }
0x17e: {  	v46 =	vadd.f32 $1.000000000e+00, v46;
	_ =	sdelay $0x1  }
0x17f: {  	(erf) = vrcp.f32 v46;
	_ =	sdelay $0x1  }
0x180: {  	v58 =	vld.idx.msk [tilespmem:v44+s9+$0x0], $0xffff  }
0x181: {  	v59 =	vld.idx.msk [tilespmem:v45+s9+$0x0], $0xffff;
	_ =	sdelay $0x3  }
0x182: {  	v44 =	vcvt.s32.f32 v44  }
0x183: {  	v47 =	vcvt.s32.f32 v47;
	v46 =	vmul.f32 v59, v58  }
0x184: {  	v61 =	vcvt.s32.f32 v45;
	[tilespmem:v21+s12+$0x0] =	vst.idx.msk $0xffff, v44;
	v60 =	vpop (erf)  }
0x185: {  	[tilespmem:v22+s12+$0x0] =	vst.idx.msk $0xffff, v47;
	v62 =	vmul.f32 v60, v46  }
0x186: {  	[tilespmem:v23+s12+$0x0] =	vst.idx.msk $0xffff, v61  }
0x187: {  	[tilespmem:v24+s12+$0x0] =	vst.idx.msk $0xffff, v62  }
0x188: {  	[tilespmem:v25+s12+$0x0] =	vst.idx.msk $0xffff, v46  }
0x189: {  	v44 =	vld [tilespmem:$0xF1B0];
	_ =	sdelay $0x1  }
0x18a: {  	v45 =	vld [tilespmem:$0xF230];
	_ =	sdelay $0x5  }
0x18b: {  	v46 =	vld.idx.msk [tilespmem:v44+s24+$0x0], $0xffff  }
0x18c: {  	v47 =	vld.idx.msk [tilespmem:v44+s1+$0x0], $0xffff  }
0x18d: {  	v63 =	vld.idx.msk [tilespmem:v45+s24+$0x0], $0xffff  }
0x18e: {  	v52 =	vld.idx.msk [tilespmem:v45+s1+$0x0], $0xffff;
	_ =	sdelay $0x4  }
0x18f: {  	v46 =	vsub.f32 v63, v46;
	v47 =	vsub.f32 v52, v47;
	_ =	sdelay $0x1  }
0x190: {  	v46 =	vmul.f32 v46, v46;
	v47 =	vmul.f32 v47, v47;
	_ =	sdelay $0x1  }
0x191: {  	v46 =	vadd.f32 v47, v46;
	_ =	sdelay $0x1  }
0x192: {  	vm12 =	vlt.f32 v42, v46;
	vm13 =	vlt.f32 v43, v46  }
0x193: {  	v47 =	vld [tilespmem:$0xF2B0];
	vm14 =	vlt.f32 v41, v46;
	v53 =	vsel vm12, $0x1, v2;
	v54 =	vsel vm13, $0x1, v2  }
0x194: {  	vm15 =	vlt.f32 v39, v46;
	v55 =	vsel vm14, $0x1, v2;
	v48 =	vadd.s32 v54, v53  }
0x195: {  	vm4 =	vlt.f32 v40, v46;
	v56 =	vsel vm15, $0x1, v2;
	v48 =	vadd.s32 v55, v48  }
0x196: {  	vm5 =	vlt.f32 v38, v46;
	v57 =	vsel vm4, $0x1, v2;
	v48 =	vadd.s32 v56, v48  }
0x197: {  	vm6 =	vlt.f32 v37, v46;
	v58 =	vsel vm5, $0x1, v2;
	v48 =	vadd.s32 v57, v48  }
0x198: {  	vm7 =	vlt.f32 v36, v46;
	v59 =	vsel vm6, $0x1, v2;
	v48 =	vadd.s32 v58, v48  }
0x199: {  	v61 =	vsel vm7, $0x1, v2;
	v60 =	vadd.s32 v59, v48  }
0x19a: {  	v62 =	vld.idx.msk [tilespmem:v45+s31+$0x0], $0xffff;
	v46 =	vadd.s32 v61, v60  }
0x19b: {  	v63 =	vld.idx.msk [tilespmem:v47+s0+$0x0], $0xffff;
	_ =	sdelay $0x1  }
0x19c: {  	v52 =	vld.idx.msk [tilespmem:v44+s6+$0x0], $0xffff;
	_ =	sdelay $0x1  }
0x19d: {  	v46 =	vld.idx.msk [tilespmem:v46+s5+$0x0], $0xffff  }
0x19e: {  	v48 =	vadd.f32 v63, v62;
	_ =	sdelay $0x1  }
0x19f: {  	v48 =	vadd.f32 v52, v48;
	_ =	sdelay $0x1  }
0x1a0: {  	v46 =	vadd.f32 v46, v48;
	_ =	sdelay $0x1  }
0x1a1: {  	v46 =	vsub.f32 $0.0e+00, v46;
	_ =	sdelay $0x1  }
0x1a2: {  	v46 =	vmul.f32 $1.442695020e+00, v46;
	_ =	sdelay $0x1  }
0x1a3: {  	(erf) = vpow2.f32 v46;
	_ =	sdelay $0x8  }
0x1a4: {  	v46 =	vpop (erf)  }
0x1a5: {  	v46 =	vadd.f32 $1.000000000e+00, v46;
	_ =	sdelay $0x1  }
0x1a6: {  	(erf) = vrcp.f32 v46;
	_ =	sdelay $0x1  }
0x1a7: {  	v53 =	vld.idx.msk [tilespmem:v44+s9+$0x0], $0xffff  }
0x1a8: {  	v54 =	vld.idx.msk [tilespmem:v45+s9+$0x0], $0xffff;
	_ =	sdelay $0x3  }
0x1a9: {  	v44 =	vcvt.s32.f32 v44  }
0x1aa: {  	v47 =	vcvt.s32.f32 v47;
	v46 =	vmul.f32 v54, v53  }
0x1ab: {  	v56 =	vcvt.s32.f32 v45;
	[tilespmem:v26+s12+$0x0] =	vst.idx.msk $0xffff, v44;
	v55 =	vpop (erf)  }
0x1ac: {  	[tilespmem:v27+s12+$0x0] =	vst.idx.msk $0xffff, v47;
	v57 =	vmul.f32 v55, v46  }
0x1ad: {  	[tilespmem:v28+s12+$0x0] =	vst.idx.msk $0xffff, v56  }
0x1ae: {  	[tilespmem:v29+s12+$0x0] =	vst.idx.msk $0xffff, v57  }
0x1af: {  	[tilespmem:v30+s12+$0x0] =	vst.idx.msk $0xffff, v46  }
0x1b0: {  	v44 =	vld [tilespmem:$0xF1C0];
	_ =	sdelay $0x1  }
0x1b1: {  	v45 =	vld [tilespmem:$0xF240];
	_ =	sdelay $0x5  }
0x1b2: {  	v46 =	vld.idx.msk [tilespmem:v44+s24+$0x0], $0xffff  }
0x1b3: {  	v47 =	vld.idx.msk [tilespmem:v44+s1+$0x0], $0xffff  }
0x1b4: {  	v58 =	vld.idx.msk [tilespmem:v45+s24+$0x0], $0xffff  }
0x1b5: {  	v59 =	vld.idx.msk [tilespmem:v45+s1+$0x0], $0xffff;
	_ =	sdelay $0x4  }
0x1b6: {  	v46 =	vsub.f32 v58, v46;
	v47 =	vsub.f32 v59, v47;
	_ =	sdelay $0x1  }
0x1b7: {  	v46 =	vmul.f32 v46, v46;
	v47 =	vmul.f32 v47, v47;
	_ =	sdelay $0x1  }
0x1b8: {  	v46 =	vadd.f32 v47, v46;
	_ =	sdelay $0x1  }
0x1b9: {  	vm8 =	vlt.f32 v42, v46;
	vm9 =	vlt.f32 v43, v46  }
0x1ba: {  	v43 =	vld [tilespmem:$0xF2C0];
	vm10 =	vlt.f32 v41, v46;
	v42 =	vsel vm8, $0x1, v2;
	v60 =	vsel vm9, $0x1, v2  }
0x1bb: {  	vm11 =	vlt.f32 v39, v46;
	v62 =	vsel vm10, $0x1, v2;
	v61 =	vadd.s32 v60, v42  }
0x1bc: {  	vm12 =	vlt.f32 v40, v46;
	v47 =	vsel vm11, $0x1, v2;
	v63 =	vadd.s32 v62, v61  }
0x1bd: {  	vm13 =	vlt.f32 v38, v46;
	v40 =	vsel vm12, $0x1, v2;
	v39 =	vadd.s32 v47, v63  }
0x1be: {  	vm14 =	vlt.f32 v37, v46;
	v49 =	vsel vm13, $0x1, v2;
	v48 =	vadd.s32 v40, v39  }
0x1bf: {  	vm15 =	vlt.f32 v36, v46;
	v51 =	vsel vm14, $0x1, v2;
	v50 =	vadd.s32 v49, v48  }
0x1c0: {  	v53 =	vsel vm15, $0x1, v2;
	v52 =	vadd.s32 v51, v50  }
0x1c1: {  	v54 =	vld.idx.msk [tilespmem:v45+s31+$0x0], $0xffff;
	v36 =	vadd.s32 v53, v52  }
0x1c2: {  	v55 =	vld.idx.msk [tilespmem:v43+s0+$0x0], $0xffff;
	_ =	sdelay $0x1  }
0x1c3: {  	v56 =	vld.idx.msk [tilespmem:v44+s6+$0x0], $0xffff;
	_ =	sdelay $0x1  }
0x1c4: {  	v36 =	vld.idx.msk [tilespmem:v36+s5+$0x0], $0xffff  }
0x1c5: {  	v37 =	vadd.f32 v55, v54;
	_ =	sdelay $0x1  }
0x1c6: {  	v37 =	vadd.f32 v56, v37;
	_ =	sdelay $0x1  }
0x1c7: {  	v36 =	vadd.f32 v36, v37;
	_ =	sdelay $0x1  }
0x1c8: {  	v36 =	vsub.f32 $0.0e+00, v36;
	_ =	sdelay $0x1  }
0x1c9: {  	v36 =	vmul.f32 $1.442695020e+00, v36;
	_ =	sdelay $0x1  }
0x1ca: {  	(erf) = vpow2.f32 v36;
	_ =	sdelay $0x8  }
0x1cb: {  	v36 =	vpop (erf)  }
0x1cc: {  	v36 =	vadd.f32 $1.000000000e+00, v36;
	_ =	sdelay $0x1  }
0x1cd: {  	(erf) = vrcp.f32 v36;
	_ =	sdelay $0x1  }
0x1ce: {  	v57 =	vld.idx.msk [tilespmem:v44+s9+$0x0], $0xffff  }
0x1cf: {  	v58 =	vld.idx.msk [tilespmem:v45+s9+$0x0], $0xffff;
	_ =	sdelay $0x3  }
0x1d0: {  	v59 =	vcvt.s32.f32 v44  }
0x1d1: {  	v60 =	vcvt.s32.f32 v43;
	v36 =	vmul.f32 v58, v57  }
0x1d2: {  	v62 =	vcvt.s32.f32 v45;
	[tilespmem:v31+s12+$0x0] =	vst.idx.msk $0xffff, v59;
	v61 =	vpop (erf)  }
0x1d3: {  	[tilespmem:v32+s12+$0x0] =	vst.idx.msk $0xffff, v60;
	v63 =	vmul.f32 v61, v36  }
0x1d4: {  	[tilespmem:v33+s12+$0x0] =	vst.idx.msk $0xffff, v62  }
0x1d5: {  	p0 =	sne.s32 s15, $0x262;
	[tilespmem:v34+s12+$0x0] =	vst.idx.msk $0xffff, v63  }
.Ltmp3:
0x1d6: {  	[tilespmem:v35+s12+$0x0] =	vst.idx.msk $0xffff, v36;
	(pc) =	sbr.rel @p0 .LBB2_8-.Ltmp3, $4  }
0x1d7: {  	[hbm4b:s20+s3] =	stream.linear.scatter [tilespmem:s12], [sflag:$0x1], $0x280, $0x38;
	[tilespmem:$0x10080] =	vst v63  }
0x1d8: {  	_ =	swait.ge [sflag:s25], $0x280  }
0x1d9: {  	[sflag:s25] =	ssyncset.done $0x0  }
0x1da: {  	s15 =	sadd.s32 $0xA, s15;
	s20 =	sadd.s32 $0x50, s20;
	[sflag:s25] =	ssyncadd.s32 $0xFFFFFD80  }
0x1db: {  	s15 =	rddreg [dreg:$0xc]  }
0x1dc: {  	[tilespmem:s29], [sflag:$0x1] =	stream.linear.gather [hbm4b:s15+s3], $0x50, $0x38;
	[tilespmem:$0x10080] =	vst v63  }
0x1dd: {  	_ =	swait.ge [sflag:s25], $0x50  }
0x1de: {  	[sflag:s25] =	ssyncset.done $0x0  }
0x1df: {  	s17 =	rddreg [dreg:$0xd];
	[sflag:s25] =	ssyncadd.s32 $0xFFFFFFB0  }
0x1e0: {  	[tilespmem:s10], [sflag:$0x1] =	stream.linear.gather [hbm4b:s17+s3], $0x50, $0x38;
	[tilespmem:$0x10080] =	vst v63  }
0x1e1: {  	_ =	swait.ge [sflag:s25], $0x50  }
0x1e2: {  	[sflag:s25] =	ssyncset.done $0x0  }
0x1e3: {  	s18 =	rddreg [dreg:$0xe];
	[sflag:s25] =	ssyncadd.s32 $0xFFFFFFB0  }
0x1e4: {  	[tilespmem:s11], [sflag:$0x1] =	stream.linear.gather [hbm4b:s18+s3], $0x50, $0x38;
	[tilespmem:$0x10080] =	vst v63  }
0x1e5: {  	_ =	swait.ge [sflag:s25], $0x50  }
0x1e6: {  	[sflag:s25] =	ssyncset.done $0x0  }
0x1e7: {  	[sflag:s25] =	ssyncadd.s32 $0xFFFFFFB0  }
0x1e8: {  	v44 =	vld [tilespmem:$0xF180];
	_ =	sdelay $0x1  }
0x1e9: {  	v45 =	vld [tilespmem:$0xF200];
	_ =	sdelay $0x5  }
0x1ea: {  	v36 =	vld.idx.msk [tilespmem:v44+s24+$0x0], $0xffff  }
0x1eb: {  	v37 =	vld.idx.msk [tilespmem:v44+s1+$0x0], $0xffff  }
0x1ec: {  	v38 =	vld.idx.msk [tilespmem:v45+s24+$0x0], $0xffff  }
0x1ed: {  	v39 =	vld.idx.msk [tilespmem:v45+s1+$0x0], $0xffff;
	_ =	sdelay $0x3  }
0x1ee: {  	v42 =	vld.idx.msk [tilespmem:v3+s7+$0x0], $0xffff  }
0x1ef: {  	v43 =	vld.idx.msk [tilespmem:v4+s7+$0x0], $0xffff;
	v36 =	vsub.f32 v38, v36;
	v37 =	vsub.f32 v39, v37  }
0x1f0: {  	v41 =	vld.idx.msk [tilespmem:v5+s7+$0x0], $0xffff  }
0x1f1: {  	v40 =	vld.idx.msk [tilespmem:v7+s7+$0x0], $0xffff;
	v36 =	vmul.f32 v36, v36;
	v37 =	vmul.f32 v37, v37  }
0x1f2: {  	v39 =	vld.idx.msk [tilespmem:v6+s7+$0x0], $0xffff  }
0x1f3: {  	v47 =	vld [tilespmem:$0xF280];
	v46 =	vadd.f32 v37, v36  }
0x1f4: {  	v38 =	vld.idx.msk [tilespmem:v9+s7+$0x0], $0xffff  }
0x1f5: {  	v37 =	vld.idx.msk [tilespmem:v10+s7+$0x0], $0xffff;
	vm0 =	vlt.f32 v42, v46;
	vm1 =	vlt.f32 v43, v46  }
0x1f6: {  	v36 =	vld.idx.msk [tilespmem:v11+s7+$0x0], $0xffff;
	vm14 =	vlt.f32 v41, v46;
	v48 =	vsel vm0, $0x1, v2;
	v49 =	vsel vm1, $0x1, v2  }
0x1f7: {  	vm15 =	vlt.f32 v39, v46;
	v59 =	vsel vm14, $0x1, v2;
	v48 =	vadd.s32 v49, v48  }
0x1f8: {  	vm4 =	vlt.f32 v40, v46;
	v60 =	vsel vm15, $0x1, v2;
	v48 =	vadd.s32 v59, v48  }
0x1f9: {  	vm5 =	vlt.f32 v38, v46;
	v61 =	vsel vm4, $0x1, v2;
	v48 =	vadd.s32 v60, v48  }
0x1fa: {  	v62 =	vsel vm5, $0x1, v2;
	vm6 =	vlt.f32 v37, v46;
	v48 =	vadd.s32 v61, v48  }
0x1fb: {  	vm7 =	vlt.f32 v36, v46;
	v63 =	vsel vm6, $0x1, v2;
	v48 =	vadd.s32 v62, v48  }
0x1fc: {  	v53 =	vsel vm7, $0x1, v2;
	v52 =	vadd.s32 v63, v48  }
0x1fd: {  	v54 =	vld.idx.msk [tilespmem:v45+s31+$0x0], $0xffff;
	v46 =	vadd.s32 v53, v52  }
0x1fe: {  	v55 =	vld.idx.msk [tilespmem:v47+s0+$0x0], $0xffff;
	_ =	sdelay $0x1  }
0x1ff: {  	v50 =	vld.idx.msk [tilespmem:v44+s6+$0x0], $0xffff;
	_ =	sdelay $0x1  }
0x200: {  	v46 =	vld.idx.msk [tilespmem:v46+s5+$0x0], $0xffff  }
0x201: {  	v48 =	vadd.f32 v55, v54;
	_ =	sdelay $0x1  }
0x202: {  	v48 =	vadd.f32 v50, v48;
	_ =	sdelay $0x1  }
0x203: {  	v46 =	vadd.f32 v46, v48;
	_ =	sdelay $0x1  }
0x204: {  	v46 =	vsub.f32 $0.0e+00, v46;
	_ =	sdelay $0x1  }
0x205: {  	v46 =	vmul.f32 $1.442695020e+00, v46;
	_ =	sdelay $0x1  }
0x206: {  	(erf) = vpow2.f32 v46;
	_ =	sdelay $0x8  }
0x207: {  	v46 =	vpop (erf)  }
0x208: {  	v46 =	vadd.f32 $1.000000000e+00, v46;
	_ =	sdelay $0x1  }
0x209: {  	(erf) = vrcp.f32 v46;
	_ =	sdelay $0x1  }
0x20a: {  	v56 =	vld.idx.msk [tilespmem:v44+s9+$0x0], $0xffff  }
0x20b: {  	v57 =	vld.idx.msk [tilespmem:v45+s9+$0x0], $0xffff;
	_ =	sdelay $0x3  }
0x20c: {  	v44 =	vcvt.s32.f32 v44  }
0x20d: {  	v47 =	vcvt.s32.f32 v47;
	v46 =	vmul.f32 v57, v56  }
0x20e: {  	v59 =	vcvt.s32.f32 v45;
	[tilespmem:v8+s12+$0x0] =	vst.idx.msk $0xffff, v44;
	v58 =	vpop (erf)  }
0x20f: {  	[tilespmem:v12+s12+$0x0] =	vst.idx.msk $0xffff, v47;
	v60 =	vmul.f32 v58, v46  }
0x210: {  	[tilespmem:v13+s12+$0x0] =	vst.idx.msk $0xffff, v59  }
0x211: {  	[tilespmem:v14+s12+$0x0] =	vst.idx.msk $0xffff, v60  }
0x212: {  	[tilespmem:v15+s12+$0x0] =	vst.idx.msk $0xffff, v46  }
0x213: {  	v44 =	vld [tilespmem:$0xF190];
	_ =	sdelay $0x1  }
0x214: {  	v45 =	vld [tilespmem:$0xF210];
	_ =	sdelay $0x5  }
0x215: {  	v46 =	vld.idx.msk [tilespmem:v44+s24+$0x0], $0xffff  }
0x216: {  	v47 =	vld.idx.msk [tilespmem:v44+s1+$0x0], $0xffff  }
0x217: {  	v61 =	vld.idx.msk [tilespmem:v45+s24+$0x0], $0xffff  }
0x218: {  	v62 =	vld.idx.msk [tilespmem:v45+s1+$0x0], $0xffff;
	_ =	sdelay $0x4  }
0x219: {  	v46 =	vsub.f32 v61, v46;
	v47 =	vsub.f32 v62, v47;
	_ =	sdelay $0x1  }
0x21a: {  	v46 =	vmul.f32 v46, v46;
	v47 =	vmul.f32 v47, v47;
	_ =	sdelay $0x1  }
0x21b: {  	v46 =	vadd.f32 v47, v46;
	_ =	sdelay $0x1  }
0x21c: {  	vm8 =	vlt.f32 v42, v46;
	vm9 =	vlt.f32 v43, v46  }
0x21d: {  	v47 =	vld [tilespmem:$0xF290];
	vm10 =	vlt.f32 v41, v46;
	v63 =	vsel vm8, $0x1, v2;
	v52 =	vsel vm9, $0x1, v2  }
0x21e: {  	vm11 =	vlt.f32 v39, v46;
	v53 =	vsel vm10, $0x1, v2;
	v48 =	vadd.s32 v52, v63  }
0x21f: {  	vm12 =	vlt.f32 v40, v46;
	v54 =	vsel vm11, $0x1, v2;
	v48 =	vadd.s32 v53, v48  }
0x220: {  	vm13 =	vlt.f32 v38, v46;
	v55 =	vsel vm12, $0x1, v2;
	v48 =	vadd.s32 v54, v48  }
0x221: {  	vm14 =	vlt.f32 v37, v46;
	v56 =	vsel vm13, $0x1, v2;
	v48 =	vadd.s32 v55, v48  }
0x222: {  	vm15 =	vlt.f32 v36, v46;
	v57 =	vsel vm14, $0x1, v2;
	v48 =	vadd.s32 v56, v48  }
0x223: {  	v59 =	vsel vm15, $0x1, v2;
	v58 =	vadd.s32 v57, v48  }
0x224: {  	v60 =	vld.idx.msk [tilespmem:v45+s31+$0x0], $0xffff;
	v46 =	vadd.s32 v59, v58  }
0x225: {  	v61 =	vld.idx.msk [tilespmem:v47+s0+$0x0], $0xffff;
	_ =	sdelay $0x1  }
0x226: {  	v62 =	vld.idx.msk [tilespmem:v44+s6+$0x0], $0xffff;
	_ =	sdelay $0x1  }
0x227: {  	v46 =	vld.idx.msk [tilespmem:v46+s5+$0x0], $0xffff  }
0x228: {  	v48 =	vadd.f32 v61, v60;
	_ =	sdelay $0x1  }
0x229: {  	v48 =	vadd.f32 v62, v48;
	_ =	sdelay $0x1  }
0x22a: {  	v46 =	vadd.f32 v46, v48;
	_ =	sdelay $0x1  }
0x22b: {  	v46 =	vsub.f32 $0.0e+00, v46;
	_ =	sdelay $0x1  }
0x22c: {  	v46 =	vmul.f32 $1.442695020e+00, v46;
	_ =	sdelay $0x1  }
0x22d: {  	(erf) = vpow2.f32 v46;
	_ =	sdelay $0x8  }
0x22e: {  	v46 =	vpop (erf)  }
0x22f: {  	v46 =	vadd.f32 $1.000000000e+00, v46;
	_ =	sdelay $0x1  }
0x230: {  	(erf) = vrcp.f32 v46;
	_ =	sdelay $0x1  }
0x231: {  	v63 =	vld.idx.msk [tilespmem:v44+s9+$0x0], $0xffff  }
0x232: {  	v52 =	vld.idx.msk [tilespmem:v45+s9+$0x0], $0xffff;
	_ =	sdelay $0x3  }
0x233: {  	v44 =	vcvt.s32.f32 v44  }
0x234: {  	v47 =	vcvt.s32.f32 v47;
	v46 =	vmul.f32 v52, v63  }
0x235: {  	v54 =	vcvt.s32.f32 v45;
	[tilespmem:v16+s12+$0x0] =	vst.idx.msk $0xffff, v44;
	v53 =	vpop (erf)  }
0x236: {  	[tilespmem:v17+s12+$0x0] =	vst.idx.msk $0xffff, v47;
	v55 =	vmul.f32 v53, v46  }
0x237: {  	[tilespmem:v18+s12+$0x0] =	vst.idx.msk $0xffff, v54  }
0x238: {  	[tilespmem:v19+s12+$0x0] =	vst.idx.msk $0xffff, v55  }
0x239: {  	[tilespmem:v20+s12+$0x0] =	vst.idx.msk $0xffff, v46  }
0x23a: {  	v44 =	vld [tilespmem:$0xF1A0];
	_ =	sdelay $0x1  }
0x23b: {  	v45 =	vld [tilespmem:$0xF220];
	_ =	sdelay $0x5  }
0x23c: {  	v46 =	vld.idx.msk [tilespmem:v44+s24+$0x0], $0xffff  }
0x23d: {  	v47 =	vld.idx.msk [tilespmem:v44+s1+$0x0], $0xffff  }
0x23e: {  	v56 =	vld.idx.msk [tilespmem:v45+s24+$0x0], $0xffff  }
0x23f: {  	v57 =	vld.idx.msk [tilespmem:v45+s1+$0x0], $0xffff;
	_ =	sdelay $0x4  }
0x240: {  	v46 =	vsub.f32 v56, v46;
	v47 =	vsub.f32 v57, v47;
	_ =	sdelay $0x1  }
0x241: {  	v46 =	vmul.f32 v46, v46;
	v47 =	vmul.f32 v47, v47;
	_ =	sdelay $0x1  }
0x242: {  	v46 =	vadd.f32 v47, v46;
	_ =	sdelay $0x1  }
0x243: {  	vm4 =	vlt.f32 v42, v46;
	vm5 =	vlt.f32 v43, v46  }
0x244: {  	v47 =	vld [tilespmem:$0xF2A0];
	vm6 =	vlt.f32 v41, v46;
	v58 =	vsel vm4, $0x1, v2;
	v59 =	vsel vm5, $0x1, v2  }
0x245: {  	vm7 =	vlt.f32 v39, v46;
	v60 =	vsel vm6, $0x1, v2;
	v48 =	vadd.s32 v59, v58  }
0x246: {  	vm8 =	vlt.f32 v40, v46;
	v61 =	vsel vm7, $0x1, v2;
	v48 =	vadd.s32 v60, v48  }
0x247: {  	vm9 =	vlt.f32 v38, v46;
	v62 =	vsel vm8, $0x1, v2;
	v48 =	vadd.s32 v61, v48  }
0x248: {  	vm10 =	vlt.f32 v37, v46;
	v63 =	vsel vm9, $0x1, v2;
	v48 =	vadd.s32 v62, v48  }
0x249: {  	vm11 =	vlt.f32 v36, v46;
	v52 =	vsel vm10, $0x1, v2;
	v48 =	vadd.s32 v63, v48  }
0x24a: {  	v54 =	vsel vm11, $0x1, v2;
	v53 =	vadd.s32 v52, v48  }
0x24b: {  	v55 =	vld.idx.msk [tilespmem:v45+s31+$0x0], $0xffff;
	v46 =	vadd.s32 v54, v53  }
0x24c: {  	v56 =	vld.idx.msk [tilespmem:v47+s0+$0x0], $0xffff;
	_ =	sdelay $0x1  }
0x24d: {  	v57 =	vld.idx.msk [tilespmem:v44+s6+$0x0], $0xffff;
	_ =	sdelay $0x1  }
0x24e: {  	v46 =	vld.idx.msk [tilespmem:v46+s5+$0x0], $0xffff  }
0x24f: {  	v48 =	vadd.f32 v56, v55;
	_ =	sdelay $0x1  }
0x250: {  	v48 =	vadd.f32 v57, v48;
	_ =	sdelay $0x1  }
0x251: {  	v46 =	vadd.f32 v46, v48;
	_ =	sdelay $0x1  }
0x252: {  	v46 =	vsub.f32 $0.0e+00, v46;
	_ =	sdelay $0x1  }
0x253: {  	v46 =	vmul.f32 $1.442695020e+00, v46;
	_ =	sdelay $0x1  }
0x254: {  	(erf) = vpow2.f32 v46;
	_ =	sdelay $0x8  }
0x255: {  	v46 =	vpop (erf)  }
0x256: {  	v46 =	vadd.f32 $1.000000000e+00, v46;
	_ =	sdelay $0x1  }
0x257: {  	(erf) = vrcp.f32 v46;
	_ =	sdelay $0x1  }
0x258: {  	v58 =	vld.idx.msk [tilespmem:v44+s9+$0x0], $0xffff  }
0x259: {  	v59 =	vld.idx.msk [tilespmem:v45+s9+$0x0], $0xffff;
	_ =	sdelay $0x3  }
0x25a: {  	v44 =	vcvt.s32.f32 v44  }
0x25b: {  	v47 =	vcvt.s32.f32 v47;
	v46 =	vmul.f32 v59, v58  }
0x25c: {  	v61 =	vcvt.s32.f32 v45;
	[tilespmem:v21+s12+$0x0] =	vst.idx.msk $0xffff, v44;
	v60 =	vpop (erf)  }
0x25d: {  	[tilespmem:v22+s12+$0x0] =	vst.idx.msk $0xffff, v47;
	v62 =	vmul.f32 v60, v46  }
0x25e: {  	[tilespmem:v23+s12+$0x0] =	vst.idx.msk $0xffff, v61  }
0x25f: {  	[tilespmem:v24+s12+$0x0] =	vst.idx.msk $0xffff, v62  }
0x260: {  	[tilespmem:v25+s12+$0x0] =	vst.idx.msk $0xffff, v46  }
0x261: {  	v44 =	vld [tilespmem:$0xF1B0];
	_ =	sdelay $0x1  }
0x262: {  	v45 =	vld [tilespmem:$0xF230];
	_ =	sdelay $0x5  }
0x263: {  	v46 =	vld.idx.msk [tilespmem:v44+s24+$0x0], $0xffff  }
0x264: {  	v47 =	vld.idx.msk [tilespmem:v44+s1+$0x0], $0xffff  }
0x265: {  	v63 =	vld.idx.msk [tilespmem:v45+s24+$0x0], $0xffff  }
0x266: {  	v52 =	vld.idx.msk [tilespmem:v45+s1+$0x0], $0xffff;
	_ =	sdelay $0x4  }
0x267: {  	v46 =	vsub.f32 v63, v46;
	v47 =	vsub.f32 v52, v47;
	_ =	sdelay $0x1  }
0x268: {  	v46 =	vmul.f32 v46, v46;
	v47 =	vmul.f32 v47, v47;
	_ =	sdelay $0x1  }
0x269: {  	v46 =	vadd.f32 v47, v46;
	_ =	sdelay $0x1  }
0x26a: {  	vm12 =	vlt.f32 v42, v46;
	vm13 =	vlt.f32 v43, v46  }
0x26b: {  	v47 =	vld [tilespmem:$0xF2B0];
	vm14 =	vlt.f32 v41, v46;
	v53 =	vsel vm12, $0x1, v2;
	v54 =	vsel vm13, $0x1, v2  }
0x26c: {  	vm15 =	vlt.f32 v39, v46;
	v55 =	vsel vm14, $0x1, v2;
	v48 =	vadd.s32 v54, v53  }
0x26d: {  	vm4 =	vlt.f32 v40, v46;
	v56 =	vsel vm15, $0x1, v2;
	v48 =	vadd.s32 v55, v48  }
0x26e: {  	vm5 =	vlt.f32 v38, v46;
	v57 =	vsel vm4, $0x1, v2;
	v48 =	vadd.s32 v56, v48  }
0x26f: {  	vm6 =	vlt.f32 v37, v46;
	v58 =	vsel vm5, $0x1, v2;
	v48 =	vadd.s32 v57, v48  }
0x270: {  	vm7 =	vlt.f32 v36, v46;
	v59 =	vsel vm6, $0x1, v2;
	v48 =	vadd.s32 v58, v48  }
0x271: {  	v61 =	vsel vm7, $0x1, v2;
	v60 =	vadd.s32 v59, v48  }
0x272: {  	v62 =	vld.idx.msk [tilespmem:v45+s31+$0x0], $0xffff;
	v46 =	vadd.s32 v61, v60  }
0x273: {  	v63 =	vld.idx.msk [tilespmem:v47+s0+$0x0], $0xffff;
	_ =	sdelay $0x1  }
0x274: {  	v52 =	vld.idx.msk [tilespmem:v44+s6+$0x0], $0xffff;
	_ =	sdelay $0x1  }
0x275: {  	v46 =	vld.idx.msk [tilespmem:v46+s5+$0x0], $0xffff  }
0x276: {  	v48 =	vadd.f32 v63, v62;
	_ =	sdelay $0x1  }
0x277: {  	v48 =	vadd.f32 v52, v48;
	_ =	sdelay $0x1  }
0x278: {  	v46 =	vadd.f32 v46, v48;
	_ =	sdelay $0x1  }
0x279: {  	v46 =	vsub.f32 $0.0e+00, v46;
	_ =	sdelay $0x1  }
0x27a: {  	v46 =	vmul.f32 $1.442695020e+00, v46;
	_ =	sdelay $0x1  }
0x27b: {  	(erf) = vpow2.f32 v46;
	_ =	sdelay $0x8  }
0x27c: {  	v46 =	vpop (erf)  }
0x27d: {  	v46 =	vadd.f32 $1.000000000e+00, v46;
	_ =	sdelay $0x1  }
0x27e: {  	(erf) = vrcp.f32 v46;
	_ =	sdelay $0x1  }
0x27f: {  	v53 =	vld.idx.msk [tilespmem:v44+s9+$0x0], $0xffff  }
0x280: {  	v54 =	vld.idx.msk [tilespmem:v45+s9+$0x0], $0xffff;
	_ =	sdelay $0x3  }
0x281: {  	v44 =	vcvt.s32.f32 v44  }
0x282: {  	v47 =	vcvt.s32.f32 v47;
	v46 =	vmul.f32 v54, v53  }
0x283: {  	v56 =	vcvt.s32.f32 v45;
	[tilespmem:v26+s12+$0x0] =	vst.idx.msk $0xffff, v44;
	v55 =	vpop (erf)  }
0x284: {  	[tilespmem:v27+s12+$0x0] =	vst.idx.msk $0xffff, v47;
	v57 =	vmul.f32 v55, v46  }
0x285: {  	[tilespmem:v28+s12+$0x0] =	vst.idx.msk $0xffff, v56  }
0x286: {  	[tilespmem:v29+s12+$0x0] =	vst.idx.msk $0xffff, v57  }
0x287: {  	[tilespmem:v30+s12+$0x0] =	vst.idx.msk $0xffff, v46  }
0x288: {  	v44 =	vld [tilespmem:$0xF1C0];
	_ =	sdelay $0x1  }
0x289: {  	v45 =	vld [tilespmem:$0xF240];
	_ =	sdelay $0x5  }
0x28a: {  	v46 =	vld.idx.msk [tilespmem:v44+s24+$0x0], $0xffff  }
0x28b: {  	v47 =	vld.idx.msk [tilespmem:v44+s1+$0x0], $0xffff  }
0x28c: {  	v58 =	vld.idx.msk [tilespmem:v45+s24+$0x0], $0xffff  }
0x28d: {  	v59 =	vld.idx.msk [tilespmem:v45+s1+$0x0], $0xffff;
	_ =	sdelay $0x4  }
0x28e: {  	v46 =	vsub.f32 v58, v46;
	v47 =	vsub.f32 v59, v47;
	_ =	sdelay $0x1  }
0x28f: {  	v46 =	vmul.f32 v46, v46;
	v47 =	vmul.f32 v47, v47;
	_ =	sdelay $0x1  }
0x290: {  	v46 =	vadd.f32 v47, v46;
	_ =	sdelay $0x1  }
0x291: {  	vm8 =	vlt.f32 v42, v46;
	vm9 =	vlt.f32 v43, v46  }
0x292: {  	v43 =	vld [tilespmem:$0xF2C0];
	vm10 =	vlt.f32 v41, v46;
	v42 =	vsel vm8, $0x1, v2;
	v60 =	vsel vm9, $0x1, v2  }
0x293: {  	vm11 =	vlt.f32 v39, v46;
	v62 =	vsel vm10, $0x1, v2;
	v61 =	vadd.s32 v60, v42  }
0x294: {  	vm12 =	vlt.f32 v40, v46;
	v47 =	vsel vm11, $0x1, v2;
	v63 =	vadd.s32 v62, v61  }
0x295: {  	vm13 =	vlt.f32 v38, v46;
	v40 =	vsel vm12, $0x1, v2;
	v39 =	vadd.s32 v47, v63  }
0x296: {  	vm14 =	vlt.f32 v37, v46;
	v49 =	vsel vm13, $0x1, v2;
	v48 =	vadd.s32 v40, v39  }
0x297: {  	vm15 =	vlt.f32 v36, v46;
	v51 =	vsel vm14, $0x1, v2;
	v50 =	vadd.s32 v49, v48  }
0x298: {  	v53 =	vsel vm15, $0x1, v2;
	v52 =	vadd.s32 v51, v50  }
0x299: {  	v54 =	vld.idx.msk [tilespmem:v45+s31+$0x0], $0xffff;
	v36 =	vadd.s32 v53, v52  }
0x29a: {  	v55 =	vld.idx.msk [tilespmem:v43+s0+$0x0], $0xffff;
	_ =	sdelay $0x1  }
0x29b: {  	v56 =	vld.idx.msk [tilespmem:v44+s6+$0x0], $0xffff;
	_ =	sdelay $0x1  }
0x29c: {  	v36 =	vld.idx.msk [tilespmem:v36+s5+$0x0], $0xffff  }
0x29d: {  	v37 =	vadd.f32 v55, v54;
	_ =	sdelay $0x1  }
0x29e: {  	v37 =	vadd.f32 v56, v37;
	_ =	sdelay $0x1  }
0x29f: {  	v36 =	vadd.f32 v36, v37;
	_ =	sdelay $0x1  }
0x2a0: {  	v36 =	vsub.f32 $0.0e+00, v36;
	_ =	sdelay $0x1  }
0x2a1: {  	v36 =	vmul.f32 $1.442695020e+00, v36;
	_ =	sdelay $0x1  }
0x2a2: {  	(erf) = vpow2.f32 v36;
	_ =	sdelay $0x8  }
0x2a3: {  	v36 =	vpop (erf)  }
0x2a4: {  	v36 =	vadd.f32 $1.000000000e+00, v36;
	_ =	sdelay $0x1  }
0x2a5: {  	(erf) = vrcp.f32 v36;
	_ =	sdelay $0x1  }
0x2a6: {  	v57 =	vld.idx.msk [tilespmem:v44+s9+$0x0], $0xffff  }
0x2a7: {  	v58 =	vld.idx.msk [tilespmem:v45+s9+$0x0], $0xffff;
	_ =	sdelay $0x3  }
0x2a8: {  	v59 =	vcvt.s32.f32 v44  }
0x2a9: {  	v60 =	vcvt.s32.f32 v43;
	v36 =	vmul.f32 v58, v57  }
0x2aa: {  	v62 =	vcvt.s32.f32 v45;
	[tilespmem:v31+s12+$0x0] =	vst.idx.msk $0xffff, v59;
	v61 =	vpop (erf)  }
0x2ab: {  	[tilespmem:v32+s12+$0x0] =	vst.idx.msk $0xffff, v60;
	v63 =	vmul.f32 v61, v36  }
0x2ac: {  	[tilespmem:v33+s12+$0x0] =	vst.idx.msk $0xffff, v62  }
0x2ad: {  	[tilespmem:v34+s12+$0x0] =	vst.idx.msk $0xffff, v63  }
0x2ae: {  	s19 =	rddreg [dreg:$0xf];
	[tilespmem:v35+s12+$0x0] =	vst.idx.msk $0xffff, v36  }
0x2af: {  	[hbm4b:s19+s3] =	stream.linear.scatter [tilespmem:s12], [sflag:$0x1], $0x280, $0x38;
	[tilespmem:$0x10080] =	vst v63  }
0x2b0: {  	_ =	swait.ge [sflag:s25], $0x280  }
0x2b1: {  	s14 =	sadd.s32 $0x1, s14;
	s20 =	rddreg [dreg:$0x10]  }
0x2b2: {  	p0 =	sne.s32 s14, s20  }
.Ltmp4:
0x2b3: {  	_ = 	snop;
	(pc) =	sbr.rel @p0 .LBB2_1-.Ltmp4, $3  }
0x2b4: {  	_ =	sdelay $0x1  }
0x2b5: {  	[sflag:s25] =	ssyncset.done $0x0  }
0x2b6: {  	[sflag:s25] =	ssyncadd.s32 $0xFFFFFD80  }
0x2b7: {  	_ =	sfence.sel $0x180000  }
0x2b8: {  	[bflag:$0x0] =	sbarrier.arrive $0xFFFF  }
0x2b9: {  	_ =	strace $0x90000047  }
0x2ba: {  	s0 =	stileid.u32;
	[bflag:$0x2] =	sbarrier.arrive $0xFFFF  }
0x2bb: {  	p0 =	sne.s32 s0, $0x0;
	s0 =	rddreg [dreg:$0x3]  }
0x2bc: {  	s0 =	sadd.s32 @!p0 $0x100000, s0  }
0x2bd: {  	[sflag:s0] =	ssyncadd.tile.s32 @!p0 $0x1;
	_ =	shalt  }
.Lfunc_end2:
_tile_overlayer_lowered:
.L_overlay_start_2:
0x2be: {  	(tag) =	ssettag $0x2  }
0x2bf: {  	s0 =	rddreg [dreg:$0x0];
	s2 =	stileid.u32  }
0x2c0: {  	s1 =	rddreg [dreg:$0x1];
	p0 =	sne.s32 s2, $0x0  }
0x2c1: {  	s3 =	rddreg [dreg:$0x2];
	[bflag:$0x3] =	sbarrier.arrive $0xFFFF;
	s2 =	simm.s32 @!p0 $0x1C01  }
0x2c2: {  	[timem:s3], [sflag:s2] =	dma.local @!p0 [hbm:s0], s1  }
0x2c3: {  	s0 =	simm.s32 @!p0 $0x1  }
0x2c4: {  	_ =	swait.ge @!p0 [sflag:s0], s1  }
0x2c5: {  	s1 =	ssub.s32 @!p0 $0x0, s1;
	[sflag:s0] =	ssyncset.done @!p0 $0x0  }
0x2c6: {  	[sflag:s0] =	ssyncadd.s32 @!p0 s1  }
0x2c7: {  	[bflag:$0x3] =	sbarrier.arrive $0xFFFF  }
0x2c8: {  	_ =	shalt  }

// kernel: kernel.8.cloned.1.call-start
scs
__scs_entry_jumppad:
0x0: {  	(pc) =	sbr.rel $0x88, $3  }
0x1: {  	(tag) =	ssettag $0x0;
	lr =	simm.s32 $0x1  }
0x2: {  	[smem:$0x3F96] =	sst lr;
	_ =	strace $0xD0000000  }
0x3: {  	_ = 	snop  }
0x4: {  	_ = 	snop  }
0x5: {  	_ = 	snop  }
0x6: {  	_ = 	snop  }
0x7: {  	_ = 	snop  }
__scs_overlays_trampoline_lowered:
0x8: {  	[smem:$0x3FA5] =	sst s0  }
0x9: {  	[smem:$0x3FA6] =	sst s1  }
0xa: {  	[smem:$0x3FA7] =	sst s2  }
0xb: {  	[smem:$0x3FA8] =	sst s3  }
0xc: {  	[smem:$0x3FA9] =	sst s4  }
0xd: {  	[smem:$0x3FAA] =	sst s5  }
0xe: {  	[smem:$0x3FAB] =	sst s6  }
0xf: {  	[smem:$0x3FAC] =	sst s7  }
0x10: {  	[smem:$0x3FAD] =	sst s8  }
0x11: {  	[smem:$0x3FAE] =	sst s9;
	s0 =	simm.s32 @!p0 $0x0  }
0x12: {  	s1 =	sld [smem:$0x3F94];
	s0 =	simm.s32 @p0 $0x1  }
0x13: {  	[smem:$0x3FAF] =	sst s0;
	s0 =	simm.s32 @!p1 $0x0  }
0x14: {  	s2 =	sld [smem:$0x3F93];
	s0 =	simm.s32 @p1 $0x1  }
0x15: {  	[smem:$0x3FB0] =	sst s0;
	s0 =	simm.s32 @!p2 $0x0  }
0x16: {  	s3 =	sld [smem:$0x3FDB];
	s0 =	simm.s32 @p2 $0x1  }
0x17: {  	s4 =	simm.s32 $0x1BF5;
	[smem:$0x3FB2] =	sst s0  }
0x18: {  	s0 =	sld [smem:$0x3F95];
	_ =	swait.ge [sflag:s4], $0x0  }
0x19: {  	s7 =	sld [smem:$0x3F96]  }
0x1a: {  	s8 =	sadd.s32 $0xFFFFE003, lr  }
0x1b: {  	s9 =	sadd.s32 $0xFFFFFEF7, lr;
	s5 =	simm.s32 $0xFFFFFFFF;
	p2 =	slt.u32 s8, $0xFFFFF086  }
0x1c: {  	p1 =	slt.u32 s9, $0xF7A;
	s5 =	simm.s32 @!p2 $0x0  }
0x1d: {  	s5 =	simm.s32 @p1 $0x1;
	p0 =	seq.s32 s7, s2  }
0x1e: {  	s7 =	smul.u32 @!p0 $0xF7A, s2;
	p2 =	seq.s32 @!p0 s5, $0x0  }
0x1f: {  	s9 =	smul.u32 $0xF7A, s1;
	s8 =	simm.s32 @!p0 $0x1BF5;
	p2 =	por !p2, p0  }
0x20: {  	[sflag:s8] =	ssyncset.s32 @!p0 $0xFFFFF086;
	s6 =	sadd.s32 @!p0 s3, s7;
	s7 =	simm.s32 @!p0 $0x108  }
0x21: {  	s3 =	sadd.s32 s3, s9;
	s6 =	sadd.s32 @!p0 $0x88, s6;
	s7 =	simm.s32 @p2 $0x1082  }
0x22: {  	[simem:s7], [sflag:s8] =	dma.local @!p0 [hbm:s6], $0xF7A  }
0x23: {  	s9 =	sor.u32 $0xD0000000, s2;
	s6 =	simm.s32 $0x108;
	_ =	swait.ge @!p0 [sflag:s8], $0x0  }
0x24: {  	s3 =	sadd.s32 $0x88, s3;
	s6 =	simm.s32 @!p1 $0x1082;
	[sflag:s4] =	ssyncset.s32 $0xFFFFF086  }
0x25: {  	[simem:s6], [sflag:s4] =	dma.local [hbm:s3], $0xF7A  }
0x26: {  	[smem:$0x3F96] =	sst s1;
	(tag) =	ssettag s2;
	_ =	strace s9  }
0x27: {  	s1 =	sld [smem:$0x3FA6]  }
0x28: {  	s2 =	sld [smem:$0x3FA7]  }
0x29: {  	s4 =	sld [smem:$0x3FA9]  }
0x2a: {  	p0 =	seq.s32 s5, $0x0;
	s5 =	sld [smem:$0x3FAA]  }
0x2b: {  	s6 =	sld [smem:$0x3FAB]  }
0x2c: {  	s7 =	sld [smem:$0x3FAC]  }
0x2d: {  	s3 =	simm.s32 $0x108;
	s8 =	sld [smem:$0x3FAD]  }
0x2e: {  	s3 =	simm.s32 @!p0 $0x1082;
	s9 =	sld [smem:$0x3FAE]  }
0x2f: {  	lr =	sadd.s32 s0, s3;
	s0 =	sld [smem:$0x3FA5]  }
0x30: {  	s3 =	sld [smem:$0x3FA8]  }
0x31: {  	[smem:$0x3FB1] =	sst s10  }
0x32: {  	s10 =	sld [smem:$0x3FAF];
	_ =	sdelay $0x3  }
0x33: {  	p0 =	seq.s32 s10, $0x1;
	s10 =	sld [smem:$0x3FB1];
	_ =	sdelay $0x3  }
0x34: {  	[smem:$0x3FB1] =	sst s10  }
0x35: {  	s10 =	sld [smem:$0x3FB0];
	_ =	sdelay $0x3  }
0x36: {  	p1 =	seq.s32 s10, $0x1;
	s10 =	sld [smem:$0x3FB1];
	_ =	sdelay $0x3  }
0x37: {  	[smem:$0x3FB1] =	sst s10  }
0x38: {  	s10 =	sld [smem:$0x3FB2]  }
0x39: {  	_ = 	snop;
	(pc) =	sbr.ind lr, $3  }
0x3a: {  	_ = 	snop  }
0x3b: {  	_ = 	snop  }
0x3c: {  	p2 =	seq.s32 s10, $0x1;
	s10 =	sld [smem:$0x3FB1]  }
0x3d: {  	_ =	shalt  }
0x3e: {  	_ =	shalt  }
0x3f: {  	_ =	shalt  }
0x40: {  	_ =	shalt  }
0x41: {  	_ =	shalt  }
0x42: {  	_ =	shalt  }
0x43: {  	_ =	shalt  }
0x44: {  	_ =	shalt  }
0x45: {  	_ =	shalt  }
0x46: {  	_ =	shalt  }
0x47: {  	_ =	shalt  }
0x48: {  	_ =	shalt  }
0x49: {  	_ =	shalt  }
0x4a: {  	_ =	shalt  }
0x4b: {  	_ =	shalt  }
0x4c: {  	_ =	shalt  }
0x4d: {  	_ =	shalt  }
0x4e: {  	_ =	shalt  }
0x4f: {  	_ =	shalt  }
0x50: {  	_ =	shalt  }
0x51: {  	_ =	shalt  }
0x52: {  	_ =	shalt  }
0x53: {  	_ =	shalt  }
0x54: {  	_ =	shalt  }
0x55: {  	_ =	shalt  }
0x56: {  	_ =	shalt  }
0x57: {  	_ =	shalt  }
0x58: {  	_ =	shalt  }
0x59: {  	_ =	shalt  }
0x5a: {  	_ =	shalt  }
0x5b: {  	_ =	shalt  }
0x5c: {  	_ =	shalt  }
0x5d: {  	_ =	shalt  }
0x5e: {  	_ =	shalt  }
0x5f: {  	_ =	shalt  }
0x60: {  	_ =	shalt  }
0x61: {  	_ =	shalt  }
0x62: {  	_ =	shalt  }
0x63: {  	_ =	shalt  }
0x64: {  	_ =	shalt  }
0x65: {  	_ =	shalt  }
0x66: {  	_ =	shalt  }
0x67: {  	_ =	shalt  }
0x68: {  	_ =	shalt  }
0x69: {  	_ =	shalt  }
0x6a: {  	_ =	shalt  }
0x6b: {  	_ =	shalt  }
0x6c: {  	_ =	shalt  }
0x6d: {  	_ =	shalt  }
0x6e: {  	_ =	shalt  }
0x6f: {  	_ =	shalt  }
0x70: {  	_ =	shalt  }
0x71: {  	_ =	shalt  }
0x72: {  	_ =	shalt  }
0x73: {  	_ =	shalt  }
0x74: {  	_ =	shalt  }
0x75: {  	_ =	shalt  }
0x76: {  	_ =	shalt  }
0x77: {  	_ =	shalt  }
0x78: {  	_ =	shalt  }
0x79: {  	_ =	shalt  }
0x7a: {  	_ =	shalt  }
0x7b: {  	_ =	shalt  }
0x7c: {  	_ =	shalt  }
0x7d: {  	_ =	shalt  }
0x7e: {  	_ =	shalt  }
0x7f: {  	_ =	shalt  }
0x80: {  	_ =	shalt  }
0x81: {  	_ =	shalt  }
0x82: {  	_ =	shalt  }
0x83: {  	_ =	shalt  }
0x84: {  	_ =	shalt  }
0x85: {  	_ =	shalt  }
0x86: {  	_ =	shalt  }
0x87: {  	_ =	shalt  }
.Lfunc_end0:
.L_simem_size_0:
called_computation.1_lowered:
.L_overlay_start_0:
0x88: {  	s2 =	sld [smem:$0x3FD9]  }
0x89: {  	s3 =	sld [smem:$0x3FFE];
	_ =	sdelay $0x1  }
0x8a: {  	s1 =	srdreg.scid  }
0x8b: {  	s0 =	sand.u32 $0x1, s1  }
0x8c: {  	s17 =	sshll.u32 s0, $0xA;
	s2 =	sadd.s32 s3, s2  }
0x8d: {  	s2 =	sadd.s32 s2, s17  }
0x8e: {  	[smem:$0x3FBD] =	sst s2  }
0x8f: {  	_ = 	snop  }
0x90: {  	s2 =	sld [smem:$0x3FD0];
	(tm) =	ssettm $0x1  }
0x91: {  	s18 =	sld [smem:$0x3FFB];
	_ =	sdelay $0x3  }
0x92: {  	_ =	strace s18  }
0x93: {  	s3 =	sld [smem:$0x3FFC];
	_ =	sdelay $0x3  }
0x94: {  	_ =	strace s3  }
0x95: {  	s3 =	sld [smem:$0x3FFD];
	_ =	sdelay $0x3  }
0x96: {  	_ =	strace s3  }
0x97: {  	_ =	strace $0x8FFFFFFF  }
0x98: {  	s19 =	sld [smem:$0x3FDB];
	_ =	sdelay $0x1  }
0x99: {  	s4 =	simm.s32 $_scs_section_size  }
0x9a: {  	s5 =	simm.s32 $_size__tile_overlayer_lowered;
	s6 =	simm.s32 $_tile_overlayer_lowered  }
0x9b: {  	s22 =	simm.s32 $0x1BFF;
	s21 =	sshll.u32 s6, $0x1;
	s3 =	sadd.s32 s4, s19  }
0x9c: {  	s7 =	simm.s32 $0x0;
	s20 =	sshll.u32 s5, $0x1;
	s5 =	sadd.s32 s21, s3  }
0x9d: {  	[timem:s7], [sflag:s22] =	dma.local [hbm:s5], s20  }
0x9e: {  	_ =	swait.ge [sflag:s22], s20  }
0x9f: {  	s4 =	ssub.s32 $0x0, s20;
	[sflag:s22] =	ssyncset.done $0x0  }
0xa0: {  	[sflag:s22] =	ssyncadd.s32 s4;
	_ =	sdelay $0x1  }
0xa1: {  	s23 =	simm.s32 $0x1B8B  }
0xa2: {  	_ =	swait.ge [sflag:s23], $0x1  }
0xa3: {  	[sflag:s23] =	ssyncset.done $0x0  }
0xa4: {  	s25 =	simm.s32 $0x1B8E;
	s24 =	sld [smem:$0x3FFE];
	[sflag:s23] =	ssyncadd.s32 $0xFFFFFFFF  }
0xa5: {  	s26 =	simm.s32 $execute0_lowered;
	[smem:$0x3FD2] =	sst s25  }
0xa6: {  	s5 =	sshll.u32 s26, $0x1;
	_ =	strace $0x80000049;
	[dreg:$0x1] =	wrdreg $0xFFFFFFFF  }
0xa7: {  	s28 =	simm.s32 $_size_execute0_lowered;
	s3 =	sadd.s32 s3, s5;
	[dreg:$0x0] =	wrdreg $0x0  }
0xa8: {  	s5 =	sshll.u32 s28, $0x1;
	[dreg:$0x2] =	wrdreg s3  }
0xa9: {  	[dreg:$0x3] =	wrdreg s5  }
0xaa: {  	[dreg:$0x4] =	wrdreg $0xC0  }
0xab: {  	_ =	task [dreg:s7], $0x5FFFF  }
0xac: {  	[dreg:$0x1] =	wrdreg $0xFFFFFFFF  }
0xad: {  	[dreg:$0x0] =	wrdreg $0x60  }
0xae: {  	[dreg:$0x2] =	wrdreg s2  }
0xaf: {  	[dreg:$0x3] =	wrdreg s24  }
0xb0: {  	[dreg:$0x4] =	wrdreg $0x0  }
0xb1: {  	[dreg:$0x5] =	wrdreg $0x9  }
0xb2: {  	_ =	task.clear_ibuf [dreg:s7], $0x6FFFF;
	_ =	strace $0x90000049  }
0xb3: {  	s29 =	simm.s32 $0x9;
	_ =	strace $0x8000004B  }
0xb4: {  	_ =	swait.ge [sflag:s29], $0x1  }
0xb5: {  	[sflag:s29] =	ssyncadd.s32 $0xFFFFFFFF  }
0xb6: {  	_ =	strace $0x9000004B  }
0xb7: {  	_ =	sfence  }
0xb8: {  	s30 =	sld [smem:$0x0];
	_ =	sdelay $0x2  }
0xb9: {  	s31 =	sshll.u32 s1, $0xD;
	s1 =	sshrl.u32 s1, $0x2  }
0xba: {  	s3 =	sand.u32 $0x4000, s31;
	s1 =	sadd.s32 s1, s30  }
0xbb: {  	s0 =	sor.u32 s3, s0;
	s1 =	sshll.u32 s1, $0x11  }
0xbc: {  	s0 =	sor.u32 s1, s0  }
0xbd: {  	s0 =	sadd.s32 $0x8F2B, s0  }
0xbe: {  	[sflag:s0] =	ssyncadd.remote.s32 $0x1  }
0xbf: {  	_ =	sfence.sel $0xFFFF  }
0xc0: {  	[dreg:$0x0] =	wrdreg $0xFFFFFFFF;
	(pc) =	sbr.abs _section_cstart, $3  }
0xc1: {  	[dreg:$0x1] =	wrdreg $0xFFFFFFFF  }
0xc2: {  	_ =	task.clear_ibuf [dreg:s7], $0x2FFFF;
	_ =	strace $0x9FFFFFFF  }
0xc3: {  	(tm) =	ssettm $0x7FFFFFFF  }
tec
execute0_lowered:
.L_overlay_start_1:
0x0: {  	(tag) =	ssettag $0x1  }
0x1: {  	s1 =	rddreg [dreg:$0x0]  }
0x2: {  	s0 =	rddreg [dreg:$0x1]  }
0x3: {  	s8 =	stileid.u32;
	s2 =	srdreg.scid  }
0x4: {  	s3 =	rddreg [dreg:$0x2];
	s4 =	simm.s32 $0x0;
	s5 =	smul.u32 $0x2710, s8  }
0x5: {  	s28 =	simm.s32 $0x1C000;
	s29 =	simm.s32 $0x1;
	s7 =	smul.u32 $0x14000, s8  }
0x6: {  	s30 =	simm.s32 $0x14700;
	s2 =	sand.u32 $0x1, s2;
	s8 =	smul.u32 $0x50000, s8  }
0x7: {  	s31 =	simm.s32 $0x2;
	[smem:$0x7FF] =	sst s4;
	s6 =	smul.u32 $0x140000, s2  }
0x8: {  	_ =	strace $0x8000004A;
	s17 =	ssub.s32 $0x2, s2;
	s2 =	smul.u32 $0x2710, s2  }
0x9: {  	s9 =	sadd.s32 s5, s0;
	s18 =	sshrl.u32 s17, $0x1;
	s16 =	sadd.s32 s7, s6  }
0xa: {  	s8 =	sshrl.u32 s8, $0x2;
	s6 =	ssub.s32 s17, s18;
	s5 =	sshrl.u32 s16, $0x3  }
0xb: {  	s26 =	smax.u32 s6, $0x1;
	s0 =	sadd.s32 s5, s0;
	s5 =	sadd.s32 s8, s3  }
0xc: {  	s13 =	sadd.s32 $0xC400, s9;
	[dreg:$0xc] =	wrdreg s26;
	s19 =	sadd.s32 $0x2800, s5  }
0xd: {  	s17 =	simm.s32 $0x5;
	s20 =	sadd.s32 $0x5000, s5;
	[dreg:$0x4] =	wrdreg s19  }
0xe: {  	s18 =	simm.s32 $0x14000;
	s21 =	sadd.s32 $0x7800, s5;
	[dreg:$0x5] =	wrdreg s20  }
0xf: {  	v0 =	vlaneseq.u32;
	v1 =	vmov s2;
	s2 =	simm.s32 $0x14780;
	s22 =	sadd.s32 $0xA000, s5;
	[dreg:$0x6] =	wrdreg s21  }
0x10: {  	v0 =	vmul.u32 $0x8, v0;
	s7 =	simm.s32 $0x0;
	s23 =	sadd.s32 $0xC800, s5;
	[dreg:$0x7] =	wrdreg s22  }
0x11: {  	s16 =	simm.s32 $0x14800;
	s24 =	sadd.s32 $0xF000, s5;
	[dreg:$0x8] =	wrdreg s23  }
0x12: {  	v2 =	vimm.f32 $0.0e+00;
	v3 =	vor.u32 $0x1, v0;
	v4 =	vor.u32 $0x2, v0;
	s6 =	simm.s32 $0x4;
	s25 =	sadd.s32 $0x11800, s5;
	[dreg:$0x9] =	wrdreg s24  }
0x13: {  	v5 =	vor.u32 $0x80, v0;
	v6 =	vor.u32 $0x81, v0;
	v7 =	vor.u32 $0x82, v0;
	s26 =	simm.s32 $0x14680;
	s0 =	sadd.s32 $0x33600, s0;
	[dreg:$0xa] =	wrdreg s25  }
0x14: {  	v8 =	vor.u32 $0x100, v0;
	v9 =	vor.u32 $0x101, v0;
	v10 =	vor.u32 $0x102, v0;
	[dreg:$0xb] =	wrdreg s0;
	s19 =	simm.s32 $0x50;
	s20 =	simm.s32 $0x14500  }
0x15: {  	v11 =	vor.u32 $0x180, v0;
	v12 =	vor.u32 $0x181, v0;
	v13 =	vor.u32 $0x182, v0;
	s21 =	simm.s32 $0x14600;
	s22 =	simm.s32 $0x19800;
	s23 =	simm.s32 $0x14280  }
0x16: {  	v14 =	vor.u32 $0x200, v0;
	v15 =	vor.u32 $0x201, v0;
	v16 =	vor.u32 $0x202, v0;
	s24 =	simm.s32 $0x14580;
	s25 =	simm.s32 $0x17000;
	s0 =	simm.s32 $0x3  }
.LBB2_1:
0x17: {  	s8 =	simm.s32 $0x0;
	s9 =	simm.s32 $0x200  }
.LBB2_2:
0x18: {  	p0 =	sne.s32 s9, $0x9E00;
	[tilespmem:s8+$0x14870] =	vst v2  }
0x19: {  	[tilespmem:s8+$0x14800] =	vst v2  }
0x1a: {  	[tilespmem:s8+$0x14810] =	vst v2  }
.Ltmp0:
0x1b: {  	[tilespmem:s8+$0x14820] =	vst v2;
	(pc) =	sbr.rel @p0 .LBB2_2-.Ltmp0, $4  }
0x1c: {  	[tilespmem:s8+$0x14830] =	vst v2  }
0x1d: {  	[tilespmem:s8+$0x14840] =	vst v2  }
0x1e: {  	[tilespmem:s8+$0x14850] =	vst v2  }
0x1f: {  	[tilespmem:s8+$0x14860] =	vst v2;
	s8 =	sshra.s32 s9, $0x2;
	s9 =	sadd.s32 $0x200, s9  }
0x20: {  	[tilespmem:s8+$0x14870] =	vst v2  }
0x21: {  	[tilespmem:s8+$0x14800] =	vst v2  }
0x22: {  	[tilespmem:s8+$0x14810] =	vst v2  }
0x23: {  	[tilespmem:s8+$0x14820] =	vst v2  }
0x24: {  	[tilespmem:s8+$0x14830] =	vst v2  }
0x25: {  	[tilespmem:s8+$0x14840] =	vst v2  }
0x26: {  	[tilespmem:s8+$0x14850] =	vst v2  }
0x27: {  	[tilespmem:s8+$0x14860] =	vst v2  }
0x28: {  	[spmem:s5] =	stream.linear.scatter [tilespmem:s16], [sflag:$0x5], $0x2800, $0x38;
	[tilespmem:$0x1E800] =	vst v63  }
0x29: {  	_ =	swait.ge [sflag:s17], $0x2800  }
0x2a: {  	[sflag:s17] =	ssyncset.done $0x0  }
0x2b: {  	s15 =	rddreg [dreg:$0x4];
	[sflag:s17] =	ssyncadd.s32 $0xFFFFD800  }
0x2c: {  	[spmem:s15] =	stream.linear.scatter [tilespmem:s16], [sflag:$0x5], $0x2800, $0x38;
	[tilespmem:$0x1E800] =	vst v63  }
0x2d: {  	_ =	swait.ge [sflag:s17], $0x2800  }
0x2e: {  	[sflag:s17] =	ssyncset.done $0x0  }
0x2f: {  	s9 =	rddreg [dreg:$0x5];
	[sflag:s17] =	ssyncadd.s32 $0xFFFFD800  }
0x30: {  	[spmem:s9] =	stream.linear.scatter [tilespmem:s16], [sflag:$0x5], $0x2800, $0x38;
	[tilespmem:$0x1E800] =	vst v63  }
0x31: {  	_ =	swait.ge [sflag:s17], $0x2800  }
0x32: {  	[sflag:s17] =	ssyncset.done $0x0  }
0x33: {  	s10 =	rddreg [dreg:$0x6];
	[sflag:s17] =	ssyncadd.s32 $0xFFFFD800  }
0x34: {  	[spmem:s10] =	stream.linear.scatter [tilespmem:s16], [sflag:$0x5], $0x2800, $0x38;
	[tilespmem:$0x1E800] =	vst v63  }
0x35: {  	_ =	swait.ge [sflag:s17], $0x2800  }
0x36: {  	[sflag:s17] =	ssyncset.done $0x0  }
0x37: {  	s11 =	rddreg [dreg:$0x7];
	[sflag:s17] =	ssyncadd.s32 $0xFFFFD800  }
0x38: {  	[spmem:s11] =	stream.linear.scatter [tilespmem:s16], [sflag:$0x5], $0x2800, $0x38;
	[tilespmem:$0x1E800] =	vst v63  }
0x39: {  	_ =	swait.ge [sflag:s17], $0x2800  }
0x3a: {  	[sflag:s17] =	ssyncset.done $0x0  }
0x3b: {  	s12 =	rddreg [dreg:$0x8];
	[sflag:s17] =	ssyncadd.s32 $0xFFFFD800  }
0x3c: {  	[spmem:s12] =	stream.linear.scatter [tilespmem:s16], [sflag:$0x5], $0x2800, $0x38;
	[tilespmem:$0x1E800] =	vst v63  }
0x3d: {  	_ =	swait.ge [sflag:s17], $0x2800  }
0x3e: {  	[sflag:s17] =	ssyncset.done $0x0  }
0x3f: {  	s14 =	rddreg [dreg:$0x9];
	[sflag:s17] =	ssyncadd.s32 $0xFFFFD800  }
0x40: {  	[spmem:s14] =	stream.linear.scatter [tilespmem:s16], [sflag:$0x5], $0x2800, $0x38;
	[tilespmem:$0x1E800] =	vst v63  }
0x41: {  	_ =	swait.ge [sflag:s17], $0x2800  }
0x42: {  	[sflag:s17] =	ssyncset.done $0x0  }
0x43: {  	s15 =	rddreg [dreg:$0xa];
	[sflag:s17] =	ssyncadd.s32 $0xFFFFD800  }
0x44: {  	[spmem:s15] =	stream.linear.scatter [tilespmem:s16], [sflag:$0x5], $0x2800, $0x38;
	[tilespmem:$0x1E800] =	vst v63  }
.Ltmp1:
0x45: {  	_ =	swait.ge [sflag:s17], $0x2800;
	(pc) =	sbr.rel .LBB2_4-.Ltmp1, $4  }
0x46: {  	[sflag:s17] =	ssyncset.done $0x0  }
0x47: {  	[sflag:s17] =	ssyncadd.s32 $0xFFFFD800  }
0x48: {  	[bflag:$0x0] =	sbarrier.arrive $0xFFFF  }
0x49: {  	s8 =	simm.s32 $0x0  }
.LBB2_10:
0x4a: {  	p0 =	sne.s32 s8, $0x3E  }
.Ltmp2:
0x4b: {  	_ = 	snop;
	(pc) =	sbr.rel @!p0 .LBB2_11-.Ltmp2, $3  }
0x4c: {  	_ =	sdelay $0x1  }
0x4d: {  	s9 =	sadd.s32 $0x1, s8  }
0x4e: {  	s8 =	smov.u32 s9  }
.LBB2_4:
0x4f: {  	s9 =	smul.u32 $0xA0, s8;
	_ =	sdelay $0x1  }
0x50: {  	s9 =	sadd.s32 s9, s13  }
0x51: {  	[tilespmem:s18], [sflag:$0x5] =	stream.linear.gather [hbm4b:s9+s4], $0x280, $0x38;
	[tilespmem:$0x1E800] =	vst v63  }
0x52: {  	_ =	swait.ge [sflag:s17], $0x280  }
0x53: {  	[sflag:s17] =	ssyncset.done $0x0  }
0x54: {  	[sflag:s17] =	ssyncadd.s32 $0xFFFFFD80  }
0x55: {  	v17 =	vld.idx.msk [tilespmem:v0+s18+$0x0], $0xffff  }
0x56: {  	v18 =	vld.idx.msk [tilespmem:v3+s18+$0x0], $0xffff  }
0x57: {  	v19 =	vld.idx.msk [tilespmem:v4+s18+$0x0], $0xffff;
	_ =	sdelay $0x3  }
0x58: {  	v17 =	vtrunc.f32 v17  }
0x59: {  	v18 =	vtrunc.f32 v18;
	v19 =	vtrunc.f32 v19  }
0x5a: {  	v17 =	vcvt.f32.s32 v17;
	v19 =	vcvt.f32.s32 v19  }
0x5b: {  	v18 =	vcvt.f32.s32 v18  }
0x5c: {  	v17 =	vadd.s32 v17, v1;
	[tilespmem:$0x14700] =	vst v19  }
0x5d: {  	[tilespmem:$0x14500] =	vst v17;
	v17 =	vadd.s32 v18, v1  }
0x5e: {  	[tilespmem:$0x14600] =	vst v17  }
0x5f: {  	v17 =	vld.idx.msk [tilespmem:v5+s18+$0x0], $0xffff  }
0x60: {  	v18 =	vld.idx.msk [tilespmem:v6+s18+$0x0], $0xffff  }
0x61: {  	v19 =	vld.idx.msk [tilespmem:v7+s18+$0x0], $0xffff;
	_ =	sdelay $0x3  }
0x62: {  	v17 =	vtrunc.f32 v17  }
0x63: {  	v18 =	vtrunc.f32 v18;
	v19 =	vtrunc.f32 v19  }
0x64: {  	v17 =	vcvt.f32.s32 v17;
	v19 =	vcvt.f32.s32 v19  }
0x65: {  	v18 =	vcvt.f32.s32 v18  }
0x66: {  	v17 =	vadd.s32 v17, v1;
	[tilespmem:$0x14710] =	vst v19  }
0x67: {  	[tilespmem:$0x14510] =	vst v17;
	v17 =	vadd.s32 v18, v1  }
0x68: {  	[tilespmem:$0x14610] =	vst v17  }
0x69: {  	v17 =	vld.idx.msk [tilespmem:v8+s18+$0x0], $0xffff  }
0x6a: {  	v18 =	vld.idx.msk [tilespmem:v9+s18+$0x0], $0xffff  }
0x6b: {  	v19 =	vld.idx.msk [tilespmem:v10+s18+$0x0], $0xffff;
	_ =	sdelay $0x3  }
0x6c: {  	v17 =	vtrunc.f32 v17  }
0x6d: {  	v18 =	vtrunc.f32 v18;
	v19 =	vtrunc.f32 v19  }
0x6e: {  	v17 =	vcvt.f32.s32 v17;
	v19 =	vcvt.f32.s32 v19  }
0x6f: {  	v18 =	vcvt.f32.s32 v18  }
0x70: {  	v17 =	vadd.s32 v17, v1;
	[tilespmem:$0x14720] =	vst v19  }
0x71: {  	[tilespmem:$0x14520] =	vst v17;
	v17 =	vadd.s32 v18, v1  }
0x72: {  	[tilespmem:$0x14620] =	vst v17  }
0x73: {  	v17 =	vld.idx.msk [tilespmem:v11+s18+$0x0], $0xffff  }
0x74: {  	v18 =	vld.idx.msk [tilespmem:v12+s18+$0x0], $0xffff  }
0x75: {  	v19 =	vld.idx.msk [tilespmem:v13+s18+$0x0], $0xffff;
	_ =	sdelay $0x3  }
0x76: {  	v17 =	vtrunc.f32 v17  }
0x77: {  	v18 =	vtrunc.f32 v18;
	v19 =	vtrunc.f32 v19  }
0x78: {  	v17 =	vcvt.f32.s32 v17;
	v19 =	vcvt.f32.s32 v19  }
0x79: {  	v18 =	vcvt.f32.s32 v18  }
0x7a: {  	v17 =	vadd.s32 v17, v1;
	[tilespmem:$0x14730] =	vst v19  }
0x7b: {  	[tilespmem:$0x14530] =	vst v17;
	v17 =	vadd.s32 v18, v1  }
0x7c: {  	[tilespmem:$0x14630] =	vst v17  }
0x7d: {  	v17 =	vld.idx.msk [tilespmem:v14+s18+$0x0], $0xffff  }
0x7e: {  	v18 =	vld.idx.msk [tilespmem:v15+s18+$0x0], $0xffff  }
0x7f: {  	v19 =	vld.idx.msk [tilespmem:v16+s18+$0x0], $0xffff;
	_ =	sdelay $0x3  }
0x80: {  	v17 =	vtrunc.f32 v17  }
0x81: {  	v18 =	vtrunc.f32 v18;
	v19 =	vtrunc.f32 v19  }
0x82: {  	v17 =	vcvt.f32.s32 v17;
	v19 =	vcvt.f32.s32 v19  }
0x83: {  	s9 =	sshllo.u32 s8, $0x1;
	v18 =	vcvt.f32.s32 v18  }
0x84: {  	p0 =	sgt.u32 s9, $0x7C;
	v17 =	vadd.s32 v17, v1;
	[tilespmem:$0x14740] =	vst v19  }
.Ltmp3:
0x85: {  	[tilespmem:$0x14540] =	vst v17;
	v17 =	vadd.s32 v18, v1;
	(pc) =	sbr.rel @p0 .LBB2_10-.Ltmp3, $4  }
0x86: {  	[tilespmem:$0x14640] =	vst v17  }
0x87: {  	[tilespmem:s16], [sflag:$0x1] =	stream.indirect.gather [hbm4b:s1+s19], $0x80, s20, s19, $0xb8;
	[tilespmem:$0x1E800] =	vst v63  }
0x88: {  	_ = 	snop  }
0x89: {  	[tilespmem:s22], [sflag:$0x1] =	stream.indirect.gather [hbm4b:s1+s19], $0x80, s21, s19, $0xb8;
	[tilespmem:$0x1E800] =	vst v63  }
0x8a: {  	s9 =	smul.u32 $0x50, s9;
	_ =	sdelay $0x1  }
0x8b: {  	s9 =	sadd.s32 s9, s13  }
0x8c: {  	[tilespmem:s23], [sflag:$0x5] =	stream.linear.gather [hbm4b:s9+s4], $0x280, $0x38;
	[tilespmem:$0x1E800] =	vst v63  }
0x8d: {  	_ =	swait.ge [sflag:s17], $0x280  }
0x8e: {  	[sflag:s17] =	ssyncset.done $0x0  }
0x8f: {  	[sflag:s17] =	ssyncadd.s32 $0xFFFFFD80  }
0x90: {  	v17 =	vld.idx.msk [tilespmem:v0+s23+$0x0], $0xffff  }
0x91: {  	v18 =	vld.idx.msk [tilespmem:v3+s23+$0x0], $0xffff  }
0x92: {  	v19 =	vld.idx.msk [tilespmem:v4+s23+$0x0], $0xffff;
	_ =	sdelay $0x3  }
0x93: {  	v17 =	vtrunc.f32 v17  }
0x94: {  	v18 =	vtrunc.f32 v18;
	v19 =	vtrunc.f32 v19  }
0x95: {  	v17 =	vcvt.f32.s32 v17;
	v19 =	vcvt.f32.s32 v19  }
0x96: {  	v18 =	vcvt.f32.s32 v18  }
0x97: {  	v17 =	vadd.s32 v17, v1;
	[tilespmem:$0x14780] =	vst v19  }
0x98: {  	[tilespmem:$0x14580] =	vst v17;
	v17 =	vadd.s32 v18, v1  }
0x99: {  	[tilespmem:$0x14680] =	vst v17  }
0x9a: {  	v17 =	vld.idx.msk [tilespmem:v5+s23+$0x0], $0xffff  }
0x9b: {  	v18 =	vld.idx.msk [tilespmem:v6+s23+$0x0], $0xffff  }
0x9c: {  	v19 =	vld.idx.msk [tilespmem:v7+s23+$0x0], $0xffff;
	_ =	sdelay $0x3  }
0x9d: {  	v17 =	vtrunc.f32 v17  }
0x9e: {  	v18 =	vtrunc.f32 v18;
	v19 =	vtrunc.f32 v19  }
0x9f: {  	v17 =	vcvt.f32.s32 v17;
	v19 =	vcvt.f32.s32 v19  }
0xa0: {  	v18 =	vcvt.f32.s32 v18  }
0xa1: {  	v17 =	vadd.s32 v17, v1;
	[tilespmem:$0x14790] =	vst v19  }
0xa2: {  	[tilespmem:$0x14590] =	vst v17;
	v17 =	vadd.s32 v18, v1  }
0xa3: {  	[tilespmem:$0x14690] =	vst v17  }
0xa4: {  	v17 =	vld.idx.msk [tilespmem:v8+s23+$0x0], $0xffff  }
0xa5: {  	v18 =	vld.idx.msk [tilespmem:v9+s23+$0x0], $0xffff  }
0xa6: {  	v19 =	vld.idx.msk [tilespmem:v10+s23+$0x0], $0xffff;
	_ =	sdelay $0x3  }
0xa7: {  	v17 =	vtrunc.f32 v17  }
0xa8: {  	v18 =	vtrunc.f32 v18;
	v19 =	vtrunc.f32 v19  }
0xa9: {  	v17 =	vcvt.f32.s32 v17;
	v19 =	vcvt.f32.s32 v19  }
0xaa: {  	v18 =	vcvt.f32.s32 v18  }
0xab: {  	v17 =	vadd.s32 v17, v1;
	[tilespmem:$0x147A0] =	vst v19  }
0xac: {  	[tilespmem:$0x145A0] =	vst v17;
	v17 =	vadd.s32 v18, v1  }
0xad: {  	[tilespmem:$0x146A0] =	vst v17  }
0xae: {  	v17 =	vld.idx.msk [tilespmem:v11+s23+$0x0], $0xffff  }
0xaf: {  	v18 =	vld.idx.msk [tilespmem:v12+s23+$0x0], $0xffff  }
0xb0: {  	v19 =	vld.idx.msk [tilespmem:v13+s23+$0x0], $0xffff;
	_ =	sdelay $0x3  }
0xb1: {  	v17 =	vtrunc.f32 v17  }
0xb2: {  	v18 =	vtrunc.f32 v18;
	v19 =	vtrunc.f32 v19  }
0xb3: {  	v17 =	vcvt.f32.s32 v17;
	v19 =	vcvt.f32.s32 v19  }
0xb4: {  	v18 =	vcvt.f32.s32 v18  }
0xb5: {  	v17 =	vadd.s32 v17, v1;
	[tilespmem:$0x147B0] =	vst v19  }
0xb6: {  	[tilespmem:$0x145B0] =	vst v17;
	v17 =	vadd.s32 v18, v1  }
0xb7: {  	[tilespmem:$0x146B0] =	vst v17  }
0xb8: {  	v17 =	vld.idx.msk [tilespmem:v14+s23+$0x0], $0xffff  }
0xb9: {  	v18 =	vld.idx.msk [tilespmem:v15+s23+$0x0], $0xffff  }
0xba: {  	v19 =	vld.idx.msk [tilespmem:v16+s23+$0x0], $0xffff;
	_ =	sdelay $0x3  }
0xbb: {  	v17 =	vtrunc.f32 v17  }
0xbc: {  	v18 =	vtrunc.f32 v18;
	v19 =	vtrunc.f32 v19  }
0xbd: {  	v17 =	vcvt.f32.s32 v17;
	v19 =	vcvt.f32.s32 v19  }
0xbe: {  	v18 =	vcvt.f32.s32 v18  }
0xbf: {  	v17 =	vadd.s32 v17, v1;
	[tilespmem:$0x147C0] =	vst v19  }
0xc0: {  	[tilespmem:$0x145C0] =	vst v17;
	v17 =	vadd.s32 v18, v1  }
0xc1: {  	[tilespmem:$0x146C0] =	vst v17  }
0xc2: {  	[tilespmem:s25], [sflag:$0x2] =	stream.indirect.gather [hbm4b:s1+s19], $0x80, s24, s19, $0xb8;
	[tilespmem:$0x1E800] =	vst v63  }
0xc3: {  	s15 =	simm.s32 $0x4;
	s10 =	simm.s32 $0x3  }
0xc4: {  	v17 =	vmov s15;
	[tilespmem:s28], [sflag:$0x2] =	stream.indirect.gather [hbm4b:s1+s19], $0x80, s26, s19, $0xb8;
	[tilespmem:$0x1E800] =	vst v63  }
0xc5: {  	v18 =	vmov s10;
	v17 =	vand.u32 $0xFFFFFFFC, v17;
	_ =	swait.ge [sflag:s29], $0x2800  }
0xc6: {  	v18 =	vand.u32 $0xFFFFFFFB, v18;
	v17 =	vbroadcast v17, $0x0;
	[sflag:s29] =	ssyncset.done $0x0  }
0xc7: {  	v18 =	vbroadcast v18, $0x0;
	[sflag:s29] =	ssyncadd.s32 $0xFFFFD800  }
0xc8: {  	_ =	swait.ge [sflag:s29], $0x2800  }
0xc9: {  	[sflag:s29] =	ssyncset.done $0x0  }
0xca: {  	s10 =	simm.s32 $0x14840;
	[sflag:s29] =	ssyncadd.s32 $0xFFFFD800  }
0xcb: {  	v19 =	vld [tilespmem:s10+$0xFFFFFFC0]  }
0xcc: {  	v17 =	vld.idx.msk [tilespmem:v17+s18+$0x0], $0xffff  }
0xcd: {  	s9 =	simm.s32 $0x19840;
	v18 =	vld.idx.msk [tilespmem:v18+s18+$0x0], $0xffff  }
0xce: {  	v20 =	vld [tilespmem:s9+$0xFFFFFFC0];
	_ =	sdelay $0x4  }
0xcf: {  	v19 =	vmul.f32 v19, v18;
	v20 =	vmul.f32 v20, v17;
	_ =	sdelay $0x1  }
0xd0: {  	v19 =	vadd.f32 v20, v19;
	_ =	sdelay $0x1  }
0xd1: {  	[tilespmem:s10+$0xFFFFFFC0] =	vst v19;
	v19 =	vld [tilespmem:s10+$0xFFFFFFD0]  }
0xd2: {  	v20 =	vld [tilespmem:s9+$0xFFFFFFD0];
	_ =	sdelay $0x4  }
0xd3: {  	v19 =	vmul.f32 v19, v18;
	v20 =	vmul.f32 v20, v17;
	_ =	sdelay $0x1  }
0xd4: {  	v19 =	vadd.f32 v20, v19;
	_ =	sdelay $0x1  }
0xd5: {  	[tilespmem:s10+$0xFFFFFFD0] =	vst v19;
	v19 =	vld [tilespmem:s10+$0xFFFFFFE0]  }
0xd6: {  	v20 =	vld [tilespmem:s9+$0xFFFFFFE0];
	_ =	sdelay $0x4  }
0xd7: {  	v19 =	vmul.f32 v19, v18;
	v20 =	vmul.f32 v20, v17;
	_ =	sdelay $0x1  }
0xd8: {  	v19 =	vadd.f32 v20, v19;
	_ =	sdelay $0x1  }
0xd9: {  	[tilespmem:s10+$0xFFFFFFE0] =	vst v19;
	v19 =	vld [tilespmem:s10+$0xFFFFFFF0]  }
0xda: {  	v20 =	vld [tilespmem:s9+$0xFFFFFFF0];
	_ =	sdelay $0x4  }
0xdb: {  	v19 =	vmul.f32 v19, v18;
	v20 =	vmul.f32 v20, v17;
	_ =	sdelay $0x1  }
0xdc: {  	v19 =	vadd.f32 v20, v19;
	_ =	sdelay $0x1  }
0xdd: {  	[tilespmem:s10+$0xFFFFFFF0] =	vst v19;
	v19 =	vld [tilespmem:s10+$0x0]  }
0xde: {  	v20 =	vld [tilespmem:s9+$0x0];
	_ =	sdelay $0x4  }
0xdf: {  	v19 =	vmul.f32 v19, v18;
	v20 =	vmul.f32 v20, v17;
	_ =	sdelay $0x1  }
0xe0: {  	v19 =	vadd.f32 v20, v19;
	_ =	sdelay $0x1  }
0xe1: {  	[tilespmem:s10+$0x0] =	vst v19;
	v19 =	vld [tilespmem:s10+$0x10]  }
0xe2: {  	v20 =	vld [tilespmem:s9+$0x10];
	_ =	sdelay $0x4  }
0xe3: {  	v19 =	vmul.f32 v19, v18;
	v20 =	vmul.f32 v20, v17;
	_ =	sdelay $0x1  }
0xe4: {  	v19 =	vadd.f32 v20, v19;
	_ =	sdelay $0x1  }
0xe5: {  	[tilespmem:s10+$0x10] =	vst v19;
	v19 =	vld [tilespmem:s10+$0x20]  }
0xe6: {  	v20 =	vld [tilespmem:s9+$0x20];
	_ =	sdelay $0x4  }
0xe7: {  	v19 =	vmul.f32 v19, v18;
	v20 =	vmul.f32 v20, v17;
	_ =	sdelay $0x1  }
0xe8: {  	v19 =	vadd.f32 v20, v19;
	_ =	sdelay $0x1  }
0xe9: {  	[tilespmem:s10+$0x20] =	vst v19;
	v19 =	vld [tilespmem:s10+$0x30];
	_ =	sdelay $0x1  }
0xea: {  	v20 =	vld [tilespmem:s9+$0x30]  }
0xeb: {  	s11 =	simm.s32 $0xC  }
0xec: {  	s12 =	simm.s32 $0xB;
	v21 =	vmov s11  }
0xed: {  	v22 =	vmov s12;
	v23 =	vmul.f32 v19, v18;
	v18 =	vand.u32 $0xFFFFFFFC, v21  }
0xee: {  	v19 =	vand.u32 $0xFFFFFFFB, v22;
	v18 =	vbroadcast v18, $0x0  }
0xef: {  	v17 =	vmul.f32 v20, v17;
	v19 =	vbroadcast v19, $0x0;
	_ =	sdelay $0x1  }
0xf0: {  	s12 =	simm.s32 $0x14;
	s11 =	simm.s32 $0x148C0;
	v17 =	vadd.f32 v17, v23  }
.LBB2_6:
0xf1: {  	p0 =	sne.s32 s12, $0x27C;
	s9 =	sadd.s32 $0x80, s9  }
0xf2: {  	v20 =	vld [tilespmem:s11+$0xFFFFFFC0];
	[tilespmem:s10+$0x30] =	vst v17;
	s14 =	smov.u32 s12;
	s12 =	sadd.s32 $0x8, s12;
	s10 =	smov.u32 s11  }
0xf3: {  	v17 =	vld.idx.msk [tilespmem:v18+s18+$0x0], $0xffff  }
0xf4: {  	v19 =	vld.idx.msk [tilespmem:v19+s18+$0x0], $0xffff  }
0xf5: {  	v18 =	vld [tilespmem:s9+$0xFFFFFFC0];
	_ =	sdelay $0x4  }
0xf6: {  	v20 =	vmul.f32 v20, v19;
	v18 =	vmul.f32 v18, v17;
	_ =	sdelay $0x1  }
0xf7: {  	v18 =	vadd.f32 v18, v20;
	_ =	sdelay $0x1  }
0xf8: {  	[tilespmem:s11+$0xFFFFFFC0] =	vst v18;
	v18 =	vld [tilespmem:s11+$0xFFFFFFD0]  }
0xf9: {  	v20 =	vld [tilespmem:s9+$0xFFFFFFD0];
	_ =	sdelay $0x4  }
0xfa: {  	v18 =	vmul.f32 v18, v19;
	v20 =	vmul.f32 v20, v17;
	_ =	sdelay $0x1  }
0xfb: {  	v18 =	vadd.f32 v20, v18;
	_ =	sdelay $0x1  }
0xfc: {  	[tilespmem:s11+$0xFFFFFFD0] =	vst v18;
	v18 =	vld [tilespmem:s11+$0xFFFFFFE0]  }
0xfd: {  	v20 =	vld [tilespmem:s9+$0xFFFFFFE0];
	_ =	sdelay $0x4  }
0xfe: {  	v18 =	vmul.f32 v18, v19;
	v20 =	vmul.f32 v20, v17;
	_ =	sdelay $0x1  }
0xff: {  	v18 =	vadd.f32 v20, v18;
	_ =	sdelay $0x1  }
0x100: {  	[tilespmem:s11+$0xFFFFFFE0] =	vst v18;
	v18 =	vld [tilespmem:s11+$0xFFFFFFF0]  }
0x101: {  	v20 =	vld [tilespmem:s9+$0xFFFFFFF0];
	_ =	sdelay $0x4  }
0x102: {  	v18 =	vmul.f32 v18, v19;
	v20 =	vmul.f32 v20, v17;
	_ =	sdelay $0x1  }
0x103: {  	v18 =	vadd.f32 v20, v18;
	_ =	sdelay $0x1  }
0x104: {  	[tilespmem:s11+$0xFFFFFFF0] =	vst v18;
	v18 =	vld [tilespmem:s11+$0x0]  }
0x105: {  	v20 =	vld [tilespmem:s9+$0x0];
	_ =	sdelay $0x4  }
0x106: {  	v18 =	vmul.f32 v18, v19;
	v20 =	vmul.f32 v20, v17;
	_ =	sdelay $0x1  }
0x107: {  	v18 =	vadd.f32 v20, v18;
	_ =	sdelay $0x1  }
0x108: {  	[tilespmem:s11+$0x0] =	vst v18;
	v18 =	vld [tilespmem:s11+$0x10]  }
0x109: {  	v20 =	vld [tilespmem:s9+$0x10];
	_ =	sdelay $0x4  }
0x10a: {  	v18 =	vmul.f32 v18, v19;
	v20 =	vmul.f32 v20, v17;
	_ =	sdelay $0x1  }
0x10b: {  	v18 =	vadd.f32 v20, v18;
	_ =	sdelay $0x1  }
0x10c: {  	[tilespmem:s11+$0x10] =	vst v18;
	v18 =	vld [tilespmem:s11+$0x20]  }
0x10d: {  	v20 =	vld [tilespmem:s9+$0x20];
	_ =	sdelay $0x4  }
0x10e: {  	v18 =	vmul.f32 v18, v19;
	v20 =	vmul.f32 v20, v17;
	_ =	sdelay $0x1  }
0x10f: {  	v18 =	vadd.f32 v20, v18;
	_ =	sdelay $0x1  }
0x110: {  	[tilespmem:s11+$0x20] =	vst v18;
	v20 =	vld [tilespmem:s11+$0x30]  }
0x111: {  	v21 =	vld [tilespmem:s9+$0x30];
	_ =	sdelay $0x1  }
0x112: {  	s15 =	sadd.s32 $0xFFFFFFFF, s14;
	v18 =	vmov s14  }
0x113: {  	v22 =	vmov s15;
	v18 =	vand.u32 $0xFFFFFFFC, v18  }
.Ltmp4:
0x114: {  	v22 =	vand.u32 $0xFFFFFFFB, v22;
	v18 =	vbroadcast v18, $0x0;
	v20 =	vmul.f32 v20, v19;
	(pc) =	sbr.rel @p0 .LBB2_6-.Ltmp4, $3  }
0x115: {  	v19 =	vbroadcast v22, $0x0;
	v17 =	vmul.f32 v21, v17;
	_ =	sdelay $0x1  }
0x116: {  	v17 =	vadd.f32 v17, v20  }
0x117: {  	s11 =	sadd.s32 $0x80, s11  }
0x118: {  	_ =	sdelay $0x2  }
0x119: {  	v20 =	vld [tilespmem:s11+$0xFFFFFFC0];
	[tilespmem:s10+$0x30] =	vst v17  }
0x11a: {  	v17 =	vld.idx.msk [tilespmem:v18+s18+$0x0], $0xffff  }
0x11b: {  	s9 =	sadd.s32 $0x80, s9;
	v18 =	vld.idx.msk [tilespmem:v19+s18+$0x0], $0xffff  }
0x11c: {  	v19 =	vld [tilespmem:s9+$0xFFFFFFC0];
	_ =	sdelay $0x4  }
0x11d: {  	v20 =	vmul.f32 v20, v18;
	v19 =	vmul.f32 v19, v17;
	_ =	sdelay $0x1  }
0x11e: {  	v19 =	vadd.f32 v19, v20;
	_ =	sdelay $0x1  }
0x11f: {  	[tilespmem:s11+$0xFFFFFFC0] =	vst v19;
	v19 =	vld [tilespmem:s11+$0xFFFFFFD0]  }
0x120: {  	v20 =	vld [tilespmem:s9+$0xFFFFFFD0];
	_ =	sdelay $0x4  }
0x121: {  	v19 =	vmul.f32 v19, v18;
	v20 =	vmul.f32 v20, v17;
	_ =	sdelay $0x1  }
0x122: {  	v19 =	vadd.f32 v20, v19;
	_ =	sdelay $0x1  }
0x123: {  	[tilespmem:s11+$0xFFFFFFD0] =	vst v19;
	v19 =	vld [tilespmem:s11+$0xFFFFFFE0]  }
0x124: {  	v20 =	vld [tilespmem:s9+$0xFFFFFFE0];
	_ =	sdelay $0x4  }
0x125: {  	v19 =	vmul.f32 v19, v18;
	v20 =	vmul.f32 v20, v17;
	_ =	sdelay $0x1  }
0x126: {  	v19 =	vadd.f32 v20, v19;
	_ =	sdelay $0x1  }
0x127: {  	[tilespmem:s11+$0xFFFFFFE0] =	vst v19;
	v19 =	vld [tilespmem:s11+$0xFFFFFFF0]  }
0x128: {  	v20 =	vld [tilespmem:s9+$0xFFFFFFF0];
	_ =	sdelay $0x4  }
0x129: {  	v19 =	vmul.f32 v19, v18;
	v20 =	vmul.f32 v20, v17;
	_ =	sdelay $0x1  }
0x12a: {  	v19 =	vadd.f32 v20, v19;
	_ =	sdelay $0x1  }
0x12b: {  	[tilespmem:s11+$0xFFFFFFF0] =	vst v19;
	v19 =	vld [tilespmem:s11+$0x0]  }
0x12c: {  	v20 =	vld [tilespmem:s9+$0x0];
	_ =	sdelay $0x4  }
0x12d: {  	v19 =	vmul.f32 v19, v18;
	v20 =	vmul.f32 v20, v17;
	_ =	sdelay $0x1  }
0x12e: {  	v19 =	vadd.f32 v20, v19;
	_ =	sdelay $0x1  }
0x12f: {  	[tilespmem:s11+$0x0] =	vst v19;
	v19 =	vld [tilespmem:s11+$0x10]  }
0x130: {  	v20 =	vld [tilespmem:s9+$0x10];
	_ =	sdelay $0x4  }
0x131: {  	v19 =	vmul.f32 v19, v18;
	v20 =	vmul.f32 v20, v17;
	_ =	sdelay $0x1  }
0x132: {  	v19 =	vadd.f32 v20, v19;
	_ =	sdelay $0x1  }
0x133: {  	[tilespmem:s11+$0x10] =	vst v19;
	v19 =	vld [tilespmem:s11+$0x20]  }
0x134: {  	v20 =	vld [tilespmem:s9+$0x20];
	_ =	sdelay $0x4  }
0x135: {  	v19 =	vmul.f32 v19, v18;
	v20 =	vmul.f32 v20, v17;
	_ =	sdelay $0x1  }
0x136: {  	v19 =	vadd.f32 v20, v19;
	_ =	sdelay $0x1  }
0x137: {  	[tilespmem:s11+$0x20] =	vst v19;
	v19 =	vld [tilespmem:s11+$0x30]  }
0x138: {  	v20 =	vld [tilespmem:s9+$0x30];
	_ =	sdelay $0x4  }
0x139: {  	v18 =	vmul.f32 v19, v18;
	v17 =	vmul.f32 v20, v17;
	_ =	sdelay $0x1  }
0x13a: {  	v17 =	vadd.f32 v17, v18;
	_ =	sdelay $0x1  }
0x13b: {  	s12 =	simm.s32 $0x4;
	s14 =	simm.s32 $0x3;
	[tilespmem:s11+$0x30] =	vst v17  }
0x13c: {  	v17 =	vmov s12;
	[spmem:s3] =	stream.indirect.scatter.add.f32 [tilespmem:s16], [sflag:$0x3], $0x80, s30, s19, $0xb8;
	[tilespmem:$0x1E800] =	vst v63  }
0x13d: {  	v18 =	vmov s14;
	v17 =	vand.u32 $0xFFFFFFFC, v17;
	_ =	swait.ge [sflag:s31], $0x2800  }
0x13e: {  	v18 =	vand.u32 $0xFFFFFFFB, v18;
	v17 =	vbroadcast v17, $0x0;
	[sflag:s31] =	ssyncset.done $0x0  }
0x13f: {  	v18 =	vbroadcast v18, $0x0;
	[sflag:s31] =	ssyncadd.s32 $0xFFFFD800  }
0x140: {  	_ =	swait.ge [sflag:s31], $0x2800  }
0x141: {  	[sflag:s31] =	ssyncset.done $0x0  }
0x142: {  	s10 =	simm.s32 $0x17040;
	[sflag:s31] =	ssyncadd.s32 $0xFFFFD800  }
0x143: {  	v19 =	vld [tilespmem:s10+$0xFFFFFFC0]  }
0x144: {  	v17 =	vld.idx.msk [tilespmem:v17+s23+$0x0], $0xffff  }
0x145: {  	s9 =	simm.s32 $0x1C040;
	v18 =	vld.idx.msk [tilespmem:v18+s23+$0x0], $0xffff  }
0x146: {  	v20 =	vld [tilespmem:s9+$0xFFFFFFC0];
	_ =	sdelay $0x4  }
0x147: {  	v19 =	vmul.f32 v19, v18;
	v20 =	vmul.f32 v20, v17;
	_ =	sdelay $0x1  }
0x148: {  	v19 =	vadd.f32 v20, v19;
	_ =	sdelay $0x1  }
0x149: {  	[tilespmem:s10+$0xFFFFFFC0] =	vst v19;
	v19 =	vld [tilespmem:s10+$0xFFFFFFD0]  }
0x14a: {  	v20 =	vld [tilespmem:s9+$0xFFFFFFD0];
	_ =	sdelay $0x4  }
0x14b: {  	v19 =	vmul.f32 v19, v18;
	v20 =	vmul.f32 v20, v17;
	_ =	sdelay $0x1  }
0x14c: {  	v19 =	vadd.f32 v20, v19;
	_ =	sdelay $0x1  }
0x14d: {  	[tilespmem:s10+$0xFFFFFFD0] =	vst v19;
	v19 =	vld [tilespmem:s10+$0xFFFFFFE0]  }
0x14e: {  	v20 =	vld [tilespmem:s9+$0xFFFFFFE0];
	_ =	sdelay $0x4  }
0x14f: {  	v19 =	vmul.f32 v19, v18;
	v20 =	vmul.f32 v20, v17;
	_ =	sdelay $0x1  }
0x150: {  	v19 =	vadd.f32 v20, v19;
	_ =	sdelay $0x1  }
0x151: {  	[tilespmem:s10+$0xFFFFFFE0] =	vst v19;
	v19 =	vld [tilespmem:s10+$0xFFFFFFF0]  }
0x152: {  	v20 =	vld [tilespmem:s9+$0xFFFFFFF0];
	_ =	sdelay $0x4  }
0x153: {  	v19 =	vmul.f32 v19, v18;
	v20 =	vmul.f32 v20, v17;
	_ =	sdelay $0x1  }
0x154: {  	v19 =	vadd.f32 v20, v19;
	_ =	sdelay $0x1  }
0x155: {  	[tilespmem:s10+$0xFFFFFFF0] =	vst v19;
	v19 =	vld [tilespmem:s10+$0x0]  }
0x156: {  	v20 =	vld [tilespmem:s9+$0x0];
	_ =	sdelay $0x4  }
0x157: {  	v19 =	vmul.f32 v19, v18;
	v20 =	vmul.f32 v20, v17;
	_ =	sdelay $0x1  }
0x158: {  	v19 =	vadd.f32 v20, v19;
	_ =	sdelay $0x1  }
0x159: {  	[tilespmem:s10+$0x0] =	vst v19;
	v19 =	vld [tilespmem:s10+$0x10]  }
0x15a: {  	v20 =	vld [tilespmem:s9+$0x10];
	_ =	sdelay $0x4  }
0x15b: {  	v19 =	vmul.f32 v19, v18;
	v20 =	vmul.f32 v20, v17;
	_ =	sdelay $0x1  }
0x15c: {  	v19 =	vadd.f32 v20, v19;
	_ =	sdelay $0x1  }
0x15d: {  	[tilespmem:s10+$0x10] =	vst v19;
	v19 =	vld [tilespmem:s10+$0x20]  }
0x15e: {  	v20 =	vld [tilespmem:s9+$0x20];
	_ =	sdelay $0x4  }
0x15f: {  	v19 =	vmul.f32 v19, v18;
	v20 =	vmul.f32 v20, v17;
	_ =	sdelay $0x1  }
0x160: {  	v19 =	vadd.f32 v20, v19;
	_ =	sdelay $0x1  }
0x161: {  	[tilespmem:s10+$0x20] =	vst v19;
	v19 =	vld [tilespmem:s10+$0x30];
	_ =	sdelay $0x1  }
0x162: {  	v20 =	vld [tilespmem:s9+$0x30]  }
0x163: {  	s15 =	simm.s32 $0xC  }
0x164: {  	v21 =	vmov s15;
	s12 =	simm.s32 $0xB  }
0x165: {  	v22 =	vmov s12;
	v23 =	vmul.f32 v19, v18;
	v18 =	vand.u32 $0xFFFFFFFC, v21  }
0x166: {  	v19 =	vand.u32 $0xFFFFFFFB, v22;
	v18 =	vbroadcast v18, $0x0  }
0x167: {  	v17 =	vmul.f32 v20, v17;
	v19 =	vbroadcast v19, $0x0;
	_ =	sdelay $0x1  }
0x168: {  	s11 =	simm.s32 $0x170C0;
	s12 =	simm.s32 $0x14;
	v17 =	vadd.f32 v17, v23  }
.LBB2_8:
0x169: {  	p0 =	sne.s32 s12, $0x27C;
	s9 =	sadd.s32 $0x80, s9  }
0x16a: {  	v20 =	vld [tilespmem:s11+$0xFFFFFFC0];
	[tilespmem:s10+$0x30] =	vst v17;
	s14 =	smov.u32 s12;
	s12 =	sadd.s32 $0x8, s12;
	s10 =	smov.u32 s11  }
0x16b: {  	v17 =	vld.idx.msk [tilespmem:v18+s23+$0x0], $0xffff  }
0x16c: {  	v19 =	vld.idx.msk [tilespmem:v19+s23+$0x0], $0xffff  }
0x16d: {  	v18 =	vld [tilespmem:s9+$0xFFFFFFC0];
	_ =	sdelay $0x4  }
0x16e: {  	v20 =	vmul.f32 v20, v19;
	v18 =	vmul.f32 v18, v17;
	_ =	sdelay $0x1  }
0x16f: {  	v18 =	vadd.f32 v18, v20;
	_ =	sdelay $0x1  }
0x170: {  	[tilespmem:s11+$0xFFFFFFC0] =	vst v18;
	v18 =	vld [tilespmem:s11+$0xFFFFFFD0]  }
0x171: {  	v20 =	vld [tilespmem:s9+$0xFFFFFFD0];
	_ =	sdelay $0x4  }
0x172: {  	v18 =	vmul.f32 v18, v19;
	v20 =	vmul.f32 v20, v17;
	_ =	sdelay $0x1  }
0x173: {  	v18 =	vadd.f32 v20, v18;
	_ =	sdelay $0x1  }
0x174: {  	[tilespmem:s11+$0xFFFFFFD0] =	vst v18;
	v18 =	vld [tilespmem:s11+$0xFFFFFFE0]  }
0x175: {  	v20 =	vld [tilespmem:s9+$0xFFFFFFE0];
	_ =	sdelay $0x4  }
0x176: {  	v18 =	vmul.f32 v18, v19;
	v20 =	vmul.f32 v20, v17;
	_ =	sdelay $0x1  }
0x177: {  	v18 =	vadd.f32 v20, v18;
	_ =	sdelay $0x1  }
0x178: {  	[tilespmem:s11+$0xFFFFFFE0] =	vst v18;
	v18 =	vld [tilespmem:s11+$0xFFFFFFF0]  }
0x179: {  	v20 =	vld [tilespmem:s9+$0xFFFFFFF0];
	_ =	sdelay $0x4  }
0x17a: {  	v18 =	vmul.f32 v18, v19;
	v20 =	vmul.f32 v20, v17;
	_ =	sdelay $0x1  }
0x17b: {  	v18 =	vadd.f32 v20, v18;
	_ =	sdelay $0x1  }
0x17c: {  	[tilespmem:s11+$0xFFFFFFF0] =	vst v18;
	v18 =	vld [tilespmem:s11+$0x0]  }
0x17d: {  	v20 =	vld [tilespmem:s9+$0x0];
	_ =	sdelay $0x4  }
0x17e: {  	v18 =	vmul.f32 v18, v19;
	v20 =	vmul.f32 v20, v17;
	_ =	sdelay $0x1  }
0x17f: {  	v18 =	vadd.f32 v20, v18;
	_ =	sdelay $0x1  }
0x180: {  	[tilespmem:s11+$0x0] =	vst v18;
	v18 =	vld [tilespmem:s11+$0x10]  }
0x181: {  	v20 =	vld [tilespmem:s9+$0x10];
	_ =	sdelay $0x4  }
0x182: {  	v18 =	vmul.f32 v18, v19;
	v20 =	vmul.f32 v20, v17;
	_ =	sdelay $0x1  }
0x183: {  	v18 =	vadd.f32 v20, v18;
	_ =	sdelay $0x1  }
0x184: {  	[tilespmem:s11+$0x10] =	vst v18;
	v18 =	vld [tilespmem:s11+$0x20]  }
0x185: {  	v20 =	vld [tilespmem:s9+$0x20];
	_ =	sdelay $0x4  }
0x186: {  	v18 =	vmul.f32 v18, v19;
	v20 =	vmul.f32 v20, v17;
	_ =	sdelay $0x1  }
0x187: {  	v18 =	vadd.f32 v20, v18;
	_ =	sdelay $0x1  }
0x188: {  	[tilespmem:s11+$0x20] =	vst v18;
	v20 =	vld [tilespmem:s11+$0x30]  }
0x189: {  	v21 =	vld [tilespmem:s9+$0x30];
	_ =	sdelay $0x1  }
0x18a: {  	s15 =	sadd.s32 $0xFFFFFFFF, s14;
	v18 =	vmov s14  }
0x18b: {  	v22 =	vmov s15;
	v18 =	vand.u32 $0xFFFFFFFC, v18  }
.Ltmp5:
0x18c: {  	v22 =	vand.u32 $0xFFFFFFFB, v22;
	v18 =	vbroadcast v18, $0x0;
	v20 =	vmul.f32 v20, v19;
	(pc) =	sbr.rel @p0 .LBB2_8-.Ltmp5, $3  }
0x18d: {  	v19 =	vbroadcast v22, $0x0;
	v17 =	vmul.f32 v21, v17;
	_ =	sdelay $0x1  }
0x18e: {  	v17 =	vadd.f32 v17, v20  }
0x18f: {  	s11 =	sadd.s32 $0x80, s11  }
0x190: {  	_ =	sdelay $0x2  }
0x191: {  	v20 =	vld [tilespmem:s11+$0xFFFFFFC0];
	[tilespmem:s10+$0x30] =	vst v17  }
0x192: {  	v17 =	vld.idx.msk [tilespmem:v18+s23+$0x0], $0xffff  }
0x193: {  	s9 =	sadd.s32 $0x80, s9;
	v18 =	vld.idx.msk [tilespmem:v19+s23+$0x0], $0xffff  }
0x194: {  	v19 =	vld [tilespmem:s9+$0xFFFFFFC0];
	_ =	sdelay $0x4  }
0x195: {  	v20 =	vmul.f32 v20, v18;
	v19 =	vmul.f32 v19, v17;
	_ =	sdelay $0x1  }
0x196: {  	v19 =	vadd.f32 v19, v20;
	_ =	sdelay $0x1  }
0x197: {  	[tilespmem:s11+$0xFFFFFFC0] =	vst v19;
	v19 =	vld [tilespmem:s11+$0xFFFFFFD0]  }
0x198: {  	v57 =	vld [tilespmem:s9+$0xFFFFFFD0];
	_ =	sdelay $0x4  }
0x199: {  	v19 =	vmul.f32 v19, v18;
	v20 =	vmul.f32 v57, v17;
	_ =	sdelay $0x1  }
0x19a: {  	v19 =	vadd.f32 v20, v19;
	_ =	sdelay $0x1  }
0x19b: {  	[tilespmem:s11+$0xFFFFFFD0] =	vst v19;
	v19 =	vld [tilespmem:s11+$0xFFFFFFE0]  }
0x19c: {  	v58 =	vld [tilespmem:s9+$0xFFFFFFE0];
	_ =	sdelay $0x4  }
0x19d: {  	v19 =	vmul.f32 v19, v18;
	v20 =	vmul.f32 v58, v17;
	_ =	sdelay $0x1  }
0x19e: {  	v19 =	vadd.f32 v20, v19;
	_ =	sdelay $0x1  }
0x19f: {  	[tilespmem:s11+$0xFFFFFFE0] =	vst v19;
	v19 =	vld [tilespmem:s11+$0xFFFFFFF0]  }
0x1a0: {  	v59 =	vld [tilespmem:s9+$0xFFFFFFF0];
	_ =	sdelay $0x4  }
0x1a1: {  	v19 =	vmul.f32 v19, v18;
	v20 =	vmul.f32 v59, v17;
	_ =	sdelay $0x1  }
0x1a2: {  	v19 =	vadd.f32 v20, v19;
	_ =	sdelay $0x1  }
0x1a3: {  	[tilespmem:s11+$0xFFFFFFF0] =	vst v19;
	v19 =	vld [tilespmem:s11+$0x0]  }
0x1a4: {  	v60 =	vld [tilespmem:s9+$0x0];
	_ =	sdelay $0x4  }
0x1a5: {  	v19 =	vmul.f32 v19, v18;
	v20 =	vmul.f32 v60, v17;
	_ =	sdelay $0x1  }
0x1a6: {  	v19 =	vadd.f32 v20, v19;
	_ =	sdelay $0x1  }
0x1a7: {  	[tilespmem:s11+$0x0] =	vst v19;
	v19 =	vld [tilespmem:s11+$0x10]  }
0x1a8: {  	v61 =	vld [tilespmem:s9+$0x10];
	_ =	sdelay $0x4  }
0x1a9: {  	v19 =	vmul.f32 v19, v18;
	v20 =	vmul.f32 v61, v17;
	_ =	sdelay $0x1  }
0x1aa: {  	v19 =	vadd.f32 v20, v19;
	_ =	sdelay $0x1  }
0x1ab: {  	[tilespmem:s11+$0x10] =	vst v19;
	v19 =	vld [tilespmem:s11+$0x20]  }
0x1ac: {  	v62 =	vld [tilespmem:s9+$0x20];
	_ =	sdelay $0x4  }
0x1ad: {  	v19 =	vmul.f32 v19, v18;
	v20 =	vmul.f32 v62, v17;
	_ =	sdelay $0x1  }
0x1ae: {  	v19 =	vadd.f32 v20, v19;
	_ =	sdelay $0x1  }
0x1af: {  	[tilespmem:s11+$0x20] =	vst v19;
	v19 =	vld [tilespmem:s11+$0x30]  }
0x1b0: {  	v63 =	vld [tilespmem:s9+$0x30];
	_ =	sdelay $0x4  }
0x1b1: {  	v18 =	vmul.f32 v19, v18;
	v17 =	vmul.f32 v63, v17;
	_ =	sdelay $0x1  }
0x1b2: {  	v17 =	vadd.f32 v17, v18;
	_ =	sdelay $0x1  }
0x1b3: {  	[tilespmem:s11+$0x30] =	vst v17  }
0x1b4: {  	[spmem:s3] =	stream.indirect.scatter.add.f32 [tilespmem:s25], [sflag:$0x4], $0x80, s2, s19, $0xb8;
	[tilespmem:$0x1E800] =	vst v63  }
0x1b5: {  	_ =	swait.ge [sflag:s0], $0x2800  }
.Ltmp6:
0x1b6: {  	[sflag:s0] =	ssyncset.done $0x0;
	(pc) =	sbr.rel .LBB2_10-.Ltmp6, $4  }
0x1b7: {  	[sflag:s0] =	ssyncadd.s32 $0xFFFFD800  }
0x1b8: {  	_ =	swait.ge [sflag:s6], $0x2800  }
0x1b9: {  	[sflag:s6] =	ssyncset.done $0x0  }
0x1ba: {  	[sflag:s6] =	ssyncadd.s32 $0xFFFFD800  }
.LBB2_11:
0x1bb: {  	s8 =	simm.s32 $0x4  }
0x1bc: {  	s9 =	simm.s32 $0x3;
	_ =	swait.ge [sflag:s29], $0x2800;
	v17 =	vmov s8  }
0x1bd: {  	v18 =	vmov s9;
	[sflag:s29] =	ssyncset.done $0x0;
	v17 =	vand.u32 $0xFFFFFFFC, v17  }
0x1be: {  	v18 =	vand.u32 $0xFFFFFFFB, v18;
	[sflag:s29] =	ssyncadd.s32 $0xFFFFD800;
	v17 =	vbroadcast v17, $0x0  }
0x1bf: {  	v18 =	vbroadcast v18, $0x0;
	_ =	swait.ge [sflag:s29], $0x2800  }
0x1c0: {  	[sflag:s29] =	ssyncset.done $0x0  }
0x1c1: {  	s9 =	simm.s32 $0x14840;
	[sflag:s29] =	ssyncadd.s32 $0xFFFFD800  }
0x1c2: {  	s8 =	simm.s32 $0x19840;
	v19 =	vld [tilespmem:s9+$0xFFFFFFC0]  }
0x1c3: {  	v20 =	vld [tilespmem:s8+$0xFFFFFFC0]  }
0x1c4: {  	v17 =	vld.idx.msk [tilespmem:v17+s18+$0x0], $0xffff  }
0x1c5: {  	v18 =	vld.idx.msk [tilespmem:v18+s18+$0x0], $0xffff;
	_ =	sdelay $0x4  }
0x1c6: {  	v19 =	vmul.f32 v19, v18;
	v20 =	vmul.f32 v20, v17;
	_ =	sdelay $0x1  }
0x1c7: {  	v19 =	vadd.f32 v20, v19;
	_ =	sdelay $0x1  }
0x1c8: {  	[tilespmem:s9+$0xFFFFFFC0] =	vst v19;
	v19 =	vld [tilespmem:s9+$0xFFFFFFD0]  }
0x1c9: {  	v20 =	vld [tilespmem:s8+$0xFFFFFFD0];
	_ =	sdelay $0x4  }
0x1ca: {  	v19 =	vmul.f32 v19, v18;
	v20 =	vmul.f32 v20, v17;
	_ =	sdelay $0x1  }
0x1cb: {  	v19 =	vadd.f32 v20, v19;
	_ =	sdelay $0x1  }
0x1cc: {  	[tilespmem:s9+$0xFFFFFFD0] =	vst v19;
	v19 =	vld [tilespmem:s9+$0xFFFFFFE0]  }
0x1cd: {  	v20 =	vld [tilespmem:s8+$0xFFFFFFE0];
	_ =	sdelay $0x4  }
0x1ce: {  	v19 =	vmul.f32 v19, v18;
	v20 =	vmul.f32 v20, v17;
	_ =	sdelay $0x1  }
0x1cf: {  	v19 =	vadd.f32 v20, v19;
	_ =	sdelay $0x1  }
0x1d0: {  	[tilespmem:s9+$0xFFFFFFE0] =	vst v19;
	v19 =	vld [tilespmem:s9+$0xFFFFFFF0]  }
0x1d1: {  	v20 =	vld [tilespmem:s8+$0xFFFFFFF0];
	_ =	sdelay $0x4  }
0x1d2: {  	v19 =	vmul.f32 v19, v18;
	v20 =	vmul.f32 v20, v17;
	_ =	sdelay $0x1  }
0x1d3: {  	v19 =	vadd.f32 v20, v19;
	_ =	sdelay $0x1  }
0x1d4: {  	[tilespmem:s9+$0xFFFFFFF0] =	vst v19;
	v19 =	vld [tilespmem:s9+$0x0]  }
0x1d5: {  	v20 =	vld [tilespmem:s8+$0x0];
	_ =	sdelay $0x4  }
0x1d6: {  	v19 =	vmul.f32 v19, v18;
	v20 =	vmul.f32 v20, v17;
	_ =	sdelay $0x1  }
0x1d7: {  	v19 =	vadd.f32 v20, v19;
	_ =	sdelay $0x1  }
0x1d8: {  	[tilespmem:s9+$0x0] =	vst v19;
	v19 =	vld [tilespmem:s9+$0x10]  }
0x1d9: {  	v20 =	vld [tilespmem:s8+$0x10];
	_ =	sdelay $0x4  }
0x1da: {  	v19 =	vmul.f32 v19, v18;
	v20 =	vmul.f32 v20, v17;
	_ =	sdelay $0x1  }
0x1db: {  	v19 =	vadd.f32 v20, v19;
	_ =	sdelay $0x1  }
0x1dc: {  	[tilespmem:s9+$0x10] =	vst v19;
	v19 =	vld [tilespmem:s9+$0x20]  }
0x1dd: {  	v20 =	vld [tilespmem:s8+$0x20];
	_ =	sdelay $0x4  }
0x1de: {  	v19 =	vmul.f32 v19, v18;
	v20 =	vmul.f32 v20, v17;
	_ =	sdelay $0x1  }
0x1df: {  	v19 =	vadd.f32 v20, v19;
	_ =	sdelay $0x1  }
0x1e0: {  	[tilespmem:s9+$0x20] =	vst v19;
	v19 =	vld [tilespmem:s9+$0x30];
	_ =	sdelay $0x1  }
0x1e1: {  	v20 =	vld [tilespmem:s8+$0x30]  }
0x1e2: {  	s10 =	simm.s32 $0xC  }
0x1e3: {  	s11 =	simm.s32 $0xB;
	v21 =	vmov s10  }
0x1e4: {  	v22 =	vmov s11;
	v23 =	vmul.f32 v19, v18;
	v18 =	vand.u32 $0xFFFFFFFC, v21  }
0x1e5: {  	v19 =	vand.u32 $0xFFFFFFFB, v22;
	v18 =	vbroadcast v18, $0x0  }
0x1e6: {  	v17 =	vmul.f32 v20, v17;
	v19 =	vbroadcast v19, $0x0;
	_ =	sdelay $0x1  }
0x1e7: {  	s11 =	simm.s32 $0x14;
	s10 =	simm.s32 $0x148C0;
	v17 =	vadd.f32 v17, v23  }
.LBB2_12:
0x1e8: {  	p0 =	sne.s32 s11, $0x27C;
	s8 =	sadd.s32 $0x80, s8  }
0x1e9: {  	v20 =	vld [tilespmem:s10+$0xFFFFFFC0];
	[tilespmem:s9+$0x30] =	vst v17;
	s12 =	smov.u32 s11;
	s11 =	sadd.s32 $0x8, s11;
	s9 =	smov.u32 s10  }
0x1ea: {  	v17 =	vld.idx.msk [tilespmem:v18+s18+$0x0], $0xffff  }
0x1eb: {  	v19 =	vld.idx.msk [tilespmem:v19+s18+$0x0], $0xffff  }
0x1ec: {  	v18 =	vld [tilespmem:s8+$0xFFFFFFC0];
	_ =	sdelay $0x4  }
0x1ed: {  	v20 =	vmul.f32 v20, v19;
	v18 =	vmul.f32 v18, v17;
	_ =	sdelay $0x1  }
0x1ee: {  	v18 =	vadd.f32 v18, v20;
	_ =	sdelay $0x1  }
0x1ef: {  	[tilespmem:s10+$0xFFFFFFC0] =	vst v18;
	v18 =	vld [tilespmem:s10+$0xFFFFFFD0]  }
0x1f0: {  	v20 =	vld [tilespmem:s8+$0xFFFFFFD0];
	_ =	sdelay $0x4  }
0x1f1: {  	v18 =	vmul.f32 v18, v19;
	v20 =	vmul.f32 v20, v17;
	_ =	sdelay $0x1  }
0x1f2: {  	v18 =	vadd.f32 v20, v18;
	_ =	sdelay $0x1  }
0x1f3: {  	[tilespmem:s10+$0xFFFFFFD0] =	vst v18;
	v18 =	vld [tilespmem:s10+$0xFFFFFFE0]  }
0x1f4: {  	v20 =	vld [tilespmem:s8+$0xFFFFFFE0];
	_ =	sdelay $0x4  }
0x1f5: {  	v18 =	vmul.f32 v18, v19;
	v20 =	vmul.f32 v20, v17;
	_ =	sdelay $0x1  }
0x1f6: {  	v18 =	vadd.f32 v20, v18;
	_ =	sdelay $0x1  }
0x1f7: {  	[tilespmem:s10+$0xFFFFFFE0] =	vst v18;
	v18 =	vld [tilespmem:s10+$0xFFFFFFF0]  }
0x1f8: {  	v20 =	vld [tilespmem:s8+$0xFFFFFFF0];
	_ =	sdelay $0x4  }
0x1f9: {  	v18 =	vmul.f32 v18, v19;
	v20 =	vmul.f32 v20, v17;
	_ =	sdelay $0x1  }
0x1fa: {  	v18 =	vadd.f32 v20, v18;
	_ =	sdelay $0x1  }
0x1fb: {  	[tilespmem:s10+$0xFFFFFFF0] =	vst v18;
	v18 =	vld [tilespmem:s10+$0x0]  }
0x1fc: {  	v20 =	vld [tilespmem:s8+$0x0];
	_ =	sdelay $0x4  }
0x1fd: {  	v18 =	vmul.f32 v18, v19;
	v20 =	vmul.f32 v20, v17;
	_ =	sdelay $0x1  }
0x1fe: {  	v18 =	vadd.f32 v20, v18;
	_ =	sdelay $0x1  }
0x1ff: {  	[tilespmem:s10+$0x0] =	vst v18;
	v18 =	vld [tilespmem:s10+$0x10]  }
0x200: {  	v20 =	vld [tilespmem:s8+$0x10];
	_ =	sdelay $0x4  }
0x201: {  	v18 =	vmul.f32 v18, v19;
	v20 =	vmul.f32 v20, v17;
	_ =	sdelay $0x1  }
0x202: {  	v18 =	vadd.f32 v20, v18;
	_ =	sdelay $0x1  }
0x203: {  	[tilespmem:s10+$0x10] =	vst v18;
	v18 =	vld [tilespmem:s10+$0x20]  }
0x204: {  	v20 =	vld [tilespmem:s8+$0x20];
	_ =	sdelay $0x4  }
0x205: {  	v18 =	vmul.f32 v18, v19;
	v20 =	vmul.f32 v20, v17;
	_ =	sdelay $0x1  }
0x206: {  	v18 =	vadd.f32 v20, v18;
	_ =	sdelay $0x1  }
0x207: {  	[tilespmem:s10+$0x20] =	vst v18;
	v20 =	vld [tilespmem:s10+$0x30]  }
0x208: {  	v21 =	vld [tilespmem:s8+$0x30];
	_ =	sdelay $0x1  }
0x209: {  	s14 =	sadd.s32 $0xFFFFFFFF, s12;
	v18 =	vmov s12  }
0x20a: {  	v22 =	vmov s14;
	v18 =	vand.u32 $0xFFFFFFFC, v18  }
.Ltmp7:
0x20b: {  	v22 =	vand.u32 $0xFFFFFFFB, v22;
	v18 =	vbroadcast v18, $0x0;
	v20 =	vmul.f32 v20, v19;
	(pc) =	sbr.rel @p0 .LBB2_12-.Ltmp7, $3  }
0x20c: {  	v19 =	vbroadcast v22, $0x0;
	v17 =	vmul.f32 v21, v17;
	_ =	sdelay $0x1  }
0x20d: {  	v17 =	vadd.f32 v17, v20  }
0x20e: {  	s10 =	sadd.s32 $0x80, s10  }
0x20f: {  	_ =	sdelay $0x2  }
0x210: {  	v20 =	vld [tilespmem:s10+$0xFFFFFFC0];
	[tilespmem:s9+$0x30] =	vst v17  }
0x211: {  	v17 =	vld.idx.msk [tilespmem:v18+s18+$0x0], $0xffff  }
0x212: {  	s8 =	sadd.s32 $0x80, s8;
	v18 =	vld.idx.msk [tilespmem:v19+s18+$0x0], $0xffff  }
0x213: {  	v19 =	vld [tilespmem:s8+$0xFFFFFFC0];
	_ =	sdelay $0x4  }
0x214: {  	v20 =	vmul.f32 v20, v18;
	v19 =	vmul.f32 v19, v17;
	_ =	sdelay $0x1  }
0x215: {  	v19 =	vadd.f32 v19, v20;
	_ =	sdelay $0x1  }
0x216: {  	[tilespmem:s10+$0xFFFFFFC0] =	vst v19;
	v19 =	vld [tilespmem:s10+$0xFFFFFFD0]  }
0x217: {  	v57 =	vld [tilespmem:s8+$0xFFFFFFD0];
	_ =	sdelay $0x4  }
0x218: {  	v19 =	vmul.f32 v19, v18;
	v20 =	vmul.f32 v57, v17;
	_ =	sdelay $0x1  }
0x219: {  	v19 =	vadd.f32 v20, v19;
	_ =	sdelay $0x1  }
0x21a: {  	[tilespmem:s10+$0xFFFFFFD0] =	vst v19;
	v19 =	vld [tilespmem:s10+$0xFFFFFFE0]  }
0x21b: {  	v58 =	vld [tilespmem:s8+$0xFFFFFFE0];
	_ =	sdelay $0x4  }
0x21c: {  	v19 =	vmul.f32 v19, v18;
	v20 =	vmul.f32 v58, v17;
	_ =	sdelay $0x1  }
0x21d: {  	v19 =	vadd.f32 v20, v19;
	_ =	sdelay $0x1  }
0x21e: {  	[tilespmem:s10+$0xFFFFFFE0] =	vst v19;
	v19 =	vld [tilespmem:s10+$0xFFFFFFF0]  }
0x21f: {  	v59 =	vld [tilespmem:s8+$0xFFFFFFF0];
	_ =	sdelay $0x4  }
0x220: {  	v19 =	vmul.f32 v19, v18;
	v20 =	vmul.f32 v59, v17;
	_ =	sdelay $0x1  }
0x221: {  	v19 =	vadd.f32 v20, v19;
	_ =	sdelay $0x1  }
0x222: {  	[tilespmem:s10+$0xFFFFFFF0] =	vst v19;
	v19 =	vld [tilespmem:s10+$0x0]  }
0x223: {  	v60 =	vld [tilespmem:s8+$0x0];
	_ =	sdelay $0x4  }
0x224: {  	v19 =	vmul.f32 v19, v18;
	v20 =	vmul.f32 v60, v17;
	_ =	sdelay $0x1  }
0x225: {  	v19 =	vadd.f32 v20, v19;
	_ =	sdelay $0x1  }
0x226: {  	[tilespmem:s10+$0x0] =	vst v19;
	v19 =	vld [tilespmem:s10+$0x10]  }
0x227: {  	v61 =	vld [tilespmem:s8+$0x10];
	_ =	sdelay $0x4  }
0x228: {  	v19 =	vmul.f32 v19, v18;
	v20 =	vmul.f32 v61, v17;
	_ =	sdelay $0x1  }
0x229: {  	v19 =	vadd.f32 v20, v19;
	_ =	sdelay $0x1  }
0x22a: {  	[tilespmem:s10+$0x10] =	vst v19;
	v19 =	vld [tilespmem:s10+$0x20]  }
0x22b: {  	v62 =	vld [tilespmem:s8+$0x20];
	_ =	sdelay $0x4  }
0x22c: {  	v19 =	vmul.f32 v19, v18;
	v20 =	vmul.f32 v62, v17;
	_ =	sdelay $0x1  }
0x22d: {  	v19 =	vadd.f32 v20, v19;
	_ =	sdelay $0x1  }
0x22e: {  	[tilespmem:s10+$0x20] =	vst v19;
	v19 =	vld [tilespmem:s10+$0x30]  }
0x22f: {  	v63 =	vld [tilespmem:s8+$0x30];
	_ =	sdelay $0x4  }
0x230: {  	v18 =	vmul.f32 v19, v18;
	v17 =	vmul.f32 v63, v17;
	_ =	sdelay $0x1  }
0x231: {  	v17 =	vadd.f32 v17, v18;
	_ =	sdelay $0x1  }
0x232: {  	[tilespmem:s10+$0x30] =	vst v17  }
0x233: {  	[spmem:s3] =	stream.indirect.scatter.add.f32 [tilespmem:s16], [sflag:$0x3], $0x80, s30, s19, $0xb8;
	[tilespmem:$0x1E800] =	vst v63  }
0x234: {  	_ =	swait.ge [sflag:s0], $0x2800  }
0x235: {  	[sflag:s0] =	ssyncset.done $0x0  }
0x236: {  	s11 =	stileid.u32;
	[sflag:s0] =	ssyncadd.s32 $0xFFFFD800  }
0x237: {  	s8 =	sshll.u32 s11, $0x6;
	[bflag:$0x0] =	sbarrier.arrive $0xFFFF  }
0x238: {  	s12 =	sshrl.u32 s5, $0x3;
	s8 =	sor.u32 $0x1C05, s8;
	s14 =	rddreg [dreg:$0xb]  }
0x239: {  	[hbm:s14], [sflag:s8] =	dma.local [spmem:s12], $0x2800  }
0x23a: {  	_ =	swait.ge [sflag:s17], $0x2800  }
0x23b: {  	s7 =	sadd.s32 $0x1, s7;
	s15 =	rddreg [dreg:$0xc]  }
0x23c: {  	p0 =	sne.s32 s7, s15  }
.Ltmp8:
0x23d: {  	_ = 	snop;
	(pc) =	sbr.rel @p0 .LBB2_1-.Ltmp8, $3  }
0x23e: {  	_ =	sdelay $0x1  }
0x23f: {  	[sflag:s17] =	ssyncset.done $0x0  }
0x240: {  	[sflag:s17] =	ssyncadd.s32 $0xFFFFD800  }
0x241: {  	_ =	sfence.sel $0x180000  }
0x242: {  	[bflag:$0x0] =	sbarrier.arrive $0xFFFF  }
0x243: {  	_ =	strace $0x9000004A  }
0x244: {  	s0 =	stileid.u32;
	[bflag:$0x2] =	sbarrier.arrive $0xFFFF  }
0x245: {  	p0 =	sne.s32 s0, $0x0;
	s0 =	rddreg [dreg:$0x3]  }
0x246: {  	s0 =	sadd.s32 @!p0 $0x100000, s0  }
0x247: {  	[sflag:s0] =	ssyncadd.tile.s32 @!p0 $0x1;
	_ =	shalt  }
.Lfunc_end2:
_tile_overlayer_lowered:
.L_overlay_start_2:
0x248: {  	(tag) =	ssettag $0x2  }
0x249: {  	s0 =	rddreg [dreg:$0x0];
	s2 =	stileid.u32  }
0x24a: {  	s1 =	rddreg [dreg:$0x1];
	p0 =	sne.s32 s2, $0x0  }
0x24b: {  	s3 =	rddreg [dreg:$0x2];
	[bflag:$0x3] =	sbarrier.arrive $0xFFFF;
	s2 =	simm.s32 @!p0 $0x1C05  }
0x24c: {  	[timem:s3], [sflag:s2] =	dma.local @!p0 [hbm:s0], s1  }
0x24d: {  	s0 =	simm.s32 @!p0 $0x5  }
0x24e: {  	_ =	swait.ge @!p0 [sflag:s0], s1  }
0x24f: {  	s1 =	ssub.s32 @!p0 $0x0, s1;
	[sflag:s0] =	ssyncset.done @!p0 $0x0  }
0x250: {  	[sflag:s0] =	ssyncadd.s32 @!p0 s1  }
0x251: {  	[bflag:$0x3] =	sbarrier.arrive $0xFFFF  }
0x252: {  	_ =	shalt  }

</sc_bundles>
